<compile_context>
chip_gen: v7x
topology: tpu7x:2x2x1
jax: 0.10.2.dev20260603
libtpu: 0.0.44.dev20260713+nightly
codegen_flags: <defaults>
</compile_context>

<pallas_src>
import functools

import jax
import jax.numpy as jnp
from jax import lax
from jax.experimental import pallas as pl
from jax.experimental.pallas import tpu as pltpu
from jax.experimental.pallas import tpu_sc as plsc

NN = 10000
EE = 320000
FD = 128
NS = 16
NCORE = 2
KC = 80
NCH = EE // KC
NPT = NCH // (NCORE * NS)
NPAD = 10240
RPT = NPAD // NS

_MESH = plsc.VectorSubcoreMesh(
    core_axis_name="c", subcore_axis_name="s",
    num_cores=NCORE, num_subcores=NS)

_F32 = jnp.float32


def _hi_dot(a, b):
    return jnp.dot(a, b, precision=lax.Precision.HIGHEST,
                   preferred_element_type=_F32)


def _sc_ax2(x, rowT, col1, z128):
    @functools.partial(
        pl.kernel,
        out_type=jax.ShapeDtypeStruct((NCORE, NPAD, FD), _F32),
        mesh=_MESH,
        scratch_types=(
            pltpu.VMEM_SHARED((NPAD, FD), _F32),
            pltpu.VMEM((NPT * KC,), jnp.int32),
            pltpu.VMEM((NPT, 1, KC), jnp.int32),
            pltpu.VMEM((KC, FD), _F32),
            pltpu.VMEM((KC, FD), _F32),
            pltpu.SemaphoreType.DMA,
        ),
    )
    def k(x_hbm, rowT_hbm, col1_hbm, z128_hbm,
          outp_hbm,
          acc, colall, rowall, xbuf0, xbuf1, sem):
        c = lax.axis_index("c")
        s = lax.axis_index("s")
        rbase = s * RPT
        cbase = (c * NS + s) * NPT
        pltpu.sync_copy(z128_hbm.at[pl.ds(0, KC)], xbuf0)

        def zbody(i, carry):
            pltpu.sync_copy(xbuf0, acc.at[pl.ds(rbase + i * KC, KC)])
            return carry

        lax.fori_loop(0, RPT // KC, zbody, 0)
        pltpu.sync_copy(col1_hbm.at[pl.ds(cbase * KC, NPT * KC)], colall)
        pltpu.sync_copy(rowT_hbm.at[c * NS + s], rowall)
        plsc.subcore_barrier()

        def sq(buf):
            def ebody(e, cc):
                for d in range(FD // 16):
                    v = buf[e, pl.ds(d * 16, 16)]
                    buf[e, pl.ds(d * 16, 16)] = v * v
                return cc
            lax.fori_loop(0, KC, ebody, 0)

        def chunk2(jj, carry):
            j0 = jj * 2
            d0 = pltpu.async_copy(
                x_hbm.at[colall.at[pl.ds(j0 * KC, KC)]], xbuf0, sem)
            d1 = pltpu.async_copy(
                x_hbm.at[colall.at[pl.ds((j0 + 1) * KC, KC)]], xbuf1, sem)
            d0.wait()
            sq(xbuf0)
            pltpu.sync_copy(xbuf0, acc.at[rowall.at[j0, 0]], add=True)
            d1.wait()
            sq(xbuf1)
            pltpu.sync_copy(xbuf1, acc.at[rowall.at[j0 + 1, 0]], add=True)
            return carry

        lax.fori_loop(0, NPT // 2, chunk2, 0)
        dt = pltpu.async_copy(
            x_hbm.at[colall.at[pl.ds((NPT - 1) * KC, KC)]], xbuf0, sem)
        dt.wait()
        sq(xbuf0)
        pltpu.sync_copy(xbuf0, acc.at[rowall.at[NPT - 1, 0]], add=True)
        plsc.subcore_barrier()

        def wbody(i, carry):
            b = rbase + i * KC
            pltpu.sync_copy(acc.at[pl.ds(b, KC)], xbuf0)
            pltpu.sync_copy(xbuf0, outp_hbm.at[c, pl.ds(b, KC)])
            return carry

        lax.fori_loop(0, RPT // KC, wbody, 0)

    return k(x, rowT, col1, z128)


def _sc_segsum(h, rowT, col1, z128):
    @functools.partial(
        pl.kernel,
        out_type=jax.ShapeDtypeStruct((NCORE, NPAD, FD), _F32),
        mesh=_MESH,
        scratch_types=(
            pltpu.VMEM_SHARED((NPAD, FD), _F32),
            pltpu.VMEM((NPT * KC,), jnp.int32),
            pltpu.VMEM((NPT, 1, KC), jnp.int32),
            pltpu.VMEM((KC, FD), _F32),
            pltpu.VMEM((KC, FD), _F32),
            pltpu.SemaphoreType.DMA,
        ),
    )
    def k(h_hbm, rowT_hbm, col1_hbm, z128_hbm,
          outp_hbm,
          acc, colall, rowall, hbuf0, hbuf1, sem):
        c = lax.axis_index("c")
        s = lax.axis_index("s")
        rbase = s * RPT
        cbase = (c * NS + s) * NPT
        pltpu.sync_copy(z128_hbm.at[pl.ds(0, KC)], hbuf0)

        def zbody(i, carry):
            pltpu.sync_copy(hbuf0, acc.at[pl.ds(rbase + i * KC, KC)])
            return carry

        lax.fori_loop(0, RPT // KC, zbody, 0)
        pltpu.sync_copy(col1_hbm.at[pl.ds(cbase * KC, NPT * KC)], colall)
        pltpu.sync_copy(rowT_hbm.at[c * NS + s], rowall)
        plsc.subcore_barrier()

        def chunk2(jj, carry):
            j0 = jj * 2
            d0 = pltpu.async_copy(
                h_hbm.at[colall.at[pl.ds(j0 * KC, KC)]], hbuf0, sem)
            d1 = pltpu.async_copy(
                h_hbm.at[colall.at[pl.ds((j0 + 1) * KC, KC)]], hbuf1, sem)
            d0.wait()
            pltpu.sync_copy(hbuf0, acc.at[rowall.at[j0, 0]], add=True)
            d1.wait()
            pltpu.sync_copy(hbuf1, acc.at[rowall.at[j0 + 1, 0]], add=True)
            return carry

        lax.fori_loop(0, NPT // 2, chunk2, 0)
        dt = pltpu.async_copy(
            h_hbm.at[colall.at[pl.ds((NPT - 1) * KC, KC)]], hbuf0, sem)
        dt.wait()
        pltpu.sync_copy(hbuf0, acc.at[rowall.at[NPT - 1, 0]], add=True)
        plsc.subcore_barrier()

        def wbody(i, carry):
            b = rbase + i * KC
            pltpu.sync_copy(acc.at[pl.ds(b, KC)], hbuf0)
            pltpu.sync_copy(hbuf0, outp_hbm.at[c, pl.ds(b, KC)])
            return carry

        lax.fori_loop(0, RPT // KC, wbody, 0)

    return k(h, rowT, col1, z128)


def _sc_es_segsum(es128, rowT, z128):
    @functools.partial(
        pl.kernel,
        out_type=jax.ShapeDtypeStruct((NCORE, NPAD, FD), _F32),
        mesh=_MESH,
        scratch_types=(
            pltpu.VMEM_SHARED((NPAD, FD), _F32),
            pltpu.VMEM((NPT, 1, KC), jnp.int32),
            pltpu.VMEM((KC, FD), _F32),
            pltpu.VMEM((KC, FD), _F32),
            pltpu.SemaphoreType.DMA,
        ),
    )
    def k(es_hbm, rowT_hbm, z128_hbm,
          outp_hbm,
          acc, rowall, ebuf0, ebuf1, sem):
        c = lax.axis_index("c")
        s = lax.axis_index("s")
        rbase = s * RPT
        cbase = (c * NS + s) * NPT
        pltpu.sync_copy(z128_hbm.at[pl.ds(0, KC)], ebuf0)

        def zbody(i, carry):
            pltpu.sync_copy(ebuf0, acc.at[pl.ds(rbase + i * KC, KC)])
            return carry

        lax.fori_loop(0, RPT // KC, zbody, 0)
        pltpu.sync_copy(rowT_hbm.at[c * NS + s], rowall)
        plsc.subcore_barrier()

        def chunk2(jj, carry):
            j0 = jj * 2
            d0 = pltpu.async_copy(
                es_hbm.at[pl.ds((cbase + j0) * KC, KC)], ebuf0, sem)
            d1 = pltpu.async_copy(
                es_hbm.at[pl.ds((cbase + j0 + 1) * KC, KC)], ebuf1, sem)
            d0.wait()
            pltpu.sync_copy(ebuf0, acc.at[rowall.at[j0, 0]], add=True)
            d1.wait()
            pltpu.sync_copy(ebuf1, acc.at[rowall.at[j0 + 1, 0]], add=True)
            return carry

        lax.fori_loop(0, NPT // 2, chunk2, 0)
        dt = pltpu.async_copy(
            es_hbm.at[pl.ds((cbase + NPT - 1) * KC, KC)], ebuf0, sem)
        dt.wait()
        pltpu.sync_copy(ebuf0, acc.at[rowall.at[NPT - 1, 0]], add=True)
        plsc.subcore_barrier()

        def wbody(i, carry):
            b = rbase + i * KC
            pltpu.sync_copy(acc.at[pl.ds(b, KC)], ebuf0)
            pltpu.sync_copy(ebuf0, outp_hbm.at[c, pl.ds(b, KC)])
            return carry

        lax.fori_loop(0, RPT // KC, wbody, 0)

    return k(es128, rowT, z128)


def _sc_deg(rowT, z128, e1):
    @functools.partial(
        pl.kernel,
        out_type=jax.ShapeDtypeStruct((NCORE, NPAD, FD), _F32),
        mesh=_MESH,
        scratch_types=(
            pltpu.VMEM_SHARED((NPAD, FD), _F32),
            pltpu.VMEM((NPT, 1, KC), jnp.int32),
            pltpu.VMEM((KC, FD), _F32),
            pltpu.VMEM((KC, FD), _F32),
        ),
    )
    def k(rowT_hbm, z128_hbm, e1_hbm,
          outp_hbm,
          acc, rowall, ebuf, onesbuf):
        c = lax.axis_index("c")
        s = lax.axis_index("s")
        rbase = s * RPT
        cbase = (c * NS + s) * NPT
        pltpu.sync_copy(z128_hbm.at[pl.ds(0, KC)], ebuf)
        pltpu.sync_copy(e1_hbm, onesbuf)

        def zbody(i, carry):
            pltpu.sync_copy(ebuf, acc.at[pl.ds(rbase + i * KC, KC)])
            return carry

        lax.fori_loop(0, RPT // KC, zbody, 0)
        pltpu.sync_copy(rowT_hbm.at[c * NS + s], rowall)
        plsc.subcore_barrier()

        def chunk(j, carry):
            pltpu.sync_copy(onesbuf, acc.at[rowall.at[j, 0]], add=True)
            return carry

        lax.fori_loop(0, NPT, chunk, 0)
        plsc.subcore_barrier()

        def wbody(i, carry):
            b = rbase + i * KC
            pltpu.sync_copy(acc.at[pl.ds(b, KC)], ebuf)
            pltpu.sync_copy(ebuf, outp_hbm.at[c, pl.ds(b, KC)])
            return carry

        lax.fori_loop(0, RPT // KC, wbody, 0)

    return k(rowT, z128, e1)


def _sc_attn(q, kk, v, rc2, z128):
    @functools.partial(
        pl.kernel,
        out_type=(
            jax.ShapeDtypeStruct((NCORE, NPAD, FD), _F32),
            jax.ShapeDtypeStruct((EE, FD), _F32),
        ),
        mesh=_MESH,
        scratch_types=(
            pltpu.VMEM_SHARED((NPAD, FD), _F32),
            pltpu.VMEM((2, KC), jnp.int32),
            pltpu.VMEM((KC, FD), _F32),
            pltpu.VMEM((KC, FD), _F32),
            pltpu.VMEM((KC, FD), _F32),
            pltpu.VMEM((KC, FD), _F32),
            pltpu.SemaphoreType.DMA,
        ),
    )
    def k(q_hbm, k_hbm, v_hbm, rc2_hbm, z128_hbm,
          nump_hbm, es_hbm,
          acc, rcbuf, qbuf, kbuf, vbuf, dbuf, sem):
        c = lax.axis_index("c")
        s = lax.axis_index("s")
        rbase = s * RPT
        pltpu.sync_copy(z128_hbm.at[pl.ds(0, KC)], qbuf)
        pltpu.sync_copy(z128_hbm.at[pl.ds(0, KC)], dbuf)

        def zbody(i, carry):
            pltpu.sync_copy(qbuf, acc.at[pl.ds(rbase + i * KC, KC)])
            return carry

        lax.fori_loop(0, RPT // KC, zbody, 0)
        plsc.subcore_barrier()

        inv_sqrt = 1.0 / (FD ** 0.5)
        lane = lax.iota(jnp.int32, 16)
        dnums = lax.GatherDimensionNumbers(
            offset_dims=(), collapsed_slice_dims=(0,), start_index_map=(0,))

        def chunk(j, carry):
            cj = (c * NS + s) * NPT + j
            pltpu.sync_copy(rc2_hbm.at[cj], rcbuf)
            d1 = pltpu.async_copy(q_hbm.at[rcbuf.at[0]], qbuf, sem)
            d2 = pltpu.async_copy(k_hbm.at[rcbuf.at[1]], kbuf, sem)
            d3 = pltpu.async_copy(v_hbm.at[rcbuf.at[1]], vbuf, sem)
            d1.wait()
            d2.wait()
            d3.wait()

            def ebody(e, cc):
                dot = qbuf[e, pl.ds(0, 16)] * kbuf[e, pl.ds(0, 16)]
                for d in range(1, FD // 16):
                    dot = dot + (qbuf[e, pl.ds(d * 16, 16)]
                                 * kbuf[e, pl.ds(d * 16, 16)])
                for sh in (8, 4, 2, 1):
                    perm = lax.gather(dot, (lane ^ sh)[:, None], dnums, (1,),
                                      mode=lax.GatherScatterMode.PROMISE_IN_BOUNDS)
                    dot = dot + perm
                sv = dot * inv_sqrt
                sv = jnp.where(sv > 0, sv, 0.2 * sv)
                esv = jnp.exp(sv)
                for d in range(FD // 16):
                    vbuf[e, pl.ds(d * 16, 16)] = vbuf[e, pl.ds(d * 16, 16)] * esv
                dbuf[e, pl.ds(0, 16)] = esv
                return cc

            lax.fori_loop(0, KC, ebody, 0)
            pltpu.sync_copy(vbuf, acc.at[rcbuf.at[0]], add=True)
            pltpu.sync_copy(dbuf, es_hbm.at[pl.ds(cj * KC, KC)])
            return carry

        lax.fori_loop(0, NPT, chunk, 0)
        plsc.subcore_barrier()

        def wbody(i, carry):
            b = rbase + i * KC
            pltpu.sync_copy(acc.at[pl.ds(b, KC)], qbuf)
            pltpu.sync_copy(qbuf, nump_hbm.at[c, pl.ds(b, KC)])
            return carry

        lax.fori_loop(0, RPT // KC, wbody, 0)

    return k(q, kk, v, rc2, z128)


GB = 10
BR = NN // GB


def _bs(shape, imap):
    return pl.BlockSpec(shape, imap)


def _full(shape):
    return pl.BlockSpec(shape, lambda g, _s=len(shape): (0,) * _s)


def _tc_a(axp, ax2p, degp, p):
    def body(axp_r, ax2p_r, degp_r, w_r, b_r, ax_o, ax2_o, deg_o, u_o, ps_o):
        AX = axp_r[0] + axp_r[1]
        AX2 = ax2p_r[0] + ax2p_r[1]
        ax_o[...] = AX
        ax2_o[...] = AX2
        deg = degp_r[0, :, 0:1] + degp_r[1, :, 0:1]
        deg_o[...] = jnp.broadcast_to(deg, (BR, 16))
        U = _hi_dot(AX, w_r[...]) + deg * b_r[...]
        u_o[...] = U
        s1 = jnp.sum(U, axis=0)
        s2 = jnp.sum(U * U, axis=0)
        z = jnp.zeros((14, 2 * FD), _F32)
        ps_o[...] = jnp.concatenate([s1[None], s2[None], z], axis=0)[None]

    return pl.pallas_call(
        body,
        grid=(GB,),
        in_specs=[
            _bs((NCORE, BR, FD), lambda g: (0, g, 0)),
            _bs((NCORE, BR, FD), lambda g: (0, g, 0)),
            _bs((NCORE, BR, FD), lambda g: (0, g, 0)),
            _full((FD, 2 * FD)),
            _full((2 * FD,)),
        ],
        out_specs=[
            _bs((BR, FD), lambda g: (g, 0)),
            _bs((BR, FD), lambda g: (g, 0)),
            _bs((BR, 16), lambda g: (g, 0)),
            _bs((BR, 2 * FD), lambda g: (g, 0)),
            _bs((1, 16, 2 * FD), lambda g: (g, 0, 0)),
        ],
        out_shape=(
            jax.ShapeDtypeStruct((NN, FD), _F32),
            jax.ShapeDtypeStruct((NN, FD), _F32),
            jax.ShapeDtypeStruct((NN, 16), _F32),
            jax.ShapeDtypeStruct((NN, 2 * FD), _F32),
            jax.ShapeDtypeStruct((GB, 16, 2 * FD), _F32),
        ),
    )(axp[:, :NN], ax2p[:, :NN], degp[:, :NN], p['gc1_W'], p['gc1_b'])


def _tc_stats(ps, width):
    def body(ps_r, mv_o):
        s1 = jnp.sum(ps_r[:, 0, :], axis=0)
        s2 = jnp.sum(ps_r[:, 1, :], axis=0)
        m = s1 / NN
        v = s2 / NN - m * m
        z = jnp.zeros((14, width), _F32)
        mv_o[...] = jnp.concatenate([m[None], v[None], z], axis=0)

    return pl.pallas_call(
        body,
        out_shape=jax.ShapeDtypeStruct((16, width), _F32),
    )(ps)


def _tc_b(u, mv, x, ax, ax2, deg16, p):
    def body(u_r, mv_r, x_r, ax_r, ax2_r, deg_r, bn1g_r, bn1b_r,
             fc1w_r, fc1b_r, ln1g_r, ln1b_r, fc2w_r, fc2b_r, xpw_r, xpb_r,
             h1a_o, h1b_o, gate_o, xproj_o):
        U = u_r[...]
        m = mv_r[0]
        v = mv_r[1]
        h1 = jax.nn.relu((U - m) / jnp.sqrt(v + 1e-5) * bn1g_r[...] + bn1b_r[...])
        h1a_o[...] = h1[:, :FD]
        h1b_o[...] = h1[:, FD:]
        xv = x_r[...]
        AX = ax_r[...]
        AX2 = ax2_r[...]
        deg = deg_r[:, 0:1]
        delta1 = AX - xv
        x_mean = AX / (deg + 1e-8)
        varg = AX2 / (deg + 1e-8) - x_mean * x_mean
        x_std = jnp.sqrt(jnp.clip(varg, 0.0, None))
        fw = fc1w_r[...]
        t = (_hi_dot(xv, fw[0:FD, :]) + _hi_dot(delta1, fw[FD:2 * FD, :])
             + _hi_dot(x_std, fw[2 * FD:3 * FD, :]) + deg * fw[3 * FD, :]
             + fc1b_r[...])
        mm = jnp.mean(t, axis=-1, keepdims=True)
        vv = jnp.var(t, axis=-1, keepdims=True)
        g = jax.nn.relu((t - mm) / jnp.sqrt(vv + 1e-5) * ln1g_r[...] + ln1b_r[...])
        logits = _hi_dot(g, fc2w_r[...]) + fc2b_r[...]
        gate_o[...] = jax.nn.softmax(logits * 0.5, axis=1)
        xproj_o[...] = _hi_dot(xv, xpw_r[...]) + xpb_r[...]

    return pl.pallas_call(
        body,
        grid=(GB,),
        in_specs=[
            _bs((BR, 2 * FD), lambda g: (g, 0)),
            _full((16, 2 * FD)),
            _bs((BR, FD), lambda g: (g, 0)),
            _bs((BR, FD), lambda g: (g, 0)),
            _bs((BR, FD), lambda g: (g, 0)),
            _bs((BR, 16), lambda g: (g, 0)),
            _full((2 * FD,)),
            _full((2 * FD,)),
            _full((3 * FD + 1, FD)),
            _full((FD,)),
            _full((FD,)),
            _full((FD,)),
            _full((FD, 2)),
            _full((2,)),
            _full((FD, FD)),
            _full((FD,)),
        ],
        out_specs=[
            _bs((BR, FD), lambda g: (g, 0)),
            _bs((BR, FD), lambda g: (g, 0)),
            _bs((BR, 2), lambda g: (g, 0)),
            _bs((BR, FD), lambda g: (g, 0)),
        ],
        out_shape=(
            jax.ShapeDtypeStruct((NN, FD), _F32),
            jax.ShapeDtypeStruct((NN, FD), _F32),
            jax.ShapeDtypeStruct((NN, 2), _F32),
            jax.ShapeDtypeStruct((NN, FD), _F32),
        ),
    )(u, mv, x, ax, ax2, deg16, p['bn1_g'], p['bn1_b'], p['fc1_W'],
      p['fc1_b'], p['ln1_g'], p['ln1_b'], p['fc2_W'], p['fc2_b'],
      p['xproj_W'], p['xproj_b'])


def _tc_c(ahap, ahbp, deg16, p):
    def body(ahap_r, ahbp_r, deg_r, w_r, b_r, u_o, ps_o):
        aha = ahap_r[0] + ahap_r[1]
        ahb = ahbp_r[0] + ahbp_r[1]
        deg = deg_r[:, 0:1]
        w2 = w_r[...]
        U = _hi_dot(aha, w2[:FD, :]) + _hi_dot(ahb, w2[FD:, :]) + deg * b_r[...]
        u_o[...] = U
        s1 = jnp.sum(U, axis=0)
        s2 = jnp.sum(U * U, axis=0)
        z = jnp.zeros((14, FD), _F32)
        ps_o[...] = jnp.concatenate([s1[None], s2[None], z], axis=0)[None]

    return pl.pallas_call(
        body,
        grid=(GB,),
        in_specs=[
            _bs((NCORE, BR, FD), lambda g: (0, g, 0)),
            _bs((NCORE, BR, FD), lambda g: (0, g, 0)),
            _bs((BR, 16), lambda g: (g, 0)),
            _full((2 * FD, FD)),
            _full((FD,)),
        ],
        out_specs=[
            _bs((BR, FD), lambda g: (g, 0)),
            _bs((1, 16, FD), lambda g: (g, 0, 0)),
        ],
        out_shape=(
            jax.ShapeDtypeStruct((NN, FD), _F32),
            jax.ShapeDtypeStruct((GB, 16, FD), _F32),
        ),
    )(ahap[:, :NN], ahbp[:, :NN], deg16, p['gc2_W'], p['gc2_b'])


def _tc_d(u2, mv2, xproj, rs11, p):
    def body(u_r, mv_r, xp_r, rs_r, bn2g_r, bn2b_r, rng_r, rnb_r,
             wq_r, wk_r, wv_r, low_o, q_o, k_o, v_o):
        U = u_r[...]
        m = mv_r[0]
        v = mv_r[1]
        low = jax.nn.relu((U - m) / jnp.sqrt(v + 1e-5) * bn2g_r[...] + bn2b_r[...])
        low_o[...] = low
        r = rs_r[0, 0] * (xp_r[...] - low)
        mm = jnp.mean(r, axis=-1, keepdims=True)
        vv = jnp.var(r, axis=-1, keepdims=True)
        resid = (r - mm) / jnp.sqrt(vv + 1e-5) * rng_r[...] + rnb_r[...]
        q_o[...] = _hi_dot(resid, wq_r[...])
        k_o[...] = _hi_dot(resid, wk_r[...])
        v_o[...] = _hi_dot(resid, wv_r[...])

    return pl.pallas_call(
        body,
        grid=(GB,),
        in_specs=[
            _bs((BR, FD), lambda g: (g, 0)),
            _full((16, FD)),
            _bs((BR, FD), lambda g: (g, 0)),
            _full((1, 1)),
            _full((FD,)),
            _full((FD,)),
            _full((FD,)),
            _full((FD,)),
            _full((FD, FD)),
            _full((FD, FD)),
            _full((FD, FD)),
        ],
        out_specs=[
            _bs((BR, FD), lambda g: (g, 0)),
            _bs((BR, FD), lambda g: (g, 0)),
            _bs((BR, FD), lambda g: (g, 0)),
            _bs((BR, FD), lambda g: (g, 0)),
        ],
        out_shape=(
            jax.ShapeDtypeStruct((NN, FD), _F32),
            jax.ShapeDtypeStruct((NN, FD), _F32),
            jax.ShapeDtypeStruct((NN, FD), _F32),
            jax.ShapeDtypeStruct((NN, FD), _F32),
        ),
    )(u2, mv2, xproj, rs11, p['bn2_g'], p['bn2_b'], p['rn_g'], p['rn_b'],
      p['Wq'], p['Wk'], p['Wv'])


def _tc_e(nump, denp, low, gate):
    def body(nump_r, denp_r, low_r, gate_r, out_o, high_o):
        numer = nump_r[0] + nump_r[1]
        den = denp_r[0, :, 0:1] + denp_r[1, :, 0:1]
        high = numer / (den + 1e-16)
        high_o[...] = high
        out_o[...] = gate_r[:, 0:1] * low_r[...] + gate_r[:, 1:2] * high

    return pl.pallas_call(
        body,
        grid=(GB,),
        in_specs=[
            _bs((NCORE, BR, FD), lambda g: (0, g, 0)),
            _bs((NCORE, BR, FD), lambda g: (0, g, 0)),
            _bs((BR, FD), lambda g: (g, 0)),
            _bs((BR, 2), lambda g: (g, 0)),
        ],
        out_specs=[
            _bs((BR, FD), lambda g: (g, 0)),
            _bs((BR, FD), lambda g: (g, 0)),
        ],
        out_shape=(
            jax.ShapeDtypeStruct((NN, FD), _F32),
            jax.ShapeDtypeStruct((NN, FD), _F32),
        ),
    )(nump[:, :NN], denp[:, :NN], low, gate)


def kernel(x, params, edge_index):
    row2 = edge_index[0].reshape(NCH, KC)
    col2 = edge_index[1].reshape(NCH, KC)
    rowT = edge_index[0].reshape(NCORE * NS, NPT, 1, KC)
    z128 = jnp.zeros((RPT, FD), _F32)
    rs11 = params['res_scale'].reshape(1, 1)

    col1 = edge_index[1]
    axp = _sc_segsum(x, rowT, col1, z128)
    ax2p = _sc_ax2(x, rowT, col1, z128)
    e1 = jnp.zeros((KC, FD), _F32).at[:, 0].set(1.0)
    degp = _sc_deg(rowT, z128, e1)
    ax, ax2, deg16, u1, ps1 = _tc_a(axp, ax2p, degp, params)
    mv1 = _tc_stats(ps1, 2 * FD)
    h1a, h1b, gate, xproj = _tc_b(u1, mv1, x, ax, ax2, deg16, params)
    ahap = _sc_segsum(h1a, rowT, col1, z128)
    ahbp = _sc_segsum(h1b, rowT, col1, z128)
    u2, ps2 = _tc_c(ahap, ahbp, deg16, params)
    mv2 = _tc_stats(ps2, FD)
    low, q, kk, v = _tc_d(u2, mv2, xproj, rs11, params)
    rc2 = jnp.stack([row2, col2], axis=1)
    nump, es16 = _sc_attn(q, kk, v, rc2, z128)
    denp = _sc_es_segsum(es16, rowT, z128)
    out, high = _tc_e(nump, denp, low, gate)
    return out, gate, low, high

# --- scband reference (transcript-rebuilt; emitter-appended) ---
"""Pipeline reference for scband-moe-65592740545204 (READ-ONLY COPY).

The authoritative reference and input builder live on the scoring server;
editing this copy changes nothing except your own understanding.
"""

import jax, jax.numpy as jnp
import numpy as np

N = 10000
E = 320000
NFEAT = 128
NHID = 128


def _spmm(edge_index, x, n):
    # torch.spmm(adj, x) with adj = sparse COO (indices=edge_index, values=ones)
    row, col = edge_index[0], edge_index[1]
    return jax.ops.segment_sum(x[col], row, num_segments=n)


def _batchnorm(h, g, b):
    # BatchNorm1d in training-statistics mode (biased var over the node axis)
    m = jnp.mean(h, axis=0)
    v = jnp.var(h, axis=0)
    return (h - m) / jnp.sqrt(v + 1e-5) * g + b


def _layernorm(h, g, b):
    m = jnp.mean(h, axis=-1, keepdims=True)
    v = jnp.var(h, axis=-1, keepdims=True)
    return (h - m) / jnp.sqrt(v + 1e-5) * g + b


def _make_params(key):
    ks = jax.random.split(key, 8)
    def kn(k, shape, fan_in):
        return jax.random.normal(k, shape, dtype=jnp.float32) * jnp.sqrt(2.0 / fan_in)
    in_dim = 3 * NFEAT + 1
    p = {}
    p['gc1_W'] = kn(ks[0], (NFEAT, 2 * NHID), NFEAT)
    p['gc1_b'] = jnp.zeros((2 * NHID,), jnp.float32)
    p['bn1_g'] = jnp.ones((2 * NHID,), jnp.float32)
    p['bn1_b'] = jnp.zeros((2 * NHID,), jnp.float32)
    p['gc2_W'] = kn(ks[1], (2 * NHID, NHID), 2 * NHID)
    p['gc2_b'] = jnp.zeros((NHID,), jnp.float32)
    p['bn2_g'] = jnp.ones((NHID,), jnp.float32)
    p['bn2_b'] = jnp.zeros((NHID,), jnp.float32)
    p['fc1_W'] = kn(ks[2], (in_dim, NHID), in_dim)
    p['fc1_b'] = jnp.zeros((NHID,), jnp.float32)
    p['ln1_g'] = jnp.ones((NHID,), jnp.float32)
    p['ln1_b'] = jnp.zeros((NHID,), jnp.float32)
    p['fc2_W'] = kn(ks[3], (NHID, 2), NHID)
    p['fc2_b'] = jnp.zeros((2,), jnp.float32)
    p['xproj_W'] = kn(ks[4], (NFEAT, NHID), NFEAT)
    p['xproj_b'] = jnp.zeros((NHID,), jnp.float32)
    p['Wq'] = kn(ks[5], (NHID, NHID), NHID)
    p['Wk'] = kn(ks[6], (NHID, NHID), NHID)
    p['Wv'] = kn(ks[7], (NHID, NHID), NHID)
    p['res_scale'] = jnp.array(1.0, dtype=jnp.float32)
    p['rn_g'] = jnp.ones((NHID,), jnp.float32)
    p['rn_b'] = jnp.zeros((NHID,), jnp.float32)
    return p


def setup_inputs(seed: int = 0):
    key = jax.random.key(seed)
    k1, k2, k3 = jax.random.split(key, 3)
    x = jax.random.normal(k1, (N, NFEAT), dtype=jnp.float32)
    edge_index = jax.random.randint(k2, (2, E), 0, N)
    return {'x': x, 'params': _make_params(k3), 'edge_index': edge_index}


def _forward(x, p, edge_index):
    n = x.shape[0]
    row, col = edge_index[0], edge_index[1]
    # LowPassExtractor: two GCN layers with BN + relu (dropout off / eval)
    h = _spmm(edge_index, x @ p['gc1_W'] + p['gc1_b'], n)
    h = jax.nn.relu(_batchnorm(h, p['bn1_g'], p['bn1_b']))
    h = _spmm(edge_index, h @ p['gc2_W'] + p['gc2_b'], n)
    low = jax.nn.relu(_batchnorm(h, p['bn2_g'], p['bn2_b']))
    # Gating structural features
    AX = _spmm(edge_index, x, n)
    delta1 = AX - x
    deg = jax.ops.segment_sum(jnp.ones((edge_index.shape[1],), x.dtype), row, num_segments=n)[:, None]
    x_mean = AX / (deg + 1e-8)
    AX2 = _spmm(edge_index, x * x, n)
    var = AX2 / (deg + 1e-8) - x_mean * x_mean
    x_std = jnp.sqrt(jnp.clip(var, 0.0, None))
    x_cat = jnp.concatenate([x, delta1, x_std, deg], axis=1)
    g = jax.nn.relu(_layernorm(x_cat @ p['fc1_W'] + p['fc1_b'], p['ln1_g'], p['ln1_b']))
    logits = g @ p['fc2_W'] + p['fc2_b']
    gate = jax.nn.softmax(logits / 2.0, axis=1)
    # HighPassExpert
    x_proj = x @ p['xproj_W'] + p['xproj_b']
    residual = _layernorm(p['res_scale'] * (x_proj - low), p['rn_g'], p['rn_b'])
    Q = residual @ p['Wq']
    K = residual @ p['Wk']
    V = residual @ p['Wv']
    scores = jnp.sum(Q[row] * K[col], axis=1) / (NHID ** 0.5)
    scores = jnp.where(scores > 0, scores, 0.2 * scores)
    es = jnp.exp(scores)
    denom = jax.ops.segment_sum(es, row, num_segments=n)
    attn = es / (denom[row] + 1e-16)
    high = jax.ops.segment_sum(attn[:, None] * V[col], row, num_segments=n)
    out = gate[:, 0:1] * low + gate[:, 1:2] * high
    return out, gate, low, high


def reference(x, params, edge_index):
    return _forward(x, params, edge_index)

if __name__ == "__main__":
    import jax
    _d = setup_inputs()
    print(jax.jit(kernel)(*tuple(_d.values())))

</pallas_src>

<mosaic_0001>
#map = affine_map<(d0, d1) -> (0, 0)>
#map1 = affine_map<(d0, d1) -> (0, 0, 0, 0)>
#map2 = affine_map<(d0, d1) -> (0)>
#map3 = affine_map<(d0, d1) -> (0, 0, 0)>
module attributes {stable_mosaic.version = 14 : i64} {
  func.func @k(%arg0: i32, %arg1: i32, %arg2: memref<10000x128xf32, #tpu.memory_space<hbm>>, %arg3: memref<32x125x1x80xi32, #tpu.memory_space<hbm>>, %arg4: memref<320000xi32, #tpu.memory_space<hbm>>, %arg5: memref<640x128xf32, #tpu.memory_space<hbm>>, %arg6: memref<2x10240x128xf32, #tpu.memory_space<hbm>>, %arg7: memref<10240x128xf32, #tpu.memory_space<vmem_shared>>, %arg8: memref<10000xi32, #tpu.memory_space<vmem>>, %arg9: memref<125x1x80xi32, #tpu.memory_space<vmem>>, %arg10: memref<80x128xf32, #tpu.memory_space<vmem>>, %arg11: memref<80x128xf32, #tpu.memory_space<vmem>>, %arg12: memref<!tpu.dma_semaphore, #tpu.memory_space<semaphore_mem>>) attributes {dimension_semantics = [#tpu.dimension_semantics<core_parallel>, #tpu.dimension_semantics<subcore_parallel>], iteration_bounds = array<i64: 2, 16>, scalar_prefetch = 0 : i64, scratch_operands = 6 : i64, tpu.core_type = #tpu.core_type<sc_vector_subcore>, window_params = [{transform_indices = #map}, {transform_indices = #map1}, {transform_indices = #map2}, {transform_indices = #map}, {transform_indices = #map3}]} {
    %mul3A = arith.constant 640 : i32
    %mul3A_0 = arith.muli %arg1, %mul3A : i32
    %mul3A_1 = arith.constant 16 : i32
    %mul3A_2 = arith.muli %arg0, %mul3A_1 : i32
    %add3A = arith.addi %mul3A_2, %arg1 : i32
    %mul3A_3 = arith.constant 125 : i32
    %mul3A_4 = arith.muli %add3A, %mul3A_3 : i32
    "tpu.region"() ({
      %run_scoped3A_37 = tpu.sem_alloc : memref<!tpu.dma_semaphore, #tpu.memory_space<semaphore_mem>>
      %dma_start3A_38 = arith.constant 0 : i32
      %dma_start3A_39 = arith.constant 0 : i32
      %dma_start3A_40 = tpu.memref_slice %arg5[%dma_start3A_38, %dma_start3A_39] : memref<640x128xf32, #tpu.memory_space<hbm>> -> memref<80x128xf32, #tpu.memory_space<hbm>>
      %dma_start3A_41 = arith.constant 0 : i32
      %dma_start3A_42 = arith.constant 0 : i32
      %dma_start3A_43 = tpu.memref_slice %arg5[%dma_start3A_41, %dma_start3A_42] : memref<640x128xf32, #tpu.memory_space<hbm>> -> memref<80x128xf32, #tpu.memory_space<hbm>>
      tpu.enqueue_dma source(%dma_start3A_43 : memref<80x128xf32, #tpu.memory_space<hbm>>) target(%arg10 : memref<80x128xf32, #tpu.memory_space<vmem>>) target_semaphore(%run_scoped3A_37 : memref<!tpu.dma_semaphore, #tpu.memory_space<semaphore_mem>>)
      %dma_wait3A_44 = arith.constant 0 : i32
      %dma_wait3A_45 = arith.constant 0 : i32
      %dma_wait3A_46 = tpu.memref_slice %arg5[%dma_wait3A_44, %dma_wait3A_45] : memref<640x128xf32, #tpu.memory_space<hbm>> -> memref<80x128xf32, #tpu.memory_space<hbm>>
      %dma_wait3A_47 = arith.constant 0 : i32
      %dma_wait3A_48 = arith.constant 0 : i32
      %dma_wait3A_49 = tpu.memref_slice %arg5[%dma_wait3A_47, %dma_wait3A_48] : memref<640x128xf32, #tpu.memory_space<hbm>> -> memref<80x128xf32, #tpu.memory_space<hbm>>
      tpu.wait_dma2 semaphore(%run_scoped3A_37 : memref<!tpu.dma_semaphore, #tpu.memory_space<semaphore_mem>>) src(%dma_wait3A_49 : memref<80x128xf32, #tpu.memory_space<hbm>>) dst(%arg10 : memref<80x128xf32, #tpu.memory_space<vmem>>)
      tpu.yield
    }) : () -> ()
    %scan3A = arith.constant 0 : i32
    %scan3A_5 = arith.constant 0 : i32
    %scan3A_6 = arith.constant 8 : i32
    %scan3A_7 = arith.addi %scan3A_5, %scan3A_6 : i32
    %scan3A_8 = arith.constant 1 : i32
    scf.for %scan3A_37 = %scan3A_5 to %scan3A_7 step %scan3A_8  : i32 {
      %mul3A_38 = arith.constant 80 : i32
      %mul3A_39 = arith.muli %scan3A_37, %mul3A_38 : i32
      %add3A_40 = arith.addi %mul3A_0, %mul3A_39 : i32
      "tpu.region"() ({
        %run_scoped3A_41 = tpu.sem_alloc : memref<!tpu.dma_semaphore, #tpu.memory_space<semaphore_mem>>
        %dma_start3A_42 = arith.constant 0 : i32
        %dma_start3A_43 = tpu.memref_slice %arg7[%add3A_40, %dma_start3A_42] : memref<10240x128xf32, #tpu.memory_space<vmem_shared>> -> memref<80x128xf32, #tpu.memory_space<vmem_shared>>
        %dma_start3A_44 = arith.constant 0 : i32
        %dma_start3A_45 = tpu.memref_slice %arg7[%add3A_40, %dma_start3A_44] : memref<10240x128xf32, #tpu.memory_space<vmem_shared>> -> memref<80x128xf32, #tpu.memory_space<vmem_shared>>
        tpu.enqueue_dma source(%arg10 : memref<80x128xf32, #tpu.memory_space<vmem>>) target(%dma_start3A_45 : memref<80x128xf32, #tpu.memory_space<vmem_shared>>) target_semaphore(%run_scoped3A_41 : memref<!tpu.dma_semaphore, #tpu.memory_space<semaphore_mem>>)
        %dma_wait3A_46 = arith.constant 0 : i32
        %dma_wait3A_47 = tpu.memref_slice %arg7[%add3A_40, %dma_wait3A_46] : memref<10240x128xf32, #tpu.memory_space<vmem_shared>> -> memref<80x128xf32, #tpu.memory_space<vmem_shared>>
        %dma_wait3A_48 = arith.constant 0 : i32
        %dma_wait3A_49 = tpu.memref_slice %arg7[%add3A_40, %dma_wait3A_48] : memref<10240x128xf32, #tpu.memory_space<vmem_shared>> -> memref<80x128xf32, #tpu.memory_space<vmem_shared>>
        tpu.wait_dma2 semaphore(%run_scoped3A_41 : memref<!tpu.dma_semaphore, #tpu.memory_space<semaphore_mem>>) src(%arg10 : memref<80x128xf32, #tpu.memory_space<vmem>>) dst(%dma_wait3A_49 : memref<80x128xf32, #tpu.memory_space<vmem_shared>>)
        tpu.yield
      }) : () -> ()
    }
    %scan3A_9 = arith.constant 8 : i32
    %mul3A_10 = arith.constant 80 : i32
    %mul3A_11 = arith.muli %mul3A_4, %mul3A_10 : i32
    "tpu.region"() ({
      %run_scoped3A_37 = tpu.sem_alloc : memref<!tpu.dma_semaphore, #tpu.memory_space<semaphore_mem>>
      %dma_start3A_38 = tpu.memref_slice %arg4[%mul3A_11] : memref<320000xi32, #tpu.memory_space<hbm>> -> memref<10000xi32, #tpu.memory_space<hbm>>
      %dma_start3A_39 = tpu.memref_slice %arg4[%mul3A_11] : memref<320000xi32, #tpu.memory_space<hbm>> -> memref<10000xi32, #tpu.memory_space<hbm>>
      tpu.enqueue_dma source(%dma_start3A_39 : memref<10000xi32, #tpu.memory_space<hbm>>) target(%arg8 : memref<10000xi32, #tpu.memory_space<vmem>>) target_semaphore(%run_scoped3A_37 : memref<!tpu.dma_semaphore, #tpu.memory_space<semaphore_mem>>)
      %dma_wait3A_40 = tpu.memref_slice %arg4[%mul3A_11] : memref<320000xi32, #tpu.memory_space<hbm>> -> memref<10000xi32, #tpu.memory_space<hbm>>
      %dma_wait3A_41 = tpu.memref_slice %arg4[%mul3A_11] : memref<320000xi32, #tpu.memory_space<hbm>> -> memref<10000xi32, #tpu.memory_space<hbm>>
      tpu.wait_dma2 semaphore(%run_scoped3A_37 : memref<!tpu.dma_semaphore, #tpu.memory_space<semaphore_mem>>) src(%dma_wait3A_41 : memref<10000xi32, #tpu.memory_space<hbm>>) dst(%arg8 : memref<10000xi32, #tpu.memory_space<vmem>>)
      tpu.yield
    }) : () -> ()
    %mul3A_12 = arith.constant 16 : i32
    %mul3A_13 = arith.muli %arg0, %mul3A_12 : i32
    %add3A_14 = arith.addi %mul3A_13, %arg1 : i32
    "tpu.region"() ({
      %run_scoped3A_37 = tpu.sem_alloc : memref<!tpu.dma_semaphore, #tpu.memory_space<semaphore_mem>>
      %dma_start3A_38 = arith.constant 0 : i32
      %dma_start3A_39 = arith.constant 0 : i32
      %dma_start3A_40 = arith.constant 0 : i32
      %dma_start3A_41 = tpu.memref_slice %arg3[%add3A_14, %dma_start3A_38, %dma_start3A_39, %dma_start3A_40] : memref<32x125x1x80xi32, #tpu.memory_space<hbm>> -> memref<1x125x1x80xi32, #tpu.memory_space<hbm>>
      %dma_start3A_42 = tpu.memref_squeeze %dma_start3A_41 : memref<1x125x1x80xi32, #tpu.memory_space<hbm>> -> memref<125x1x80xi32, #tpu.memory_space<hbm>>
      %dma_start3A_43 = arith.constant 0 : i32
      %dma_start3A_44 = arith.constant 0 : i32
      %dma_start3A_45 = arith.constant 0 : i32
      %dma_start3A_46 = tpu.memref_slice %arg3[%add3A_14, %dma_start3A_43, %dma_start3A_44, %dma_start3A_45] : memref<32x125x1x80xi32, #tpu.memory_space<hbm>> -> memref<1x125x1x80xi32, #tpu.memory_space<hbm>>
      %dma_start3A_47 = tpu.memref_squeeze %dma_start3A_46 : memref<1x125x1x80xi32, #tpu.memory_space<hbm>> -> memref<125x1x80xi32, #tpu.memory_space<hbm>>
      tpu.enqueue_dma source(%dma_start3A_47 : memref<125x1x80xi32, #tpu.memory_space<hbm>>) target(%arg9 : memref<125x1x80xi32, #tpu.memory_space<vmem>>) target_semaphore(%run_scoped3A_37 : memref<!tpu.dma_semaphore, #tpu.memory_space<semaphore_mem>>)
      %dma_wait3A_48 = arith.constant 0 : i32
      %dma_wait3A_49 = arith.constant 0 : i32
      %dma_wait3A_50 = arith.constant 0 : i32
      %dma_wait3A_51 = tpu.memref_slice %arg3[%add3A_14, %dma_wait3A_48, %dma_wait3A_49, %dma_wait3A_50] : memref<32x125x1x80xi32, #tpu.memory_space<hbm>> -> memref<1x125x1x80xi32, #tpu.memory_space<hbm>>
      %dma_wait3A_52 = tpu.memref_squeeze %dma_wait3A_51 : memref<1x125x1x80xi32, #tpu.memory_space<hbm>> -> memref<125x1x80xi32, #tpu.memory_space<hbm>>
      %dma_wait3A_53 = arith.constant 0 : i32
      %dma_wait3A_54 = arith.constant 0 : i32
      %dma_wait3A_55 = arith.constant 0 : i32
      %dma_wait3A_56 = tpu.memref_slice %arg3[%add3A_14, %dma_wait3A_53, %dma_wait3A_54, %dma_wait3A_55] : memref<32x125x1x80xi32, #tpu.memory_space<hbm>> -> memref<1x125x1x80xi32, #tpu.memory_space<hbm>>
      %dma_wait3A_57 = tpu.memref_squeeze %dma_wait3A_56 : memref<1x125x1x80xi32, #tpu.memory_space<hbm>> -> memref<125x1x80xi32, #tpu.memory_space<hbm>>
      tpu.wait_dma2 semaphore(%run_scoped3A_37 : memref<!tpu.dma_semaphore, #tpu.memory_space<semaphore_mem>>) src(%dma_wait3A_57 : memref<125x1x80xi32, #tpu.memory_space<hbm>>) dst(%arg9 : memref<125x1x80xi32, #tpu.memory_space<vmem>>)
      tpu.yield
    }) : () -> ()
    %barrier3A = arith.constant 0 : index
    tpu.barrier barrier_id(%barrier3A)
    %scan3A_15 = arith.constant 0 : i32
    %scan3A_16 = arith.constant 0 : i32
    %scan3A_17 = arith.constant 62 : i32
    %scan3A_18 = arith.addi %scan3A_16, %scan3A_17 : i32
    %scan3A_19 = arith.constant 1 : i32
    scf.for %scan3A_37 = %scan3A_16 to %scan3A_18 step %scan3A_19  : i32 {
      %mul3A_38 = arith.constant 2 : i32
      %mul3A_39 = arith.muli %scan3A_37, %mul3A_38 : i32
      %mul3A_40 = arith.constant 80 : i32
      %mul3A_41 = arith.muli %mul3A_39, %mul3A_40 : i32
      %dma_start3A_42 = tpu.memref_slice %arg8[%mul3A_41] : memref<10000xi32, #tpu.memory_space<vmem>> -> memref<80xi32, #tpu.memory_space<vmem>>
      %dma_start3A_43 = arith.constant 0 : i32
      %dma_start3A_44 = arith.constant 0 : i32
      %dma_start3A_45 = tpu.memref_slice %arg2[%dma_start3A_43, %dma_start3A_44] : memref<10000x128xf32, #tpu.memory_space<hbm>> -> memref<10000x128xf32, #tpu.memory_space<hbm>>
      tpu.enqueue_indirect_dma source(%dma_start3A_45 : memref<10000x128xf32, #tpu.memory_space<hbm>>) target(%arg10 : memref<80x128xf32, #tpu.memory_space<vmem>>) offsets(%dma_start3A_42 : memref<80xi32, #tpu.memory_space<vmem>>) semaphore(%arg12 : memref<!tpu.dma_semaphore, #tpu.memory_space<semaphore_mem>>)
      %add3A_46 = arith.constant 1 : i32
      %add3A_47 = arith.addi %mul3A_39, %add3A_46 : i32
      %mul3A_48 = arith.constant 80 : i32
      %mul3A_49 = arith.muli %add3A_47, %mul3A_48 : i32
      %dma_start3A_50 = tpu.memref_slice %arg8[%mul3A_49] : memref<10000xi32, #tpu.memory_space<vmem>> -> memref<80xi32, #tpu.memory_space<vmem>>
      %dma_start3A_51 = arith.constant 0 : i32
      %dma_start3A_52 = arith.constant 0 : i32
      %dma_start3A_53 = tpu.memref_slice %arg2[%dma_start3A_51, %dma_start3A_52] : memref<10000x128xf32, #tpu.memory_space<hbm>> -> memref<10000x128xf32, #tpu.memory_space<hbm>>
      tpu.enqueue_indirect_dma source(%dma_start3A_53 : memref<10000x128xf32, #tpu.memory_space<hbm>>) target(%arg11 : memref<80x128xf32, #tpu.memory_space<vmem>>) offsets(%dma_start3A_50 : memref<80xi32, #tpu.memory_space<vmem>>) semaphore(%arg12 : memref<!tpu.dma_semaphore, #tpu.memory_space<semaphore_mem>>)
      %dma_wait3A_54 = tpu.memref_slice %arg8[%mul3A_41] : memref<10000xi32, #tpu.memory_space<vmem>> -> memref<80xi32, #tpu.memory_space<vmem>>
      %dma_wait3A_55 = arith.constant 0 : i32
      %dma_wait3A_56 = arith.constant 0 : i32
      %dma_wait3A_57 = tpu.memref_slice %arg2[%dma_wait3A_55, %dma_wait3A_56] : memref<10000x128xf32, #tpu.memory_space<hbm>> -> memref<10000x128xf32, #tpu.memory_space<hbm>>
      tpu.wait_indirect_dma semaphore(%arg12 : memref<!tpu.dma_semaphore, #tpu.memory_space<semaphore_mem>>) src(%dma_wait3A_57 : memref<10000x128xf32, #tpu.memory_space<hbm>>) dst(%arg10 : memref<80x128xf32, #tpu.memory_space<vmem>>)
      %run_scoped3A_58 = arith.constant 0 : i32
      "tpu.region"() ({
        %run_scoped3A_66 = tpu.sem_alloc : memref<!tpu.dma_semaphore, #tpu.memory_space<semaphore_mem>>
        %dma_start3A_67 = arith.constant 0 : i32
        %dma_start3A_68 = tpu.memref_slice %arg9[%mul3A_39, %run_scoped3A_58, %dma_start3A_67] : memref<125x1x80xi32, #tpu.memory_space<vmem>> -> memref<1x1x80xi32, #tpu.memory_space<vmem>>
        %dma_start3A_69 = tpu.memref_squeeze %dma_start3A_68 : memref<1x1x80xi32, #tpu.memory_space<vmem>> -> memref<80xi32, #tpu.memory_space<vmem>>
        %dma_start3A_70 = arith.constant 0 : i32
        %dma_start3A_71 = arith.constant 0 : i32
        %dma_start3A_72 = tpu.memref_slice %arg7[%dma_start3A_70, %dma_start3A_71] : memref<10240x128xf32, #tpu.memory_space<vmem_shared>> -> memref<10240x128xf32, #tpu.memory_space<vmem_shared>>
        tpu.enqueue_indirect_dma source(%arg10 : memref<80x128xf32, #tpu.memory_space<vmem>>) target(%dma_start3A_72 : memref<10240x128xf32, #tpu.memory_space<vmem_shared>>) offsets(%dma_start3A_69 : memref<80xi32, #tpu.memory_space<vmem>>) semaphore(%run_scoped3A_66 : memref<!tpu.dma_semaphore, #tpu.memory_space<semaphore_mem>>) {add = true}
        %dma_wait3A_73 = arith.constant 0 : i32
        %dma_wait3A_74 = tpu.memref_slice %arg9[%mul3A_39, %run_scoped3A_58, %dma_wait3A_73] : memref<125x1x80xi32, #tpu.memory_space<vmem>> -> memref<1x1x80xi32, #tpu.memory_space<vmem>>
        %dma_wait3A_75 = tpu.memref_squeeze %dma_wait3A_74 : memref<1x1x80xi32, #tpu.memory_space<vmem>> -> memref<80xi32, #tpu.memory_space<vmem>>
        %dma_wait3A_76 = arith.constant 0 : i32
        %dma_wait3A_77 = arith.constant 0 : i32
        %dma_wait3A_78 = tpu.memref_slice %arg7[%dma_wait3A_76, %dma_wait3A_77] : memref<10240x128xf32, #tpu.memory_space<vmem_shared>> -> memref<10240x128xf32, #tpu.memory_space<vmem_shared>>
        tpu.wait_indirect_dma semaphore(%run_scoped3A_66 : memref<!tpu.dma_semaphore, #tpu.memory_space<semaphore_mem>>) src(%arg10 : memref<80x128xf32, #tpu.memory_space<vmem>>) dst(%dma_wait3A_78 : memref<10240x128xf32, #tpu.memory_space<vmem_shared>>)
        tpu.yield
      }) : () -> ()
      %dma_wait3A_59 = tpu.memref_slice %arg8[%mul3A_49] : memref<10000xi32, #tpu.memory_space<vmem>> -> memref<80xi32, #tpu.memory_space<vmem>>
      %dma_wait3A_60 = arith.constant 0 : i32
      %dma_wait3A_61 = arith.constant 0 : i32
      %dma_wait3A_62 = tpu.memref_slice %arg2[%dma_wait3A_60, %dma_wait3A_61] : memref<10000x128xf32, #tpu.memory_space<hbm>> -> memref<10000x128xf32, #tpu.memory_space<hbm>>
      tpu.wait_indirect_dma semaphore(%arg12 : memref<!tpu.dma_semaphore, #tpu.memory_space<semaphore_mem>>) src(%dma_wait3A_62 : memref<10000x128xf32, #tpu.memory_space<hbm>>) dst(%arg11 : memref<80x128xf32, #tpu.memory_space<vmem>>)
      %add3A_63 = arith.constant 1 : i32
      %add3A_64 = arith.addi %mul3A_39, %add3A_63 : i32
      %run_scoped3A_65 = arith.constant 0 : i32
      "tpu.region"() ({
        %run_scoped3A_66 = tpu.sem_alloc : memref<!tpu.dma_semaphore, #tpu.memory_space<semaphore_mem>>
        %dma_start3A_67 = arith.constant 0 : i32
        %dma_start3A_68 = tpu.memref_slice %arg9[%add3A_64, %run_scoped3A_65, %dma_start3A_67] : memref<125x1x80xi32, #tpu.memory_space<vmem>> -> memref<1x1x80xi32, #tpu.memory_space<vmem>>
        %dma_start3A_69 = tpu.memref_squeeze %dma_start3A_68 : memref<1x1x80xi32, #tpu.memory_space<vmem>> -> memref<80xi32, #tpu.memory_space<vmem>>
        %dma_start3A_70 = arith.constant 0 : i32
        %dma_start3A_71 = arith.constant 0 : i32
        %dma_start3A_72 = tpu.memref_slice %arg7[%dma_start3A_70, %dma_start3A_71] : memref<10240x128xf32, #tpu.memory_space<vmem_shared>> -> memref<10240x128xf32, #tpu.memory_space<vmem_shared>>
        tpu.enqueue_indirect_dma source(%arg11 : memref<80x128xf32, #tpu.memory_space<vmem>>) target(%dma_start3A_72 : memref<10240x128xf32, #tpu.memory_space<vmem_shared>>) offsets(%dma_start3A_69 : memref<80xi32, #tpu.memory_space<vmem>>) semaphore(%run_scoped3A_66 : memref<!tpu.dma_semaphore, #tpu.memory_space<semaphore_mem>>) {add = true}
        %dma_wait3A_73 = arith.constant 0 : i32
        %dma_wait3A_74 = tpu.memref_slice %arg9[%add3A_64, %run_scoped3A_65, %dma_wait3A_73] : memref<125x1x80xi32, #tpu.memory_space<vmem>> -> memref<1x1x80xi32, #tpu.memory_space<vmem>>
        %dma_wait3A_75 = tpu.memref_squeeze %dma_wait3A_74 : memref<1x1x80xi32, #tpu.memory_space<vmem>> -> memref<80xi32, #tpu.memory_space<vmem>>
        %dma_wait3A_76 = arith.constant 0 : i32
        %dma_wait3A_77 = arith.constant 0 : i32
        %dma_wait3A_78 = tpu.memref_slice %arg7[%dma_wait3A_76, %dma_wait3A_77] : memref<10240x128xf32, #tpu.memory_space<vmem_shared>> -> memref<10240x128xf32, #tpu.memory_space<vmem_shared>>
        tpu.wait_indirect_dma semaphore(%run_scoped3A_66 : memref<!tpu.dma_semaphore, #tpu.memory_space<semaphore_mem>>) src(%arg11 : memref<80x128xf32, #tpu.memory_space<vmem>>) dst(%dma_wait3A_78 : memref<10240x128xf32, #tpu.memory_space<vmem_shared>>)
        tpu.yield
      }) : () -> ()
    }
    %scan3A_20 = arith.constant 62 : i32
    %dma_start3A = arith.constant 9920 : i32
    %dma_start3A_21 = tpu.memref_slice %arg8[%dma_start3A] : memref<10000xi32, #tpu.memory_space<vmem>> -> memref<80xi32, #tpu.memory_space<vmem>>
    %dma_start3A_22 = arith.constant 0 : i32
    %dma_start3A_23 = arith.constant 0 : i32
    %dma_start3A_24 = tpu.memref_slice %arg2[%dma_start3A_22, %dma_start3A_23] : memref<10000x128xf32, #tpu.memory_space<hbm>> -> memref<10000x128xf32, #tpu.memory_space<hbm>>
    tpu.enqueue_indirect_dma source(%dma_start3A_24 : memref<10000x128xf32, #tpu.memory_space<hbm>>) target(%arg10 : memref<80x128xf32, #tpu.memory_space<vmem>>) offsets(%dma_start3A_21 : memref<80xi32, #tpu.memory_space<vmem>>) semaphore(%arg12 : memref<!tpu.dma_semaphore, #tpu.memory_space<semaphore_mem>>)
    %dma_wait3A = arith.constant 9920 : i32
    %dma_wait3A_25 = tpu.memref_slice %arg8[%dma_wait3A] : memref<10000xi32, #tpu.memory_space<vmem>> -> memref<80xi32, #tpu.memory_space<vmem>>
    %dma_wait3A_26 = arith.constant 0 : i32
    %dma_wait3A_27 = arith.constant 0 : i32
    %dma_wait3A_28 = tpu.memref_slice %arg2[%dma_wait3A_26, %dma_wait3A_27] : memref<10000x128xf32, #tpu.memory_space<hbm>> -> memref<10000x128xf32, #tpu.memory_space<hbm>>
    tpu.wait_indirect_dma semaphore(%arg12 : memref<!tpu.dma_semaphore, #tpu.memory_space<semaphore_mem>>) src(%dma_wait3A_28 : memref<10000x128xf32, #tpu.memory_space<hbm>>) dst(%arg10 : memref<80x128xf32, #tpu.memory_space<vmem>>)
    %run_scoped3A = arith.constant 124 : i32
    %run_scoped3A_29 = arith.constant 0 : i32
    "tpu.region"() ({
      %run_scoped3A_37 = tpu.sem_alloc : memref<!tpu.dma_semaphore, #tpu.memory_space<semaphore_mem>>
      %dma_start3A_38 = arith.constant 0 : i32
      %dma_start3A_39 = tpu.memref_slice %arg9[%run_scoped3A, %run_scoped3A_29, %dma_start3A_38] : memref<125x1x80xi32, #tpu.memory_space<vmem>> -> memref<1x1x80xi32, #tpu.memory_space<vmem>>
      %dma_start3A_40 = tpu.memref_squeeze %dma_start3A_39 : memref<1x1x80xi32, #tpu.memory_space<vmem>> -> memref<80xi32, #tpu.memory_space<vmem>>
      %dma_start3A_41 = arith.constant 0 : i32
      %dma_start3A_42 = arith.constant 0 : i32
      %dma_start3A_43 = tpu.memref_slice %arg7[%dma_start3A_41, %dma_start3A_42] : memref<10240x128xf32, #tpu.memory_space<vmem_shared>> -> memref<10240x128xf32, #tpu.memory_space<vmem_shared>>
      tpu.enqueue_indirect_dma source(%arg10 : memref<80x128xf32, #tpu.memory_space<vmem>>) target(%dma_start3A_43 : memref<10240x128xf32, #tpu.memory_space<vmem_shared>>) offsets(%dma_start3A_40 : memref<80xi32, #tpu.memory_space<vmem>>) semaphore(%run_scoped3A_37 : memref<!tpu.dma_semaphore, #tpu.memory_space<semaphore_mem>>) {add = true}
      %dma_wait3A_44 = arith.constant 0 : i32
      %dma_wait3A_45 = tpu.memref_slice %arg9[%run_scoped3A, %run_scoped3A_29, %dma_wait3A_44] : memref<125x1x80xi32, #tpu.memory_space<vmem>> -> memref<1x1x80xi32, #tpu.memory_space<vmem>>
      %dma_wait3A_46 = tpu.memref_squeeze %dma_wait3A_45 : memref<1x1x80xi32, #tpu.memory_space<vmem>> -> memref<80xi32, #tpu.memory_space<vmem>>
      %dma_wait3A_47 = arith.constant 0 : i32
      %dma_wait3A_48 = arith.constant 0 : i32
      %dma_wait3A_49 = tpu.memref_slice %arg7[%dma_wait3A_47, %dma_wait3A_48] : memref<10240x128xf32, #tpu.memory_space<vmem_shared>> -> memref<10240x128xf32, #tpu.memory_space<vmem_shared>>
      tpu.wait_indirect_dma semaphore(%run_scoped3A_37 : memref<!tpu.dma_semaphore, #tpu.memory_space<semaphore_mem>>) src(%arg10 : memref<80x128xf32, #tpu.memory_space<vmem>>) dst(%dma_wait3A_49 : memref<10240x128xf32, #tpu.memory_space<vmem_shared>>)
      tpu.yield
    }) : () -> ()
    %barrier3A_30 = arith.constant 0 : index
    tpu.barrier barrier_id(%barrier3A_30)
    %scan3A_31 = arith.constant 0 : i32
    %scan3A_32 = arith.constant 0 : i32
    %scan3A_33 = arith.constant 8 : i32
    %scan3A_34 = arith.addi %scan3A_32, %scan3A_33 : i32
    %scan3A_35 = arith.constant 1 : i32
    scf.for %scan3A_37 = %scan3A_32 to %scan3A_34 step %scan3A_35  : i32 {
      %mul3A_38 = arith.constant 80 : i32
      %mul3A_39 = arith.muli %scan3A_37, %mul3A_38 : i32
      %add3A_40 = arith.addi %mul3A_0, %mul3A_39 : i32
      "tpu.region"() ({
        %run_scoped3A_41 = tpu.sem_alloc : memref<!tpu.dma_semaphore, #tpu.memory_space<semaphore_mem>>
        %dma_start3A_42 = arith.constant 0 : i32
        %dma_start3A_43 = tpu.memref_slice %arg7[%add3A_40, %dma_start3A_42] : memref<10240x128xf32, #tpu.memory_space<vmem_shared>> -> memref<80x128xf32, #tpu.memory_space<vmem_shared>>
        %dma_start3A_44 = arith.constant 0 : i32
        %dma_start3A_45 = tpu.memref_slice %arg7[%add3A_40, %dma_start3A_44] : memref<10240x128xf32, #tpu.memory_space<vmem_shared>> -> memref<80x128xf32, #tpu.memory_space<vmem_shared>>
        tpu.enqueue_dma source(%dma_start3A_45 : memref<80x128xf32, #tpu.memory_space<vmem_shared>>) target(%arg10 : memref<80x128xf32, #tpu.memory_space<vmem>>) target_semaphore(%run_scoped3A_41 : memref<!tpu.dma_semaphore, #tpu.memory_space<semaphore_mem>>)
        %dma_wait3A_46 = arith.constant 0 : i32
        %dma_wait3A_47 = tpu.memref_slice %arg7[%add3A_40, %dma_wait3A_46] : memref<10240x128xf32, #tpu.memory_space<vmem_shared>> -> memref<80x128xf32, #tpu.memory_space<vmem_shared>>
        %dma_wait3A_48 = arith.constant 0 : i32
        %dma_wait3A_49 = tpu.memref_slice %arg7[%add3A_40, %dma_wait3A_48] : memref<10240x128xf32, #tpu.memory_space<vmem_shared>> -> memref<80x128xf32, #tpu.memory_space<vmem_shared>>
        tpu.wait_dma2 semaphore(%run_scoped3A_41 : memref<!tpu.dma_semaphore, #tpu.memory_space<semaphore_mem>>) src(%dma_wait3A_49 : memref<80x128xf32, #tpu.memory_space<vmem_shared>>) dst(%arg10 : memref<80x128xf32, #tpu.memory_space<vmem>>)
        tpu.yield
      }) : () -> ()
      "tpu.region"() ({
        %run_scoped3A_41 = tpu.sem_alloc : memref<!tpu.dma_semaphore, #tpu.memory_space<semaphore_mem>>
        %dma_start3A_42 = arith.constant 0 : i32
        %dma_start3A_43 = tpu.memref_slice %arg6[%arg0, %add3A_40, %dma_start3A_42] : memref<2x10240x128xf32, #tpu.memory_space<hbm>> -> memref<1x80x128xf32, #tpu.memory_space<hbm>>
        %dma_start3A_44 = tpu.memref_squeeze %dma_start3A_43 : memref<1x80x128xf32, #tpu.memory_space<hbm>> -> memref<80x128xf32, #tpu.memory_space<hbm>>
        %dma_start3A_45 = arith.constant 0 : i32
        %dma_start3A_46 = tpu.memref_slice %arg6[%arg0, %add3A_40, %dma_start3A_45] : memref<2x10240x128xf32, #tpu.memory_space<hbm>> -> memref<1x80x128xf32, #tpu.memory_space<hbm>>
        %dma_start3A_47 = tpu.memref_squeeze %dma_start3A_46 : memref<1x80x128xf32, #tpu.memory_space<hbm>> -> memref<80x128xf32, #tpu.memory_space<hbm>>
        tpu.enqueue_dma source(%arg10 : memref<80x128xf32, #tpu.memory_space<vmem>>) target(%dma_start3A_47 : memref<80x128xf32, #tpu.memory_space<hbm>>) target_semaphore(%run_scoped3A_41 : memref<!tpu.dma_semaphore, #tpu.memory_space<semaphore_mem>>)
        %dma_wait3A_48 = arith.constant 0 : i32
        %dma_wait3A_49 = tpu.memref_slice %arg6[%arg0, %add3A_40, %dma_wait3A_48] : memref<2x10240x128xf32, #tpu.memory_space<hbm>> -> memref<1x80x128xf32, #tpu.memory_space<hbm>>
        %dma_wait3A_50 = tpu.memref_squeeze %dma_wait3A_49 : memref<1x80x128xf32, #tpu.memory_space<hbm>> -> memref<80x128xf32, #tpu.memory_space<hbm>>
        %dma_wait3A_51 = arith.constant 0 : i32
        %dma_wait3A_52 = tpu.memref_slice %arg6[%arg0, %add3A_40, %dma_wait3A_51] : memref<2x10240x128xf32, #tpu.memory_space<hbm>> -> memref<1x80x128xf32, #tpu.memory_space<hbm>>
        %dma_wait3A_53 = tpu.memref_squeeze %dma_wait3A_52 : memref<1x80x128xf32, #tpu.memory_space<hbm>> -> memref<80x128xf32, #tpu.memory_space<hbm>>
        tpu.wait_dma2 semaphore(%run_scoped3A_41 : memref<!tpu.dma_semaphore, #tpu.memory_space<semaphore_mem>>) src(%arg10 : memref<80x128xf32, #tpu.memory_space<vmem>>) dst(%dma_wait3A_53 : memref<80x128xf32, #tpu.memory_space<hbm>>)
        tpu.yield
      }) : () -> ()
    }
    %scan3A_36 = arith.constant 8 : i32
    return
  }
}

#map = affine_map<(d0, d1) -> (0, 0)>
#map1 = affine_map<(d0, d1) -> (0, 0, 0, 0)>
#map2 = affine_map<(d0, d1) -> (0)>
#map3 = affine_map<(d0, d1) -> (0, 0, 0)>
module attributes {stable_mosaic.version = 14 : i64} {
  func.func @k(%arg0: i32, %arg1: i32, %arg2: memref<10000x128xf32, #tpu.memory_space<hbm>>, %arg3: memref<32x125x1x80xi32, #tpu.memory_space<hbm>>, %arg4: memref<320000xi32, #tpu.memory_space<hbm>>, %arg5: memref<640x128xf32, #tpu.memory_space<hbm>>, %arg6: memref<2x10240x128xf32, #tpu.memory_space<hbm>>, %arg7: memref<10240x128xf32, #tpu.memory_space<vmem_shared>>, %arg8: memref<10000xi32, #tpu.memory_space<vmem>>, %arg9: memref<125x1x80xi32, #tpu.memory_space<vmem>>, %arg10: memref<80x128xf32, #tpu.memory_space<vmem>>, %arg11: memref<80x128xf32, #tpu.memory_space<vmem>>, %arg12: memref<!tpu.dma_semaphore, #tpu.memory_space<semaphore_mem>>) attributes {dimension_semantics = [#tpu.dimension_semantics<core_parallel>, #tpu.dimension_semantics<subcore_parallel>], iteration_bounds = array<i64: 2, 16>, scalar_prefetch = 0 : i64, scratch_operands = 6 : i64, tpu.core_type = #tpu.core_type<sc_vector_subcore>, window_params = [{transform_indices = #map}, {transform_indices = #map1}, {transform_indices = #map2}, {transform_indices = #map}, {transform_indices = #map3}]} {
    %mul3A = arith.constant 640 : i32
    %mul3A_0 = arith.muli %arg1, %mul3A : i32
    %mul3A_1 = arith.constant 16 : i32
    %mul3A_2 = arith.muli %arg0, %mul3A_1 : i32
    %add3A = arith.addi %mul3A_2, %arg1 : i32
    %mul3A_3 = arith.constant 125 : i32
    %mul3A_4 = arith.muli %add3A, %mul3A_3 : i32
    "tpu.region"() ({
      %run_scoped3A_43 = tpu.sem_alloc : memref<!tpu.dma_semaphore, #tpu.memory_space<semaphore_mem>>
      %dma_start3A_44 = arith.constant 0 : i32
      %dma_start3A_45 = arith.constant 0 : i32
      %dma_start3A_46 = tpu.memref_slice %arg5[%dma_start3A_44, %dma_start3A_45] : memref<640x128xf32, #tpu.memory_space<hbm>> -> memref<80x128xf32, #tpu.memory_space<hbm>>
      %dma_start3A_47 = arith.constant 0 : i32
      %dma_start3A_48 = arith.constant 0 : i32
      %dma_start3A_49 = tpu.memref_slice %arg5[%dma_start3A_47, %dma_start3A_48] : memref<640x128xf32, #tpu.memory_space<hbm>> -> memref<80x128xf32, #tpu.memory_space<hbm>>
      tpu.enqueue_dma source(%dma_start3A_49 : memref<80x128xf32, #tpu.memory_space<hbm>>) target(%arg10 : memref<80x128xf32, #tpu.memory_space<vmem>>) target_semaphore(%run_scoped3A_43 : memref<!tpu.dma_semaphore, #tpu.memory_space<semaphore_mem>>)
      %dma_wait3A_50 = arith.constant 0 : i32
      %dma_wait3A_51 = arith.constant 0 : i32
      %dma_wait3A_52 = tpu.memref_slice %arg5[%dma_wait3A_50, %dma_wait3A_51] : memref<640x128xf32, #tpu.memory_space<hbm>> -> memref<80x128xf32, #tpu.memory_space<hbm>>
      %dma_wait3A_53 = arith.constant 0 : i32
      %dma_wait3A_54 = arith.constant 0 : i32
      %dma_wait3A_55 = tpu.memref_slice %arg5[%dma_wait3A_53, %dma_wait3A_54] : memref<640x128xf32, #tpu.memory_space<hbm>> -> memref<80x128xf32, #tpu.memory_space<hbm>>
      tpu.wait_dma2 semaphore(%run_scoped3A_43 : memref<!tpu.dma_semaphore, #tpu.memory_space<semaphore_mem>>) src(%dma_wait3A_55 : memref<80x128xf32, #tpu.memory_space<hbm>>) dst(%arg10 : memref<80x128xf32, #tpu.memory_space<vmem>>)
      tpu.yield
    }) : () -> ()
    %scan3A = arith.constant 0 : i32
    %scan3A_5 = arith.constant 0 : i32
    %scan3A_6 = arith.constant 8 : i32
    %scan3A_7 = arith.addi %scan3A_5, %scan3A_6 : i32
    %scan3A_8 = arith.constant 1 : i32
    scf.for %scan3A_43 = %scan3A_5 to %scan3A_7 step %scan3A_8  : i32 {
      %mul3A_44 = arith.constant 80 : i32
      %mul3A_45 = arith.muli %scan3A_43, %mul3A_44 : i32
      %add3A_46 = arith.addi %mul3A_0, %mul3A_45 : i32
      "tpu.region"() ({
        %run_scoped3A_47 = tpu.sem_alloc : memref<!tpu.dma_semaphore, #tpu.memory_space<semaphore_mem>>
        %dma_start3A_48 = arith.constant 0 : i32
        %dma_start3A_49 = tpu.memref_slice %arg7[%add3A_46, %dma_start3A_48] : memref<10240x128xf32, #tpu.memory_space<vmem_shared>> -> memref<80x128xf32, #tpu.memory_space<vmem_shared>>
        %dma_start3A_50 = arith.constant 0 : i32
        %dma_start3A_51 = tpu.memref_slice %arg7[%add3A_46, %dma_start3A_50] : memref<10240x128xf32, #tpu.memory_space<vmem_shared>> -> memref<80x128xf32, #tpu.memory_space<vmem_shared>>
        tpu.enqueue_dma source(%arg10 : memref<80x128xf32, #tpu.memory_space<vmem>>) target(%dma_start3A_51 : memref<80x128xf32, #tpu.memory_space<vmem_shared>>) target_semaphore(%run_scoped3A_47 : memref<!tpu.dma_semaphore, #tpu.memory_space<semaphore_mem>>)
        %dma_wait3A_52 = arith.constant 0 : i32
        %dma_wait3A_53 = tpu.memref_slice %arg7[%add3A_46, %dma_wait3A_52] : memref<10240x128xf32, #tpu.memory_space<vmem_shared>> -> memref<80x128xf32, #tpu.memory_space<vmem_shared>>
        %dma_wait3A_54 = arith.constant 0 : i32
        %dma_wait3A_55 = tpu.memref_slice %arg7[%add3A_46, %dma_wait3A_54] : memref<10240x128xf32, #tpu.memory_space<vmem_shared>> -> memref<80x128xf32, #tpu.memory_space<vmem_shared>>
        tpu.wait_dma2 semaphore(%run_scoped3A_47 : memref<!tpu.dma_semaphore, #tpu.memory_space<semaphore_mem>>) src(%arg10 : memref<80x128xf32, #tpu.memory_space<vmem>>) dst(%dma_wait3A_55 : memref<80x128xf32, #tpu.memory_space<vmem_shared>>)
        tpu.yield
      }) : () -> ()
    }
    %scan3A_9 = arith.constant 8 : i32
    %mul3A_10 = arith.constant 80 : i32
    %mul3A_11 = arith.muli %mul3A_4, %mul3A_10 : i32
    "tpu.region"() ({
      %run_scoped3A_43 = tpu.sem_alloc : memref<!tpu.dma_semaphore, #tpu.memory_space<semaphore_mem>>
      %dma_start3A_44 = tpu.memref_slice %arg4[%mul3A_11] : memref<320000xi32, #tpu.memory_space<hbm>> -> memref<10000xi32, #tpu.memory_space<hbm>>
      %dma_start3A_45 = tpu.memref_slice %arg4[%mul3A_11] : memref<320000xi32, #tpu.memory_space<hbm>> -> memref<10000xi32, #tpu.memory_space<hbm>>
      tpu.enqueue_dma source(%dma_start3A_45 : memref<10000xi32, #tpu.memory_space<hbm>>) target(%arg8 : memref<10000xi32, #tpu.memory_space<vmem>>) target_semaphore(%run_scoped3A_43 : memref<!tpu.dma_semaphore, #tpu.memory_space<semaphore_mem>>)
      %dma_wait3A_46 = tpu.memref_slice %arg4[%mul3A_11] : memref<320000xi32, #tpu.memory_space<hbm>> -> memref<10000xi32, #tpu.memory_space<hbm>>
      %dma_wait3A_47 = tpu.memref_slice %arg4[%mul3A_11] : memref<320000xi32, #tpu.memory_space<hbm>> -> memref<10000xi32, #tpu.memory_space<hbm>>
      tpu.wait_dma2 semaphore(%run_scoped3A_43 : memref<!tpu.dma_semaphore, #tpu.memory_space<semaphore_mem>>) src(%dma_wait3A_47 : memref<10000xi32, #tpu.memory_space<hbm>>) dst(%arg8 : memref<10000xi32, #tpu.memory_space<vmem>>)
      tpu.yield
    }) : () -> ()
    %mul3A_12 = arith.constant 16 : i32
    %mul3A_13 = arith.muli %arg0, %mul3A_12 : i32
    %add3A_14 = arith.addi %mul3A_13, %arg1 : i32
    "tpu.region"() ({
      %run_scoped3A_43 = tpu.sem_alloc : memref<!tpu.dma_semaphore, #tpu.memory_space<semaphore_mem>>
      %dma_start3A_44 = arith.constant 0 : i32
      %dma_start3A_45 = arith.constant 0 : i32
      %dma_start3A_46 = arith.constant 0 : i32
      %dma_start3A_47 = tpu.memref_slice %arg3[%add3A_14, %dma_start3A_44, %dma_start3A_45, %dma_start3A_46] : memref<32x125x1x80xi32, #tpu.memory_space<hbm>> -> memref<1x125x1x80xi32, #tpu.memory_space<hbm>>
      %dma_start3A_48 = tpu.memref_squeeze %dma_start3A_47 : memref<1x125x1x80xi32, #tpu.memory_space<hbm>> -> memref<125x1x80xi32, #tpu.memory_space<hbm>>
      %dma_start3A_49 = arith.constant 0 : i32
      %dma_start3A_50 = arith.constant 0 : i32
      %dma_start3A_51 = arith.constant 0 : i32
      %dma_start3A_52 = tpu.memref_slice %arg3[%add3A_14, %dma_start3A_49, %dma_start3A_50, %dma_start3A_51] : memref<32x125x1x80xi32, #tpu.memory_space<hbm>> -> memref<1x125x1x80xi32, #tpu.memory_space<hbm>>
      %dma_start3A_53 = tpu.memref_squeeze %dma_start3A_52 : memref<1x125x1x80xi32, #tpu.memory_space<hbm>> -> memref<125x1x80xi32, #tpu.memory_space<hbm>>
      tpu.enqueue_dma source(%dma_start3A_53 : memref<125x1x80xi32, #tpu.memory_space<hbm>>) target(%arg9 : memref<125x1x80xi32, #tpu.memory_space<vmem>>) target_semaphore(%run_scoped3A_43 : memref<!tpu.dma_semaphore, #tpu.memory_space<semaphore_mem>>)
      %dma_wait3A_54 = arith.constant 0 : i32
      %dma_wait3A_55 = arith.constant 0 : i32
      %dma_wait3A_56 = arith.constant 0 : i32
      %dma_wait3A_57 = tpu.memref_slice %arg3[%add3A_14, %dma_wait3A_54, %dma_wait3A_55, %dma_wait3A_56] : memref<32x125x1x80xi32, #tpu.memory_space<hbm>> -> memref<1x125x1x80xi32, #tpu.memory_space<hbm>>
      %dma_wait3A_58 = tpu.memref_squeeze %dma_wait3A_57 : memref<1x125x1x80xi32, #tpu.memory_space<hbm>> -> memref<125x1x80xi32, #tpu.memory_space<hbm>>
      %dma_wait3A_59 = arith.constant 0 : i32
      %dma_wait3A_60 = arith.constant 0 : i32
      %dma_wait3A_61 = arith.constant 0 : i32
      %dma_wait3A_62 = tpu.memref_slice %arg3[%add3A_14, %dma_wait3A_59, %dma_wait3A_60, %dma_wait3A_61] : memref<32x125x1x80xi32, #tpu.memory_space<hbm>> -> memref<1x125x1x80xi32, #tpu.memory_space<hbm>>
      %dma_wait3A_63 = tpu.memref_squeeze %dma_wait3A_62 : memref<1x125x1x80xi32, #tpu.memory_space<hbm>> -> memref<125x1x80xi32, #tpu.memory_space<hbm>>
      tpu.wait_dma2 semaphore(%run_scoped3A_43 : memref<!tpu.dma_semaphore, #tpu.memory_space<semaphore_mem>>) src(%dma_wait3A_63 : memref<125x1x80xi32, #tpu.memory_space<hbm>>) dst(%arg9 : memref<125x1x80xi32, #tpu.memory_space<vmem>>)
      tpu.yield
    }) : () -> ()
    %barrier3A = arith.constant 0 : index
    tpu.barrier barrier_id(%barrier3A)
    %scan3A_15 = arith.constant 0 : i32
    %scan3A_16 = arith.constant 0 : i32
    %scan3A_17 = arith.constant 62 : i32
    %scan3A_18 = arith.addi %scan3A_16, %scan3A_17 : i32
    %scan3A_19 = arith.constant 1 : i32
    scf.for %scan3A_43 = %scan3A_16 to %scan3A_18 step %scan3A_19  : i32 {
      %mul3A_44 = arith.constant 2 : i32
      %mul3A_45 = arith.muli %scan3A_43, %mul3A_44 : i32
      %mul3A_46 = arith.constant 80 : i32
      %mul3A_47 = arith.muli %mul3A_45, %mul3A_46 : i32
      %dma_start3A_48 = tpu.memref_slice %arg8[%mul3A_47] : memref<10000xi32, #tpu.memory_space<vmem>> -> memref<80xi32, #tpu.memory_space<vmem>>
      %dma_start3A_49 = arith.constant 0 : i32
      %dma_start3A_50 = arith.constant 0 : i32
      %dma_start3A_51 = tpu.memref_slice %arg2[%dma_start3A_49, %dma_start3A_50] : memref<10000x128xf32, #tpu.memory_space<hbm>> -> memref<10000x128xf32, #tpu.memory_space<hbm>>
      tpu.enqueue_indirect_dma source(%dma_start3A_51 : memref<10000x128xf32, #tpu.memory_space<hbm>>) target(%arg10 : memref<80x128xf32, #tpu.memory_space<vmem>>) offsets(%dma_start3A_48 : memref<80xi32, #tpu.memory_space<vmem>>) semaphore(%arg12 : memref<!tpu.dma_semaphore, #tpu.memory_space<semaphore_mem>>)
      %add3A_52 = arith.constant 1 : i32
      %add3A_53 = arith.addi %mul3A_45, %add3A_52 : i32
      %mul3A_54 = arith.constant 80 : i32
      %mul3A_55 = arith.muli %add3A_53, %mul3A_54 : i32
      %dma_start3A_56 = tpu.memref_slice %arg8[%mul3A_55] : memref<10000xi32, #tpu.memory_space<vmem>> -> memref<80xi32, #tpu.memory_space<vmem>>
      %dma_start3A_57 = arith.constant 0 : i32
      %dma_start3A_58 = arith.constant 0 : i32
      %dma_start3A_59 = tpu.memref_slice %arg2[%dma_start3A_57, %dma_start3A_58] : memref<10000x128xf32, #tpu.memory_space<hbm>> -> memref<10000x128xf32, #tpu.memory_space<hbm>>
      tpu.enqueue_indirect_dma source(%dma_start3A_59 : memref<10000x128xf32, #tpu.memory_space<hbm>>) target(%arg11 : memref<80x128xf32, #tpu.memory_space<vmem>>) offsets(%dma_start3A_56 : memref<80xi32, #tpu.memory_space<vmem>>) semaphore(%arg12 : memref<!tpu.dma_semaphore, #tpu.memory_space<semaphore_mem>>)
      %dma_wait3A_60 = tpu.memref_slice %arg8[%mul3A_47] : memref<10000xi32, #tpu.memory_space<vmem>> -> memref<80xi32, #tpu.memory_space<vmem>>
      %dma_wait3A_61 = arith.constant 0 : i32
      %dma_wait3A_62 = arith.constant 0 : i32
      %dma_wait3A_63 = tpu.memref_slice %arg2[%dma_wait3A_61, %dma_wait3A_62] : memref<10000x128xf32, #tpu.memory_space<hbm>> -> memref<10000x128xf32, #tpu.memory_space<hbm>>
      tpu.wait_indirect_dma semaphore(%arg12 : memref<!tpu.dma_semaphore, #tpu.memory_space<semaphore_mem>>) src(%dma_wait3A_63 : memref<10000x128xf32, #tpu.memory_space<hbm>>) dst(%arg10 : memref<80x128xf32, #tpu.memory_space<vmem>>)
      %scan3A_64 = arith.constant 0 : i32
      %scan3A_65 = arith.constant 0 : i32
      %scan3A_66 = arith.constant 80 : i32
      %scan3A_67 = arith.addi %scan3A_65, %scan3A_66 : i32
      %scan3A_68 = arith.constant 1 : i32
      scf.for %scan3A_84 = %scan3A_65 to %scan3A_67 step %scan3A_68  : i32 {
        %get3A = arith.index_cast %scan3A_84 : i32 to index
        %get3A_85 = arith.constant 0 : index
        %get3A_86 = tpu.vector_load %arg10[%get3A, %get3A_85] {strides = array<i32>} : memref<80x128xf32, #tpu.memory_space<vmem>>, vector<1x16xf32>,
        %get3A_87 = vector.shape_cast %get3A_86 : vector<1x16xf32> to vector<16xf32>
        %mul3A_88 = arith.mulf %get3A_87, %get3A_87 : vector<16xf32>
        %swap3A = arith.index_cast %scan3A_84 : i32 to index
        %swap3A_89 = arith.constant 0 : index
        %swap3A_90 = tpu.vector_load %arg10[%swap3A, %swap3A_89] {strides = array<i32>} : memref<80x128xf32, #tpu.memory_space<vmem>>, vector<1x16xf32>,
        %swap3A_91 = vector.shape_cast %swap3A_90 : vector<1x16xf32> to vector<16xf32>
        %swap3A_92 = vector.shape_cast %mul3A_88 : vector<16xf32> to vector<1x16xf32>
        tpu.vector_store %arg10[%swap3A, %swap3A_89], %swap3A_92 {strides = array<i32>} : memref<80x128xf32, #tpu.memory_space<vmem>>, vector<1x16xf32>,
        %get3A_93 = arith.index_cast %scan3A_84 : i32 to index
        %get3A_94 = arith.constant 16 : index
        %get3A_95 = tpu.vector_load %arg10[%get3A_93, %get3A_94] {strides = array<i32>} : memref<80x128xf32, #tpu.memory_space<vmem>>, vector<1x16xf32>,
        %get3A_96 = vector.shape_cast %get3A_95 : vector<1x16xf32> to vector<16xf32>
        %mul3A_97 = arith.mulf %get3A_96, %get3A_96 : vector<16xf32>
        %swap3A_98 = arith.index_cast %scan3A_84 : i32 to index
        %swap3A_99 = arith.constant 16 : index
        %swap3A_100 = tpu.vector_load %arg10[%swap3A_98, %swap3A_99] {strides = array<i32>} : memref<80x128xf32, #tpu.memory_space<vmem>>, vector<1x16xf32>,
        %swap3A_101 = vector.shape_cast %swap3A_100 : vector<1x16xf32> to vector<16xf32>
        %swap3A_102 = vector.shape_cast %mul3A_97 : vector<16xf32> to vector<1x16xf32>
        tpu.vector_store %arg10[%swap3A_98, %swap3A_99], %swap3A_102 {strides = array<i32>} : memref<80x128xf32, #tpu.memory_space<vmem>>, vector<1x16xf32>,
        %get3A_103 = arith.index_cast %scan3A_84 : i32 to index
        %get3A_104 = arith.constant 32 : index
        %get3A_105 = tpu.vector_load %arg10[%get3A_103, %get3A_104] {strides = array<i32>} : memref<80x128xf32, #tpu.memory_space<vmem>>, vector<1x16xf32>,
        %get3A_106 = vector.shape_cast %get3A_105 : vector<1x16xf32> to vector<16xf32>
        %mul3A_107 = arith.mulf %get3A_106, %get3A_106 : vector<16xf32>
        %swap3A_108 = arith.index_cast %scan3A_84 : i32 to index
        %swap3A_109 = arith.constant 32 : index
        %swap3A_110 = tpu.vector_load %arg10[%swap3A_108, %swap3A_109] {strides = array<i32>} : memref<80x128xf32, #tpu.memory_space<vmem>>, vector<1x16xf32>,
        %swap3A_111 = vector.shape_cast %swap3A_110 : vector<1x16xf32> to vector<16xf32>
        %swap3A_112 = vector.shape_cast %mul3A_107 : vector<16xf32> to vector<1x16xf32>
        tpu.vector_store %arg10[%swap3A_108, %swap3A_109], %swap3A_112 {strides = array<i32>} : memref<80x128xf32, #tpu.memory_space<vmem>>, vector<1x16xf32>,
        %get3A_113 = arith.index_cast %scan3A_84 : i32 to index
        %get3A_114 = arith.constant 48 : index
        %get3A_115 = tpu.vector_load %arg10[%get3A_113, %get3A_114] {strides = array<i32>} : memref<80x128xf32, #tpu.memory_space<vmem>>, vector<1x16xf32>,
        %get3A_116 = vector.shape_cast %get3A_115 : vector<1x16xf32> to vector<16xf32>
        %mul3A_117 = arith.mulf %get3A_116, %get3A_116 : vector<16xf32>
        %swap3A_118 = arith.index_cast %scan3A_84 : i32 to index
        %swap3A_119 = arith.constant 48 : index
        %swap3A_120 = tpu.vector_load %arg10[%swap3A_118, %swap3A_119] {strides = array<i32>} : memref<80x128xf32, #tpu.memory_space<vmem>>, vector<1x16xf32>,
        %swap3A_121 = vector.shape_cast %swap3A_120 : vector<1x16xf32> to vector<16xf32>
        %swap3A_122 = vector.shape_cast %mul3A_117 : vector<16xf32> to vector<1x16xf32>
        tpu.vector_store %arg10[%swap3A_118, %swap3A_119], %swap3A_122 {strides = array<i32>} : memref<80x128xf32, #tpu.memory_space<vmem>>, vector<1x16xf32>,
        %get3A_123 = arith.index_cast %scan3A_84 : i32 to index
        %get3A_124 = arith.constant 64 : index
        %get3A_125 = tpu.vector_load %arg10[%get3A_123, %get3A_124] {strides = array<i32>} : memref<80x128xf32, #tpu.memory_space<vmem>>, vector<1x16xf32>,
        %get3A_126 = vector.shape_cast %get3A_125 : vector<1x16xf32> to vector<16xf32>
        %mul3A_127 = arith.mulf %get3A_126, %get3A_126 : vector<16xf32>
        %swap3A_128 = arith.index_cast %scan3A_84 : i32 to index
        %swap3A_129 = arith.constant 64 : index
        %swap3A_130 = tpu.vector_load %arg10[%swap3A_128, %swap3A_129] {strides = array<i32>} : memref<80x128xf32, #tpu.memory_space<vmem>>, vector<1x16xf32>,
        %swap3A_131 = vector.shape_cast %swap3A_130 : vector<1x16xf32> to vector<16xf32>
        %swap3A_132 = vector.shape_cast %mul3A_127 : vector<16xf32> to vector<1x16xf32>
        tpu.vector_store %arg10[%swap3A_128, %swap3A_129], %swap3A_132 {strides = array<i32>} : memref<80x128xf32, #tpu.memory_space<vmem>>, vector<1x16xf32>,
        %get3A_133 = arith.index_cast %scan3A_84 : i32 to index
        %get3A_134 = arith.constant 80 : index
        %get3A_135 = tpu.vector_load %arg10[%get3A_133, %get3A_134] {strides = array<i32>} : memref<80x128xf32, #tpu.memory_space<vmem>>, vector<1x16xf32>,
        %get3A_136 = vector.shape_cast %get3A_135 : vector<1x16xf32> to vector<16xf32>
        %mul3A_137 = arith.mulf %get3A_136, %get3A_136 : vector<16xf32>
        %swap3A_138 = arith.index_cast %scan3A_84 : i32 to index
        %swap3A_139 = arith.constant 80 : index
        %swap3A_140 = tpu.vector_load %arg10[%swap3A_138, %swap3A_139] {strides = array<i32>} : memref<80x128xf32, #tpu.memory_space<vmem>>, vector<1x16xf32>,
        %swap3A_141 = vector.shape_cast %swap3A_140 : vector<1x16xf32> to vector<16xf32>
        %swap3A_142 = vector.shape_cast %mul3A_137 : vector<16xf32> to vector<1x16xf32>
        tpu.vector_store %arg10[%swap3A_138, %swap3A_139], %swap3A_142 {strides = array<i32>} : memref<80x128xf32, #tpu.memory_space<vmem>>, vector<1x16xf32>,
        %get3A_143 = arith.index_cast %scan3A_84 : i32 to index
        %get3A_144 = arith.constant 96 : index
        %get3A_145 = tpu.vector_load %arg10[%get3A_143, %get3A_144] {strides = array<i32>} : memref<80x128xf32, #tpu.memory_space<vmem>>, vector<1x16xf32>,
        %get3A_146 = vector.shape_cast %get3A_145 : vector<1x16xf32> to vector<16xf32>
        %mul3A_147 = arith.mulf %get3A_146, %get3A_146 : vector<16xf32>
        %swap3A_148 = arith.index_cast %scan3A_84 : i32 to index
        %swap3A_149 = arith.constant 96 : index
        %swap3A_150 = tpu.vector_load %arg10[%swap3A_148, %swap3A_149] {strides = array<i32>} : memref<80x128xf32, #tpu.memory_space<vmem>>, vector<1x16xf32>,
        %swap3A_151 = vector.shape_cast %swap3A_150 : vector<1x16xf32> to vector<16xf32>
        %swap3A_152 = vector.shape_cast %mul3A_147 : vector<16xf32> to vector<1x16xf32>
        tpu.vector_store %arg10[%swap3A_148, %swap3A_149], %swap3A_152 {strides = array<i32>} : memref<80x128xf32, #tpu.memory_space<vmem>>, vector<1x16xf32>,
        %get3A_153 = arith.index_cast %scan3A_84 : i32 to index
        %get3A_154 = arith.constant 112 : index
        %get3A_155 = tpu.vector_load %arg10[%get3A_153, %get3A_154] {strides = array<i32>} : memref<80x128xf32, #tpu.memory_space<vmem>>, vector<1x16xf32>,
        %get3A_156 = vector.shape_cast %get3A_155 : vector<1x16xf32> to vector<16xf32>
        %mul3A_157 = arith.mulf %get3A_156, %get3A_156 : vector<16xf32>
        %swap3A_158 = arith.index_cast %scan3A_84 : i32 to index
        %swap3A_159 = arith.constant 112 : index
        %swap3A_160 = tpu.vector_load %arg10[%swap3A_158, %swap3A_159] {strides = array<i32>} : memref<80x128xf32, #tpu.memory_space<vmem>>, vector<1x16xf32>,
        %swap3A_161 = vector.shape_cast %swap3A_160 : vector<1x16xf32> to vector<16xf32>
        %swap3A_162 = vector.shape_cast %mul3A_157 : vector<16xf32> to vector<1x16xf32>
        tpu.vector_store %arg10[%swap3A_158, %swap3A_159], %swap3A_162 {strides = array<i32>} : memref<80x128xf32, #tpu.memory_space<vmem>>, vector<1x16xf32>,
      }
      %scan3A_69 = arith.constant 80 : i32
      %run_scoped3A_70 = arith.constant 0 : i32
      "tpu.region"() ({
        %run_scoped3A_84 = tpu.sem_alloc : memref<!tpu.dma_semaphore, #tpu.memory_space<semaphore_mem>>
        %dma_start3A_85 = arith.constant 0 : i32
        %dma_start3A_86 = tpu.memref_slice %arg9[%mul3A_45, %run_scoped3A_70, %dma_start3A_85] : memref<125x1x80xi32, #tpu.memory_space<vmem>> -> memref<1x1x80xi32, #tpu.memory_space<vmem>>
        %dma_start3A_87 = tpu.memref_squeeze %dma_start3A_86 : memref<1x1x80xi32, #tpu.memory_space<vmem>> -> memref<80xi32, #tpu.memory_space<vmem>>
        %dma_start3A_88 = arith.constant 0 : i32
        %dma_start3A_89 = arith.constant 0 : i32
        %dma_start3A_90 = tpu.memref_slice %arg7[%dma_start3A_88, %dma_start3A_89] : memref<10240x128xf32, #tpu.memory_space<vmem_shared>> -> memref<10240x128xf32, #tpu.memory_space<vmem_shared>>
        tpu.enqueue_indirect_dma source(%arg10 : memref<80x128xf32, #tpu.memory_space<vmem>>) target(%dma_start3A_90 : memref<10240x128xf32, #tpu.memory_space<vmem_shared>>) offsets(%dma_start3A_87 : memref<80xi32, #tpu.memory_space<vmem>>) semaphore(%run_scoped3A_84 : memref<!tpu.dma_semaphore, #tpu.memory_space<semaphore_mem>>) {add = true}
        %dma_wait3A_91 = arith.constant 0 : i32
        %dma_wait3A_92 = tpu.memref_slice %arg9[%mul3A_45, %run_scoped3A_70, %dma_wait3A_91] : memref<125x1x80xi32, #tpu.memory_space<vmem>> -> memref<1x1x80xi32, #tpu.memory_space<vmem>>
        %dma_wait3A_93 = tpu.memref_squeeze %dma_wait3A_92 : memref<1x1x80xi32, #tpu.memory_space<vmem>> -> memref<80xi32, #tpu.memory_space<vmem>>
        %dma_wait3A_94 = arith.constant 0 : i32
        %dma_wait3A_95 = arith.constant 0 : i32
        %dma_wait3A_96 = tpu.memref_slice %arg7[%dma_wait3A_94, %dma_wait3A_95] : memref<10240x128xf32, #tpu.memory_space<vmem_shared>> -> memref<10240x128xf32, #tpu.memory_space<vmem_shared>>
        tpu.wait_indirect_dma semaphore(%run_scoped3A_84 : memref<!tpu.dma_semaphore, #tpu.memory_space<semaphore_mem>>) src(%arg10 : memref<80x128xf32, #tpu.memory_space<vmem>>) dst(%dma_wait3A_96 : memref<10240x128xf32, #tpu.memory_space<vmem_shared>>)
        tpu.yield
      }) : () -> ()
      %dma_wait3A_71 = tpu.memref_slice %arg8[%mul3A_55] : memref<10000xi32, #tpu.memory_space<vmem>> -> memref<80xi32, #tpu.memory_space<vmem>>
      %dma_wait3A_72 = arith.constant 0 : i32
      %dma_wait3A_73 = arith.constant 0 : i32
      %dma_wait3A_74 = tpu.memref_slice %arg2[%dma_wait3A_72, %dma_wait3A_73] : memref<10000x128xf32, #tpu.memory_space<hbm>> -> memref<10000x128xf32, #tpu.memory_space<hbm>>
      tpu.wait_indirect_dma semaphore(%arg12 : memref<!tpu.dma_semaphore, #tpu.memory_space<semaphore_mem>>) src(%dma_wait3A_74 : memref<10000x128xf32, #tpu.memory_space<hbm>>) dst(%arg11 : memref<80x128xf32, #tpu.memory_space<vmem>>)
      %scan3A_75 = arith.constant 0 : i32
      %scan3A_76 = arith.constant 0 : i32
      %scan3A_77 = arith.constant 80 : i32
      %scan3A_78 = arith.addi %scan3A_76, %scan3A_77 : i32
      %scan3A_79 = arith.constant 1 : i32
      scf.for %scan3A_84 = %scan3A_76 to %scan3A_78 step %scan3A_79  : i32 {
        %get3A = arith.index_cast %scan3A_84 : i32 to index
        %get3A_85 = arith.constant 0 : index
        %get3A_86 = tpu.vector_load %arg11[%get3A, %get3A_85] {strides = array<i32>} : memref<80x128xf32, #tpu.memory_space<vmem>>, vector<1x16xf32>,
        %get3A_87 = vector.shape_cast %get3A_86 : vector<1x16xf32> to vector<16xf32>
        %mul3A_88 = arith.mulf %get3A_87, %get3A_87 : vector<16xf32>
        %swap3A = arith.index_cast %scan3A_84 : i32 to index
        %swap3A_89 = arith.constant 0 : index
        %swap3A_90 = tpu.vector_load %arg11[%swap3A, %swap3A_89] {strides = array<i32>} : memref<80x128xf32, #tpu.memory_space<vmem>>, vector<1x16xf32>,
        %swap3A_91 = vector.shape_cast %swap3A_90 : vector<1x16xf32> to vector<16xf32>
        %swap3A_92 = vector.shape_cast %mul3A_88 : vector<16xf32> to vector<1x16xf32>
        tpu.vector_store %arg11[%swap3A, %swap3A_89], %swap3A_92 {strides = array<i32>} : memref<80x128xf32, #tpu.memory_space<vmem>>, vector<1x16xf32>,
        %get3A_93 = arith.index_cast %scan3A_84 : i32 to index
        %get3A_94 = arith.constant 16 : index
        %get3A_95 = tpu.vector_load %arg11[%get3A_93, %get3A_94] {strides = array<i32>} : memref<80x128xf32, #tpu.memory_space<vmem>>, vector<1x16xf32>,
        %get3A_96 = vector.shape_cast %get3A_95 : vector<1x16xf32> to vector<16xf32>
        %mul3A_97 = arith.mulf %get3A_96, %get3A_96 : vector<16xf32>
        %swap3A_98 = arith.index_cast %scan3A_84 : i32 to index
        %swap3A_99 = arith.constant 16 : index
        %swap3A_100 = tpu.vector_load %arg11[%swap3A_98, %swap3A_99] {strides = array<i32>} : memref<80x128xf32, #tpu.memory_space<vmem>>, vector<1x16xf32>,
        %swap3A_101 = vector.shape_cast %swap3A_100 : vector<1x16xf32> to vector<16xf32>
        %swap3A_102 = vector.shape_cast %mul3A_97 : vector<16xf32> to vector<1x16xf32>
        tpu.vector_store %arg11[%swap3A_98, %swap3A_99], %swap3A_102 {strides = array<i32>} : memref<80x128xf32, #tpu.memory_space<vmem>>, vector<1x16xf32>,
        %get3A_103 = arith.index_cast %scan3A_84 : i32 to index
        %get3A_104 = arith.constant 32 : index
        %get3A_105 = tpu.vector_load %arg11[%get3A_103, %get3A_104] {strides = array<i32>} : memref<80x128xf32, #tpu.memory_space<vmem>>, vector<1x16xf32>,
        %get3A_106 = vector.shape_cast %get3A_105 : vector<1x16xf32> to vector<16xf32>
        %mul3A_107 = arith.mulf %get3A_106, %get3A_106 : vector<16xf32>
        %swap3A_108 = arith.index_cast %scan3A_84 : i32 to index
        %swap3A_109 = arith.constant 32 : index
        %swap3A_110 = tpu.vector_load %arg11[%swap3A_108, %swap3A_109] {strides = array<i32>} : memref<80x128xf32, #tpu.memory_space<vmem>>, vector<1x16xf32>,
        %swap3A_111 = vector.shape_cast %swap3A_110 : vector<1x16xf32> to vector<16xf32>
        %swap3A_112 = vector.shape_cast %mul3A_107 : vector<16xf32> to vector<1x16xf32>
        tpu.vector_store %arg11[%swap3A_108, %swap3A_109], %swap3A_112 {strides = array<i32>} : memref<80x128xf32, #tpu.memory_space<vmem>>, vector<1x16xf32>,
        %get3A_113 = arith.index_cast %scan3A_84 : i32 to index
        %get3A_114 = arith.constant 48 : index
        %get3A_115 = tpu.vector_load %arg11[%get3A_113, %get3A_114] {strides = array<i32>} : memref<80x128xf32, #tpu.memory_space<vmem>>, vector<1x16xf32>,
        %get3A_116 = vector.shape_cast %get3A_115 : vector<1x16xf32> to vector<16xf32>
        %mul3A_117 = arith.mulf %get3A_116, %get3A_116 : vector<16xf32>
        %swap3A_118 = arith.index_cast %scan3A_84 : i32 to index
        %swap3A_119 = arith.constant 48 : index
        %swap3A_120 = tpu.vector_load %arg11[%swap3A_118, %swap3A_119] {strides = array<i32>} : memref<80x128xf32, #tpu.memory_space<vmem>>, vector<1x16xf32>,
        %swap3A_121 = vector.shape_cast %swap3A_120 : vector<1x16xf32> to vector<16xf32>
        %swap3A_122 = vector.shape_cast %mul3A_117 : vector<16xf32> to vector<1x16xf32>
        tpu.vector_store %arg11[%swap3A_118, %swap3A_119], %swap3A_122 {strides = array<i32>} : memref<80x128xf32, #tpu.memory_space<vmem>>, vector<1x16xf32>,
        %get3A_123 = arith.index_cast %scan3A_84 : i32 to index
        %get3A_124 = arith.constant 64 : index
        %get3A_125 = tpu.vector_load %arg11[%get3A_123, %get3A_124] {strides = array<i32>} : memref<80x128xf32, #tpu.memory_space<vmem>>, vector<1x16xf32>,
        %get3A_126 = vector.shape_cast %get3A_125 : vector<1x16xf32> to vector<16xf32>
        %mul3A_127 = arith.mulf %get3A_126, %get3A_126 : vector<16xf32>
        %swap3A_128 = arith.index_cast %scan3A_84 : i32 to index
        %swap3A_129 = arith.constant 64 : index
        %swap3A_130 = tpu.vector_load %arg11[%swap3A_128, %swap3A_129] {strides = array<i32>} : memref<80x128xf32, #tpu.memory_space<vmem>>, vector<1x16xf32>,
        %swap3A_131 = vector.shape_cast %swap3A_130 : vector<1x16xf32> to vector<16xf32>
        %swap3A_132 = vector.shape_cast %mul3A_127 : vector<16xf32> to vector<1x16xf32>
        tpu.vector_store %arg11[%swap3A_128, %swap3A_129], %swap3A_132 {strides = array<i32>} : memref<80x128xf32, #tpu.memory_space<vmem>>, vector<1x16xf32>,
        %get3A_133 = arith.index_cast %scan3A_84 : i32 to index
        %get3A_134 = arith.constant 80 : index
        %get3A_135 = tpu.vector_load %arg11[%get3A_133, %get3A_134] {strides = array<i32>} : memref<80x128xf32, #tpu.memory_space<vmem>>, vector<1x16xf32>,
        %get3A_136 = vector.shape_cast %get3A_135 : vector<1x16xf32> to vector<16xf32>
        %mul3A_137 = arith.mulf %get3A_136, %get3A_136 : vector<16xf32>
        %swap3A_138 = arith.index_cast %scan3A_84 : i32 to index
        %swap3A_139 = arith.constant 80 : index
        %swap3A_140 = tpu.vector_load %arg11[%swap3A_138, %swap3A_139] {strides = array<i32>} : memref<80x128xf32, #tpu.memory_space<vmem>>, vector<1x16xf32>,
        %swap3A_141 = vector.shape_cast %swap3A_140 : vector<1x16xf32> to vector<16xf32>
        %swap3A_142 = vector.shape_cast %mul3A_137 : vector<16xf32> to vector<1x16xf32>
        tpu.vector_store %arg11[%swap3A_138, %swap3A_139], %swap3A_142 {strides = array<i32>} : memref<80x128xf32, #tpu.memory_space<vmem>>, vector<1x16xf32>,
        %get3A_143 = arith.index_cast %scan3A_84 : i32 to index
        %get3A_144 = arith.constant 96 : index
        %get3A_145 = tpu.vector_load %arg11[%get3A_143, %get3A_144] {strides = array<i32>} : memref<80x128xf32, #tpu.memory_space<vmem>>, vector<1x16xf32>,
        %get3A_146 = vector.shape_cast %get3A_145 : vector<1x16xf32> to vector<16xf32>
        %mul3A_147 = arith.mulf %get3A_146, %get3A_146 : vector<16xf32>
        %swap3A_148 = arith.index_cast %scan3A_84 : i32 to index
        %swap3A_149 = arith.constant 96 : index
        %swap3A_150 = tpu.vector_load %arg11[%swap3A_148, %swap3A_149] {strides = array<i32>} : memref<80x128xf32, #tpu.memory_space<vmem>>, vector<1x16xf32>,
        %swap3A_151 = vector.shape_cast %swap3A_150 : vector<1x16xf32> to vector<16xf32>
        %swap3A_152 = vector.shape_cast %mul3A_147 : vector<16xf32> to vector<1x16xf32>
        tpu.vector_store %arg11[%swap3A_148, %swap3A_149], %swap3A_152 {strides = array<i32>} : memref<80x128xf32, #tpu.memory_space<vmem>>, vector<1x16xf32>,
        %get3A_153 = arith.index_cast %scan3A_84 : i32 to index
        %get3A_154 = arith.constant 112 : index
        %get3A_155 = tpu.vector_load %arg11[%get3A_153, %get3A_154] {strides = array<i32>} : memref<80x128xf32, #tpu.memory_space<vmem>>, vector<1x16xf32>,
        %get3A_156 = vector.shape_cast %get3A_155 : vector<1x16xf32> to vector<16xf32>
        %mul3A_157 = arith.mulf %get3A_156, %get3A_156 : vector<16xf32>
        %swap3A_158 = arith.index_cast %scan3A_84 : i32 to index
        %swap3A_159 = arith.constant 112 : index
        %swap3A_160 = tpu.vector_load %arg11[%swap3A_158, %swap3A_159] {strides = array<i32>} : memref<80x128xf32, #tpu.memory_space<vmem>>, vector<1x16xf32>,
        %swap3A_161 = vector.shape_cast %swap3A_160 : vector<1x16xf32> to vector<16xf32>
        %swap3A_162 = vector.shape_cast %mul3A_157 : vector<16xf32> to vector<1x16xf32>
        tpu.vector_store %arg11[%swap3A_158, %swap3A_159], %swap3A_162 {strides = array<i32>} : memref<80x128xf32, #tpu.memory_space<vmem>>, vector<1x16xf32>,
      }
      %scan3A_80 = arith.constant 80 : i32
      %add3A_81 = arith.constant 1 : i32
      %add3A_82 = arith.addi %mul3A_45, %add3A_81 : i32
      %run_scoped3A_83 = arith.constant 0 : i32
      "tpu.region"() ({
        %run_scoped3A_84 = tpu.sem_alloc : memref<!tpu.dma_semaphore, #tpu.memory_space<semaphore_mem>>
        %dma_start3A_85 = arith.constant 0 : i32
        %dma_start3A_86 = tpu.memref_slice %arg9[%add3A_82, %run_scoped3A_83, %dma_start3A_85] : memref<125x1x80xi32, #tpu.memory_space<vmem>> -> memref<1x1x80xi32, #tpu.memory_space<vmem>>
        %dma_start3A_87 = tpu.memref_squeeze %dma_start3A_86 : memref<1x1x80xi32, #tpu.memory_space<vmem>> -> memref<80xi32, #tpu.memory_space<vmem>>
        %dma_start3A_88 = arith.constant 0 : i32
        %dma_start3A_89 = arith.constant 0 : i32
        %dma_start3A_90 = tpu.memref_slice %arg7[%dma_start3A_88, %dma_start3A_89] : memref<10240x128xf32, #tpu.memory_space<vmem_shared>> -> memref<10240x128xf32, #tpu.memory_space<vmem_shared>>
        tpu.enqueue_indirect_dma source(%arg11 : memref<80x128xf32, #tpu.memory_space<vmem>>) target(%dma_start3A_90 : memref<10240x128xf32, #tpu.memory_space<vmem_shared>>) offsets(%dma_start3A_87 : memref<80xi32, #tpu.memory_space<vmem>>) semaphore(%run_scoped3A_84 : memref<!tpu.dma_semaphore, #tpu.memory_space<semaphore_mem>>) {add = true}
        %dma_wait3A_91 = arith.constant 0 : i32
        %dma_wait3A_92 = tpu.memref_slice %arg9[%add3A_82, %run_scoped3A_83, %dma_wait3A_91] : memref<125x1x80xi32, #tpu.memory_space<vmem>> -> memref<1x1x80xi32, #tpu.memory_space<vmem>>
        %dma_wait3A_93 = tpu.memref_squeeze %dma_wait3A_92 : memref<1x1x80xi32, #tpu.memory_space<vmem>> -> memref<80xi32, #tpu.memory_space<vmem>>
        %dma_wait3A_94 = arith.constant 0 : i32
        %dma_wait3A_95 = arith.constant 0 : i32
        %dma_wait3A_96 = tpu.memref_slice %arg7[%dma_wait3A_94, %dma_wait3A_95] : memref<10240x128xf32, #tpu.memory_space<vmem_shared>> -> memref<10240x128xf32, #tpu.memory_space<vmem_shared>>
        tpu.wait_indirect_dma semaphore(%run_scoped3A_84 : memref<!tpu.dma_semaphore, #tpu.memory_space<semaphore_mem>>) src(%arg11 : memref<80x128xf32, #tpu.memory_space<vmem>>) dst(%dma_wait3A_96 : memref<10240x128xf32, #tpu.memory_space<vmem_shared>>)
        tpu.yield
      }) : () -> ()
    }
    %scan3A_20 = arith.constant 62 : i32
    %dma_start3A = arith.constant 9920 : i32
    %dma_start3A_21 = tpu.memref_slice %arg8[%dma_start3A] : memref<10000xi32, #tpu.memory_space<vmem>> -> memref<80xi32, #tpu.memory_space<vmem>>
    %dma_start3A_22 = arith.constant 0 : i32
    %dma_start3A_23 = arith.constant 0 : i32
    %dma_start3A_24 = tpu.memref_slice %arg2[%dma_start3A_22, %dma_start3A_23] : memref<10000x128xf32, #tpu.memory_space<hbm>> -> memref<10000x128xf32, #tpu.memory_space<hbm>>
    tpu.enqueue_indirect_dma source(%dma_start3A_24 : memref<10000x128xf32, #tpu.memory_space<hbm>>) target(%arg10 : memref<80x128xf32, #tpu.memory_space<vmem>>) offsets(%dma_start3A_21 : memref<80xi32, #tpu.memory_space<vmem>>) semaphore(%arg12 : memref<!tpu.dma_semaphore, #tpu.memory_space<semaphore_mem>>)
    %dma_wait3A = arith.constant 9920 : i32
    %dma_wait3A_25 = tpu.memref_slice %arg8[%dma_wait3A] : memref<10000xi32, #tpu.memory_space<vmem>> -> memref<80xi32, #tpu.memory_space<vmem>>
    %dma_wait3A_26 = arith.constant 0 : i32
    %dma_wait3A_27 = arith.constant 0 : i32
    %dma_wait3A_28 = tpu.memref_slice %arg2[%dma_wait3A_26, %dma_wait3A_27] : memref<10000x128xf32, #tpu.memory_space<hbm>> -> memref<10000x128xf32, #tpu.memory_space<hbm>>
    tpu.wait_indirect_dma semaphore(%arg12 : memref<!tpu.dma_semaphore, #tpu.memory_space<semaphore_mem>>) src(%dma_wait3A_28 : memref<10000x128xf32, #tpu.memory_space<hbm>>) dst(%arg10 : memref<80x128xf32, #tpu.memory_space<vmem>>)
    %scan3A_29 = arith.constant 0 : i32
    %scan3A_30 = arith.constant 0 : i32
    %scan3A_31 = arith.constant 80 : i32
    %scan3A_32 = arith.addi %scan3A_30, %scan3A_31 : i32
    %scan3A_33 = arith.constant 1 : i32
    scf.for %scan3A_43 = %scan3A_30 to %scan3A_32 step %scan3A_33  : i32 {
      %get3A = arith.index_cast %scan3A_43 : i32 to index
      %get3A_44 = arith.constant 0 : index
      %get3A_45 = tpu.vector_load %arg10[%get3A, %get3A_44] {strides = array<i32>} : memref<80x128xf32, #tpu.memory_space<vmem>>, vector<1x16xf32>,
      %get3A_46 = vector.shape_cast %get3A_45 : vector<1x16xf32> to vector<16xf32>
      %mul3A_47 = arith.mulf %get3A_46, %get3A_46 : vector<16xf32>
      %swap3A = arith.index_cast %scan3A_43 : i32 to index
      %swap3A_48 = arith.constant 0 : index
      %swap3A_49 = tpu.vector_load %arg10[%swap3A, %swap3A_48] {strides = array<i32>} : memref<80x128xf32, #tpu.memory_space<vmem>>, vector<1x16xf32>,
      %swap3A_50 = vector.shape_cast %swap3A_49 : vector<1x16xf32> to vector<16xf32>
      %swap3A_51 = vector.shape_cast %mul3A_47 : vector<16xf32> to vector<1x16xf32>
      tpu.vector_store %arg10[%swap3A, %swap3A_48], %swap3A_51 {strides = array<i32>} : memref<80x128xf32, #tpu.memory_space<vmem>>, vector<1x16xf32>,
      %get3A_52 = arith.index_cast %scan3A_43 : i32 to index
      %get3A_53 = arith.constant 16 : index
      %get3A_54 = tpu.vector_load %arg10[%get3A_52, %get3A_53] {strides = array<i32>} : memref<80x128xf32, #tpu.memory_space<vmem>>, vector<1x16xf32>,
      %get3A_55 = vector.shape_cast %get3A_54 : vector<1x16xf32> to vector<16xf32>
      %mul3A_56 = arith.mulf %get3A_55, %get3A_55 : vector<16xf32>
      %swap3A_57 = arith.index_cast %scan3A_43 : i32 to index
      %swap3A_58 = arith.constant 16 : index
      %swap3A_59 = tpu.vector_load %arg10[%swap3A_57, %swap3A_58] {strides = array<i32>} : memref<80x128xf32, #tpu.memory_space<vmem>>, vector<1x16xf32>,
      %swap3A_60 = vector.shape_cast %swap3A_59 : vector<1x16xf32> to vector<16xf32>
      %swap3A_61 = vector.shape_cast %mul3A_56 : vector<16xf32> to vector<1x16xf32>
      tpu.vector_store %arg10[%swap3A_57, %swap3A_58], %swap3A_61 {strides = array<i32>} : memref<80x128xf32, #tpu.memory_space<vmem>>, vector<1x16xf32>,
      %get3A_62 = arith.index_cast %scan3A_43 : i32 to index
      %get3A_63 = arith.constant 32 : index
      %get3A_64 = tpu.vector_load %arg10[%get3A_62, %get3A_63] {strides = array<i32>} : memref<80x128xf32, #tpu.memory_space<vmem>>, vector<1x16xf32>,
      %get3A_65 = vector.shape_cast %get3A_64 : vector<1x16xf32> to vector<16xf32>
      %mul3A_66 = arith.mulf %get3A_65, %get3A_65 : vector<16xf32>
      %swap3A_67 = arith.index_cast %scan3A_43 : i32 to index
      %swap3A_68 = arith.constant 32 : index
      %swap3A_69 = tpu.vector_load %arg10[%swap3A_67, %swap3A_68] {strides = array<i32>} : memref<80x128xf32, #tpu.memory_space<vmem>>, vector<1x16xf32>,
      %swap3A_70 = vector.shape_cast %swap3A_69 : vector<1x16xf32> to vector<16xf32>
      %swap3A_71 = vector.shape_cast %mul3A_66 : vector<16xf32> to vector<1x16xf32>
      tpu.vector_store %arg10[%swap3A_67, %swap3A_68], %swap3A_71 {strides = array<i32>} : memref<80x128xf32, #tpu.memory_space<vmem>>, vector<1x16xf32>,
      %get3A_72 = arith.index_cast %scan3A_43 : i32 to index
      %get3A_73 = arith.constant 48 : index
      %get3A_74 = tpu.vector_load %arg10[%get3A_72, %get3A_73] {strides = array<i32>} : memref<80x128xf32, #tpu.memory_space<vmem>>, vector<1x16xf32>,
      %get3A_75 = vector.shape_cast %get3A_74 : vector<1x16xf32> to vector<16xf32>
      %mul3A_76 = arith.mulf %get3A_75, %get3A_75 : vector<16xf32>
      %swap3A_77 = arith.index_cast %scan3A_43 : i32 to index
      %swap3A_78 = arith.constant 48 : index
      %swap3A_79 = tpu.vector_load %arg10[%swap3A_77, %swap3A_78] {strides = array<i32>} : memref<80x128xf32, #tpu.memory_space<vmem>>, vector<1x16xf32>,
      %swap3A_80 = vector.shape_cast %swap3A_79 : vector<1x16xf32> to vector<16xf32>
      %swap3A_81 = vector.shape_cast %mul3A_76 : vector<16xf32> to vector<1x16xf32>
      tpu.vector_store %arg10[%swap3A_77, %swap3A_78], %swap3A_81 {strides = array<i32>} : memref<80x128xf32, #tpu.memory_space<vmem>>, vector<1x16xf32>,
      %get3A_82 = arith.index_cast %scan3A_43 : i32 to index
      %get3A_83 = arith.constant 64 : index
      %get3A_84 = tpu.vector_load %arg10[%get3A_82, %get3A_83] {strides = array<i32>} : memref<80x128xf32, #tpu.memory_space<vmem>>, vector<1x16xf32>,
      %get3A_85 = vector.shape_cast %get3A_84 : vector<1x16xf32> to vector<16xf32>
      %mul3A_86 = arith.mulf %get3A_85, %get3A_85 : vector<16xf32>
      %swap3A_87 = arith.index_cast %scan3A_43 : i32 to index
      %swap3A_88 = arith.constant 64 : index
      %swap3A_89 = tpu.vector_load %arg10[%swap3A_87, %swap3A_88] {strides = array<i32>} : memref<80x128xf32, #tpu.memory_space<vmem>>, vector<1x16xf32>,
      %swap3A_90 = vector.shape_cast %swap3A_89 : vector<1x16xf32> to vector<16xf32>
      %swap3A_91 = vector.shape_cast %mul3A_86 : vector<16xf32> to vector<1x16xf32>
      tpu.vector_store %arg10[%swap3A_87, %swap3A_88], %swap3A_91 {strides = array<i32>} : memref<80x128xf32, #tpu.memory_space<vmem>>, vector<1x16xf32>,
      %get3A_92 = arith.index_cast %scan3A_43 : i32 to index
      %get3A_93 = arith.constant 80 : index
      %get3A_94 = tpu.vector_load %arg10[%get3A_92, %get3A_93] {strides = array<i32>} : memref<80x128xf32, #tpu.memory_space<vmem>>, vector<1x16xf32>,
      %get3A_95 = vector.shape_cast %get3A_94 : vector<1x16xf32> to vector<16xf32>
      %mul3A_96 = arith.mulf %get3A_95, %get3A_95 : vector<16xf32>
      %swap3A_97 = arith.index_cast %scan3A_43 : i32 to index
      %swap3A_98 = arith.constant 80 : index
      %swap3A_99 = tpu.vector_load %arg10[%swap3A_97, %swap3A_98] {strides = array<i32>} : memref<80x128xf32, #tpu.memory_space<vmem>>, vector<1x16xf32>,
      %swap3A_100 = vector.shape_cast %swap3A_99 : vector<1x16xf32> to vector<16xf32>
      %swap3A_101 = vector.shape_cast %mul3A_96 : vector<16xf32> to vector<1x16xf32>
      tpu.vector_store %arg10[%swap3A_97, %swap3A_98], %swap3A_101 {strides = array<i32>} : memref<80x128xf32, #tpu.memory_space<vmem>>, vector<1x16xf32>,
      %get3A_102 = arith.index_cast %scan3A_43 : i32 to index
      %get3A_103 = arith.constant 96 : index
      %get3A_104 = tpu.vector_load %arg10[%get3A_102, %get3A_103] {strides = array<i32>} : memref<80x128xf32, #tpu.memory_space<vmem>>, vector<1x16xf32>,
      %get3A_105 = vector.shape_cast %get3A_104 : vector<1x16xf32> to vector<16xf32>
      %mul3A_106 = arith.mulf %get3A_105, %get3A_105 : vector<16xf32>
      %swap3A_107 = arith.index_cast %scan3A_43 : i32 to index
      %swap3A_108 = arith.constant 96 : index
      %swap3A_109 = tpu.vector_load %arg10[%swap3A_107, %swap3A_108] {strides = array<i32>} : memref<80x128xf32, #tpu.memory_space<vmem>>, vector<1x16xf32>,
      %swap3A_110 = vector.shape_cast %swap3A_109 : vector<1x16xf32> to vector<16xf32>
      %swap3A_111 = vector.shape_cast %mul3A_106 : vector<16xf32> to vector<1x16xf32>
      tpu.vector_store %arg10[%swap3A_107, %swap3A_108], %swap3A_111 {strides = array<i32>} : memref<80x128xf32, #tpu.memory_space<vmem>>, vector<1x16xf32>,
      %get3A_112 = arith.index_cast %scan3A_43 : i32 to index
      %get3A_113 = arith.constant 112 : index
      %get3A_114 = tpu.vector_load %arg10[%get3A_112, %get3A_113] {strides = array<i32>} : memref<80x128xf32, #tpu.memory_space<vmem>>, vector<1x16xf32>,
      %get3A_115 = vector.shape_cast %get3A_114 : vector<1x16xf32> to vector<16xf32>
      %mul3A_116 = arith.mulf %get3A_115, %get3A_115 : vector<16xf32>
      %swap3A_117 = arith.index_cast %scan3A_43 : i32 to index
      %swap3A_118 = arith.constant 112 : index
      %swap3A_119 = tpu.vector_load %arg10[%swap3A_117, %swap3A_118] {strides = array<i32>} : memref<80x128xf32, #tpu.memory_space<vmem>>, vector<1x16xf32>,
      %swap3A_120 = vector.shape_cast %swap3A_119 : vector<1x16xf32> to vector<16xf32>
      %swap3A_121 = vector.shape_cast %mul3A_116 : vector<16xf32> to vector<1x16xf32>
      tpu.vector_store %arg10[%swap3A_117, %swap3A_118], %swap3A_121 {strides = array<i32>} : memref<80x128xf32, #tpu.memory_space<vmem>>, vector<1x16xf32>,
    }
    %scan3A_34 = arith.constant 80 : i32
    %run_scoped3A = arith.constant 124 : i32
    %run_scoped3A_35 = arith.constant 0 : i32
    "tpu.region"() ({
      %run_scoped3A_43 = tpu.sem_alloc : memref<!tpu.dma_semaphore, #tpu.memory_space<semaphore_mem>>
      %dma_start3A_44 = arith.constant 0 : i32
      %dma_start3A_45 = tpu.memref_slice %arg9[%run_scoped3A, %run_scoped3A_35, %dma_start3A_44] : memref<125x1x80xi32, #tpu.memory_space<vmem>> -> memref<1x1x80xi32, #tpu.memory_space<vmem>>
      %dma_start3A_46 = tpu.memref_squeeze %dma_start3A_45 : memref<1x1x80xi32, #tpu.memory_space<vmem>> -> memref<80xi32, #tpu.memory_space<vmem>>
      %dma_start3A_47 = arith.constant 0 : i32
      %dma_start3A_48 = arith.constant 0 : i32
      %dma_start3A_49 = tpu.memref_slice %arg7[%dma_start3A_47, %dma_start3A_48] : memref<10240x128xf32, #tpu.memory_space<vmem_shared>> -> memref<10240x128xf32, #tpu.memory_space<vmem_shared>>
      tpu.enqueue_indirect_dma source(%arg10 : memref<80x128xf32, #tpu.memory_space<vmem>>) target(%dma_start3A_49 : memref<10240x128xf32, #tpu.memory_space<vmem_shared>>) offsets(%dma_start3A_46 : memref<80xi32, #tpu.memory_space<vmem>>) semaphore(%run_scoped3A_43 : memref<!tpu.dma_semaphore, #tpu.memory_space<semaphore_mem>>) {add = true}
      %dma_wait3A_50 = arith.constant 0 : i32
      %dma_wait3A_51 = tpu.memref_slice %arg9[%run_scoped3A, %run_scoped3A_35, %dma_wait3A_50] : memref<125x1x80xi32, #tpu.memory_space<vmem>> -> memref<1x1x80xi32, #tpu.memory_space<vmem>>
      %dma_wait3A_52 = tpu.memref_squeeze %dma_wait3A_51 : memref<1x1x80xi32, #tpu.memory_space<vmem>> -> memref<80xi32, #tpu.memory_space<vmem>>
      %dma_wait3A_53 = arith.constant 0 : i32
      %dma_wait3A_54 = arith.constant 0 : i32
      %dma_wait3A_55 = tpu.memref_slice %arg7[%dma_wait3A_53, %dma_wait3A_54] : memref<10240x128xf32, #tpu.memory_space<vmem_shared>> -> memref<10240x128xf32, #tpu.memory_space<vmem_shared>>
      tpu.wait_indirect_dma semaphore(%run_scoped3A_43 : memref<!tpu.dma_semaphore, #tpu.memory_space<semaphore_mem>>) src(%arg10 : memref<80x128xf32, #tpu.memory_space<vmem>>) dst(%dma_wait3A_55 : memref<10240x128xf32, #tpu.memory_space<vmem_shared>>)
      tpu.yield
    }) : () -> ()
    %barrier3A_36 = arith.constant 0 : index
    tpu.barrier barrier_id(%barrier3A_36)
    %scan3A_37 = arith.constant 0 : i32
    %scan3A_38 = arith.constant 0 : i32
    %scan3A_39 = arith.constant 8 : i32
    %scan3A_40 = arith.addi %scan3A_38, %scan3A_39 : i32
    %scan3A_41 = arith.constant 1 : i32
    scf.for %scan3A_43 = %scan3A_38 to %scan3A_40 step %scan3A_41  : i32 {
      %mul3A_44 = arith.constant 80 : i32
      %mul3A_45 = arith.muli %scan3A_43, %mul3A_44 : i32
      %add3A_46 = arith.addi %mul3A_0, %mul3A_45 : i32
      "tpu.region"() ({
        %run_scoped3A_47 = tpu.sem_alloc : memref<!tpu.dma_semaphore, #tpu.memory_space<semaphore_mem>>
        %dma_start3A_48 = arith.constant 0 : i32
        %dma_start3A_49 = tpu.memref_slice %arg7[%add3A_46, %dma_start3A_48] : memref<10240x128xf32, #tpu.memory_space<vmem_shared>> -> memref<80x128xf32, #tpu.memory_space<vmem_shared>>
        %dma_start3A_50 = arith.constant 0 : i32
        %dma_start3A_51 = tpu.memref_slice %arg7[%add3A_46, %dma_start3A_50] : memref<10240x128xf32, #tpu.memory_space<vmem_shared>> -> memref<80x128xf32, #tpu.memory_space<vmem_shared>>
        tpu.enqueue_dma source(%dma_start3A_51 : memref<80x128xf32, #tpu.memory_space<vmem_shared>>) target(%arg10 : memref<80x128xf32, #tpu.memory_space<vmem>>) target_semaphore(%run_scoped3A_47 : memref<!tpu.dma_semaphore, #tpu.memory_space<semaphore_mem>>)
        %dma_wait3A_52 = arith.constant 0 : i32
        %dma_wait3A_53 = tpu.memref_slice %arg7[%add3A_46, %dma_wait3A_52] : memref<10240x128xf32, #tpu.memory_space<vmem_shared>> -> memref<80x128xf32, #tpu.memory_space<vmem_shared>>
        %dma_wait3A_54 = arith.constant 0 : i32
        %dma_wait3A_55 = tpu.memref_slice %arg7[%add3A_46, %dma_wait3A_54] : memref<10240x128xf32, #tpu.memory_space<vmem_shared>> -> memref<80x128xf32, #tpu.memory_space<vmem_shared>>
        tpu.wait_dma2 semaphore(%run_scoped3A_47 : memref<!tpu.dma_semaphore, #tpu.memory_space<semaphore_mem>>) src(%dma_wait3A_55 : memref<80x128xf32, #tpu.memory_space<vmem_shared>>) dst(%arg10 : memref<80x128xf32, #tpu.memory_space<vmem>>)
        tpu.yield
      }) : () -> ()
      "tpu.region"() ({
        %run_scoped3A_47 = tpu.sem_alloc : memref<!tpu.dma_semaphore, #tpu.memory_space<semaphore_mem>>
        %dma_start3A_48 = arith.constant 0 : i32
        %dma_start3A_49 = tpu.memref_slice %arg6[%arg0, %add3A_46, %dma_start3A_48] : memref<2x10240x128xf32, #tpu.memory_space<hbm>> -> memref<1x80x128xf32, #tpu.memory_space<hbm>>
        %dma_start3A_50 = tpu.memref_squeeze %dma_start3A_49 : memref<1x80x128xf32, #tpu.memory_space<hbm>> -> memref<80x128xf32, #tpu.memory_space<hbm>>
        %dma_start3A_51 = arith.constant 0 : i32
        %dma_start3A_52 = tpu.memref_slice %arg6[%arg0, %add3A_46, %dma_start3A_51] : memref<2x10240x128xf32, #tpu.memory_space<hbm>> -> memref<1x80x128xf32, #tpu.memory_space<hbm>>
        %dma_start3A_53 = tpu.memref_squeeze %dma_start3A_52 : memref<1x80x128xf32, #tpu.memory_space<hbm>> -> memref<80x128xf32, #tpu.memory_space<hbm>>
        tpu.enqueue_dma source(%arg10 : memref<80x128xf32, #tpu.memory_space<vmem>>) target(%dma_start3A_53 : memref<80x128xf32, #tpu.memory_space<hbm>>) target_semaphore(%run_scoped3A_47 : memref<!tpu.dma_semaphore, #tpu.memory_space<semaphore_mem>>)
        %dma_wait3A_54 = arith.constant 0 : i32
        %dma_wait3A_55 = tpu.memref_slice %arg6[%arg0, %add3A_46, %dma_wait3A_54] : memref<2x10240x128xf32, #tpu.memory_space<hbm>> -> memref<1x80x128xf32, #tpu.memory_space<hbm>>
        %dma_wait3A_56 = tpu.memref_squeeze %dma_wait3A_55 : memref<1x80x128xf32, #tpu.memory_space<hbm>> -> memref<80x128xf32, #tpu.memory_space<hbm>>
        %dma_wait3A_57 = arith.constant 0 : i32
        %dma_wait3A_58 = tpu.memref_slice %arg6[%arg0, %add3A_46, %dma_wait3A_57] : memref<2x10240x128xf32, #tpu.memory_space<hbm>> -> memref<1x80x128xf32, #tpu.memory_space<hbm>>
        %dma_wait3A_59 = tpu.memref_squeeze %dma_wait3A_58 : memref<1x80x128xf32, #tpu.memory_space<hbm>> -> memref<80x128xf32, #tpu.memory_space<hbm>>
        tpu.wait_dma2 semaphore(%run_scoped3A_47 : memref<!tpu.dma_semaphore, #tpu.memory_space<semaphore_mem>>) src(%arg10 : memref<80x128xf32, #tpu.memory_space<vmem>>) dst(%dma_wait3A_59 : memref<80x128xf32, #tpu.memory_space<hbm>>)
        tpu.yield
      }) : () -> ()
    }
    %scan3A_42 = arith.constant 8 : i32
    return
  }
}

#map = affine_map<(d0, d1) -> (0, 0)>
#map1 = affine_map<(d0, d1) -> (0, 0, 0, 0)>
#map2 = affine_map<(d0, d1) -> (0)>
#map3 = affine_map<(d0, d1) -> (0, 0, 0)>
module attributes {stable_mosaic.version = 14 : i64} {
  func.func @k(%arg0: i32, %arg1: i32, %arg2: memref<10000x128xf32, #tpu.memory_space<hbm>>, %arg3: memref<32x125x1x80xi32, #tpu.memory_space<hbm>>, %arg4: memref<320000xi32, #tpu.memory_space<hbm>>, %arg5: memref<640x128xf32, #tpu.memory_space<hbm>>, %arg6: memref<2x10240x128xf32, #tpu.memory_space<hbm>>, %arg7: memref<10240x128xf32, #tpu.memory_space<vmem_shared>>, %arg8: memref<10000xi32, #tpu.memory_space<vmem>>, %arg9: memref<125x1x80xi32, #tpu.memory_space<vmem>>, %arg10: memref<80x128xf32, #tpu.memory_space<vmem>>, %arg11: memref<80x128xf32, #tpu.memory_space<vmem>>, %arg12: memref<!tpu.dma_semaphore, #tpu.memory_space<semaphore_mem>>) attributes {dimension_semantics = [#tpu.dimension_semantics<core_parallel>, #tpu.dimension_semantics<subcore_parallel>], iteration_bounds = array<i64: 2, 16>, scalar_prefetch = 0 : i64, scratch_operands = 6 : i64, tpu.core_type = #tpu.core_type<sc_vector_subcore>, window_params = [{transform_indices = #map}, {transform_indices = #map1}, {transform_indices = #map2}, {transform_indices = #map}, {transform_indices = #map3}]} {
    %mul3A = arith.constant 640 : i32
    %mul3A_0 = arith.muli %arg1, %mul3A : i32
    %mul3A_1 = arith.constant 16 : i32
    %mul3A_2 = arith.muli %arg0, %mul3A_1 : i32
    %add3A = arith.addi %mul3A_2, %arg1 : i32
    %mul3A_3 = arith.constant 125 : i32
    %mul3A_4 = arith.muli %add3A, %mul3A_3 : i32
    "tpu.region"() ({
      %run_scoped3A_37 = tpu.sem_alloc : memref<!tpu.dma_semaphore, #tpu.memory_space<semaphore_mem>>
      %dma_start3A_38 = arith.constant 0 : i32
      %dma_start3A_39 = arith.constant 0 : i32
      %dma_start3A_40 = tpu.memref_slice %arg5[%dma_start3A_38, %dma_start3A_39] : memref<640x128xf32, #tpu.memory_space<hbm>> -> memref<80x128xf32, #tpu.memory_space<hbm>>
      %dma_start3A_41 = arith.constant 0 : i32
      %dma_start3A_42 = arith.constant 0 : i32
      %dma_start3A_43 = tpu.memref_slice %arg5[%dma_start3A_41, %dma_start3A_42] : memref<640x128xf32, #tpu.memory_space<hbm>> -> memref<80x128xf32, #tpu.memory_space<hbm>>
      tpu.enqueue_dma source(%dma_start3A_43 : memref<80x128xf32, #tpu.memory_space<hbm>>) target(%arg10 : memref<80x128xf32, #tpu.memory_space<vmem>>) target_semaphore(%run_scoped3A_37 : memref<!tpu.dma_semaphore, #tpu.memory_space<semaphore_mem>>)
      %dma_wait3A_44 = arith.constant 0 : i32
      %dma_wait3A_45 = arith.constant 0 : i32
      %dma_wait3A_46 = tpu.memref_slice %arg5[%dma_wait3A_44, %dma_wait3A_45] : memref<640x128xf32, #tpu.memory_space<hbm>> -> memref<80x128xf32, #tpu.memory_space<hbm>>
      %dma_wait3A_47 = arith.constant 0 : i32
      %dma_wait3A_48 = arith.constant 0 : i32
      %dma_wait3A_49 = tpu.memref_slice %arg5[%dma_wait3A_47, %dma_wait3A_48] : memref<640x128xf32, #tpu.memory_space<hbm>> -> memref<80x128xf32, #tpu.memory_space<hbm>>
      tpu.wait_dma2 semaphore(%run_scoped3A_37 : memref<!tpu.dma_semaphore, #tpu.memory_space<semaphore_mem>>) src(%dma_wait3A_49 : memref<80x128xf32, #tpu.memory_space<hbm>>) dst(%arg10 : memref<80x128xf32, #tpu.memory_space<vmem>>)
      tpu.yield
    }) : () -> ()
    %scan3A = arith.constant 0 : i32
    %scan3A_5 = arith.constant 0 : i32
    %scan3A_6 = arith.constant 8 : i32
    %scan3A_7 = arith.addi %scan3A_5, %scan3A_6 : i32
    %scan3A_8 = arith.constant 1 : i32
    scf.for %scan3A_37 = %scan3A_5 to %scan3A_7 step %scan3A_8  : i32 {
      %mul3A_38 = arith.constant 80 : i32
      %mul3A_39 = arith.muli %scan3A_37, %mul3A_38 : i32
      %add3A_40 = arith.addi %mul3A_0, %mul3A_39 : i32
      "tpu.region"() ({
        %run_scoped3A_41 = tpu.sem_alloc : memref<!tpu.dma_semaphore, #tpu.memory_space<semaphore_mem>>
        %dma_start3A_42 = arith.constant 0 : i32
        %dma_start3A_43 = tpu.memref_slice %arg7[%add3A_40, %dma_start3A_42] : memref<10240x128xf32, #tpu.memory_space<vmem_shared>> -> memref<80x128xf32, #tpu.memory_space<vmem_shared>>
        %dma_start3A_44 = arith.constant 0 : i32
        %dma_start3A_45 = tpu.memref_slice %arg7[%add3A_40, %dma_start3A_44] : memref<10240x128xf32, #tpu.memory_space<vmem_shared>> -> memref<80x128xf32, #tpu.memory_space<vmem_shared>>
        tpu.enqueue_dma source(%arg10 : memref<80x128xf32, #tpu.memory_space<vmem>>) target(%dma_start3A_45 : memref<80x128xf32, #tpu.memory_space<vmem_shared>>) target_semaphore(%run_scoped3A_41 : memref<!tpu.dma_semaphore, #tpu.memory_space<semaphore_mem>>)
        %dma_wait3A_46 = arith.constant 0 : i32
        %dma_wait3A_47 = tpu.memref_slice %arg7[%add3A_40, %dma_wait3A_46] : memref<10240x128xf32, #tpu.memory_space<vmem_shared>> -> memref<80x128xf32, #tpu.memory_space<vmem_shared>>
        %dma_wait3A_48 = arith.constant 0 : i32
        %dma_wait3A_49 = tpu.memref_slice %arg7[%add3A_40, %dma_wait3A_48] : memref<10240x128xf32, #tpu.memory_space<vmem_shared>> -> memref<80x128xf32, #tpu.memory_space<vmem_shared>>
        tpu.wait_dma2 semaphore(%run_scoped3A_41 : memref<!tpu.dma_semaphore, #tpu.memory_space<semaphore_mem>>) src(%arg10 : memref<80x128xf32, #tpu.memory_space<vmem>>) dst(%dma_wait3A_49 : memref<80x128xf32, #tpu.memory_space<vmem_shared>>)
        tpu.yield
      }) : () -> ()
    }
    %scan3A_9 = arith.constant 8 : i32
    %mul3A_10 = arith.constant 80 : i32
    %mul3A_11 = arith.muli %mul3A_4, %mul3A_10 : i32
    "tpu.region"() ({
      %run_scoped3A_37 = tpu.sem_alloc : memref<!tpu.dma_semaphore, #tpu.memory_space<semaphore_mem>>
      %dma_start3A_38 = tpu.memref_slice %arg4[%mul3A_11] : memref<320000xi32, #tpu.memory_space<hbm>> -> memref<10000xi32, #tpu.memory_space<hbm>>
      %dma_start3A_39 = tpu.memref_slice %arg4[%mul3A_11] : memref<320000xi32, #tpu.memory_space<hbm>> -> memref<10000xi32, #tpu.memory_space<hbm>>
      tpu.enqueue_dma source(%dma_start3A_39 : memref<10000xi32, #tpu.memory_space<hbm>>) target(%arg8 : memref<10000xi32, #tpu.memory_space<vmem>>) target_semaphore(%run_scoped3A_37 : memref<!tpu.dma_semaphore, #tpu.memory_space<semaphore_mem>>)
      %dma_wait3A_40 = tpu.memref_slice %arg4[%mul3A_11] : memref<320000xi32, #tpu.memory_space<hbm>> -> memref<10000xi32, #tpu.memory_space<hbm>>
      %dma_wait3A_41 = tpu.memref_slice %arg4[%mul3A_11] : memref<320000xi32, #tpu.memory_space<hbm>> -> memref<10000xi32, #tpu.memory_space<hbm>>
      tpu.wait_dma2 semaphore(%run_scoped3A_37 : memref<!tpu.dma_semaphore, #tpu.memory_space<semaphore_mem>>) src(%dma_wait3A_41 : memref<10000xi32, #tpu.memory_space<hbm>>) dst(%arg8 : memref<10000xi32, #tpu.memory_space<vmem>>)
      tpu.yield
    }) : () -> ()
    %mul3A_12 = arith.constant 16 : i32
    %mul3A_13 = arith.muli %arg0, %mul3A_12 : i32
    %add3A_14 = arith.addi %mul3A_13, %arg1 : i32
    "tpu.region"() ({
      %run_scoped3A_37 = tpu.sem_alloc : memref<!tpu.dma_semaphore, #tpu.memory_space<semaphore_mem>>
      %dma_start3A_38 = arith.constant 0 : i32
      %dma_start3A_39 = arith.constant 0 : i32
      %dma_start3A_40 = arith.constant 0 : i32
      %dma_start3A_41 = tpu.memref_slice %arg3[%add3A_14, %dma_start3A_38, %dma_start3A_39, %dma_start3A_40] : memref<32x125x1x80xi32, #tpu.memory_space<hbm>> -> memref<1x125x1x80xi32, #tpu.memory_space<hbm>>
      %dma_start3A_42 = tpu.memref_squeeze %dma_start3A_41 : memref<1x125x1x80xi32, #tpu.memory_space<hbm>> -> memref<125x1x80xi32, #tpu.memory_space<hbm>>
      %dma_start3A_43 = arith.constant 0 : i32
      %dma_start3A_44 = arith.constant 0 : i32
      %dma_start3A_45 = arith.constant 0 : i32
      %dma_start3A_46 = tpu.memref_slice %arg3[%add3A_14, %dma_start3A_43, %dma_start3A_44, %dma_start3A_45] : memref<32x125x1x80xi32, #tpu.memory_space<hbm>> -> memref<1x125x1x80xi32, #tpu.memory_space<hbm>>
      %dma_start3A_47 = tpu.memref_squeeze %dma_start3A_46 : memref<1x125x1x80xi32, #tpu.memory_space<hbm>> -> memref<125x1x80xi32, #tpu.memory_space<hbm>>
      tpu.enqueue_dma source(%dma_start3A_47 : memref<125x1x80xi32, #tpu.memory_space<hbm>>) target(%arg9 : memref<125x1x80xi32, #tpu.memory_space<vmem>>) target_semaphore(%run_scoped3A_37 : memref<!tpu.dma_semaphore, #tpu.memory_space<semaphore_mem>>)
      %dma_wait3A_48 = arith.constant 0 : i32
      %dma_wait3A_49 = arith.constant 0 : i32
      %dma_wait3A_50 = arith.constant 0 : i32
      %dma_wait3A_51 = tpu.memref_slice %arg3[%add3A_14, %dma_wait3A_48, %dma_wait3A_49, %dma_wait3A_50] : memref<32x125x1x80xi32, #tpu.memory_space<hbm>> -> memref<1x125x1x80xi32, #tpu.memory_space<hbm>>
      %dma_wait3A_52 = tpu.memref_squeeze %dma_wait3A_51 : memref<1x125x1x80xi32, #tpu.memory_space<hbm>> -> memref<125x1x80xi32, #tpu.memory_space<hbm>>
      %dma_wait3A_53 = arith.constant 0 : i32
      %dma_wait3A_54 = arith.constant 0 : i32
      %dma_wait3A_55 = arith.constant 0 : i32
      %dma_wait3A_56 = tpu.memref_slice %arg3[%add3A_14, %dma_wait3A_53, %dma_wait3A_54, %dma_wait3A_55] : memref<32x125x1x80xi32, #tpu.memory_space<hbm>> -> memref<1x125x1x80xi32, #tpu.memory_space<hbm>>
      %dma_wait3A_57 = tpu.memref_squeeze %dma_wait3A_56 : memref<1x125x1x80xi32, #tpu.memory_space<hbm>> -> memref<125x1x80xi32, #tpu.memory_space<hbm>>
      tpu.wait_dma2 semaphore(%run_scoped3A_37 : memref<!tpu.dma_semaphore, #tpu.memory_space<semaphore_mem>>) src(%dma_wait3A_57 : memref<125x1x80xi32, #tpu.memory_space<hbm>>) dst(%arg9 : memref<125x1x80xi32, #tpu.memory_space<vmem>>)
      tpu.yield
    }) : () -> ()
    %barrier3A = arith.constant 0 : index
    tpu.barrier barrier_id(%barrier3A)
    %scan3A_15 = arith.constant 0 : i32
    %scan3A_16 = arith.constant 0 : i32
    %scan3A_17 = arith.constant 62 : i32
    %scan3A_18 = arith.addi %scan3A_16, %scan3A_17 : i32
    %scan3A_19 = arith.constant 1 : i32
    scf.for %scan3A_37 = %scan3A_16 to %scan3A_18 step %scan3A_19  : i32 {
      %mul3A_38 = arith.constant 2 : i32
      %mul3A_39 = arith.muli %scan3A_37, %mul3A_38 : i32
      %mul3A_40 = arith.constant 80 : i32
      %mul3A_41 = arith.muli %mul3A_39, %mul3A_40 : i32
      %dma_start3A_42 = tpu.memref_slice %arg8[%mul3A_41] : memref<10000xi32, #tpu.memory_space<vmem>> -> memref<80xi32, #tpu.memory_space<vmem>>
      %dma_start3A_43 = arith.constant 0 : i32
      %dma_start3A_44 = arith.constant 0 : i32
      %dma_start3A_45 = tpu.memref_slice %arg2[%dma_start3A_43, %dma_start3A_44] : memref<10000x128xf32, #tpu.memory_space<hbm>> -> memref<10000x128xf32, #tpu.memory_space<hbm>>
      tpu.enqueue_indirect_dma source(%dma_start3A_45 : memref<10000x128xf32, #tpu.memory_space<hbm>>) target(%arg10 : memref<80x128xf32, #tpu.memory_space<vmem>>) offsets(%dma_start3A_42 : memref<80xi32, #tpu.memory_space<vmem>>) semaphore(%arg12 : memref<!tpu.dma_semaphore, #tpu.memory_space<semaphore_mem>>)
      %add3A_46 = arith.constant 1 : i32
      %add3A_47 = arith.addi %mul3A_39, %add3A_46 : i32
      %mul3A_48 = arith.constant 80 : i32
      %mul3A_49 = arith.muli %add3A_47, %mul3A_48 : i32
      %dma_start3A_50 = tpu.memref_slice %arg8[%mul3A_49] : memref<10000xi32, #tpu.memory_space<vmem>> -> memref<80xi32, #tpu.memory_space<vmem>>
      %dma_start3A_51 = arith.constant 0 : i32
      %dma_start3A_52 = arith.constant 0 : i32
      %dma_start3A_53 = tpu.memref_slice %arg2[%dma_start3A_51, %dma_start3A_52] : memref<10000x128xf32, #tpu.memory_space<hbm>> -> memref<10000x128xf32, #tpu.memory_space<hbm>>
      tpu.enqueue_indirect_dma source(%dma_start3A_53 : memref<10000x128xf32, #tpu.memory_space<hbm>>) target(%arg11 : memref<80x128xf32, #tpu.memory_space<vmem>>) offsets(%dma_start3A_50 : memref<80xi32, #tpu.memory_space<vmem>>) semaphore(%arg12 : memref<!tpu.dma_semaphore, #tpu.memory_space<semaphore_mem>>)
      %dma_wait3A_54 = tpu.memref_slice %arg8[%mul3A_41] : memref<10000xi32, #tpu.memory_space<vmem>> -> memref<80xi32, #tpu.memory_space<vmem>>
      %dma_wait3A_55 = arith.constant 0 : i32
      %dma_wait3A_56 = arith.constant 0 : i32
      %dma_wait3A_57 = tpu.memref_slice %arg2[%dma_wait3A_55, %dma_wait3A_56] : memref<10000x128xf32, #tpu.memory_space<hbm>> -> memref<10000x128xf32, #tpu.memory_space<hbm>>
      tpu.wait_indirect_dma semaphore(%arg12 : memref<!tpu.dma_semaphore, #tpu.memory_space<semaphore_mem>>) src(%dma_wait3A_57 : memref<10000x128xf32, #tpu.memory_space<hbm>>) dst(%arg10 : memref<80x128xf32, #tpu.memory_space<vmem>>)
      %run_scoped3A_58 = arith.constant 0 : i32
      "tpu.region"() ({
        %run_scoped3A_66 = tpu.sem_alloc : memref<!tpu.dma_semaphore, #tpu.memory_space<semaphore_mem>>
        %dma_start3A_67 = arith.constant 0 : i32
        %dma_start3A_68 = tpu.memref_slice %arg9[%mul3A_39, %run_scoped3A_58, %dma_start3A_67] : memref<125x1x80xi32, #tpu.memory_space<vmem>> -> memref<1x1x80xi32, #tpu.memory_space<vmem>>
        %dma_start3A_69 = tpu.memref_squeeze %dma_start3A_68 : memref<1x1x80xi32, #tpu.memory_space<vmem>> -> memref<80xi32, #tpu.memory_space<vmem>>
        %dma_start3A_70 = arith.constant 0 : i32
        %dma_start3A_71 = arith.constant 0 : i32
        %dma_start3A_72 = tpu.memref_slice %arg7[%dma_start3A_70, %dma_start3A_71] : memref<10240x128xf32, #tpu.memory_space<vmem_shared>> -> memref<10240x128xf32, #tpu.memory_space<vmem_shared>>
        tpu.enqueue_indirect_dma source(%arg10 : memref<80x128xf32, #tpu.memory_space<vmem>>) target(%dma_start3A_72 : memref<10240x128xf32, #tpu.memory_space<vmem_shared>>) offsets(%dma_start3A_69 : memref<80xi32, #tpu.memory_space<vmem>>) semaphore(%run_scoped3A_66 : memref<!tpu.dma_semaphore, #tpu.memory_space<semaphore_mem>>) {add = true}
        %dma_wait3A_73 = arith.constant 0 : i32
        %dma_wait3A_74 = tpu.memref_slice %arg9[%mul3A_39, %run_scoped3A_58, %dma_wait3A_73] : memref<125x1x80xi32, #tpu.memory_space<vmem>> -> memref<1x1x80xi32, #tpu.memory_space<vmem>>
        %dma_wait3A_75 = tpu.memref_squeeze %dma_wait3A_74 : memref<1x1x80xi32, #tpu.memory_space<vmem>> -> memref<80xi32, #tpu.memory_space<vmem>>
        %dma_wait3A_76 = arith.constant 0 : i32
        %dma_wait3A_77 = arith.constant 0 : i32
        %dma_wait3A_78 = tpu.memref_slice %arg7[%dma_wait3A_76, %dma_wait3A_77] : memref<10240x128xf32, #tpu.memory_space<vmem_shared>> -> memref<10240x128xf32, #tpu.memory_space<vmem_shared>>
        tpu.wait_indirect_dma semaphore(%run_scoped3A_66 : memref<!tpu.dma_semaphore, #tpu.memory_space<semaphore_mem>>) src(%arg10 : memref<80x128xf32, #tpu.memory_space<vmem>>) dst(%dma_wait3A_78 : memref<10240x128xf32, #tpu.memory_space<vmem_shared>>)
        tpu.yield
      }) : () -> ()
      %dma_wait3A_59 = tpu.memref_slice %arg8[%mul3A_49] : memref<10000xi32, #tpu.memory_space<vmem>> -> memref<80xi32, #tpu.memory_space<vmem>>
      %dma_wait3A_60 = arith.constant 0 : i32
      %dma_wait3A_61 = arith.constant 0 : i32
      %dma_wait3A_62 = tpu.memref_slice %arg2[%dma_wait3A_60, %dma_wait3A_61] : memref<10000x128xf32, #tpu.memory_space<hbm>> -> memref<10000x128xf32, #tpu.memory_space<hbm>>
      tpu.wait_indirect_dma semaphore(%arg12 : memref<!tpu.dma_semaphore, #tpu.memory_space<semaphore_mem>>) src(%dma_wait3A_62 : memref<10000x128xf32, #tpu.memory_space<hbm>>) dst(%arg11 : memref<80x128xf32, #tpu.memory_space<vmem>>)
      %add3A_63 = arith.constant 1 : i32
      %add3A_64 = arith.addi %mul3A_39, %add3A_63 : i32
      %run_scoped3A_65 = arith.constant 0 : i32
      "tpu.region"() ({
        %run_scoped3A_66 = tpu.sem_alloc : memref<!tpu.dma_semaphore, #tpu.memory_space<semaphore_mem>>
        %dma_start3A_67 = arith.constant 0 : i32
        %dma_start3A_68 = tpu.memref_slice %arg9[%add3A_64, %run_scoped3A_65, %dma_start3A_67] : memref<125x1x80xi32, #tpu.memory_space<vmem>> -> memref<1x1x80xi32, #tpu.memory_space<vmem>>
        %dma_start3A_69 = tpu.memref_squeeze %dma_start3A_68 : memref<1x1x80xi32, #tpu.memory_space<vmem>> -> memref<80xi32, #tpu.memory_space<vmem>>
        %dma_start3A_70 = arith.constant 0 : i32
        %dma_start3A_71 = arith.constant 0 : i32
        %dma_start3A_72 = tpu.memref_slice %arg7[%dma_start3A_70, %dma_start3A_71] : memref<10240x128xf32, #tpu.memory_space<vmem_shared>> -> memref<10240x128xf32, #tpu.memory_space<vmem_shared>>
        tpu.enqueue_indirect_dma source(%arg11 : memref<80x128xf32, #tpu.memory_space<vmem>>) target(%dma_start3A_72 : memref<10240x128xf32, #tpu.memory_space<vmem_shared>>) offsets(%dma_start3A_69 : memref<80xi32, #tpu.memory_space<vmem>>) semaphore(%run_scoped3A_66 : memref<!tpu.dma_semaphore, #tpu.memory_space<semaphore_mem>>) {add = true}
        %dma_wait3A_73 = arith.constant 0 : i32
        %dma_wait3A_74 = tpu.memref_slice %arg9[%add3A_64, %run_scoped3A_65, %dma_wait3A_73] : memref<125x1x80xi32, #tpu.memory_space<vmem>> -> memref<1x1x80xi32, #tpu.memory_space<vmem>>
        %dma_wait3A_75 = tpu.memref_squeeze %dma_wait3A_74 : memref<1x1x80xi32, #tpu.memory_space<vmem>> -> memref<80xi32, #tpu.memory_space<vmem>>
        %dma_wait3A_76 = arith.constant 0 : i32
        %dma_wait3A_77 = arith.constant 0 : i32
        %dma_wait3A_78 = tpu.memref_slice %arg7[%dma_wait3A_76, %dma_wait3A_77] : memref<10240x128xf32, #tpu.memory_space<vmem_shared>> -> memref<10240x128xf32, #tpu.memory_space<vmem_shared>>
        tpu.wait_indirect_dma semaphore(%run_scoped3A_66 : memref<!tpu.dma_semaphore, #tpu.memory_space<semaphore_mem>>) src(%arg11 : memref<80x128xf32, #tpu.memory_space<vmem>>) dst(%dma_wait3A_78 : memref<10240x128xf32, #tpu.memory_space<vmem_shared>>)
        tpu.yield
      }) : () -> ()
    }
    %scan3A_20 = arith.constant 62 : i32
    %dma_start3A = arith.constant 9920 : i32
    %dma_start3A_21 = tpu.memref_slice %arg8[%dma_start3A] : memref<10000xi32, #tpu.memory_space<vmem>> -> memref<80xi32, #tpu.memory_space<vmem>>
    %dma_start3A_22 = arith.constant 0 : i32
    %dma_start3A_23 = arith.constant 0 : i32
    %dma_start3A_24 = tpu.memref_slice %arg2[%dma_start3A_22, %dma_start3A_23] : memref<10000x128xf32, #tpu.memory_space<hbm>> -> memref<10000x128xf32, #tpu.memory_space<hbm>>
    tpu.enqueue_indirect_dma source(%dma_start3A_24 : memref<10000x128xf32, #tpu.memory_space<hbm>>) target(%arg10 : memref<80x128xf32, #tpu.memory_space<vmem>>) offsets(%dma_start3A_21 : memref<80xi32, #tpu.memory_space<vmem>>) semaphore(%arg12 : memref<!tpu.dma_semaphore, #tpu.memory_space<semaphore_mem>>)
    %dma_wait3A = arith.constant 9920 : i32
    %dma_wait3A_25 = tpu.memref_slice %arg8[%dma_wait3A] : memref<10000xi32, #tpu.memory_space<vmem>> -> memref<80xi32, #tpu.memory_space<vmem>>
    %dma_wait3A_26 = arith.constant 0 : i32
    %dma_wait3A_27 = arith.constant 0 : i32
    %dma_wait3A_28 = tpu.memref_slice %arg2[%dma_wait3A_26, %dma_wait3A_27] : memref<10000x128xf32, #tpu.memory_space<hbm>> -> memref<10000x128xf32, #tpu.memory_space<hbm>>
    tpu.wait_indirect_dma semaphore(%arg12 : memref<!tpu.dma_semaphore, #tpu.memory_space<semaphore_mem>>) src(%dma_wait3A_28 : memref<10000x128xf32, #tpu.memory_space<hbm>>) dst(%arg10 : memref<80x128xf32, #tpu.memory_space<vmem>>)
    %run_scoped3A = arith.constant 124 : i32
    %run_scoped3A_29 = arith.constant 0 : i32
    "tpu.region"() ({
      %run_scoped3A_37 = tpu.sem_alloc : memref<!tpu.dma_semaphore, #tpu.memory_space<semaphore_mem>>
      %dma_start3A_38 = arith.constant 0 : i32
      %dma_start3A_39 = tpu.memref_slice %arg9[%run_scoped3A, %run_scoped3A_29, %dma_start3A_38] : memref<125x1x80xi32, #tpu.memory_space<vmem>> -> memref<1x1x80xi32, #tpu.memory_space<vmem>>
      %dma_start3A_40 = tpu.memref_squeeze %dma_start3A_39 : memref<1x1x80xi32, #tpu.memory_space<vmem>> -> memref<80xi32, #tpu.memory_space<vmem>>
      %dma_start3A_41 = arith.constant 0 : i32
      %dma_start3A_42 = arith.constant 0 : i32
      %dma_start3A_43 = tpu.memref_slice %arg7[%dma_start3A_41, %dma_start3A_42] : memref<10240x128xf32, #tpu.memory_space<vmem_shared>> -> memref<10240x128xf32, #tpu.memory_space<vmem_shared>>
      tpu.enqueue_indirect_dma source(%arg10 : memref<80x128xf32, #tpu.memory_space<vmem>>) target(%dma_start3A_43 : memref<10240x128xf32, #tpu.memory_space<vmem_shared>>) offsets(%dma_start3A_40 : memref<80xi32, #tpu.memory_space<vmem>>) semaphore(%run_scoped3A_37 : memref<!tpu.dma_semaphore, #tpu.memory_space<semaphore_mem>>) {add = true}
      %dma_wait3A_44 = arith.constant 0 : i32
      %dma_wait3A_45 = tpu.memref_slice %arg9[%run_scoped3A, %run_scoped3A_29, %dma_wait3A_44] : memref<125x1x80xi32, #tpu.memory_space<vmem>> -> memref<1x1x80xi32, #tpu.memory_space<vmem>>
      %dma_wait3A_46 = tpu.memref_squeeze %dma_wait3A_45 : memref<1x1x80xi32, #tpu.memory_space<vmem>> -> memref<80xi32, #tpu.memory_space<vmem>>
      %dma_wait3A_47 = arith.constant 0 : i32
      %dma_wait3A_48 = arith.constant 0 : i32
      %dma_wait3A_49 = tpu.memref_slice %arg7[%dma_wait3A_47, %dma_wait3A_48] : memref<10240x128xf32, #tpu.memory_space<vmem_shared>> -> memref<10240x128xf32, #tpu.memory_space<vmem_shared>>
      tpu.wait_indirect_dma semaphore(%run_scoped3A_37 : memref<!tpu.dma_semaphore, #tpu.memory_space<semaphore_mem>>) src(%arg10 : memref<80x128xf32, #tpu.memory_space<vmem>>) dst(%dma_wait3A_49 : memref<10240x128xf32, #tpu.memory_space<vmem_shared>>)
      tpu.yield
    }) : () -> ()
    %barrier3A_30 = arith.constant 0 : index
    tpu.barrier barrier_id(%barrier3A_30)
    %scan3A_31 = arith.constant 0 : i32
    %scan3A_32 = arith.constant 0 : i32
    %scan3A_33 = arith.constant 8 : i32
    %scan3A_34 = arith.addi %scan3A_32, %scan3A_33 : i32
    %scan3A_35 = arith.constant 1 : i32
    scf.for %scan3A_37 = %scan3A_32 to %scan3A_34 step %scan3A_35  : i32 {
      %mul3A_38 = arith.constant 80 : i32
      %mul3A_39 = arith.muli %scan3A_37, %mul3A_38 : i32
      %add3A_40 = arith.addi %mul3A_0, %mul3A_39 : i32
      "tpu.region"() ({
        %run_scoped3A_41 = tpu.sem_alloc : memref<!tpu.dma_semaphore, #tpu.memory_space<semaphore_mem>>
        %dma_start3A_42 = arith.constant 0 : i32
        %dma_start3A_43 = tpu.memref_slice %arg7[%add3A_40, %dma_start3A_42] : memref<10240x128xf32, #tpu.memory_space<vmem_shared>> -> memref<80x128xf32, #tpu.memory_space<vmem_shared>>
        %dma_start3A_44 = arith.constant 0 : i32
        %dma_start3A_45 = tpu.memref_slice %arg7[%add3A_40, %dma_start3A_44] : memref<10240x128xf32, #tpu.memory_space<vmem_shared>> -> memref<80x128xf32, #tpu.memory_space<vmem_shared>>
        tpu.enqueue_dma source(%dma_start3A_45 : memref<80x128xf32, #tpu.memory_space<vmem_shared>>) target(%arg10 : memref<80x128xf32, #tpu.memory_space<vmem>>) target_semaphore(%run_scoped3A_41 : memref<!tpu.dma_semaphore, #tpu.memory_space<semaphore_mem>>)
        %dma_wait3A_46 = arith.constant 0 : i32
        %dma_wait3A_47 = tpu.memref_slice %arg7[%add3A_40, %dma_wait3A_46] : memref<10240x128xf32, #tpu.memory_space<vmem_shared>> -> memref<80x128xf32, #tpu.memory_space<vmem_shared>>
        %dma_wait3A_48 = arith.constant 0 : i32
        %dma_wait3A_49 = tpu.memref_slice %arg7[%add3A_40, %dma_wait3A_48] : memref<10240x128xf32, #tpu.memory_space<vmem_shared>> -> memref<80x128xf32, #tpu.memory_space<vmem_shared>>
        tpu.wait_dma2 semaphore(%run_scoped3A_41 : memref<!tpu.dma_semaphore, #tpu.memory_space<semaphore_mem>>) src(%dma_wait3A_49 : memref<80x128xf32, #tpu.memory_space<vmem_shared>>) dst(%arg10 : memref<80x128xf32, #tpu.memory_space<vmem>>)
        tpu.yield
      }) : () -> ()
      "tpu.region"() ({
        %run_scoped3A_41 = tpu.sem_alloc : memref<!tpu.dma_semaphore, #tpu.memory_space<semaphore_mem>>
        %dma_start3A_42 = arith.constant 0 : i32
        %dma_start3A_43 = tpu.memref_slice %arg6[%arg0, %add3A_40, %dma_start3A_42] : memref<2x10240x128xf32, #tpu.memory_space<hbm>> -> memref<1x80x128xf32, #tpu.memory_space<hbm>>
        %dma_start3A_44 = tpu.memref_squeeze %dma_start3A_43 : memref<1x80x128xf32, #tpu.memory_space<hbm>> -> memref<80x128xf32, #tpu.memory_space<hbm>>
        %dma_start3A_45 = arith.constant 0 : i32
        %dma_start3A_46 = tpu.memref_slice %arg6[%arg0, %add3A_40, %dma_start3A_45] : memref<2x10240x128xf32, #tpu.memory_space<hbm>> -> memref<1x80x128xf32, #tpu.memory_space<hbm>>
        %dma_start3A_47 = tpu.memref_squeeze %dma_start3A_46 : memref<1x80x128xf32, #tpu.memory_space<hbm>> -> memref<80x128xf32, #tpu.memory_space<hbm>>
        tpu.enqueue_dma source(%arg10 : memref<80x128xf32, #tpu.memory_space<vmem>>) target(%dma_start3A_47 : memref<80x128xf32, #tpu.memory_space<hbm>>) target_semaphore(%run_scoped3A_41 : memref<!tpu.dma_semaphore, #tpu.memory_space<semaphore_mem>>)
        %dma_wait3A_48 = arith.constant 0 : i32
        %dma_wait3A_49 = tpu.memref_slice %arg6[%arg0, %add3A_40, %dma_wait3A_48] : memref<2x10240x128xf32, #tpu.memory_space<hbm>> -> memref<1x80x128xf32, #tpu.memory_space<hbm>>
        %dma_wait3A_50 = tpu.memref_squeeze %dma_wait3A_49 : memref<1x80x128xf32, #tpu.memory_space<hbm>> -> memref<80x128xf32, #tpu.memory_space<hbm>>
        %dma_wait3A_51 = arith.constant 0 : i32
        %dma_wait3A_52 = tpu.memref_slice %arg6[%arg0, %add3A_40, %dma_wait3A_51] : memref<2x10240x128xf32, #tpu.memory_space<hbm>> -> memref<1x80x128xf32, #tpu.memory_space<hbm>>
        %dma_wait3A_53 = tpu.memref_squeeze %dma_wait3A_52 : memref<1x80x128xf32, #tpu.memory_space<hbm>> -> memref<80x128xf32, #tpu.memory_space<hbm>>
        tpu.wait_dma2 semaphore(%run_scoped3A_41 : memref<!tpu.dma_semaphore, #tpu.memory_space<semaphore_mem>>) src(%arg10 : memref<80x128xf32, #tpu.memory_space<vmem>>) dst(%dma_wait3A_53 : memref<80x128xf32, #tpu.memory_space<hbm>>)
        tpu.yield
      }) : () -> ()
    }
    %scan3A_36 = arith.constant 8 : i32
    return
  }
}

#map = affine_map<(d0, d1) -> (0, 0, 0, 0)>
#map1 = affine_map<(d0, d1) -> (0, 0)>
#map2 = affine_map<(d0, d1) -> (0, 0, 0)>
module attributes {stable_mosaic.version = 14 : i64} {
  func.func @k(%arg0: i32, %arg1: i32, %arg2: memref<32x125x1x80xi32, #tpu.memory_space<hbm>>, %arg3: memref<640x128xf32, #tpu.memory_space<hbm>>, %arg4: memref<80x128xf32, #tpu.memory_space<hbm>>, %arg5: memref<2x10240x128xf32, #tpu.memory_space<hbm>>, %arg6: memref<10240x128xf32, #tpu.memory_space<vmem_shared>>, %arg7: memref<125x1x80xi32, #tpu.memory_space<vmem>>, %arg8: memref<80x128xf32, #tpu.memory_space<vmem>>, %arg9: memref<80x128xf32, #tpu.memory_space<vmem>>) attributes {dimension_semantics = [#tpu.dimension_semantics<core_parallel>, #tpu.dimension_semantics<subcore_parallel>], iteration_bounds = array<i64: 2, 16>, scalar_prefetch = 0 : i64, scratch_operands = 4 : i64, tpu.core_type = #tpu.core_type<sc_vector_subcore>, window_params = [{transform_indices = #map}, {transform_indices = #map1}, {transform_indices = #map1}, {transform_indices = #map2}]} {
    %mul3A = arith.constant 640 : i32
    %mul3A_0 = arith.muli %arg1, %mul3A : i32
    %mul3A_1 = arith.constant 16 : i32
    %mul3A_2 = arith.muli %arg0, %mul3A_1 : i32
    %add3A = arith.addi %mul3A_2, %arg1 : i32
    %mul3A_3 = arith.constant 125 : i32
    %mul3A_4 = arith.muli %add3A, %mul3A_3 : i32
    "tpu.region"() ({
      %run_scoped3A = tpu.sem_alloc : memref<!tpu.dma_semaphore, #tpu.memory_space<semaphore_mem>>
      %dma_start3A = arith.constant 0 : i32
      %dma_start3A_26 = arith.constant 0 : i32
      %dma_start3A_27 = tpu.memref_slice %arg3[%dma_start3A, %dma_start3A_26] : memref<640x128xf32, #tpu.memory_space<hbm>> -> memref<80x128xf32, #tpu.memory_space<hbm>>
      %dma_start3A_28 = arith.constant 0 : i32
      %dma_start3A_29 = arith.constant 0 : i32
      %dma_start3A_30 = tpu.memref_slice %arg3[%dma_start3A_28, %dma_start3A_29] : memref<640x128xf32, #tpu.memory_space<hbm>> -> memref<80x128xf32, #tpu.memory_space<hbm>>
      tpu.enqueue_dma source(%dma_start3A_30 : memref<80x128xf32, #tpu.memory_space<hbm>>) target(%arg8 : memref<80x128xf32, #tpu.memory_space<vmem>>) target_semaphore(%run_scoped3A : memref<!tpu.dma_semaphore, #tpu.memory_space<semaphore_mem>>)
      %dma_wait3A = arith.constant 0 : i32
      %dma_wait3A_31 = arith.constant 0 : i32
      %dma_wait3A_32 = tpu.memref_slice %arg3[%dma_wait3A, %dma_wait3A_31] : memref<640x128xf32, #tpu.memory_space<hbm>> -> memref<80x128xf32, #tpu.memory_space<hbm>>
      %dma_wait3A_33 = arith.constant 0 : i32
      %dma_wait3A_34 = arith.constant 0 : i32
      %dma_wait3A_35 = tpu.memref_slice %arg3[%dma_wait3A_33, %dma_wait3A_34] : memref<640x128xf32, #tpu.memory_space<hbm>> -> memref<80x128xf32, #tpu.memory_space<hbm>>
      tpu.wait_dma2 semaphore(%run_scoped3A : memref<!tpu.dma_semaphore, #tpu.memory_space<semaphore_mem>>) src(%dma_wait3A_35 : memref<80x128xf32, #tpu.memory_space<hbm>>) dst(%arg8 : memref<80x128xf32, #tpu.memory_space<vmem>>)
      tpu.yield
    }) : () -> ()
    "tpu.region"() ({
      %run_scoped3A = tpu.sem_alloc : memref<!tpu.dma_semaphore, #tpu.memory_space<semaphore_mem>>
      tpu.enqueue_dma source(%arg4 : memref<80x128xf32, #tpu.memory_space<hbm>>) target(%arg9 : memref<80x128xf32, #tpu.memory_space<vmem>>) target_semaphore(%run_scoped3A : memref<!tpu.dma_semaphore, #tpu.memory_space<semaphore_mem>>)
      tpu.wait_dma2 semaphore(%run_scoped3A : memref<!tpu.dma_semaphore, #tpu.memory_space<semaphore_mem>>) src(%arg4 : memref<80x128xf32, #tpu.memory_space<hbm>>) dst(%arg9 : memref<80x128xf32, #tpu.memory_space<vmem>>)
      tpu.yield
    }) : () -> ()
    %scan3A = arith.constant 0 : i32
    %scan3A_5 = arith.constant 0 : i32
    %scan3A_6 = arith.constant 8 : i32
    %scan3A_7 = arith.addi %scan3A_5, %scan3A_6 : i32
    %scan3A_8 = arith.constant 1 : i32
    scf.for %scan3A_26 = %scan3A_5 to %scan3A_7 step %scan3A_8  : i32 {
      %mul3A_27 = arith.constant 80 : i32
      %mul3A_28 = arith.muli %scan3A_26, %mul3A_27 : i32
      %add3A_29 = arith.addi %mul3A_0, %mul3A_28 : i32
      "tpu.region"() ({
        %run_scoped3A = tpu.sem_alloc : memref<!tpu.dma_semaphore, #tpu.memory_space<semaphore_mem>>
        %dma_start3A = arith.constant 0 : i32
        %dma_start3A_30 = tpu.memref_slice %arg6[%add3A_29, %dma_start3A] : memref<10240x128xf32, #tpu.memory_space<vmem_shared>> -> memref<80x128xf32, #tpu.memory_space<vmem_shared>>
        %dma_start3A_31 = arith.constant 0 : i32
        %dma_start3A_32 = tpu.memref_slice %arg6[%add3A_29, %dma_start3A_31] : memref<10240x128xf32, #tpu.memory_space<vmem_shared>> -> memref<80x128xf32, #tpu.memory_space<vmem_shared>>
        tpu.enqueue_dma source(%arg8 : memref<80x128xf32, #tpu.memory_space<vmem>>) target(%dma_start3A_32 : memref<80x128xf32, #tpu.memory_space<vmem_shared>>) target_semaphore(%run_scoped3A : memref<!tpu.dma_semaphore, #tpu.memory_space<semaphore_mem>>)
        %dma_wait3A = arith.constant 0 : i32
        %dma_wait3A_33 = tpu.memref_slice %arg6[%add3A_29, %dma_wait3A] : memref<10240x128xf32, #tpu.memory_space<vmem_shared>> -> memref<80x128xf32, #tpu.memory_space<vmem_shared>>
        %dma_wait3A_34 = arith.constant 0 : i32
        %dma_wait3A_35 = tpu.memref_slice %arg6[%add3A_29, %dma_wait3A_34] : memref<10240x128xf32, #tpu.memory_space<vmem_shared>> -> memref<80x128xf32, #tpu.memory_space<vmem_shared>>
        tpu.wait_dma2 semaphore(%run_scoped3A : memref<!tpu.dma_semaphore, #tpu.memory_space<semaphore_mem>>) src(%arg8 : memref<80x128xf32, #tpu.memory_space<vmem>>) dst(%dma_wait3A_35 : memref<80x128xf32, #tpu.memory_space<vmem_shared>>)
        tpu.yield
      }) : () -> ()
    }
    %scan3A_9 = arith.constant 8 : i32
    %mul3A_10 = arith.constant 16 : i32
    %mul3A_11 = arith.muli %arg0, %mul3A_10 : i32
    %add3A_12 = arith.addi %mul3A_11, %arg1 : i32
    "tpu.region"() ({
      %run_scoped3A = tpu.sem_alloc : memref<!tpu.dma_semaphore, #tpu.memory_space<semaphore_mem>>
      %dma_start3A = arith.constant 0 : i32
      %dma_start3A_26 = arith.constant 0 : i32
      %dma_start3A_27 = arith.constant 0 : i32
      %dma_start3A_28 = tpu.memref_slice %arg2[%add3A_12, %dma_start3A, %dma_start3A_26, %dma_start3A_27] : memref<32x125x1x80xi32, #tpu.memory_space<hbm>> -> memref<1x125x1x80xi32, #tpu.memory_space<hbm>>
      %dma_start3A_29 = tpu.memref_squeeze %dma_start3A_28 : memref<1x125x1x80xi32, #tpu.memory_space<hbm>> -> memref<125x1x80xi32, #tpu.memory_space<hbm>>
      %dma_start3A_30 = arith.constant 0 : i32
      %dma_start3A_31 = arith.constant 0 : i32
      %dma_start3A_32 = arith.constant 0 : i32
      %dma_start3A_33 = tpu.memref_slice %arg2[%add3A_12, %dma_start3A_30, %dma_start3A_31, %dma_start3A_32] : memref<32x125x1x80xi32, #tpu.memory_space<hbm>> -> memref<1x125x1x80xi32, #tpu.memory_space<hbm>>
      %dma_start3A_34 = tpu.memref_squeeze %dma_start3A_33 : memref<1x125x1x80xi32, #tpu.memory_space<hbm>> -> memref<125x1x80xi32, #tpu.memory_space<hbm>>
      tpu.enqueue_dma source(%dma_start3A_34 : memref<125x1x80xi32, #tpu.memory_space<hbm>>) target(%arg7 : memref<125x1x80xi32, #tpu.memory_space<vmem>>) target_semaphore(%run_scoped3A : memref<!tpu.dma_semaphore, #tpu.memory_space<semaphore_mem>>)
      %dma_wait3A = arith.constant 0 : i32
      %dma_wait3A_35 = arith.constant 0 : i32
      %dma_wait3A_36 = arith.constant 0 : i32
      %dma_wait3A_37 = tpu.memref_slice %arg2[%add3A_12, %dma_wait3A, %dma_wait3A_35, %dma_wait3A_36] : memref<32x125x1x80xi32, #tpu.memory_space<hbm>> -> memref<1x125x1x80xi32, #tpu.memory_space<hbm>>
      %dma_wait3A_38 = tpu.memref_squeeze %dma_wait3A_37 : memref<1x125x1x80xi32, #tpu.memory_space<hbm>> -> memref<125x1x80xi32, #tpu.memory_space<hbm>>
      %dma_wait3A_39 = arith.constant 0 : i32
      %dma_wait3A_40 = arith.constant 0 : i32
      %dma_wait3A_41 = arith.constant 0 : i32
      %dma_wait3A_42 = tpu.memref_slice %arg2[%add3A_12, %dma_wait3A_39, %dma_wait3A_40, %dma_wait3A_41] : memref<32x125x1x80xi32, #tpu.memory_space<hbm>> -> memref<1x125x1x80xi32, #tpu.memory_space<hbm>>
      %dma_wait3A_43 = tpu.memref_squeeze %dma_wait3A_42 : memref<1x125x1x80xi32, #tpu.memory_space<hbm>> -> memref<125x1x80xi32, #tpu.memory_space<hbm>>
      tpu.wait_dma2 semaphore(%run_scoped3A : memref<!tpu.dma_semaphore, #tpu.memory_space<semaphore_mem>>) src(%dma_wait3A_43 : memref<125x1x80xi32, #tpu.memory_space<hbm>>) dst(%arg7 : memref<125x1x80xi32, #tpu.memory_space<vmem>>)
      tpu.yield
    }) : () -> ()
    %barrier3A = arith.constant 0 : index
    tpu.barrier barrier_id(%barrier3A)
    %scan3A_13 = arith.constant 0 : i32
    %scan3A_14 = arith.constant 0 : i32
    %scan3A_15 = arith.constant 125 : i32
    %scan3A_16 = arith.addi %scan3A_14, %scan3A_15 : i32
    %scan3A_17 = arith.constant 1 : i32
    scf.for %scan3A_26 = %scan3A_14 to %scan3A_16 step %scan3A_17  : i32 {
      %run_scoped3A = arith.constant 0 : i32
      "tpu.region"() ({
        %run_scoped3A_27 = tpu.sem_alloc : memref<!tpu.dma_semaphore, #tpu.memory_space<semaphore_mem>>
        %dma_start3A = arith.constant 0 : i32
        %dma_start3A_28 = tpu.memref_slice %arg7[%scan3A_26, %run_scoped3A, %dma_start3A] : memref<125x1x80xi32, #tpu.memory_space<vmem>> -> memref<1x1x80xi32, #tpu.memory_space<vmem>>
        %dma_start3A_29 = tpu.memref_squeeze %dma_start3A_28 : memref<1x1x80xi32, #tpu.memory_space<vmem>> -> memref<80xi32, #tpu.memory_space<vmem>>
        %dma_start3A_30 = arith.constant 0 : i32
        %dma_start3A_31 = arith.constant 0 : i32
        %dma_start3A_32 = tpu.memref_slice %arg6[%dma_start3A_30, %dma_start3A_31] : memref<10240x128xf32, #tpu.memory_space<vmem_shared>> -> memref<10240x128xf32, #tpu.memory_space<vmem_shared>>
        tpu.enqueue_indirect_dma source(%arg9 : memref<80x128xf32, #tpu.memory_space<vmem>>) target(%dma_start3A_32 : memref<10240x128xf32, #tpu.memory_space<vmem_shared>>) offsets(%dma_start3A_29 : memref<80xi32, #tpu.memory_space<vmem>>) semaphore(%run_scoped3A_27 : memref<!tpu.dma_semaphore, #tpu.memory_space<semaphore_mem>>) {add = true}
        %dma_wait3A = arith.constant 0 : i32
        %dma_wait3A_33 = tpu.memref_slice %arg7[%scan3A_26, %run_scoped3A, %dma_wait3A] : memref<125x1x80xi32, #tpu.memory_space<vmem>> -> memref<1x1x80xi32, #tpu.memory_space<vmem>>
        %dma_wait3A_34 = tpu.memref_squeeze %dma_wait3A_33 : memref<1x1x80xi32, #tpu.memory_space<vmem>> -> memref<80xi32, #tpu.memory_space<vmem>>
        %dma_wait3A_35 = arith.constant 0 : i32
        %dma_wait3A_36 = arith.constant 0 : i32
        %dma_wait3A_37 = tpu.memref_slice %arg6[%dma_wait3A_35, %dma_wait3A_36] : memref<10240x128xf32, #tpu.memory_space<vmem_shared>> -> memref<10240x128xf32, #tpu.memory_space<vmem_shared>>
        tpu.wait_indirect_dma semaphore(%run_scoped3A_27 : memref<!tpu.dma_semaphore, #tpu.memory_space<semaphore_mem>>) src(%arg9 : memref<80x128xf32, #tpu.memory_space<vmem>>) dst(%dma_wait3A_37 : memref<10240x128xf32, #tpu.memory_space<vmem_shared>>)
        tpu.yield
      }) : () -> ()
    }
    %scan3A_18 = arith.constant 125 : i32
    %barrier3A_19 = arith.constant 0 : index
    tpu.barrier barrier_id(%barrier3A_19)
    %scan3A_20 = arith.constant 0 : i32
    %scan3A_21 = arith.constant 0 : i32
    %scan3A_22 = arith.constant 8 : i32
    %scan3A_23 = arith.addi %scan3A_21, %scan3A_22 : i32
    %scan3A_24 = arith.constant 1 : i32
    scf.for %scan3A_26 = %scan3A_21 to %scan3A_23 step %scan3A_24  : i32 {
      %mul3A_27 = arith.constant 80 : i32
      %mul3A_28 = arith.muli %scan3A_26, %mul3A_27 : i32
      %add3A_29 = arith.addi %mul3A_0, %mul3A_28 : i32
      "tpu.region"() ({
        %run_scoped3A = tpu.sem_alloc : memref<!tpu.dma_semaphore, #tpu.memory_space<semaphore_mem>>
        %dma_start3A = arith.constant 0 : i32
        %dma_start3A_30 = tpu.memref_slice %arg6[%add3A_29, %dma_start3A] : memref<10240x128xf32, #tpu.memory_space<vmem_shared>> -> memref<80x128xf32, #tpu.memory_space<vmem_shared>>
        %dma_start3A_31 = arith.constant 0 : i32
        %dma_start3A_32 = tpu.memref_slice %arg6[%add3A_29, %dma_start3A_31] : memref<10240x128xf32, #tpu.memory_space<vmem_shared>> -> memref<80x128xf32, #tpu.memory_space<vmem_shared>>
        tpu.enqueue_dma source(%dma_start3A_32 : memref<80x128xf32, #tpu.memory_space<vmem_shared>>) target(%arg8 : memref<80x128xf32, #tpu.memory_space<vmem>>) target_semaphore(%run_scoped3A : memref<!tpu.dma_semaphore, #tpu.memory_space<semaphore_mem>>)
        %dma_wait3A = arith.constant 0 : i32
        %dma_wait3A_33 = tpu.memref_slice %arg6[%add3A_29, %dma_wait3A] : memref<10240x128xf32, #tpu.memory_space<vmem_shared>> -> memref<80x128xf32, #tpu.memory_space<vmem_shared>>
        %dma_wait3A_34 = arith.constant 0 : i32
        %dma_wait3A_35 = tpu.memref_slice %arg6[%add3A_29, %dma_wait3A_34] : memref<10240x128xf32, #tpu.memory_space<vmem_shared>> -> memref<80x128xf32, #tpu.memory_space<vmem_shared>>
        tpu.wait_dma2 semaphore(%run_scoped3A : memref<!tpu.dma_semaphore, #tpu.memory_space<semaphore_mem>>) src(%dma_wait3A_35 : memref<80x128xf32, #tpu.memory_space<vmem_shared>>) dst(%arg8 : memref<80x128xf32, #tpu.memory_space<vmem>>)
        tpu.yield
      }) : () -> ()
      "tpu.region"() ({
        %run_scoped3A = tpu.sem_alloc : memref<!tpu.dma_semaphore, #tpu.memory_space<semaphore_mem>>
        %dma_start3A = arith.constant 0 : i32
        %dma_start3A_30 = tpu.memref_slice %arg5[%arg0, %add3A_29, %dma_start3A] : memref<2x10240x128xf32, #tpu.memory_space<hbm>> -> memref<1x80x128xf32, #tpu.memory_space<hbm>>
        %dma_start3A_31 = tpu.memref_squeeze %dma_start3A_30 : memref<1x80x128xf32, #tpu.memory_space<hbm>> -> memref<80x128xf32, #tpu.memory_space<hbm>>
        %dma_start3A_32 = arith.constant 0 : i32
        %dma_start3A_33 = tpu.memref_slice %arg5[%arg0, %add3A_29, %dma_start3A_32] : memref<2x10240x128xf32, #tpu.memory_space<hbm>> -> memref<1x80x128xf32, #tpu.memory_space<hbm>>
        %dma_start3A_34 = tpu.memref_squeeze %dma_start3A_33 : memref<1x80x128xf32, #tpu.memory_space<hbm>> -> memref<80x128xf32, #tpu.memory_space<hbm>>
        tpu.enqueue_dma source(%arg8 : memref<80x128xf32, #tpu.memory_space<vmem>>) target(%dma_start3A_34 : memref<80x128xf32, #tpu.memory_space<hbm>>) target_semaphore(%run_scoped3A : memref<!tpu.dma_semaphore, #tpu.memory_space<semaphore_mem>>)
        %dma_wait3A = arith.constant 0 : i32
        %dma_wait3A_35 = tpu.memref_slice %arg5[%arg0, %add3A_29, %dma_wait3A] : memref<2x10240x128xf32, #tpu.memory_space<hbm>> -> memref<1x80x128xf32, #tpu.memory_space<hbm>>
        %dma_wait3A_36 = tpu.memref_squeeze %dma_wait3A_35 : memref<1x80x128xf32, #tpu.memory_space<hbm>> -> memref<80x128xf32, #tpu.memory_space<hbm>>
        %dma_wait3A_37 = arith.constant 0 : i32
        %dma_wait3A_38 = tpu.memref_slice %arg5[%arg0, %add3A_29, %dma_wait3A_37] : memref<2x10240x128xf32, #tpu.memory_space<hbm>> -> memref<1x80x128xf32, #tpu.memory_space<hbm>>
        %dma_wait3A_39 = tpu.memref_squeeze %dma_wait3A_38 : memref<1x80x128xf32, #tpu.memory_space<hbm>> -> memref<80x128xf32, #tpu.memory_space<hbm>>
        tpu.wait_dma2 semaphore(%run_scoped3A : memref<!tpu.dma_semaphore, #tpu.memory_space<semaphore_mem>>) src(%arg8 : memref<80x128xf32, #tpu.memory_space<vmem>>) dst(%dma_wait3A_39 : memref<80x128xf32, #tpu.memory_space<hbm>>)
        tpu.yield
      }) : () -> ()
    }
    %scan3A_25 = arith.constant 8 : i32
    return
  }
}

#map = affine_map<(d0, d1) -> (0, 0)>
#map1 = affine_map<(d0, d1) -> (0, 0, 0, 0)>
#map2 = affine_map<(d0, d1) -> (0)>
#map3 = affine_map<(d0, d1) -> (0, 0, 0)>
module attributes {stable_mosaic.version = 14 : i64} {
  func.func @k(%arg0: i32, %arg1: i32, %arg2: memref<10000x128xf32, #tpu.memory_space<hbm>>, %arg3: memref<32x125x1x80xi32, #tpu.memory_space<hbm>>, %arg4: memref<320000xi32, #tpu.memory_space<hbm>>, %arg5: memref<640x128xf32, #tpu.memory_space<hbm>>, %arg6: memref<2x10240x128xf32, #tpu.memory_space<hbm>>, %arg7: memref<10240x128xf32, #tpu.memory_space<vmem_shared>>, %arg8: memref<10000xi32, #tpu.memory_space<vmem>>, %arg9: memref<125x1x80xi32, #tpu.memory_space<vmem>>, %arg10: memref<80x128xf32, #tpu.memory_space<vmem>>, %arg11: memref<80x128xf32, #tpu.memory_space<vmem>>, %arg12: memref<!tpu.dma_semaphore, #tpu.memory_space<semaphore_mem>>) attributes {dimension_semantics = [#tpu.dimension_semantics<core_parallel>, #tpu.dimension_semantics<subcore_parallel>], iteration_bounds = array<i64: 2, 16>, scalar_prefetch = 0 : i64, scratch_operands = 6 : i64, tpu.core_type = #tpu.core_type<sc_vector_subcore>, window_params = [{transform_indices = #map}, {transform_indices = #map1}, {transform_indices = #map2}, {transform_indices = #map}, {transform_indices = #map3}]} {
    %mul3A = arith.constant 640 : i32
    %mul3A_0 = arith.muli %arg1, %mul3A : i32
    %mul3A_1 = arith.constant 16 : i32
    %mul3A_2 = arith.muli %arg0, %mul3A_1 : i32
    %add3A = arith.addi %mul3A_2, %arg1 : i32
    %mul3A_3 = arith.constant 125 : i32
    %mul3A_4 = arith.muli %add3A, %mul3A_3 : i32
    "tpu.region"() ({
      %run_scoped3A_37 = tpu.sem_alloc : memref<!tpu.dma_semaphore, #tpu.memory_space<semaphore_mem>>
      %dma_start3A_38 = arith.constant 0 : i32
      %dma_start3A_39 = arith.constant 0 : i32
      %dma_start3A_40 = tpu.memref_slice %arg5[%dma_start3A_38, %dma_start3A_39] : memref<640x128xf32, #tpu.memory_space<hbm>> -> memref<80x128xf32, #tpu.memory_space<hbm>>
      %dma_start3A_41 = arith.constant 0 : i32
      %dma_start3A_42 = arith.constant 0 : i32
      %dma_start3A_43 = tpu.memref_slice %arg5[%dma_start3A_41, %dma_start3A_42] : memref<640x128xf32, #tpu.memory_space<hbm>> -> memref<80x128xf32, #tpu.memory_space<hbm>>
      tpu.enqueue_dma source(%dma_start3A_43 : memref<80x128xf32, #tpu.memory_space<hbm>>) target(%arg10 : memref<80x128xf32, #tpu.memory_space<vmem>>) target_semaphore(%run_scoped3A_37 : memref<!tpu.dma_semaphore, #tpu.memory_space<semaphore_mem>>)
      %dma_wait3A_44 = arith.constant 0 : i32
      %dma_wait3A_45 = arith.constant 0 : i32
      %dma_wait3A_46 = tpu.memref_slice %arg5[%dma_wait3A_44, %dma_wait3A_45] : memref<640x128xf32, #tpu.memory_space<hbm>> -> memref<80x128xf32, #tpu.memory_space<hbm>>
      %dma_wait3A_47 = arith.constant 0 : i32
      %dma_wait3A_48 = arith.constant 0 : i32
      %dma_wait3A_49 = tpu.memref_slice %arg5[%dma_wait3A_47, %dma_wait3A_48] : memref<640x128xf32, #tpu.memory_space<hbm>> -> memref<80x128xf32, #tpu.memory_space<hbm>>
      tpu.wait_dma2 semaphore(%run_scoped3A_37 : memref<!tpu.dma_semaphore, #tpu.memory_space<semaphore_mem>>) src(%dma_wait3A_49 : memref<80x128xf32, #tpu.memory_space<hbm>>) dst(%arg10 : memref<80x128xf32, #tpu.memory_space<vmem>>)
      tpu.yield
    }) : () -> ()
    %scan3A = arith.constant 0 : i32
    %scan3A_5 = arith.constant 0 : i32
    %scan3A_6 = arith.constant 8 : i32
    %scan3A_7 = arith.addi %scan3A_5, %scan3A_6 : i32
    %scan3A_8 = arith.constant 1 : i32
    scf.for %scan3A_37 = %scan3A_5 to %scan3A_7 step %scan3A_8  : i32 {
      %mul3A_38 = arith.constant 80 : i32
      %mul3A_39 = arith.muli %scan3A_37, %mul3A_38 : i32
      %add3A_40 = arith.addi %mul3A_0, %mul3A_39 : i32
      "tpu.region"() ({
        %run_scoped3A_41 = tpu.sem_alloc : memref<!tpu.dma_semaphore, #tpu.memory_space<semaphore_mem>>
        %dma_start3A_42 = arith.constant 0 : i32
        %dma_start3A_43 = tpu.memref_slice %arg7[%add3A_40, %dma_start3A_42] : memref<10240x128xf32, #tpu.memory_space<vmem_shared>> -> memref<80x128xf32, #tpu.memory_space<vmem_shared>>
        %dma_start3A_44 = arith.constant 0 : i32
        %dma_start3A_45 = tpu.memref_slice %arg7[%add3A_40, %dma_start3A_44] : memref<10240x128xf32, #tpu.memory_space<vmem_shared>> -> memref<80x128xf32, #tpu.memory_space<vmem_shared>>
        tpu.enqueue_dma source(%arg10 : memref<80x128xf32, #tpu.memory_space<vmem>>) target(%dma_start3A_45 : memref<80x128xf32, #tpu.memory_space<vmem_shared>>) target_semaphore(%run_scoped3A_41 : memref<!tpu.dma_semaphore, #tpu.memory_space<semaphore_mem>>)
        %dma_wait3A_46 = arith.constant 0 : i32
        %dma_wait3A_47 = tpu.memref_slice %arg7[%add3A_40, %dma_wait3A_46] : memref<10240x128xf32, #tpu.memory_space<vmem_shared>> -> memref<80x128xf32, #tpu.memory_space<vmem_shared>>
        %dma_wait3A_48 = arith.constant 0 : i32
        %dma_wait3A_49 = tpu.memref_slice %arg7[%add3A_40, %dma_wait3A_48] : memref<10240x128xf32, #tpu.memory_space<vmem_shared>> -> memref<80x128xf32, #tpu.memory_space<vmem_shared>>
        tpu.wait_dma2 semaphore(%run_scoped3A_41 : memref<!tpu.dma_semaphore, #tpu.memory_space<semaphore_mem>>) src(%arg10 : memref<80x128xf32, #tpu.memory_space<vmem>>) dst(%dma_wait3A_49 : memref<80x128xf32, #tpu.memory_space<vmem_shared>>)
        tpu.yield
      }) : () -> ()
    }
    %scan3A_9 = arith.constant 8 : i32
    %mul3A_10 = arith.constant 80 : i32
    %mul3A_11 = arith.muli %mul3A_4, %mul3A_10 : i32
    "tpu.region"() ({
      %run_scoped3A_37 = tpu.sem_alloc : memref<!tpu.dma_semaphore, #tpu.memory_space<semaphore_mem>>
      %dma_start3A_38 = tpu.memref_slice %arg4[%mul3A_11] : memref<320000xi32, #tpu.memory_space<hbm>> -> memref<10000xi32, #tpu.memory_space<hbm>>
      %dma_start3A_39 = tpu.memref_slice %arg4[%mul3A_11] : memref<320000xi32, #tpu.memory_space<hbm>> -> memref<10000xi32, #tpu.memory_space<hbm>>
      tpu.enqueue_dma source(%dma_start3A_39 : memref<10000xi32, #tpu.memory_space<hbm>>) target(%arg8 : memref<10000xi32, #tpu.memory_space<vmem>>) target_semaphore(%run_scoped3A_37 : memref<!tpu.dma_semaphore, #tpu.memory_space<semaphore_mem>>)
      %dma_wait3A_40 = tpu.memref_slice %arg4[%mul3A_11] : memref<320000xi32, #tpu.memory_space<hbm>> -> memref<10000xi32, #tpu.memory_space<hbm>>
      %dma_wait3A_41 = tpu.memref_slice %arg4[%mul3A_11] : memref<320000xi32, #tpu.memory_space<hbm>> -> memref<10000xi32, #tpu.memory_space<hbm>>
      tpu.wait_dma2 semaphore(%run_scoped3A_37 : memref<!tpu.dma_semaphore, #tpu.memory_space<semaphore_mem>>) src(%dma_wait3A_41 : memref<10000xi32, #tpu.memory_space<hbm>>) dst(%arg8 : memref<10000xi32, #tpu.memory_space<vmem>>)
      tpu.yield
    }) : () -> ()
    %mul3A_12 = arith.constant 16 : i32
    %mul3A_13 = arith.muli %arg0, %mul3A_12 : i32
    %add3A_14 = arith.addi %mul3A_13, %arg1 : i32
    "tpu.region"() ({
      %run_scoped3A_37 = tpu.sem_alloc : memref<!tpu.dma_semaphore, #tpu.memory_space<semaphore_mem>>
      %dma_start3A_38 = arith.constant 0 : i32
      %dma_start3A_39 = arith.constant 0 : i32
      %dma_start3A_40 = arith.constant 0 : i32
      %dma_start3A_41 = tpu.memref_slice %arg3[%add3A_14, %dma_start3A_38, %dma_start3A_39, %dma_start3A_40] : memref<32x125x1x80xi32, #tpu.memory_space<hbm>> -> memref<1x125x1x80xi32, #tpu.memory_space<hbm>>
      %dma_start3A_42 = tpu.memref_squeeze %dma_start3A_41 : memref<1x125x1x80xi32, #tpu.memory_space<hbm>> -> memref<125x1x80xi32, #tpu.memory_space<hbm>>
      %dma_start3A_43 = arith.constant 0 : i32
      %dma_start3A_44 = arith.constant 0 : i32
      %dma_start3A_45 = arith.constant 0 : i32
      %dma_start3A_46 = tpu.memref_slice %arg3[%add3A_14, %dma_start3A_43, %dma_start3A_44, %dma_start3A_45] : memref<32x125x1x80xi32, #tpu.memory_space<hbm>> -> memref<1x125x1x80xi32, #tpu.memory_space<hbm>>
      %dma_start3A_47 = tpu.memref_squeeze %dma_start3A_46 : memref<1x125x1x80xi32, #tpu.memory_space<hbm>> -> memref<125x1x80xi32, #tpu.memory_space<hbm>>
      tpu.enqueue_dma source(%dma_start3A_47 : memref<125x1x80xi32, #tpu.memory_space<hbm>>) target(%arg9 : memref<125x1x80xi32, #tpu.memory_space<vmem>>) target_semaphore(%run_scoped3A_37 : memref<!tpu.dma_semaphore, #tpu.memory_space<semaphore_mem>>)
      %dma_wait3A_48 = arith.constant 0 : i32
      %dma_wait3A_49 = arith.constant 0 : i32
      %dma_wait3A_50 = arith.constant 0 : i32
      %dma_wait3A_51 = tpu.memref_slice %arg3[%add3A_14, %dma_wait3A_48, %dma_wait3A_49, %dma_wait3A_50] : memref<32x125x1x80xi32, #tpu.memory_space<hbm>> -> memref<1x125x1x80xi32, #tpu.memory_space<hbm>>
      %dma_wait3A_52 = tpu.memref_squeeze %dma_wait3A_51 : memref<1x125x1x80xi32, #tpu.memory_space<hbm>> -> memref<125x1x80xi32, #tpu.memory_space<hbm>>
      %dma_wait3A_53 = arith.constant 0 : i32
      %dma_wait3A_54 = arith.constant 0 : i32
      %dma_wait3A_55 = arith.constant 0 : i32
      %dma_wait3A_56 = tpu.memref_slice %arg3[%add3A_14, %dma_wait3A_53, %dma_wait3A_54, %dma_wait3A_55] : memref<32x125x1x80xi32, #tpu.memory_space<hbm>> -> memref<1x125x1x80xi32, #tpu.memory_space<hbm>>
      %dma_wait3A_57 = tpu.memref_squeeze %dma_wait3A_56 : memref<1x125x1x80xi32, #tpu.memory_space<hbm>> -> memref<125x1x80xi32, #tpu.memory_space<hbm>>
      tpu.wait_dma2 semaphore(%run_scoped3A_37 : memref<!tpu.dma_semaphore, #tpu.memory_space<semaphore_mem>>) src(%dma_wait3A_57 : memref<125x1x80xi32, #tpu.memory_space<hbm>>) dst(%arg9 : memref<125x1x80xi32, #tpu.memory_space<vmem>>)
      tpu.yield
    }) : () -> ()
    %barrier3A = arith.constant 0 : index
    tpu.barrier barrier_id(%barrier3A)
    %scan3A_15 = arith.constant 0 : i32
    %scan3A_16 = arith.constant 0 : i32
    %scan3A_17 = arith.constant 62 : i32
    %scan3A_18 = arith.addi %scan3A_16, %scan3A_17 : i32
    %scan3A_19 = arith.constant 1 : i32
    scf.for %scan3A_37 = %scan3A_16 to %scan3A_18 step %scan3A_19  : i32 {
      %mul3A_38 = arith.constant 2 : i32
      %mul3A_39 = arith.muli %scan3A_37, %mul3A_38 : i32
      %mul3A_40 = arith.constant 80 : i32
      %mul3A_41 = arith.muli %mul3A_39, %mul3A_40 : i32
      %dma_start3A_42 = tpu.memref_slice %arg8[%mul3A_41] : memref<10000xi32, #tpu.memory_space<vmem>> -> memref<80xi32, #tpu.memory_space<vmem>>
      %dma_start3A_43 = arith.constant 0 : i32
      %dma_start3A_44 = arith.constant 0 : i32
      %dma_start3A_45 = tpu.memref_slice %arg2[%dma_start3A_43, %dma_start3A_44] : memref<10000x128xf32, #tpu.memory_space<hbm>> -> memref<10000x128xf32, #tpu.memory_space<hbm>>
      tpu.enqueue_indirect_dma source(%dma_start3A_45 : memref<10000x128xf32, #tpu.memory_space<hbm>>) target(%arg10 : memref<80x128xf32, #tpu.memory_space<vmem>>) offsets(%dma_start3A_42 : memref<80xi32, #tpu.memory_space<vmem>>) semaphore(%arg12 : memref<!tpu.dma_semaphore, #tpu.memory_space<semaphore_mem>>)
      %add3A_46 = arith.constant 1 : i32
      %add3A_47 = arith.addi %mul3A_39, %add3A_46 : i32
      %mul3A_48 = arith.constant 80 : i32
      %mul3A_49 = arith.muli %add3A_47, %mul3A_48 : i32
      %dma_start3A_50 = tpu.memref_slice %arg8[%mul3A_49] : memref<10000xi32, #tpu.memory_space<vmem>> -> memref<80xi32, #tpu.memory_space<vmem>>
      %dma_start3A_51 = arith.constant 0 : i32
      %dma_start3A_52 = arith.constant 0 : i32
      %dma_start3A_53 = tpu.memref_slice %arg2[%dma_start3A_51, %dma_start3A_52] : memref<10000x128xf32, #tpu.memory_space<hbm>> -> memref<10000x128xf32, #tpu.memory_space<hbm>>
      tpu.enqueue_indirect_dma source(%dma_start3A_53 : memref<10000x128xf32, #tpu.memory_space<hbm>>) target(%arg11 : memref<80x128xf32, #tpu.memory_space<vmem>>) offsets(%dma_start3A_50 : memref<80xi32, #tpu.memory_space<vmem>>) semaphore(%arg12 : memref<!tpu.dma_semaphore, #tpu.memory_space<semaphore_mem>>)
      %dma_wait3A_54 = tpu.memref_slice %arg8[%mul3A_41] : memref<10000xi32, #tpu.memory_space<vmem>> -> memref<80xi32, #tpu.memory_space<vmem>>
      %dma_wait3A_55 = arith.constant 0 : i32
      %dma_wait3A_56 = arith.constant 0 : i32
      %dma_wait3A_57 = tpu.memref_slice %arg2[%dma_wait3A_55, %dma_wait3A_56] : memref<10000x128xf32, #tpu.memory_space<hbm>> -> memref<10000x128xf32, #tpu.memory_space<hbm>>
      tpu.wait_indirect_dma semaphore(%arg12 : memref<!tpu.dma_semaphore, #tpu.memory_space<semaphore_mem>>) src(%dma_wait3A_57 : memref<10000x128xf32, #tpu.memory_space<hbm>>) dst(%arg10 : memref<80x128xf32, #tpu.memory_space<vmem>>)
      %run_scoped3A_58 = arith.constant 0 : i32
      "tpu.region"() ({
        %run_scoped3A_66 = tpu.sem_alloc : memref<!tpu.dma_semaphore, #tpu.memory_space<semaphore_mem>>
        %dma_start3A_67 = arith.constant 0 : i32
        %dma_start3A_68 = tpu.memref_slice %arg9[%mul3A_39, %run_scoped3A_58, %dma_start3A_67] : memref<125x1x80xi32, #tpu.memory_space<vmem>> -> memref<1x1x80xi32, #tpu.memory_space<vmem>>
        %dma_start3A_69 = tpu.memref_squeeze %dma_start3A_68 : memref<1x1x80xi32, #tpu.memory_space<vmem>> -> memref<80xi32, #tpu.memory_space<vmem>>
        %dma_start3A_70 = arith.constant 0 : i32
        %dma_start3A_71 = arith.constant 0 : i32
        %dma_start3A_72 = tpu.memref_slice %arg7[%dma_start3A_70, %dma_start3A_71] : memref<10240x128xf32, #tpu.memory_space<vmem_shared>> -> memref<10240x128xf32, #tpu.memory_space<vmem_shared>>
        tpu.enqueue_indirect_dma source(%arg10 : memref<80x128xf32, #tpu.memory_space<vmem>>) target(%dma_start3A_72 : memref<10240x128xf32, #tpu.memory_space<vmem_shared>>) offsets(%dma_start3A_69 : memref<80xi32, #tpu.memory_space<vmem>>) semaphore(%run_scoped3A_66 : memref<!tpu.dma_semaphore, #tpu.memory_space<semaphore_mem>>) {add = true}
        %dma_wait3A_73 = arith.constant 0 : i32
        %dma_wait3A_74 = tpu.memref_slice %arg9[%mul3A_39, %run_scoped3A_58, %dma_wait3A_73] : memref<125x1x80xi32, #tpu.memory_space<vmem>> -> memref<1x1x80xi32, #tpu.memory_space<vmem>>
        %dma_wait3A_75 = tpu.memref_squeeze %dma_wait3A_74 : memref<1x1x80xi32, #tpu.memory_space<vmem>> -> memref<80xi32, #tpu.memory_space<vmem>>
        %dma_wait3A_76 = arith.constant 0 : i32
        %dma_wait3A_77 = arith.constant 0 : i32
        %dma_wait3A_78 = tpu.memref_slice %arg7[%dma_wait3A_76, %dma_wait3A_77] : memref<10240x128xf32, #tpu.memory_space<vmem_shared>> -> memref<10240x128xf32, #tpu.memory_space<vmem_shared>>
        tpu.wait_indirect_dma semaphore(%run_scoped3A_66 : memref<!tpu.dma_semaphore, #tpu.memory_space<semaphore_mem>>) src(%arg10 : memref<80x128xf32, #tpu.memory_space<vmem>>) dst(%dma_wait3A_78 : memref<10240x128xf32, #tpu.memory_space<vmem_shared>>)
        tpu.yield
      }) : () -> ()
      %dma_wait3A_59 = tpu.memref_slice %arg8[%mul3A_49] : memref<10000xi32, #tpu.memory_space<vmem>> -> memref<80xi32, #tpu.memory_space<vmem>>
      %dma_wait3A_60 = arith.constant 0 : i32
      %dma_wait3A_61 = arith.constant 0 : i32
      %dma_wait3A_62 = tpu.memref_slice %arg2[%dma_wait3A_60, %dma_wait3A_61] : memref<10000x128xf32, #tpu.memory_space<hbm>> -> memref<10000x128xf32, #tpu.memory_space<hbm>>
      tpu.wait_indirect_dma semaphore(%arg12 : memref<!tpu.dma_semaphore, #tpu.memory_space<semaphore_mem>>) src(%dma_wait3A_62 : memref<10000x128xf32, #tpu.memory_space<hbm>>) dst(%arg11 : memref<80x128xf32, #tpu.memory_space<vmem>>)
      %add3A_63 = arith.constant 1 : i32
      %add3A_64 = arith.addi %mul3A_39, %add3A_63 : i32
      %run_scoped3A_65 = arith.constant 0 : i32
      "tpu.region"() ({
        %run_scoped3A_66 = tpu.sem_alloc : memref<!tpu.dma_semaphore, #tpu.memory_space<semaphore_mem>>
        %dma_start3A_67 = arith.constant 0 : i32
        %dma_start3A_68 = tpu.memref_slice %arg9[%add3A_64, %run_scoped3A_65, %dma_start3A_67] : memref<125x1x80xi32, #tpu.memory_space<vmem>> -> memref<1x1x80xi32, #tpu.memory_space<vmem>>
        %dma_start3A_69 = tpu.memref_squeeze %dma_start3A_68 : memref<1x1x80xi32, #tpu.memory_space<vmem>> -> memref<80xi32, #tpu.memory_space<vmem>>
        %dma_start3A_70 = arith.constant 0 : i32
        %dma_start3A_71 = arith.constant 0 : i32
        %dma_start3A_72 = tpu.memref_slice %arg7[%dma_start3A_70, %dma_start3A_71] : memref<10240x128xf32, #tpu.memory_space<vmem_shared>> -> memref<10240x128xf32, #tpu.memory_space<vmem_shared>>
        tpu.enqueue_indirect_dma source(%arg11 : memref<80x128xf32, #tpu.memory_space<vmem>>) target(%dma_start3A_72 : memref<10240x128xf32, #tpu.memory_space<vmem_shared>>) offsets(%dma_start3A_69 : memref<80xi32, #tpu.memory_space<vmem>>) semaphore(%run_scoped3A_66 : memref<!tpu.dma_semaphore, #tpu.memory_space<semaphore_mem>>) {add = true}
        %dma_wait3A_73 = arith.constant 0 : i32
        %dma_wait3A_74 = tpu.memref_slice %arg9[%add3A_64, %run_scoped3A_65, %dma_wait3A_73] : memref<125x1x80xi32, #tpu.memory_space<vmem>> -> memref<1x1x80xi32, #tpu.memory_space<vmem>>
        %dma_wait3A_75 = tpu.memref_squeeze %dma_wait3A_74 : memref<1x1x80xi32, #tpu.memory_space<vmem>> -> memref<80xi32, #tpu.memory_space<vmem>>
        %dma_wait3A_76 = arith.constant 0 : i32
        %dma_wait3A_77 = arith.constant 0 : i32
        %dma_wait3A_78 = tpu.memref_slice %arg7[%dma_wait3A_76, %dma_wait3A_77] : memref<10240x128xf32, #tpu.memory_space<vmem_shared>> -> memref<10240x128xf32, #tpu.memory_space<vmem_shared>>
        tpu.wait_indirect_dma semaphore(%run_scoped3A_66 : memref<!tpu.dma_semaphore, #tpu.memory_space<semaphore_mem>>) src(%arg11 : memref<80x128xf32, #tpu.memory_space<vmem>>) dst(%dma_wait3A_78 : memref<10240x128xf32, #tpu.memory_space<vmem_shared>>)
        tpu.yield
      }) : () -> ()
    }
    %scan3A_20 = arith.constant 62 : i32
    %dma_start3A = arith.constant 9920 : i32
    %dma_start3A_21 = tpu.memref_slice %arg8[%dma_start3A] : memref<10000xi32, #tpu.memory_space<vmem>> -> memref<80xi32, #tpu.memory_space<vmem>>
    %dma_start3A_22 = arith.constant 0 : i32
    %dma_start3A_23 = arith.constant 0 : i32
    %dma_start3A_24 = tpu.memref_slice %arg2[%dma_start3A_22, %dma_start3A_23] : memref<10000x128xf32, #tpu.memory_space<hbm>> -> memref<10000x128xf32, #tpu.memory_space<hbm>>
    tpu.enqueue_indirect_dma source(%dma_start3A_24 : memref<10000x128xf32, #tpu.memory_space<hbm>>) target(%arg10 : memref<80x128xf32, #tpu.memory_space<vmem>>) offsets(%dma_start3A_21 : memref<80xi32, #tpu.memory_space<vmem>>) semaphore(%arg12 : memref<!tpu.dma_semaphore, #tpu.memory_space<semaphore_mem>>)
    %dma_wait3A = arith.constant 9920 : i32
    %dma_wait3A_25 = tpu.memref_slice %arg8[%dma_wait3A] : memref<10000xi32, #tpu.memory_space<vmem>> -> memref<80xi32, #tpu.memory_space<vmem>>
    %dma_wait3A_26 = arith.constant 0 : i32
    %dma_wait3A_27 = arith.constant 0 : i32
    %dma_wait3A_28 = tpu.memref_slice %arg2[%dma_wait3A_26, %dma_wait3A_27] : memref<10000x128xf32, #tpu.memory_space<hbm>> -> memref<10000x128xf32, #tpu.memory_space<hbm>>
    tpu.wait_indirect_dma semaphore(%arg12 : memref<!tpu.dma_semaphore, #tpu.memory_space<semaphore_mem>>) src(%dma_wait3A_28 : memref<10000x128xf32, #tpu.memory_space<hbm>>) dst(%arg10 : memref<80x128xf32, #tpu.memory_space<vmem>>)
    %run_scoped3A = arith.constant 124 : i32
    %run_scoped3A_29 = arith.constant 0 : i32
    "tpu.region"() ({
      %run_scoped3A_37 = tpu.sem_alloc : memref<!tpu.dma_semaphore, #tpu.memory_space<semaphore_mem>>
      %dma_start3A_38 = arith.constant 0 : i32
      %dma_start3A_39 = tpu.memref_slice %arg9[%run_scoped3A, %run_scoped3A_29, %dma_start3A_38] : memref<125x1x80xi32, #tpu.memory_space<vmem>> -> memref<1x1x80xi32, #tpu.memory_space<vmem>>
      %dma_start3A_40 = tpu.memref_squeeze %dma_start3A_39 : memref<1x1x80xi32, #tpu.memory_space<vmem>> -> memref<80xi32, #tpu.memory_space<vmem>>
      %dma_start3A_41 = arith.constant 0 : i32
      %dma_start3A_42 = arith.constant 0 : i32
      %dma_start3A_43 = tpu.memref_slice %arg7[%dma_start3A_41, %dma_start3A_42] : memref<10240x128xf32, #tpu.memory_space<vmem_shared>> -> memref<10240x128xf32, #tpu.memory_space<vmem_shared>>
      tpu.enqueue_indirect_dma source(%arg10 : memref<80x128xf32, #tpu.memory_space<vmem>>) target(%dma_start3A_43 : memref<10240x128xf32, #tpu.memory_space<vmem_shared>>) offsets(%dma_start3A_40 : memref<80xi32, #tpu.memory_space<vmem>>) semaphore(%run_scoped3A_37 : memref<!tpu.dma_semaphore, #tpu.memory_space<semaphore_mem>>) {add = true}
      %dma_wait3A_44 = arith.constant 0 : i32
      %dma_wait3A_45 = tpu.memref_slice %arg9[%run_scoped3A, %run_scoped3A_29, %dma_wait3A_44] : memref<125x1x80xi32, #tpu.memory_space<vmem>> -> memref<1x1x80xi32, #tpu.memory_space<vmem>>
      %dma_wait3A_46 = tpu.memref_squeeze %dma_wait3A_45 : memref<1x1x80xi32, #tpu.memory_space<vmem>> -> memref<80xi32, #tpu.memory_space<vmem>>
      %dma_wait3A_47 = arith.constant 0 : i32
      %dma_wait3A_48 = arith.constant 0 : i32
      %dma_wait3A_49 = tpu.memref_slice %arg7[%dma_wait3A_47, %dma_wait3A_48] : memref<10240x128xf32, #tpu.memory_space<vmem_shared>> -> memref<10240x128xf32, #tpu.memory_space<vmem_shared>>
      tpu.wait_indirect_dma semaphore(%run_scoped3A_37 : memref<!tpu.dma_semaphore, #tpu.memory_space<semaphore_mem>>) src(%arg10 : memref<80x128xf32, #tpu.memory_space<vmem>>) dst(%dma_wait3A_49 : memref<10240x128xf32, #tpu.memory_space<vmem_shared>>)
      tpu.yield
    }) : () -> ()
    %barrier3A_30 = arith.constant 0 : index
    tpu.barrier barrier_id(%barrier3A_30)
    %scan3A_31 = arith.constant 0 : i32
    %scan3A_32 = arith.constant 0 : i32
    %scan3A_33 = arith.constant 8 : i32
    %scan3A_34 = arith.addi %scan3A_32, %scan3A_33 : i32
    %scan3A_35 = arith.constant 1 : i32
    scf.for %scan3A_37 = %scan3A_32 to %scan3A_34 step %scan3A_35  : i32 {
      %mul3A_38 = arith.constant 80 : i32
      %mul3A_39 = arith.muli %scan3A_37, %mul3A_38 : i32
      %add3A_40 = arith.addi %mul3A_0, %mul3A_39 : i32
      "tpu.region"() ({
        %run_scoped3A_41 = tpu.sem_alloc : memref<!tpu.dma_semaphore, #tpu.memory_space<semaphore_mem>>
        %dma_start3A_42 = arith.constant 0 : i32
        %dma_start3A_43 = tpu.memref_slice %arg7[%add3A_40, %dma_start3A_42] : memref<10240x128xf32, #tpu.memory_space<vmem_shared>> -> memref<80x128xf32, #tpu.memory_space<vmem_shared>>
        %dma_start3A_44 = arith.constant 0 : i32
        %dma_start3A_45 = tpu.memref_slice %arg7[%add3A_40, %dma_start3A_44] : memref<10240x128xf32, #tpu.memory_space<vmem_shared>> -> memref<80x128xf32, #tpu.memory_space<vmem_shared>>
        tpu.enqueue_dma source(%dma_start3A_45 : memref<80x128xf32, #tpu.memory_space<vmem_shared>>) target(%arg10 : memref<80x128xf32, #tpu.memory_space<vmem>>) target_semaphore(%run_scoped3A_41 : memref<!tpu.dma_semaphore, #tpu.memory_space<semaphore_mem>>)
        %dma_wait3A_46 = arith.constant 0 : i32
        %dma_wait3A_47 = tpu.memref_slice %arg7[%add3A_40, %dma_wait3A_46] : memref<10240x128xf32, #tpu.memory_space<vmem_shared>> -> memref<80x128xf32, #tpu.memory_space<vmem_shared>>
        %dma_wait3A_48 = arith.constant 0 : i32
        %dma_wait3A_49 = tpu.memref_slice %arg7[%add3A_40, %dma_wait3A_48] : memref<10240x128xf32, #tpu.memory_space<vmem_shared>> -> memref<80x128xf32, #tpu.memory_space<vmem_shared>>
        tpu.wait_dma2 semaphore(%run_scoped3A_41 : memref<!tpu.dma_semaphore, #tpu.memory_space<semaphore_mem>>) src(%dma_wait3A_49 : memref<80x128xf32, #tpu.memory_space<vmem_shared>>) dst(%arg10 : memref<80x128xf32, #tpu.memory_space<vmem>>)
        tpu.yield
      }) : () -> ()
      "tpu.region"() ({
        %run_scoped3A_41 = tpu.sem_alloc : memref<!tpu.dma_semaphore, #tpu.memory_space<semaphore_mem>>
        %dma_start3A_42 = arith.constant 0 : i32
        %dma_start3A_43 = tpu.memref_slice %arg6[%arg0, %add3A_40, %dma_start3A_42] : memref<2x10240x128xf32, #tpu.memory_space<hbm>> -> memref<1x80x128xf32, #tpu.memory_space<hbm>>
        %dma_start3A_44 = tpu.memref_squeeze %dma_start3A_43 : memref<1x80x128xf32, #tpu.memory_space<hbm>> -> memref<80x128xf32, #tpu.memory_space<hbm>>
        %dma_start3A_45 = arith.constant 0 : i32
        %dma_start3A_46 = tpu.memref_slice %arg6[%arg0, %add3A_40, %dma_start3A_45] : memref<2x10240x128xf32, #tpu.memory_space<hbm>> -> memref<1x80x128xf32, #tpu.memory_space<hbm>>
        %dma_start3A_47 = tpu.memref_squeeze %dma_start3A_46 : memref<1x80x128xf32, #tpu.memory_space<hbm>> -> memref<80x128xf32, #tpu.memory_space<hbm>>
        tpu.enqueue_dma source(%arg10 : memref<80x128xf32, #tpu.memory_space<vmem>>) target(%dma_start3A_47 : memref<80x128xf32, #tpu.memory_space<hbm>>) target_semaphore(%run_scoped3A_41 : memref<!tpu.dma_semaphore, #tpu.memory_space<semaphore_mem>>)
        %dma_wait3A_48 = arith.constant 0 : i32
        %dma_wait3A_49 = tpu.memref_slice %arg6[%arg0, %add3A_40, %dma_wait3A_48] : memref<2x10240x128xf32, #tpu.memory_space<hbm>> -> memref<1x80x128xf32, #tpu.memory_space<hbm>>
        %dma_wait3A_50 = tpu.memref_squeeze %dma_wait3A_49 : memref<1x80x128xf32, #tpu.memory_space<hbm>> -> memref<80x128xf32, #tpu.memory_space<hbm>>
        %dma_wait3A_51 = arith.constant 0 : i32
        %dma_wait3A_52 = tpu.memref_slice %arg6[%arg0, %add3A_40, %dma_wait3A_51] : memref<2x10240x128xf32, #tpu.memory_space<hbm>> -> memref<1x80x128xf32, #tpu.memory_space<hbm>>
        %dma_wait3A_53 = tpu.memref_squeeze %dma_wait3A_52 : memref<1x80x128xf32, #tpu.memory_space<hbm>> -> memref<80x128xf32, #tpu.memory_space<hbm>>
        tpu.wait_dma2 semaphore(%run_scoped3A_41 : memref<!tpu.dma_semaphore, #tpu.memory_space<semaphore_mem>>) src(%arg10 : memref<80x128xf32, #tpu.memory_space<vmem>>) dst(%dma_wait3A_53 : memref<80x128xf32, #tpu.memory_space<hbm>>)
        tpu.yield
      }) : () -> ()
    }
    %scan3A_36 = arith.constant 8 : i32
    return
  }
}

#map = affine_map<(d0, d1) -> (0, 0)>
#map1 = affine_map<(d0, d1) -> (0, 0, 0, 0)>
#map2 = affine_map<(d0, d1) -> (0, 0, 0)>
module attributes {stable_mosaic.version = 14 : i64} {
  func.func @k(%arg0: i32, %arg1: i32, %arg2: memref<320000x128xf32, #tpu.memory_space<hbm>>, %arg3: memref<32x125x1x80xi32, #tpu.memory_space<hbm>>, %arg4: memref<640x128xf32, #tpu.memory_space<hbm>>, %arg5: memref<2x10240x128xf32, #tpu.memory_space<hbm>>, %arg6: memref<10240x128xf32, #tpu.memory_space<vmem_shared>>, %arg7: memref<125x1x80xi32, #tpu.memory_space<vmem>>, %arg8: memref<80x128xf32, #tpu.memory_space<vmem>>, %arg9: memref<80x128xf32, #tpu.memory_space<vmem>>, %arg10: memref<!tpu.dma_semaphore, #tpu.memory_space<semaphore_mem>>) attributes {dimension_semantics = [#tpu.dimension_semantics<core_parallel>, #tpu.dimension_semantics<subcore_parallel>], iteration_bounds = array<i64: 2, 16>, scalar_prefetch = 0 : i64, scratch_operands = 5 : i64, tpu.core_type = #tpu.core_type<sc_vector_subcore>, window_params = [{transform_indices = #map}, {transform_indices = #map1}, {transform_indices = #map}, {transform_indices = #map2}]} {
    %mul3A = arith.constant 640 : i32
    %mul3A_0 = arith.muli %arg1, %mul3A : i32
    %mul3A_1 = arith.constant 16 : i32
    %mul3A_2 = arith.muli %arg0, %mul3A_1 : i32
    %add3A = arith.addi %mul3A_2, %arg1 : i32
    %mul3A_3 = arith.constant 125 : i32
    %mul3A_4 = arith.muli %add3A, %mul3A_3 : i32
    "tpu.region"() ({
      %run_scoped3A_38 = tpu.sem_alloc : memref<!tpu.dma_semaphore, #tpu.memory_space<semaphore_mem>>
      %dma_start3A_39 = arith.constant 0 : i32
      %dma_start3A_40 = arith.constant 0 : i32
      %dma_start3A_41 = tpu.memref_slice %arg4[%dma_start3A_39, %dma_start3A_40] : memref<640x128xf32, #tpu.memory_space<hbm>> -> memref<80x128xf32, #tpu.memory_space<hbm>>
      %dma_start3A_42 = arith.constant 0 : i32
      %dma_start3A_43 = arith.constant 0 : i32
      %dma_start3A_44 = tpu.memref_slice %arg4[%dma_start3A_42, %dma_start3A_43] : memref<640x128xf32, #tpu.memory_space<hbm>> -> memref<80x128xf32, #tpu.memory_space<hbm>>
      tpu.enqueue_dma source(%dma_start3A_44 : memref<80x128xf32, #tpu.memory_space<hbm>>) target(%arg8 : memref<80x128xf32, #tpu.memory_space<vmem>>) target_semaphore(%run_scoped3A_38 : memref<!tpu.dma_semaphore, #tpu.memory_space<semaphore_mem>>)
      %dma_wait3A_45 = arith.constant 0 : i32
      %dma_wait3A_46 = arith.constant 0 : i32
      %dma_wait3A_47 = tpu.memref_slice %arg4[%dma_wait3A_45, %dma_wait3A_46] : memref<640x128xf32, #tpu.memory_space<hbm>> -> memref<80x128xf32, #tpu.memory_space<hbm>>
      %dma_wait3A_48 = arith.constant 0 : i32
      %dma_wait3A_49 = arith.constant 0 : i32
      %dma_wait3A_50 = tpu.memref_slice %arg4[%dma_wait3A_48, %dma_wait3A_49] : memref<640x128xf32, #tpu.memory_space<hbm>> -> memref<80x128xf32, #tpu.memory_space<hbm>>
      tpu.wait_dma2 semaphore(%run_scoped3A_38 : memref<!tpu.dma_semaphore, #tpu.memory_space<semaphore_mem>>) src(%dma_wait3A_50 : memref<80x128xf32, #tpu.memory_space<hbm>>) dst(%arg8 : memref<80x128xf32, #tpu.memory_space<vmem>>)
      tpu.yield
    }) : () -> ()
    %scan3A = arith.constant 0 : i32
    %scan3A_5 = arith.constant 0 : i32
    %scan3A_6 = arith.constant 8 : i32
    %scan3A_7 = arith.addi %scan3A_5, %scan3A_6 : i32
    %scan3A_8 = arith.constant 1 : i32
    scf.for %scan3A_38 = %scan3A_5 to %scan3A_7 step %scan3A_8  : i32 {
      %mul3A_39 = arith.constant 80 : i32
      %mul3A_40 = arith.muli %scan3A_38, %mul3A_39 : i32
      %add3A_41 = arith.addi %mul3A_0, %mul3A_40 : i32
      "tpu.region"() ({
        %run_scoped3A_42 = tpu.sem_alloc : memref<!tpu.dma_semaphore, #tpu.memory_space<semaphore_mem>>
        %dma_start3A_43 = arith.constant 0 : i32
        %dma_start3A_44 = tpu.memref_slice %arg6[%add3A_41, %dma_start3A_43] : memref<10240x128xf32, #tpu.memory_space<vmem_shared>> -> memref<80x128xf32, #tpu.memory_space<vmem_shared>>
        %dma_start3A_45 = arith.constant 0 : i32
        %dma_start3A_46 = tpu.memref_slice %arg6[%add3A_41, %dma_start3A_45] : memref<10240x128xf32, #tpu.memory_space<vmem_shared>> -> memref<80x128xf32, #tpu.memory_space<vmem_shared>>
        tpu.enqueue_dma source(%arg8 : memref<80x128xf32, #tpu.memory_space<vmem>>) target(%dma_start3A_46 : memref<80x128xf32, #tpu.memory_space<vmem_shared>>) target_semaphore(%run_scoped3A_42 : memref<!tpu.dma_semaphore, #tpu.memory_space<semaphore_mem>>)
        %dma_wait3A_47 = arith.constant 0 : i32
        %dma_wait3A_48 = tpu.memref_slice %arg6[%add3A_41, %dma_wait3A_47] : memref<10240x128xf32, #tpu.memory_space<vmem_shared>> -> memref<80x128xf32, #tpu.memory_space<vmem_shared>>
        %dma_wait3A_49 = arith.constant 0 : i32
        %dma_wait3A_50 = tpu.memref_slice %arg6[%add3A_41, %dma_wait3A_49] : memref<10240x128xf32, #tpu.memory_space<vmem_shared>> -> memref<80x128xf32, #tpu.memory_space<vmem_shared>>
        tpu.wait_dma2 semaphore(%run_scoped3A_42 : memref<!tpu.dma_semaphore, #tpu.memory_space<semaphore_mem>>) src(%arg8 : memref<80x128xf32, #tpu.memory_space<vmem>>) dst(%dma_wait3A_50 : memref<80x128xf32, #tpu.memory_space<vmem_shared>>)
        tpu.yield
      }) : () -> ()
    }
    %scan3A_9 = arith.constant 8 : i32
    %mul3A_10 = arith.constant 16 : i32
    %mul3A_11 = arith.muli %arg0, %mul3A_10 : i32
    %add3A_12 = arith.addi %mul3A_11, %arg1 : i32
    "tpu.region"() ({
      %run_scoped3A_38 = tpu.sem_alloc : memref<!tpu.dma_semaphore, #tpu.memory_space<semaphore_mem>>
      %dma_start3A_39 = arith.constant 0 : i32
      %dma_start3A_40 = arith.constant 0 : i32
      %dma_start3A_41 = arith.constant 0 : i32
      %dma_start3A_42 = tpu.memref_slice %arg3[%add3A_12, %dma_start3A_39, %dma_start3A_40, %dma_start3A_41] : memref<32x125x1x80xi32, #tpu.memory_space<hbm>> -> memref<1x125x1x80xi32, #tpu.memory_space<hbm>>
      %dma_start3A_43 = tpu.memref_squeeze %dma_start3A_42 : memref<1x125x1x80xi32, #tpu.memory_space<hbm>> -> memref<125x1x80xi32, #tpu.memory_space<hbm>>
      %dma_start3A_44 = arith.constant 0 : i32
      %dma_start3A_45 = arith.constant 0 : i32
      %dma_start3A_46 = arith.constant 0 : i32
      %dma_start3A_47 = tpu.memref_slice %arg3[%add3A_12, %dma_start3A_44, %dma_start3A_45, %dma_start3A_46] : memref<32x125x1x80xi32, #tpu.memory_space<hbm>> -> memref<1x125x1x80xi32, #tpu.memory_space<hbm>>
      %dma_start3A_48 = tpu.memref_squeeze %dma_start3A_47 : memref<1x125x1x80xi32, #tpu.memory_space<hbm>> -> memref<125x1x80xi32, #tpu.memory_space<hbm>>
      tpu.enqueue_dma source(%dma_start3A_48 : memref<125x1x80xi32, #tpu.memory_space<hbm>>) target(%arg7 : memref<125x1x80xi32, #tpu.memory_space<vmem>>) target_semaphore(%run_scoped3A_38 : memref<!tpu.dma_semaphore, #tpu.memory_space<semaphore_mem>>)
      %dma_wait3A_49 = arith.constant 0 : i32
      %dma_wait3A_50 = arith.constant 0 : i32
      %dma_wait3A_51 = arith.constant 0 : i32
      %dma_wait3A_52 = tpu.memref_slice %arg3[%add3A_12, %dma_wait3A_49, %dma_wait3A_50, %dma_wait3A_51] : memref<32x125x1x80xi32, #tpu.memory_space<hbm>> -> memref<1x125x1x80xi32, #tpu.memory_space<hbm>>
      %dma_wait3A_53 = tpu.memref_squeeze %dma_wait3A_52 : memref<1x125x1x80xi32, #tpu.memory_space<hbm>> -> memref<125x1x80xi32, #tpu.memory_space<hbm>>
      %dma_wait3A_54 = arith.constant 0 : i32
      %dma_wait3A_55 = arith.constant 0 : i32
      %dma_wait3A_56 = arith.constant 0 : i32
      %dma_wait3A_57 = tpu.memref_slice %arg3[%add3A_12, %dma_wait3A_54, %dma_wait3A_55, %dma_wait3A_56] : memref<32x125x1x80xi32, #tpu.memory_space<hbm>> -> memref<1x125x1x80xi32, #tpu.memory_space<hbm>>
      %dma_wait3A_58 = tpu.memref_squeeze %dma_wait3A_57 : memref<1x125x1x80xi32, #tpu.memory_space<hbm>> -> memref<125x1x80xi32, #tpu.memory_space<hbm>>
      tpu.wait_dma2 semaphore(%run_scoped3A_38 : memref<!tpu.dma_semaphore, #tpu.memory_space<semaphore_mem>>) src(%dma_wait3A_58 : memref<125x1x80xi32, #tpu.memory_space<hbm>>) dst(%arg7 : memref<125x1x80xi32, #tpu.memory_space<vmem>>)
      tpu.yield
    }) : () -> ()
    %barrier3A = arith.constant 0 : index
    tpu.barrier barrier_id(%barrier3A)
    %scan3A_13 = arith.constant 0 : i32
    %scan3A_14 = arith.constant 0 : i32
    %scan3A_15 = arith.constant 62 : i32
    %scan3A_16 = arith.addi %scan3A_14, %scan3A_15 : i32
    %scan3A_17 = arith.constant 1 : i32
    scf.for %scan3A_38 = %scan3A_14 to %scan3A_16 step %scan3A_17  : i32 {
      %mul3A_39 = arith.constant 2 : i32
      %mul3A_40 = arith.muli %scan3A_38, %mul3A_39 : i32
      %add3A_41 = arith.addi %mul3A_4, %mul3A_40 : i32
      %mul3A_42 = arith.constant 80 : i32
      %mul3A_43 = arith.muli %add3A_41, %mul3A_42 : i32
      %dma_start3A_44 = arith.constant 0 : i32
      %dma_start3A_45 = tpu.memref_slice %arg2[%mul3A_43, %dma_start3A_44] : memref<320000x128xf32, #tpu.memory_space<hbm>> -> memref<80x128xf32, #tpu.memory_space<hbm>>
      %dma_start3A_46 = arith.constant 0 : i32
      %dma_start3A_47 = tpu.memref_slice %arg2[%mul3A_43, %dma_start3A_46] : memref<320000x128xf32, #tpu.memory_space<hbm>> -> memref<80x128xf32, #tpu.memory_space<hbm>>
      tpu.enqueue_dma source(%dma_start3A_47 : memref<80x128xf32, #tpu.memory_space<hbm>>) target(%arg8 : memref<80x128xf32, #tpu.memory_space<vmem>>) target_semaphore(%arg10 : memref<!tpu.dma_semaphore, #tpu.memory_space<semaphore_mem>>)
      %add3A_48 = arith.addi %mul3A_4, %mul3A_40 : i32
      %add3A_49 = arith.constant 1 : i32
      %add3A_50 = arith.addi %add3A_48, %add3A_49 : i32
      %mul3A_51 = arith.constant 80 : i32
      %mul3A_52 = arith.muli %add3A_50, %mul3A_51 : i32
      %dma_start3A_53 = arith.constant 0 : i32
      %dma_start3A_54 = tpu.memref_slice %arg2[%mul3A_52, %dma_start3A_53] : memref<320000x128xf32, #tpu.memory_space<hbm>> -> memref<80x128xf32, #tpu.memory_space<hbm>>
      %dma_start3A_55 = arith.constant 0 : i32
      %dma_start3A_56 = tpu.memref_slice %arg2[%mul3A_52, %dma_start3A_55] : memref<320000x128xf32, #tpu.memory_space<hbm>> -> memref<80x128xf32, #tpu.memory_space<hbm>>
      tpu.enqueue_dma source(%dma_start3A_56 : memref<80x128xf32, #tpu.memory_space<hbm>>) target(%arg9 : memref<80x128xf32, #tpu.memory_space<vmem>>) target_semaphore(%arg10 : memref<!tpu.dma_semaphore, #tpu.memory_space<semaphore_mem>>)
      %dma_wait3A_57 = arith.constant 0 : i32
      %dma_wait3A_58 = tpu.memref_slice %arg2[%mul3A_43, %dma_wait3A_57] : memref<320000x128xf32, #tpu.memory_space<hbm>> -> memref<80x128xf32, #tpu.memory_space<hbm>>
      %dma_wait3A_59 = arith.constant 0 : i32
      %dma_wait3A_60 = tpu.memref_slice %arg2[%mul3A_43, %dma_wait3A_59] : memref<320000x128xf32, #tpu.memory_space<hbm>> -> memref<80x128xf32, #tpu.memory_space<hbm>>
      tpu.wait_dma2 semaphore(%arg10 : memref<!tpu.dma_semaphore, #tpu.memory_space<semaphore_mem>>) src(%dma_wait3A_60 : memref<80x128xf32, #tpu.memory_space<hbm>>) dst(%arg8 : memref<80x128xf32, #tpu.memory_space<vmem>>)
      %run_scoped3A_61 = arith.constant 0 : i32
      "tpu.region"() ({
        %run_scoped3A_69 = tpu.sem_alloc : memref<!tpu.dma_semaphore, #tpu.memory_space<semaphore_mem>>
        %dma_start3A_70 = arith.constant 0 : i32
        %dma_start3A_71 = tpu.memref_slice %arg7[%mul3A_40, %run_scoped3A_61, %dma_start3A_70] : memref<125x1x80xi32, #tpu.memory_space<vmem>> -> memref<1x1x80xi32, #tpu.memory_space<vmem>>
        %dma_start3A_72 = tpu.memref_squeeze %dma_start3A_71 : memref<1x1x80xi32, #tpu.memory_space<vmem>> -> memref<80xi32, #tpu.memory_space<vmem>>
        %dma_start3A_73 = arith.constant 0 : i32
        %dma_start3A_74 = arith.constant 0 : i32
        %dma_start3A_75 = tpu.memref_slice %arg6[%dma_start3A_73, %dma_start3A_74] : memref<10240x128xf32, #tpu.memory_space<vmem_shared>> -> memref<10240x128xf32, #tpu.memory_space<vmem_shared>>
        tpu.enqueue_indirect_dma source(%arg8 : memref<80x128xf32, #tpu.memory_space<vmem>>) target(%dma_start3A_75 : memref<10240x128xf32, #tpu.memory_space<vmem_shared>>) offsets(%dma_start3A_72 : memref<80xi32, #tpu.memory_space<vmem>>) semaphore(%run_scoped3A_69 : memref<!tpu.dma_semaphore, #tpu.memory_space<semaphore_mem>>) {add = true}
        %dma_wait3A_76 = arith.constant 0 : i32
        %dma_wait3A_77 = tpu.memref_slice %arg7[%mul3A_40, %run_scoped3A_61, %dma_wait3A_76] : memref<125x1x80xi32, #tpu.memory_space<vmem>> -> memref<1x1x80xi32, #tpu.memory_space<vmem>>
        %dma_wait3A_78 = tpu.memref_squeeze %dma_wait3A_77 : memref<1x1x80xi32, #tpu.memory_space<vmem>> -> memref<80xi32, #tpu.memory_space<vmem>>
        %dma_wait3A_79 = arith.constant 0 : i32
        %dma_wait3A_80 = arith.constant 0 : i32
        %dma_wait3A_81 = tpu.memref_slice %arg6[%dma_wait3A_79, %dma_wait3A_80] : memref<10240x128xf32, #tpu.memory_space<vmem_shared>> -> memref<10240x128xf32, #tpu.memory_space<vmem_shared>>
        tpu.wait_indirect_dma semaphore(%run_scoped3A_69 : memref<!tpu.dma_semaphore, #tpu.memory_space<semaphore_mem>>) src(%arg8 : memref<80x128xf32, #tpu.memory_space<vmem>>) dst(%dma_wait3A_81 : memref<10240x128xf32, #tpu.memory_space<vmem_shared>>)
        tpu.yield
      }) : () -> ()
      %dma_wait3A_62 = arith.constant 0 : i32
      %dma_wait3A_63 = tpu.memref_slice %arg2[%mul3A_52, %dma_wait3A_62] : memref<320000x128xf32, #tpu.memory_space<hbm>> -> memref<80x128xf32, #tpu.memory_space<hbm>>
      %dma_wait3A_64 = arith.constant 0 : i32
      %dma_wait3A_65 = tpu.memref_slice %arg2[%mul3A_52, %dma_wait3A_64] : memref<320000x128xf32, #tpu.memory_space<hbm>> -> memref<80x128xf32, #tpu.memory_space<hbm>>
      tpu.wait_dma2 semaphore(%arg10 : memref<!tpu.dma_semaphore, #tpu.memory_space<semaphore_mem>>) src(%dma_wait3A_65 : memref<80x128xf32, #tpu.memory_space<hbm>>) dst(%arg9 : memref<80x128xf32, #tpu.memory_space<vmem>>)
      %add3A_66 = arith.constant 1 : i32
      %add3A_67 = arith.addi %mul3A_40, %add3A_66 : i32
      %run_scoped3A_68 = arith.constant 0 : i32
      "tpu.region"() ({
        %run_scoped3A_69 = tpu.sem_alloc : memref<!tpu.dma_semaphore, #tpu.memory_space<semaphore_mem>>
        %dma_start3A_70 = arith.constant 0 : i32
        %dma_start3A_71 = tpu.memref_slice %arg7[%add3A_67, %run_scoped3A_68, %dma_start3A_70] : memref<125x1x80xi32, #tpu.memory_space<vmem>> -> memref<1x1x80xi32, #tpu.memory_space<vmem>>
        %dma_start3A_72 = tpu.memref_squeeze %dma_start3A_71 : memref<1x1x80xi32, #tpu.memory_space<vmem>> -> memref<80xi32, #tpu.memory_space<vmem>>
        %dma_start3A_73 = arith.constant 0 : i32
        %dma_start3A_74 = arith.constant 0 : i32
        %dma_start3A_75 = tpu.memref_slice %arg6[%dma_start3A_73, %dma_start3A_74] : memref<10240x128xf32, #tpu.memory_space<vmem_shared>> -> memref<10240x128xf32, #tpu.memory_space<vmem_shared>>
        tpu.enqueue_indirect_dma source(%arg9 : memref<80x128xf32, #tpu.memory_space<vmem>>) target(%dma_start3A_75 : memref<10240x128xf32, #tpu.memory_space<vmem_shared>>) offsets(%dma_start3A_72 : memref<80xi32, #tpu.memory_space<vmem>>) semaphore(%run_scoped3A_69 : memref<!tpu.dma_semaphore, #tpu.memory_space<semaphore_mem>>) {add = true}
        %dma_wait3A_76 = arith.constant 0 : i32
        %dma_wait3A_77 = tpu.memref_slice %arg7[%add3A_67, %run_scoped3A_68, %dma_wait3A_76] : memref<125x1x80xi32, #tpu.memory_space<vmem>> -> memref<1x1x80xi32, #tpu.memory_space<vmem>>
        %dma_wait3A_78 = tpu.memref_squeeze %dma_wait3A_77 : memref<1x1x80xi32, #tpu.memory_space<vmem>> -> memref<80xi32, #tpu.memory_space<vmem>>
        %dma_wait3A_79 = arith.constant 0 : i32
        %dma_wait3A_80 = arith.constant 0 : i32
        %dma_wait3A_81 = tpu.memref_slice %arg6[%dma_wait3A_79, %dma_wait3A_80] : memref<10240x128xf32, #tpu.memory_space<vmem_shared>> -> memref<10240x128xf32, #tpu.memory_space<vmem_shared>>
        tpu.wait_indirect_dma semaphore(%run_scoped3A_69 : memref<!tpu.dma_semaphore, #tpu.memory_space<semaphore_mem>>) src(%arg9 : memref<80x128xf32, #tpu.memory_space<vmem>>) dst(%dma_wait3A_81 : memref<10240x128xf32, #tpu.memory_space<vmem_shared>>)
        tpu.yield
      }) : () -> ()
    }
    %scan3A_18 = arith.constant 62 : i32
    %add3A_19 = arith.constant 125 : i32
    %add3A_20 = arith.addi %mul3A_4, %add3A_19 : i32
    %sub3A = arith.constant 1 : i32
    %sub3A_21 = arith.subi %add3A_20, %sub3A : i32
    %mul3A_22 = arith.constant 80 : i32
    %mul3A_23 = arith.muli %sub3A_21, %mul3A_22 : i32
    %dma_start3A = arith.constant 0 : i32
    %dma_start3A_24 = tpu.memref_slice %arg2[%mul3A_23, %dma_start3A] : memref<320000x128xf32, #tpu.memory_space<hbm>> -> memref<80x128xf32, #tpu.memory_space<hbm>>
    %dma_start3A_25 = arith.constant 0 : i32
    %dma_start3A_26 = tpu.memref_slice %arg2[%mul3A_23, %dma_start3A_25] : memref<320000x128xf32, #tpu.memory_space<hbm>> -> memref<80x128xf32, #tpu.memory_space<hbm>>
    tpu.enqueue_dma source(%dma_start3A_26 : memref<80x128xf32, #tpu.memory_space<hbm>>) target(%arg8 : memref<80x128xf32, #tpu.memory_space<vmem>>) target_semaphore(%arg10 : memref<!tpu.dma_semaphore, #tpu.memory_space<semaphore_mem>>)
    %dma_wait3A = arith.constant 0 : i32
    %dma_wait3A_27 = tpu.memref_slice %arg2[%mul3A_23, %dma_wait3A] : memref<320000x128xf32, #tpu.memory_space<hbm>> -> memref<80x128xf32, #tpu.memory_space<hbm>>
    %dma_wait3A_28 = arith.constant 0 : i32
    %dma_wait3A_29 = tpu.memref_slice %arg2[%mul3A_23, %dma_wait3A_28] : memref<320000x128xf32, #tpu.memory_space<hbm>> -> memref<80x128xf32, #tpu.memory_space<hbm>>
    tpu.wait_dma2 semaphore(%arg10 : memref<!tpu.dma_semaphore, #tpu.memory_space<semaphore_mem>>) src(%dma_wait3A_29 : memref<80x128xf32, #tpu.memory_space<hbm>>) dst(%arg8 : memref<80x128xf32, #tpu.memory_space<vmem>>)
    %run_scoped3A = arith.constant 124 : i32
    %run_scoped3A_30 = arith.constant 0 : i32
    "tpu.region"() ({
      %run_scoped3A_38 = tpu.sem_alloc : memref<!tpu.dma_semaphore, #tpu.memory_space<semaphore_mem>>
      %dma_start3A_39 = arith.constant 0 : i32
      %dma_start3A_40 = tpu.memref_slice %arg7[%run_scoped3A, %run_scoped3A_30, %dma_start3A_39] : memref<125x1x80xi32, #tpu.memory_space<vmem>> -> memref<1x1x80xi32, #tpu.memory_space<vmem>>
      %dma_start3A_41 = tpu.memref_squeeze %dma_start3A_40 : memref<1x1x80xi32, #tpu.memory_space<vmem>> -> memref<80xi32, #tpu.memory_space<vmem>>
      %dma_start3A_42 = arith.constant 0 : i32
      %dma_start3A_43 = arith.constant 0 : i32
      %dma_start3A_44 = tpu.memref_slice %arg6[%dma_start3A_42, %dma_start3A_43] : memref<10240x128xf32, #tpu.memory_space<vmem_shared>> -> memref<10240x128xf32, #tpu.memory_space<vmem_shared>>
      tpu.enqueue_indirect_dma source(%arg8 : memref<80x128xf32, #tpu.memory_space<vmem>>) target(%dma_start3A_44 : memref<10240x128xf32, #tpu.memory_space<vmem_shared>>) offsets(%dma_start3A_41 : memref<80xi32, #tpu.memory_space<vmem>>) semaphore(%run_scoped3A_38 : memref<!tpu.dma_semaphore, #tpu.memory_space<semaphore_mem>>) {add = true}
      %dma_wait3A_45 = arith.constant 0 : i32
      %dma_wait3A_46 = tpu.memref_slice %arg7[%run_scoped3A, %run_scoped3A_30, %dma_wait3A_45] : memref<125x1x80xi32, #tpu.memory_space<vmem>> -> memref<1x1x80xi32, #tpu.memory_space<vmem>>
      %dma_wait3A_47 = tpu.memref_squeeze %dma_wait3A_46 : memref<1x1x80xi32, #tpu.memory_space<vmem>> -> memref<80xi32, #tpu.memory_space<vmem>>
      %dma_wait3A_48 = arith.constant 0 : i32
      %dma_wait3A_49 = arith.constant 0 : i32
      %dma_wait3A_50 = tpu.memref_slice %arg6[%dma_wait3A_48, %dma_wait3A_49] : memref<10240x128xf32, #tpu.memory_space<vmem_shared>> -> memref<10240x128xf32, #tpu.memory_space<vmem_shared>>
      tpu.wait_indirect_dma semaphore(%run_scoped3A_38 : memref<!tpu.dma_semaphore, #tpu.memory_space<semaphore_mem>>) src(%arg8 : memref<80x128xf32, #tpu.memory_space<vmem>>) dst(%dma_wait3A_50 : memref<10240x128xf32, #tpu.memory_space<vmem_shared>>)
      tpu.yield
    }) : () -> ()
    %barrier3A_31 = arith.constant 0 : index
    tpu.barrier barrier_id(%barrier3A_31)
    %scan3A_32 = arith.constant 0 : i32
    %scan3A_33 = arith.constant 0 : i32
    %scan3A_34 = arith.constant 8 : i32
    %scan3A_35 = arith.addi %scan3A_33, %scan3A_34 : i32
    %scan3A_36 = arith.constant 1 : i32
    scf.for %scan3A_38 = %scan3A_33 to %scan3A_35 step %scan3A_36  : i32 {
      %mul3A_39 = arith.constant 80 : i32
      %mul3A_40 = arith.muli %scan3A_38, %mul3A_39 : i32
      %add3A_41 = arith.addi %mul3A_0, %mul3A_40 : i32
      "tpu.region"() ({
        %run_scoped3A_42 = tpu.sem_alloc : memref<!tpu.dma_semaphore, #tpu.memory_space<semaphore_mem>>
        %dma_start3A_43 = arith.constant 0 : i32
        %dma_start3A_44 = tpu.memref_slice %arg6[%add3A_41, %dma_start3A_43] : memref<10240x128xf32, #tpu.memory_space<vmem_shared>> -> memref<80x128xf32, #tpu.memory_space<vmem_shared>>
        %dma_start3A_45 = arith.constant 0 : i32
        %dma_start3A_46 = tpu.memref_slice %arg6[%add3A_41, %dma_start3A_45] : memref<10240x128xf32, #tpu.memory_space<vmem_shared>> -> memref<80x128xf32, #tpu.memory_space<vmem_shared>>
        tpu.enqueue_dma source(%dma_start3A_46 : memref<80x128xf32, #tpu.memory_space<vmem_shared>>) target(%arg8 : memref<80x128xf32, #tpu.memory_space<vmem>>) target_semaphore(%run_scoped3A_42 : memref<!tpu.dma_semaphore, #tpu.memory_space<semaphore_mem>>)
        %dma_wait3A_47 = arith.constant 0 : i32
        %dma_wait3A_48 = tpu.memref_slice %arg6[%add3A_41, %dma_wait3A_47] : memref<10240x128xf32, #tpu.memory_space<vmem_shared>> -> memref<80x128xf32, #tpu.memory_space<vmem_shared>>
        %dma_wait3A_49 = arith.constant 0 : i32
        %dma_wait3A_50 = tpu.memref_slice %arg6[%add3A_41, %dma_wait3A_49] : memref<10240x128xf32, #tpu.memory_space<vmem_shared>> -> memref<80x128xf32, #tpu.memory_space<vmem_shared>>
        tpu.wait_dma2 semaphore(%run_scoped3A_42 : memref<!tpu.dma_semaphore, #tpu.memory_space<semaphore_mem>>) src(%dma_wait3A_50 : memref<80x128xf32, #tpu.memory_space<vmem_shared>>) dst(%arg8 : memref<80x128xf32, #tpu.memory_space<vmem>>)
        tpu.yield
      }) : () -> ()
      "tpu.region"() ({
        %run_scoped3A_42 = tpu.sem_alloc : memref<!tpu.dma_semaphore, #tpu.memory_space<semaphore_mem>>
        %dma_start3A_43 = arith.constant 0 : i32
        %dma_start3A_44 = tpu.memref_slice %arg5[%arg0, %add3A_41, %dma_start3A_43] : memref<2x10240x128xf32, #tpu.memory_space<hbm>> -> memref<1x80x128xf32, #tpu.memory_space<hbm>>
        %dma_start3A_45 = tpu.memref_squeeze %dma_start3A_44 : memref<1x80x128xf32, #tpu.memory_space<hbm>> -> memref<80x128xf32, #tpu.memory_space<hbm>>
        %dma_start3A_46 = arith.constant 0 : i32
        %dma_start3A_47 = tpu.memref_slice %arg5[%arg0, %add3A_41, %dma_start3A_46] : memref<2x10240x128xf32, #tpu.memory_space<hbm>> -> memref<1x80x128xf32, #tpu.memory_space<hbm>>
        %dma_start3A_48 = tpu.memref_squeeze %dma_start3A_47 : memref<1x80x128xf32, #tpu.memory_space<hbm>> -> memref<80x128xf32, #tpu.memory_space<hbm>>
        tpu.enqueue_dma source(%arg8 : memref<80x128xf32, #tpu.memory_space<vmem>>) target(%dma_start3A_48 : memref<80x128xf32, #tpu.memory_space<hbm>>) target_semaphore(%run_scoped3A_42 : memref<!tpu.dma_semaphore, #tpu.memory_space<semaphore_mem>>)
        %dma_wait3A_49 = arith.constant 0 : i32
        %dma_wait3A_50 = tpu.memref_slice %arg5[%arg0, %add3A_41, %dma_wait3A_49] : memref<2x10240x128xf32, #tpu.memory_space<hbm>> -> memref<1x80x128xf32, #tpu.memory_space<hbm>>
        %dma_wait3A_51 = tpu.memref_squeeze %dma_wait3A_50 : memref<1x80x128xf32, #tpu.memory_space<hbm>> -> memref<80x128xf32, #tpu.memory_space<hbm>>
        %dma_wait3A_52 = arith.constant 0 : i32
        %dma_wait3A_53 = tpu.memref_slice %arg5[%arg0, %add3A_41, %dma_wait3A_52] : memref<2x10240x128xf32, #tpu.memory_space<hbm>> -> memref<1x80x128xf32, #tpu.memory_space<hbm>>
        %dma_wait3A_54 = tpu.memref_squeeze %dma_wait3A_53 : memref<1x80x128xf32, #tpu.memory_space<hbm>> -> memref<80x128xf32, #tpu.memory_space<hbm>>
        tpu.wait_dma2 semaphore(%run_scoped3A_42 : memref<!tpu.dma_semaphore, #tpu.memory_space<semaphore_mem>>) src(%arg8 : memref<80x128xf32, #tpu.memory_space<vmem>>) dst(%dma_wait3A_54 : memref<80x128xf32, #tpu.memory_space<hbm>>)
        tpu.yield
      }) : () -> ()
    }
    %scan3A_37 = arith.constant 8 : i32
    return
  }
}

#map = affine_map<(d0, d1) -> (0, 0)>
#map1 = affine_map<(d0, d1) -> (0, 0, 0)>
module attributes {stable_mosaic.version = 14 : i64} {
  func.func @k(%arg0: i32, %arg1: i32, %arg2: memref<10000x128xf32, #tpu.memory_space<hbm>>, %arg3: memref<10000x128xf32, #tpu.memory_space<hbm>>, %arg4: memref<10000x128xf32, #tpu.memory_space<hbm>>, %arg5: memref<4000x2x80xi32, #tpu.memory_space<hbm>>, %arg6: memref<640x128xf32, #tpu.memory_space<hbm>>, %arg7: memref<2x10240x128xf32, #tpu.memory_space<hbm>>, %arg8: memref<320000x128xf32, #tpu.memory_space<hbm>>, %arg9: memref<10240x128xf32, #tpu.memory_space<vmem_shared>>, %arg10: memref<2x80xi32, #tpu.memory_space<vmem>>, %arg11: memref<80x128xf32, #tpu.memory_space<vmem>>, %arg12: memref<80x128xf32, #tpu.memory_space<vmem>>, %arg13: memref<80x128xf32, #tpu.memory_space<vmem>>, %arg14: memref<80x128xf32, #tpu.memory_space<vmem>>, %arg15: memref<!tpu.dma_semaphore, #tpu.memory_space<semaphore_mem>>) attributes {dimension_semantics = [#tpu.dimension_semantics<core_parallel>, #tpu.dimension_semantics<subcore_parallel>], iteration_bounds = array<i64: 2, 16>, scalar_prefetch = 0 : i64, scratch_operands = 7 : i64, tpu.core_type = #tpu.core_type<sc_vector_subcore>, window_params = [{transform_indices = #map}, {transform_indices = #map}, {transform_indices = #map}, {transform_indices = #map1}, {transform_indices = #map}, {transform_indices = #map1}, {transform_indices = #map}]} {
    %mul3A = arith.constant 640 : i32
    %mul3A_0 = arith.muli %arg1, %mul3A : i32
    "tpu.region"() ({
      %run_scoped3A = tpu.sem_alloc : memref<!tpu.dma_semaphore, #tpu.memory_space<semaphore_mem>>
      %dma_start3A = arith.constant 0 : i32
      %dma_start3A_19 = arith.constant 0 : i32
      %dma_start3A_20 = tpu.memref_slice %arg6[%dma_start3A, %dma_start3A_19] : memref<640x128xf32, #tpu.memory_space<hbm>> -> memref<80x128xf32, #tpu.memory_space<hbm>>
      %dma_start3A_21 = arith.constant 0 : i32
      %dma_start3A_22 = arith.constant 0 : i32
      %dma_start3A_23 = tpu.memref_slice %arg6[%dma_start3A_21, %dma_start3A_22] : memref<640x128xf32, #tpu.memory_space<hbm>> -> memref<80x128xf32, #tpu.memory_space<hbm>>
      tpu.enqueue_dma source(%dma_start3A_23 : memref<80x128xf32, #tpu.memory_space<hbm>>) target(%arg11 : memref<80x128xf32, #tpu.memory_space<vmem>>) target_semaphore(%run_scoped3A : memref<!tpu.dma_semaphore, #tpu.memory_space<semaphore_mem>>)
      %dma_wait3A = arith.constant 0 : i32
      %dma_wait3A_24 = arith.constant 0 : i32
      %dma_wait3A_25 = tpu.memref_slice %arg6[%dma_wait3A, %dma_wait3A_24] : memref<640x128xf32, #tpu.memory_space<hbm>> -> memref<80x128xf32, #tpu.memory_space<hbm>>
      %dma_wait3A_26 = arith.constant 0 : i32
      %dma_wait3A_27 = arith.constant 0 : i32
      %dma_wait3A_28 = tpu.memref_slice %arg6[%dma_wait3A_26, %dma_wait3A_27] : memref<640x128xf32, #tpu.memory_space<hbm>> -> memref<80x128xf32, #tpu.memory_space<hbm>>
      tpu.wait_dma2 semaphore(%run_scoped3A : memref<!tpu.dma_semaphore, #tpu.memory_space<semaphore_mem>>) src(%dma_wait3A_28 : memref<80x128xf32, #tpu.memory_space<hbm>>) dst(%arg11 : memref<80x128xf32, #tpu.memory_space<vmem>>)
      tpu.yield
    }) : () -> ()
    "tpu.region"() ({
      %run_scoped3A = tpu.sem_alloc : memref<!tpu.dma_semaphore, #tpu.memory_space<semaphore_mem>>
      %dma_start3A = arith.constant 0 : i32
      %dma_start3A_19 = arith.constant 0 : i32
      %dma_start3A_20 = tpu.memref_slice %arg6[%dma_start3A, %dma_start3A_19] : memref<640x128xf32, #tpu.memory_space<hbm>> -> memref<80x128xf32, #tpu.memory_space<hbm>>
      %dma_start3A_21 = arith.constant 0 : i32
      %dma_start3A_22 = arith.constant 0 : i32
      %dma_start3A_23 = tpu.memref_slice %arg6[%dma_start3A_21, %dma_start3A_22] : memref<640x128xf32, #tpu.memory_space<hbm>> -> memref<80x128xf32, #tpu.memory_space<hbm>>
      tpu.enqueue_dma source(%dma_start3A_23 : memref<80x128xf32, #tpu.memory_space<hbm>>) target(%arg14 : memref<80x128xf32, #tpu.memory_space<vmem>>) target_semaphore(%run_scoped3A : memref<!tpu.dma_semaphore, #tpu.memory_space<semaphore_mem>>)
      %dma_wait3A = arith.constant 0 : i32
      %dma_wait3A_24 = arith.constant 0 : i32
      %dma_wait3A_25 = tpu.memref_slice %arg6[%dma_wait3A, %dma_wait3A_24] : memref<640x128xf32, #tpu.memory_space<hbm>> -> memref<80x128xf32, #tpu.memory_space<hbm>>
      %dma_wait3A_26 = arith.constant 0 : i32
      %dma_wait3A_27 = arith.constant 0 : i32
      %dma_wait3A_28 = tpu.memref_slice %arg6[%dma_wait3A_26, %dma_wait3A_27] : memref<640x128xf32, #tpu.memory_space<hbm>> -> memref<80x128xf32, #tpu.memory_space<hbm>>
      tpu.wait_dma2 semaphore(%run_scoped3A : memref<!tpu.dma_semaphore, #tpu.memory_space<semaphore_mem>>) src(%dma_wait3A_28 : memref<80x128xf32, #tpu.memory_space<hbm>>) dst(%arg14 : memref<80x128xf32, #tpu.memory_space<vmem>>)
      tpu.yield
    }) : () -> ()
    %scan3A = arith.constant 0 : i32
    %scan3A_1 = arith.constant 0 : i32
    %scan3A_2 = arith.constant 8 : i32
    %scan3A_3 = arith.addi %scan3A_1, %scan3A_2 : i32
    %scan3A_4 = arith.constant 1 : i32
    scf.for %scan3A_19 = %scan3A_1 to %scan3A_3 step %scan3A_4  : i32 {
      %mul3A_20 = arith.constant 80 : i32
      %mul3A_21 = arith.muli %scan3A_19, %mul3A_20 : i32
      %add3A = arith.addi %mul3A_0, %mul3A_21 : i32
      "tpu.region"() ({
        %run_scoped3A = tpu.sem_alloc : memref<!tpu.dma_semaphore, #tpu.memory_space<semaphore_mem>>
        %dma_start3A = arith.constant 0 : i32
        %dma_start3A_22 = tpu.memref_slice %arg9[%add3A, %dma_start3A] : memref<10240x128xf32, #tpu.memory_space<vmem_shared>> -> memref<80x128xf32, #tpu.memory_space<vmem_shared>>
        %dma_start3A_23 = arith.constant 0 : i32
        %dma_start3A_24 = tpu.memref_slice %arg9[%add3A, %dma_start3A_23] : memref<10240x128xf32, #tpu.memory_space<vmem_shared>> -> memref<80x128xf32, #tpu.memory_space<vmem_shared>>
        tpu.enqueue_dma source(%arg11 : memref<80x128xf32, #tpu.memory_space<vmem>>) target(%dma_start3A_24 : memref<80x128xf32, #tpu.memory_space<vmem_shared>>) target_semaphore(%run_scoped3A : memref<!tpu.dma_semaphore, #tpu.memory_space<semaphore_mem>>)
        %dma_wait3A = arith.constant 0 : i32
        %dma_wait3A_25 = tpu.memref_slice %arg9[%add3A, %dma_wait3A] : memref<10240x128xf32, #tpu.memory_space<vmem_shared>> -> memref<80x128xf32, #tpu.memory_space<vmem_shared>>
        %dma_wait3A_26 = arith.constant 0 : i32
        %dma_wait3A_27 = tpu.memref_slice %arg9[%add3A, %dma_wait3A_26] : memref<10240x128xf32, #tpu.memory_space<vmem_shared>> -> memref<80x128xf32, #tpu.memory_space<vmem_shared>>
        tpu.wait_dma2 semaphore(%run_scoped3A : memref<!tpu.dma_semaphore, #tpu.memory_space<semaphore_mem>>) src(%arg11 : memref<80x128xf32, #tpu.memory_space<vmem>>) dst(%dma_wait3A_27 : memref<80x128xf32, #tpu.memory_space<vmem_shared>>)
        tpu.yield
      }) : () -> ()
    }
    %scan3A_5 = arith.constant 8 : i32
    %barrier3A = arith.constant 0 : index
    tpu.barrier barrier_id(%barrier3A)
    %iota3A = tpu.iota {dimensions = array<i32: 0>} : vector<16xi32>
    %scan3A_6 = arith.constant 0 : i32
    %scan3A_7 = arith.constant 0 : i32
    %scan3A_8 = arith.constant 125 : i32
    %scan3A_9 = arith.addi %scan3A_7, %scan3A_8 : i32
    %scan3A_10 = arith.constant 1 : i32
    scf.for %scan3A_19 = %scan3A_7 to %scan3A_9 step %scan3A_10  : i32 {
      %mul3A_20 = arith.constant 16 : i32
      %mul3A_21 = arith.muli %arg0, %mul3A_20 : i32
      %add3A = arith.addi %mul3A_21, %arg1 : i32
      %mul3A_22 = arith.constant 125 : i32
      %mul3A_23 = arith.muli %add3A, %mul3A_22 : i32
      %add3A_24 = arith.addi %mul3A_23, %scan3A_19 : i32
      "tpu.region"() ({
        %run_scoped3A_73 = tpu.sem_alloc : memref<!tpu.dma_semaphore, #tpu.memory_space<semaphore_mem>>
        %dma_start3A_74 = arith.constant 0 : i32
        %dma_start3A_75 = arith.constant 0 : i32
        %dma_start3A_76 = tpu.memref_slice %arg5[%add3A_24, %dma_start3A_74, %dma_start3A_75] : memref<4000x2x80xi32, #tpu.memory_space<hbm>> -> memref<1x2x80xi32, #tpu.memory_space<hbm>>
        %dma_start3A_77 = tpu.memref_squeeze %dma_start3A_76 : memref<1x2x80xi32, #tpu.memory_space<hbm>> -> memref<2x80xi32, #tpu.memory_space<hbm>>
        %dma_start3A_78 = arith.constant 0 : i32
        %dma_start3A_79 = arith.constant 0 : i32
        %dma_start3A_80 = tpu.memref_slice %arg5[%add3A_24, %dma_start3A_78, %dma_start3A_79] : memref<4000x2x80xi32, #tpu.memory_space<hbm>> -> memref<1x2x80xi32, #tpu.memory_space<hbm>>
        %dma_start3A_81 = tpu.memref_squeeze %dma_start3A_80 : memref<1x2x80xi32, #tpu.memory_space<hbm>> -> memref<2x80xi32, #tpu.memory_space<hbm>>
        tpu.enqueue_dma source(%dma_start3A_81 : memref<2x80xi32, #tpu.memory_space<hbm>>) target(%arg10 : memref<2x80xi32, #tpu.memory_space<vmem>>) target_semaphore(%run_scoped3A_73 : memref<!tpu.dma_semaphore, #tpu.memory_space<semaphore_mem>>)
        %dma_wait3A_82 = arith.constant 0 : i32
        %dma_wait3A_83 = arith.constant 0 : i32
        %dma_wait3A_84 = tpu.memref_slice %arg5[%add3A_24, %dma_wait3A_82, %dma_wait3A_83] : memref<4000x2x80xi32, #tpu.memory_space<hbm>> -> memref<1x2x80xi32, #tpu.memory_space<hbm>>
        %dma_wait3A_85 = tpu.memref_squeeze %dma_wait3A_84 : memref<1x2x80xi32, #tpu.memory_space<hbm>> -> memref<2x80xi32, #tpu.memory_space<hbm>>
        %dma_wait3A_86 = arith.constant 0 : i32
        %dma_wait3A_87 = arith.constant 0 : i32
        %dma_wait3A_88 = tpu.memref_slice %arg5[%add3A_24, %dma_wait3A_86, %dma_wait3A_87] : memref<4000x2x80xi32, #tpu.memory_space<hbm>> -> memref<1x2x80xi32, #tpu.memory_space<hbm>>
        %dma_wait3A_89 = tpu.memref_squeeze %dma_wait3A_88 : memref<1x2x80xi32, #tpu.memory_space<hbm>> -> memref<2x80xi32, #tpu.memory_space<hbm>>
        tpu.wait_dma2 semaphore(%run_scoped3A_73 : memref<!tpu.dma_semaphore, #tpu.memory_space<semaphore_mem>>) src(%dma_wait3A_89 : memref<2x80xi32, #tpu.memory_space<hbm>>) dst(%arg10 : memref<2x80xi32, #tpu.memory_space<vmem>>)
        tpu.yield
      }) : () -> ()
      %dma_start3A = arith.constant 0 : i32
      %dma_start3A_25 = arith.constant 0 : i32
      %dma_start3A_26 = tpu.memref_slice %arg10[%dma_start3A, %dma_start3A_25] : memref<2x80xi32, #tpu.memory_space<vmem>> -> memref<1x80xi32, #tpu.memory_space<vmem>>
      %dma_start3A_27 = tpu.memref_squeeze %dma_start3A_26 : memref<1x80xi32, #tpu.memory_space<vmem>> -> memref<80xi32, #tpu.memory_space<vmem>>
      %dma_start3A_28 = arith.constant 0 : i32
      %dma_start3A_29 = arith.constant 0 : i32
      %dma_start3A_30 = tpu.memref_slice %arg2[%dma_start3A_28, %dma_start3A_29] : memref<10000x128xf32, #tpu.memory_space<hbm>> -> memref<10000x128xf32, #tpu.memory_space<hbm>>
      tpu.enqueue_indirect_dma source(%dma_start3A_30 : memref<10000x128xf32, #tpu.memory_space<hbm>>) target(%arg11 : memref<80x128xf32, #tpu.memory_space<vmem>>) offsets(%dma_start3A_27 : memref<80xi32, #tpu.memory_space<vmem>>) semaphore(%arg15 : memref<!tpu.dma_semaphore, #tpu.memory_space<semaphore_mem>>)
      %dma_start3A_31 = arith.constant 1 : i32
      %dma_start3A_32 = arith.constant 0 : i32
      %dma_start3A_33 = tpu.memref_slice %arg10[%dma_start3A_31, %dma_start3A_32] : memref<2x80xi32, #tpu.memory_space<vmem>> -> memref<1x80xi32, #tpu.memory_space<vmem>>
      %dma_start3A_34 = tpu.memref_squeeze %dma_start3A_33 : memref<1x80xi32, #tpu.memory_space<vmem>> -> memref<80xi32, #tpu.memory_space<vmem>>
      %dma_start3A_35 = arith.constant 0 : i32
      %dma_start3A_36 = arith.constant 0 : i32
      %dma_start3A_37 = tpu.memref_slice %arg3[%dma_start3A_35, %dma_start3A_36] : memref<10000x128xf32, #tpu.memory_space<hbm>> -> memref<10000x128xf32, #tpu.memory_space<hbm>>
      tpu.enqueue_indirect_dma source(%dma_start3A_37 : memref<10000x128xf32, #tpu.memory_space<hbm>>) target(%arg12 : memref<80x128xf32, #tpu.memory_space<vmem>>) offsets(%dma_start3A_34 : memref<80xi32, #tpu.memory_space<vmem>>) semaphore(%arg15 : memref<!tpu.dma_semaphore, #tpu.memory_space<semaphore_mem>>)
      %dma_start3A_38 = arith.constant 1 : i32
      %dma_start3A_39 = arith.constant 0 : i32
      %dma_start3A_40 = tpu.memref_slice %arg10[%dma_start3A_38, %dma_start3A_39] : memref<2x80xi32, #tpu.memory_space<vmem>> -> memref<1x80xi32, #tpu.memory_space<vmem>>
      %dma_start3A_41 = tpu.memref_squeeze %dma_start3A_40 : memref<1x80xi32, #tpu.memory_space<vmem>> -> memref<80xi32, #tpu.memory_space<vmem>>
      %dma_start3A_42 = arith.constant 0 : i32
      %dma_start3A_43 = arith.constant 0 : i32
      %dma_start3A_44 = tpu.memref_slice %arg4[%dma_start3A_42, %dma_start3A_43] : memref<10000x128xf32, #tpu.memory_space<hbm>> -> memref<10000x128xf32, #tpu.memory_space<hbm>>
      tpu.enqueue_indirect_dma source(%dma_start3A_44 : memref<10000x128xf32, #tpu.memory_space<hbm>>) target(%arg13 : memref<80x128xf32, #tpu.memory_space<vmem>>) offsets(%dma_start3A_41 : memref<80xi32, #tpu.memory_space<vmem>>) semaphore(%arg15 : memref<!tpu.dma_semaphore, #tpu.memory_space<semaphore_mem>>)
      %dma_wait3A = arith.constant 0 : i32
      %dma_wait3A_45 = arith.constant 0 : i32
      %dma_wait3A_46 = tpu.memref_slice %arg10[%dma_wait3A, %dma_wait3A_45] : memref<2x80xi32, #tpu.memory_space<vmem>> -> memref<1x80xi32, #tpu.memory_space<vmem>>
      %dma_wait3A_47 = tpu.memref_squeeze %dma_wait3A_46 : memref<1x80xi32, #tpu.memory_space<vmem>> -> memref<80xi32, #tpu.memory_space<vmem>>
      %dma_wait3A_48 = arith.constant 0 : i32
      %dma_wait3A_49 = arith.constant 0 : i32
      %dma_wait3A_50 = tpu.memref_slice %arg2[%dma_wait3A_48, %dma_wait3A_49] : memref<10000x128xf32, #tpu.memory_space<hbm>> -> memref<10000x128xf32, #tpu.memory_space<hbm>>
      tpu.wait_indirect_dma semaphore(%arg15 : memref<!tpu.dma_semaphore, #tpu.memory_space<semaphore_mem>>) src(%dma_wait3A_50 : memref<10000x128xf32, #tpu.memory_space<hbm>>) dst(%arg11 : memref<80x128xf32, #tpu.memory_space<vmem>>)
      %dma_wait3A_51 = arith.constant 1 : i32
      %dma_wait3A_52 = arith.constant 0 : i32
      %dma_wait3A_53 = tpu.memref_slice %arg10[%dma_wait3A_51, %dma_wait3A_52] : memref<2x80xi32, #tpu.memory_space<vmem>> -> memref<1x80xi32, #tpu.memory_space<vmem>>
      %dma_wait3A_54 = tpu.memref_squeeze %dma_wait3A_53 : memref<1x80xi32, #tpu.memory_space<vmem>> -> memref<80xi32, #tpu.memory_space<vmem>>
      %dma_wait3A_55 = arith.constant 0 : i32
      %dma_wait3A_56 = arith.constant 0 : i32
      %dma_wait3A_57 = tpu.memref_slice %arg3[%dma_wait3A_55, %dma_wait3A_56] : memref<10000x128xf32, #tpu.memory_space<hbm>> -> memref<10000x128xf32, #tpu.memory_space<hbm>>
      tpu.wait_indirect_dma semaphore(%arg15 : memref<!tpu.dma_semaphore, #tpu.memory_space<semaphore_mem>>) src(%dma_wait3A_57 : memref<10000x128xf32, #tpu.memory_space<hbm>>) dst(%arg12 : memref<80x128xf32, #tpu.memory_space<vmem>>)
      %dma_wait3A_58 = arith.constant 1 : i32
      %dma_wait3A_59 = arith.constant 0 : i32
      %dma_wait3A_60 = tpu.memref_slice %arg10[%dma_wait3A_58, %dma_wait3A_59] : memref<2x80xi32, #tpu.memory_space<vmem>> -> memref<1x80xi32, #tpu.memory_space<vmem>>
      %dma_wait3A_61 = tpu.memref_squeeze %dma_wait3A_60 : memref<1x80xi32, #tpu.memory_space<vmem>> -> memref<80xi32, #tpu.memory_space<vmem>>
      %dma_wait3A_62 = arith.constant 0 : i32
      %dma_wait3A_63 = arith.constant 0 : i32
      %dma_wait3A_64 = tpu.memref_slice %arg4[%dma_wait3A_62, %dma_wait3A_63] : memref<10000x128xf32, #tpu.memory_space<hbm>> -> memref<10000x128xf32, #tpu.memory_space<hbm>>
      tpu.wait_indirect_dma semaphore(%arg15 : memref<!tpu.dma_semaphore, #tpu.memory_space<semaphore_mem>>) src(%dma_wait3A_64 : memref<10000x128xf32, #tpu.memory_space<hbm>>) dst(%arg13 : memref<80x128xf32, #tpu.memory_space<vmem>>)
      %scan3A_65 = arith.constant 0 : i32
      %scan3A_66 = arith.constant 0 : i32
      %scan3A_67 = arith.constant 80 : i32
      %scan3A_68 = arith.addi %scan3A_66, %scan3A_67 : i32
      %scan3A_69 = arith.constant 1 : i32
      scf.for %scan3A_73 = %scan3A_66 to %scan3A_68 step %scan3A_69  : i32 {
        %get3A = arith.index_cast %scan3A_73 : i32 to index
        %get3A_74 = arith.constant 0 : index
        %get3A_75 = tpu.vector_load %arg11[%get3A, %get3A_74] {strides = array<i32>} : memref<80x128xf32, #tpu.memory_space<vmem>>, vector<1x16xf32>,
        %get3A_76 = vector.shape_cast %get3A_75 : vector<1x16xf32> to vector<16xf32>
        %get3A_77 = arith.index_cast %scan3A_73 : i32 to index
        %get3A_78 = arith.constant 0 : index
        %get3A_79 = tpu.vector_load %arg12[%get3A_77, %get3A_78] {strides = array<i32>} : memref<80x128xf32, #tpu.memory_space<vmem>>, vector<1x16xf32>,
        %get3A_80 = vector.shape_cast %get3A_79 : vector<1x16xf32> to vector<16xf32>
        %mul3A_81 = arith.mulf %get3A_76, %get3A_80 : vector<16xf32>
        %get3A_82 = arith.index_cast %scan3A_73 : i32 to index
        %get3A_83 = arith.constant 16 : index
        %get3A_84 = tpu.vector_load %arg11[%get3A_82, %get3A_83] {strides = array<i32>} : memref<80x128xf32, #tpu.memory_space<vmem>>, vector<1x16xf32>,
        %get3A_85 = vector.shape_cast %get3A_84 : vector<1x16xf32> to vector<16xf32>
        %get3A_86 = arith.index_cast %scan3A_73 : i32 to index
        %get3A_87 = arith.constant 16 : index
        %get3A_88 = tpu.vector_load %arg12[%get3A_86, %get3A_87] {strides = array<i32>} : memref<80x128xf32, #tpu.memory_space<vmem>>, vector<1x16xf32>,
        %get3A_89 = vector.shape_cast %get3A_88 : vector<1x16xf32> to vector<16xf32>
        %mul3A_90 = arith.mulf %get3A_85, %get3A_89 : vector<16xf32>
        %add3A_91 = arith.addf %mul3A_81, %mul3A_90 : vector<16xf32>
        %get3A_92 = arith.index_cast %scan3A_73 : i32 to index
        %get3A_93 = arith.constant 32 : index
        %get3A_94 = tpu.vector_load %arg11[%get3A_92, %get3A_93] {strides = array<i32>} : memref<80x128xf32, #tpu.memory_space<vmem>>, vector<1x16xf32>,
        %get3A_95 = vector.shape_cast %get3A_94 : vector<1x16xf32> to vector<16xf32>
        %get3A_96 = arith.index_cast %scan3A_73 : i32 to index
        %get3A_97 = arith.constant 32 : index
        %get3A_98 = tpu.vector_load %arg12[%get3A_96, %get3A_97] {strides = array<i32>} : memref<80x128xf32, #tpu.memory_space<vmem>>, vector<1x16xf32>,
        %get3A_99 = vector.shape_cast %get3A_98 : vector<1x16xf32> to vector<16xf32>
        %mul3A_100 = arith.mulf %get3A_95, %get3A_99 : vector<16xf32>
        %add3A_101 = arith.addf %add3A_91, %mul3A_100 : vector<16xf32>
        %get3A_102 = arith.index_cast %scan3A_73 : i32 to index
        %get3A_103 = arith.constant 48 : index
        %get3A_104 = tpu.vector_load %arg11[%get3A_102, %get3A_103] {strides = array<i32>} : memref<80x128xf32, #tpu.memory_space<vmem>>, vector<1x16xf32>,
        %get3A_105 = vector.shape_cast %get3A_104 : vector<1x16xf32> to vector<16xf32>
        %get3A_106 = arith.index_cast %scan3A_73 : i32 to index
        %get3A_107 = arith.constant 48 : index
        %get3A_108 = tpu.vector_load %arg12[%get3A_106, %get3A_107] {strides = array<i32>} : memref<80x128xf32, #tpu.memory_space<vmem>>, vector<1x16xf32>,
        %get3A_109 = vector.shape_cast %get3A_108 : vector<1x16xf32> to vector<16xf32>
        %mul3A_110 = arith.mulf %get3A_105, %get3A_109 : vector<16xf32>
        %add3A_111 = arith.addf %add3A_101, %mul3A_110 : vector<16xf32>
        %get3A_112 = arith.index_cast %scan3A_73 : i32 to index
        %get3A_113 = arith.constant 64 : index
        %get3A_114 = tpu.vector_load %arg11[%get3A_112, %get3A_113] {strides = array<i32>} : memref<80x128xf32, #tpu.memory_space<vmem>>, vector<1x16xf32>,
        %get3A_115 = vector.shape_cast %get3A_114 : vector<1x16xf32> to vector<16xf32>
        %get3A_116 = arith.index_cast %scan3A_73 : i32 to index
        %get3A_117 = arith.constant 64 : index
        %get3A_118 = tpu.vector_load %arg12[%get3A_116, %get3A_117] {strides = array<i32>} : memref<80x128xf32, #tpu.memory_space<vmem>>, vector<1x16xf32>,
        %get3A_119 = vector.shape_cast %get3A_118 : vector<1x16xf32> to vector<16xf32>
        %mul3A_120 = arith.mulf %get3A_115, %get3A_119 : vector<16xf32>
        %add3A_121 = arith.addf %add3A_111, %mul3A_120 : vector<16xf32>
        %get3A_122 = arith.index_cast %scan3A_73 : i32 to index
        %get3A_123 = arith.constant 80 : index
        %get3A_124 = tpu.vector_load %arg11[%get3A_122, %get3A_123] {strides = array<i32>} : memref<80x128xf32, #tpu.memory_space<vmem>>, vector<1x16xf32>,
        %get3A_125 = vector.shape_cast %get3A_124 : vector<1x16xf32> to vector<16xf32>
        %get3A_126 = arith.index_cast %scan3A_73 : i32 to index
        %get3A_127 = arith.constant 80 : index
        %get3A_128 = tpu.vector_load %arg12[%get3A_126, %get3A_127] {strides = array<i32>} : memref<80x128xf32, #tpu.memory_space<vmem>>, vector<1x16xf32>,
        %get3A_129 = vector.shape_cast %get3A_128 : vector<1x16xf32> to vector<16xf32>
        %mul3A_130 = arith.mulf %get3A_125, %get3A_129 : vector<16xf32>
        %add3A_131 = arith.addf %add3A_121, %mul3A_130 : vector<16xf32>
        %get3A_132 = arith.index_cast %scan3A_73 : i32 to index
        %get3A_133 = arith.constant 96 : index
        %get3A_134 = tpu.vector_load %arg11[%get3A_132, %get3A_133] {strides = array<i32>} : memref<80x128xf32, #tpu.memory_space<vmem>>, vector<1x16xf32>,
        %get3A_135 = vector.shape_cast %get3A_134 : vector<1x16xf32> to vector<16xf32>
        %get3A_136 = arith.index_cast %scan3A_73 : i32 to index
        %get3A_137 = arith.constant 96 : index
        %get3A_138 = tpu.vector_load %arg12[%get3A_136, %get3A_137] {strides = array<i32>} : memref<80x128xf32, #tpu.memory_space<vmem>>, vector<1x16xf32>,
        %get3A_139 = vector.shape_cast %get3A_138 : vector<1x16xf32> to vector<16xf32>
        %mul3A_140 = arith.mulf %get3A_135, %get3A_139 : vector<16xf32>
        %add3A_141 = arith.addf %add3A_131, %mul3A_140 : vector<16xf32>
        %get3A_142 = arith.index_cast %scan3A_73 : i32 to index
        %get3A_143 = arith.constant 112 : index
        %get3A_144 = tpu.vector_load %arg11[%get3A_142, %get3A_143] {strides = array<i32>} : memref<80x128xf32, #tpu.memory_space<vmem>>, vector<1x16xf32>,
        %get3A_145 = vector.shape_cast %get3A_144 : vector<1x16xf32> to vector<16xf32>
        %get3A_146 = arith.index_cast %scan3A_73 : i32 to index
        %get3A_147 = arith.constant 112 : index
        %get3A_148 = tpu.vector_load %arg12[%get3A_146, %get3A_147] {strides = array<i32>} : memref<80x128xf32, #tpu.memory_space<vmem>>, vector<1x16xf32>,
        %get3A_149 = vector.shape_cast %get3A_148 : vector<1x16xf32> to vector<16xf32>
        %mul3A_150 = arith.mulf %get3A_145, %get3A_149 : vector<16xf32>
        %add3A_151 = arith.addf %add3A_141, %mul3A_150 : vector<16xf32>
        %xor3A = arith.constant 8 : i32
        %xor3A_152 = vector.broadcast %xor3A : i32 to vector<16xi32>
        %xor3A_153 = arith.xori %iota3A, %xor3A_152 : vector<16xi32>
        %broadcast_in_dim3A = vector.shape_cast %xor3A_153 : vector<16xi32> to vector<16x1xi32>
        %gather3A = vector.shape_cast %broadcast_in_dim3A : vector<16x1xi32> to vector<16xi32>
        %gather3A_154 = tpu.dynamic_gather %add3A_151[%gather3A] in [0] : vector<16xf32>, vector<16xi32> -> vector<16xf32>
        %add3A_155 = arith.addf %add3A_151, %gather3A_154 : vector<16xf32>
        %xor3A_156 = arith.constant 4 : i32
        %xor3A_157 = vector.broadcast %xor3A_156 : i32 to vector<16xi32>
        %xor3A_158 = arith.xori %iota3A, %xor3A_157 : vector<16xi32>
        %broadcast_in_dim3A_159 = vector.shape_cast %xor3A_158 : vector<16xi32> to vector<16x1xi32>
        %gather3A_160 = vector.shape_cast %broadcast_in_dim3A_159 : vector<16x1xi32> to vector<16xi32>
        %gather3A_161 = tpu.dynamic_gather %add3A_155[%gather3A_160] in [0] : vector<16xf32>, vector<16xi32> -> vector<16xf32>
        %add3A_162 = arith.addf %add3A_155, %gather3A_161 : vector<16xf32>
        %xor3A_163 = arith.constant 2 : i32
        %xor3A_164 = vector.broadcast %xor3A_163 : i32 to vector<16xi32>
        %xor3A_165 = arith.xori %iota3A, %xor3A_164 : vector<16xi32>
        %broadcast_in_dim3A_166 = vector.shape_cast %xor3A_165 : vector<16xi32> to vector<16x1xi32>
        %gather3A_167 = vector.shape_cast %broadcast_in_dim3A_166 : vector<16x1xi32> to vector<16xi32>
        %gather3A_168 = tpu.dynamic_gather %add3A_162[%gather3A_167] in [0] : vector<16xf32>, vector<16xi32> -> vector<16xf32>
        %add3A_169 = arith.addf %add3A_162, %gather3A_168 : vector<16xf32>
        %xor3A_170 = arith.constant 1 : i32
        %xor3A_171 = vector.broadcast %xor3A_170 : i32 to vector<16xi32>
        %xor3A_172 = arith.xori %iota3A, %xor3A_171 : vector<16xi32>
        %broadcast_in_dim3A_173 = vector.shape_cast %xor3A_172 : vector<16xi32> to vector<16x1xi32>
        %gather3A_174 = vector.shape_cast %broadcast_in_dim3A_173 : vector<16x1xi32> to vector<16xi32>
        %gather3A_175 = tpu.dynamic_gather %add3A_169[%gather3A_174] in [0] : vector<16xf32>, vector<16xi32> -> vector<16xf32>
        %add3A_176 = arith.addf %add3A_169, %gather3A_175 : vector<16xf32>
        %mul3A_177 = arith.constant 0.0883883461 : f32
        %mul3A_178 = vector.broadcast %mul3A_177 : f32 to vector<16xf32>
        %mul3A_179 = arith.mulf %add3A_176, %mul3A_178 : vector<16xf32>
        %gt3A = arith.constant 0.000000e+00 : f32
        %gt3A_180 = vector.broadcast %gt3A : f32 to vector<16xf32>
        %gt3A_181 = arith.cmpf ogt, %mul3A_179, %gt3A_180 : vector<16xf32>
        %mul3A_182 = arith.constant 2.000000e-01 : f32
        %mul3A_183 = vector.broadcast %mul3A_182 : f32 to vector<16xf32>
        %mul3A_184 = arith.mulf %mul3A_183, %mul3A_179 : vector<16xf32>
        %select_n3A = arith.select %gt3A_181, %mul3A_179, %mul3A_184 : vector<16xi1>, vector<16xf32>
        %exp3A = math.exp %select_n3A : vector<16xf32>
        %get3A_185 = arith.index_cast %scan3A_73 : i32 to index
        %get3A_186 = arith.constant 0 : index
        %get3A_187 = tpu.vector_load %arg13[%get3A_185, %get3A_186] {strides = array<i32>} : memref<80x128xf32, #tpu.memory_space<vmem>>, vector<1x16xf32>,
        %get3A_188 = vector.shape_cast %get3A_187 : vector<1x16xf32> to vector<16xf32>
        %mul3A_189 = arith.mulf %get3A_188, %exp3A : vector<16xf32>
        %swap3A = arith.index_cast %scan3A_73 : i32 to index
        %swap3A_190 = arith.constant 0 : index
        %swap3A_191 = tpu.vector_load %arg13[%swap3A, %swap3A_190] {strides = array<i32>} : memref<80x128xf32, #tpu.memory_space<vmem>>, vector<1x16xf32>,
        %swap3A_192 = vector.shape_cast %swap3A_191 : vector<1x16xf32> to vector<16xf32>
        %swap3A_193 = vector.shape_cast %mul3A_189 : vector<16xf32> to vector<1x16xf32>
        tpu.vector_store %arg13[%swap3A, %swap3A_190], %swap3A_193 {strides = array<i32>} : memref<80x128xf32, #tpu.memory_space<vmem>>, vector<1x16xf32>,
        %get3A_194 = arith.index_cast %scan3A_73 : i32 to index
        %get3A_195 = arith.constant 16 : index
        %get3A_196 = tpu.vector_load %arg13[%get3A_194, %get3A_195] {strides = array<i32>} : memref<80x128xf32, #tpu.memory_space<vmem>>, vector<1x16xf32>,
        %get3A_197 = vector.shape_cast %get3A_196 : vector<1x16xf32> to vector<16xf32>
        %mul3A_198 = arith.mulf %get3A_197, %exp3A : vector<16xf32>
        %swap3A_199 = arith.index_cast %scan3A_73 : i32 to index
        %swap3A_200 = arith.constant 16 : index
        %swap3A_201 = tpu.vector_load %arg13[%swap3A_199, %swap3A_200] {strides = array<i32>} : memref<80x128xf32, #tpu.memory_space<vmem>>, vector<1x16xf32>,
        %swap3A_202 = vector.shape_cast %swap3A_201 : vector<1x16xf32> to vector<16xf32>
        %swap3A_203 = vector.shape_cast %mul3A_198 : vector<16xf32> to vector<1x16xf32>
        tpu.vector_store %arg13[%swap3A_199, %swap3A_200], %swap3A_203 {strides = array<i32>} : memref<80x128xf32, #tpu.memory_space<vmem>>, vector<1x16xf32>,
        %get3A_204 = arith.index_cast %scan3A_73 : i32 to index
        %get3A_205 = arith.constant 32 : index
        %get3A_206 = tpu.vector_load %arg13[%get3A_204, %get3A_205] {strides = array<i32>} : memref<80x128xf32, #tpu.memory_space<vmem>>, vector<1x16xf32>,
        %get3A_207 = vector.shape_cast %get3A_206 : vector<1x16xf32> to vector<16xf32>
        %mul3A_208 = arith.mulf %get3A_207, %exp3A : vector<16xf32>
        %swap3A_209 = arith.index_cast %scan3A_73 : i32 to index
        %swap3A_210 = arith.constant 32 : index
        %swap3A_211 = tpu.vector_load %arg13[%swap3A_209, %swap3A_210] {strides = array<i32>} : memref<80x128xf32, #tpu.memory_space<vmem>>, vector<1x16xf32>,
        %swap3A_212 = vector.shape_cast %swap3A_211 : vector<1x16xf32> to vector<16xf32>
        %swap3A_213 = vector.shape_cast %mul3A_208 : vector<16xf32> to vector<1x16xf32>
        tpu.vector_store %arg13[%swap3A_209, %swap3A_210], %swap3A_213 {strides = array<i32>} : memref<80x128xf32, #tpu.memory_space<vmem>>, vector<1x16xf32>,
        %get3A_214 = arith.index_cast %scan3A_73 : i32 to index
        %get3A_215 = arith.constant 48 : index
        %get3A_216 = tpu.vector_load %arg13[%get3A_214, %get3A_215] {strides = array<i32>} : memref<80x128xf32, #tpu.memory_space<vmem>>, vector<1x16xf32>,
        %get3A_217 = vector.shape_cast %get3A_216 : vector<1x16xf32> to vector<16xf32>
        %mul3A_218 = arith.mulf %get3A_217, %exp3A : vector<16xf32>
        %swap3A_219 = arith.index_cast %scan3A_73 : i32 to index
        %swap3A_220 = arith.constant 48 : index
        %swap3A_221 = tpu.vector_load %arg13[%swap3A_219, %swap3A_220] {strides = array<i32>} : memref<80x128xf32, #tpu.memory_space<vmem>>, vector<1x16xf32>,
        %swap3A_222 = vector.shape_cast %swap3A_221 : vector<1x16xf32> to vector<16xf32>
        %swap3A_223 = vector.shape_cast %mul3A_218 : vector<16xf32> to vector<1x16xf32>
        tpu.vector_store %arg13[%swap3A_219, %swap3A_220], %swap3A_223 {strides = array<i32>} : memref<80x128xf32, #tpu.memory_space<vmem>>, vector<1x16xf32>,
        %get3A_224 = arith.index_cast %scan3A_73 : i32 to index
        %get3A_225 = arith.constant 64 : index
        %get3A_226 = tpu.vector_load %arg13[%get3A_224, %get3A_225] {strides = array<i32>} : memref<80x128xf32, #tpu.memory_space<vmem>>, vector<1x16xf32>,
        %get3A_227 = vector.shape_cast %get3A_226 : vector<1x16xf32> to vector<16xf32>
        %mul3A_228 = arith.mulf %get3A_227, %exp3A : vector<16xf32>
        %swap3A_229 = arith.index_cast %scan3A_73 : i32 to index
        %swap3A_230 = arith.constant 64 : index
        %swap3A_231 = tpu.vector_load %arg13[%swap3A_229, %swap3A_230] {strides = array<i32>} : memref<80x128xf32, #tpu.memory_space<vmem>>, vector<1x16xf32>,
        %swap3A_232 = vector.shape_cast %swap3A_231 : vector<1x16xf32> to vector<16xf32>
        %swap3A_233 = vector.shape_cast %mul3A_228 : vector<16xf32> to vector<1x16xf32>
        tpu.vector_store %arg13[%swap3A_229, %swap3A_230], %swap3A_233 {strides = array<i32>} : memref<80x128xf32, #tpu.memory_space<vmem>>, vector<1x16xf32>,
        %get3A_234 = arith.index_cast %scan3A_73 : i32 to index
        %get3A_235 = arith.constant 80 : index
        %get3A_236 = tpu.vector_load %arg13[%get3A_234, %get3A_235] {strides = array<i32>} : memref<80x128xf32, #tpu.memory_space<vmem>>, vector<1x16xf32>,
        %get3A_237 = vector.shape_cast %get3A_236 : vector<1x16xf32> to vector<16xf32>
        %mul3A_238 = arith.mulf %get3A_237, %exp3A : vector<16xf32>
        %swap3A_239 = arith.index_cast %scan3A_73 : i32 to index
        %swap3A_240 = arith.constant 80 : index
        %swap3A_241 = tpu.vector_load %arg13[%swap3A_239, %swap3A_240] {strides = array<i32>} : memref<80x128xf32, #tpu.memory_space<vmem>>, vector<1x16xf32>,
        %swap3A_242 = vector.shape_cast %swap3A_241 : vector<1x16xf32> to vector<16xf32>
        %swap3A_243 = vector.shape_cast %mul3A_238 : vector<16xf32> to vector<1x16xf32>
        tpu.vector_store %arg13[%swap3A_239, %swap3A_240], %swap3A_243 {strides = array<i32>} : memref<80x128xf32, #tpu.memory_space<vmem>>, vector<1x16xf32>,
        %get3A_244 = arith.index_cast %scan3A_73 : i32 to index
        %get3A_245 = arith.constant 96 : index
        %get3A_246 = tpu.vector_load %arg13[%get3A_244, %get3A_245] {strides = array<i32>} : memref<80x128xf32, #tpu.memory_space<vmem>>, vector<1x16xf32>,
        %get3A_247 = vector.shape_cast %get3A_246 : vector<1x16xf32> to vector<16xf32>
        %mul3A_248 = arith.mulf %get3A_247, %exp3A : vector<16xf32>
        %swap3A_249 = arith.index_cast %scan3A_73 : i32 to index
        %swap3A_250 = arith.constant 96 : index
        %swap3A_251 = tpu.vector_load %arg13[%swap3A_249, %swap3A_250] {strides = array<i32>} : memref<80x128xf32, #tpu.memory_space<vmem>>, vector<1x16xf32>,
        %swap3A_252 = vector.shape_cast %swap3A_251 : vector<1x16xf32> to vector<16xf32>
        %swap3A_253 = vector.shape_cast %mul3A_248 : vector<16xf32> to vector<1x16xf32>
        tpu.vector_store %arg13[%swap3A_249, %swap3A_250], %swap3A_253 {strides = array<i32>} : memref<80x128xf32, #tpu.memory_space<vmem>>, vector<1x16xf32>,
        %get3A_254 = arith.index_cast %scan3A_73 : i32 to index
        %get3A_255 = arith.constant 112 : index
        %get3A_256 = tpu.vector_load %arg13[%get3A_254, %get3A_255] {strides = array<i32>} : memref<80x128xf32, #tpu.memory_space<vmem>>, vector<1x16xf32>,
        %get3A_257 = vector.shape_cast %get3A_256 : vector<1x16xf32> to vector<16xf32>
        %mul3A_258 = arith.mulf %get3A_257, %exp3A : vector<16xf32>
        %swap3A_259 = arith.index_cast %scan3A_73 : i32 to index
        %swap3A_260 = arith.constant 112 : index
        %swap3A_261 = tpu.vector_load %arg13[%swap3A_259, %swap3A_260] {strides = array<i32>} : memref<80x128xf32, #tpu.memory_space<vmem>>, vector<1x16xf32>,
        %swap3A_262 = vector.shape_cast %swap3A_261 : vector<1x16xf32> to vector<16xf32>
        %swap3A_263 = vector.shape_cast %mul3A_258 : vector<16xf32> to vector<1x16xf32>
        tpu.vector_store %arg13[%swap3A_259, %swap3A_260], %swap3A_263 {strides = array<i32>} : memref<80x128xf32, #tpu.memory_space<vmem>>, vector<1x16xf32>,
        %swap3A_264 = arith.index_cast %scan3A_73 : i32 to index
        %swap3A_265 = arith.constant 0 : index
        %swap3A_266 = tpu.vector_load %arg14[%swap3A_264, %swap3A_265] {strides = array<i32>} : memref<80x128xf32, #tpu.memory_space<vmem>>, vector<1x16xf32>,
        %swap3A_267 = vector.shape_cast %swap3A_266 : vector<1x16xf32> to vector<16xf32>
        %swap3A_268 = vector.shape_cast %exp3A : vector<16xf32> to vector<1x16xf32>
        tpu.vector_store %arg14[%swap3A_264, %swap3A_265], %swap3A_268 {strides = array<i32>} : memref<80x128xf32, #tpu.memory_space<vmem>>, vector<1x16xf32>,
      }
      %scan3A_70 = arith.constant 80 : i32
      %run_scoped3A = arith.constant 0 : i32
      "tpu.region"() ({
        %run_scoped3A_73 = tpu.sem_alloc : memref<!tpu.dma_semaphore, #tpu.memory_space<semaphore_mem>>
        %dma_start3A_74 = arith.constant 0 : i32
        %dma_start3A_75 = tpu.memref_slice %arg10[%run_scoped3A, %dma_start3A_74] : memref<2x80xi32, #tpu.memory_space<vmem>> -> memref<1x80xi32, #tpu.memory_space<vmem>>
        %dma_start3A_76 = tpu.memref_squeeze %dma_start3A_75 : memref<1x80xi32, #tpu.memory_space<vmem>> -> memref<80xi32, #tpu.memory_space<vmem>>
        %dma_start3A_77 = arith.constant 0 : i32
        %dma_start3A_78 = arith.constant 0 : i32
        %dma_start3A_79 = tpu.memref_slice %arg9[%dma_start3A_77, %dma_start3A_78] : memref<10240x128xf32, #tpu.memory_space<vmem_shared>> -> memref<10240x128xf32, #tpu.memory_space<vmem_shared>>
        tpu.enqueue_indirect_dma source(%arg13 : memref<80x128xf32, #tpu.memory_space<vmem>>) target(%dma_start3A_79 : memref<10240x128xf32, #tpu.memory_space<vmem_shared>>) offsets(%dma_start3A_76 : memref<80xi32, #tpu.memory_space<vmem>>) semaphore(%run_scoped3A_73 : memref<!tpu.dma_semaphore, #tpu.memory_space<semaphore_mem>>) {add = true}
        %dma_wait3A_80 = arith.constant 0 : i32
        %dma_wait3A_81 = tpu.memref_slice %arg10[%run_scoped3A, %dma_wait3A_80] : memref<2x80xi32, #tpu.memory_space<vmem>> -> memref<1x80xi32, #tpu.memory_space<vmem>>
        %dma_wait3A_82 = tpu.memref_squeeze %dma_wait3A_81 : memref<1x80xi32, #tpu.memory_space<vmem>> -> memref<80xi32, #tpu.memory_space<vmem>>
        %dma_wait3A_83 = arith.constant 0 : i32
        %dma_wait3A_84 = arith.constant 0 : i32
        %dma_wait3A_85 = tpu.memref_slice %arg9[%dma_wait3A_83, %dma_wait3A_84] : memref<10240x128xf32, #tpu.memory_space<vmem_shared>> -> memref<10240x128xf32, #tpu.memory_space<vmem_shared>>
        tpu.wait_indirect_dma semaphore(%run_scoped3A_73 : memref<!tpu.dma_semaphore, #tpu.memory_space<semaphore_mem>>) src(%arg13 : memref<80x128xf32, #tpu.memory_space<vmem>>) dst(%dma_wait3A_85 : memref<10240x128xf32, #tpu.memory_space<vmem_shared>>)
        tpu.yield
      }) : () -> ()
      %mul3A_71 = arith.constant 80 : i32
      %mul3A_72 = arith.muli %add3A_24, %mul3A_71 : i32
      "tpu.region"() ({
        %run_scoped3A_73 = tpu.sem_alloc : memref<!tpu.dma_semaphore, #tpu.memory_space<semaphore_mem>>
        %dma_start3A_74 = arith.constant 0 : i32
        %dma_start3A_75 = tpu.memref_slice %arg8[%mul3A_72, %dma_start3A_74] : memref<320000x128xf32, #tpu.memory_space<hbm>> -> memref<80x128xf32, #tpu.memory_space<hbm>>
        %dma_start3A_76 = arith.constant 0 : i32
        %dma_start3A_77 = tpu.memref_slice %arg8[%mul3A_72, %dma_start3A_76] : memref<320000x128xf32, #tpu.memory_space<hbm>> -> memref<80x128xf32, #tpu.memory_space<hbm>>
        tpu.enqueue_dma source(%arg14 : memref<80x128xf32, #tpu.memory_space<vmem>>) target(%dma_start3A_77 : memref<80x128xf32, #tpu.memory_space<hbm>>) target_semaphore(%run_scoped3A_73 : memref<!tpu.dma_semaphore, #tpu.memory_space<semaphore_mem>>)
        %dma_wait3A_78 = arith.constant 0 : i32
        %dma_wait3A_79 = tpu.memref_slice %arg8[%mul3A_72, %dma_wait3A_78] : memref<320000x128xf32, #tpu.memory_space<hbm>> -> memref<80x128xf32, #tpu.memory_space<hbm>>
        %dma_wait3A_80 = arith.constant 0 : i32
        %dma_wait3A_81 = tpu.memref_slice %arg8[%mul3A_72, %dma_wait3A_80] : memref<320000x128xf32, #tpu.memory_space<hbm>> -> memref<80x128xf32, #tpu.memory_space<hbm>>
        tpu.wait_dma2 semaphore(%run_scoped3A_73 : memref<!tpu.dma_semaphore, #tpu.memory_space<semaphore_mem>>) src(%arg14 : memref<80x128xf32, #tpu.memory_space<vmem>>) dst(%dma_wait3A_81 : memref<80x128xf32, #tpu.memory_space<hbm>>)
        tpu.yield
      }) : () -> ()
    }
    %scan3A_11 = arith.constant 125 : i32
    %barrier3A_12 = arith.constant 0 : index
    tpu.barrier barrier_id(%barrier3A_12)
    %scan3A_13 = arith.constant 0 : i32
    %scan3A_14 = arith.constant 0 : i32
    %scan3A_15 = arith.constant 8 : i32
    %scan3A_16 = arith.addi %scan3A_14, %scan3A_15 : i32
    %scan3A_17 = arith.constant 1 : i32
    scf.for %scan3A_19 = %scan3A_14 to %scan3A_16 step %scan3A_17  : i32 {
      %mul3A_20 = arith.constant 80 : i32
      %mul3A_21 = arith.muli %scan3A_19, %mul3A_20 : i32
      %add3A = arith.addi %mul3A_0, %mul3A_21 : i32
      "tpu.region"() ({
        %run_scoped3A = tpu.sem_alloc : memref<!tpu.dma_semaphore, #tpu.memory_space<semaphore_mem>>
        %dma_start3A = arith.constant 0 : i32
        %dma_start3A_22 = tpu.memref_slice %arg9[%add3A, %dma_start3A] : memref<10240x128xf32, #tpu.memory_space<vmem_shared>> -> memref<80x128xf32, #tpu.memory_space<vmem_shared>>
        %dma_start3A_23 = arith.constant 0 : i32
        %dma_start3A_24 = tpu.memref_slice %arg9[%add3A, %dma_start3A_23] : memref<10240x128xf32, #tpu.memory_space<vmem_shared>> -> memref<80x128xf32, #tpu.memory_space<vmem_shared>>
        tpu.enqueue_dma source(%dma_start3A_24 : memref<80x128xf32, #tpu.memory_space<vmem_shared>>) target(%arg11 : memref<80x128xf32, #tpu.memory_space<vmem>>) target_semaphore(%run_scoped3A : memref<!tpu.dma_semaphore, #tpu.memory_space<semaphore_mem>>)
        %dma_wait3A = arith.constant 0 : i32
        %dma_wait3A_25 = tpu.memref_slice %arg9[%add3A, %dma_wait3A] : memref<10240x128xf32, #tpu.memory_space<vmem_shared>> -> memref<80x128xf32, #tpu.memory_space<vmem_shared>>
        %dma_wait3A_26 = arith.constant 0 : i32
        %dma_wait3A_27 = tpu.memref_slice %arg9[%add3A, %dma_wait3A_26] : memref<10240x128xf32, #tpu.memory_space<vmem_shared>> -> memref<80x128xf32, #tpu.memory_space<vmem_shared>>
        tpu.wait_dma2 semaphore(%run_scoped3A : memref<!tpu.dma_semaphore, #tpu.memory_space<semaphore_mem>>) src(%dma_wait3A_27 : memref<80x128xf32, #tpu.memory_space<vmem_shared>>) dst(%arg11 : memref<80x128xf32, #tpu.memory_space<vmem>>)
        tpu.yield
      }) : () -> ()
      "tpu.region"() ({
        %run_scoped3A = tpu.sem_alloc : memref<!tpu.dma_semaphore, #tpu.memory_space<semaphore_mem>>
        %dma_start3A = arith.constant 0 : i32
        %dma_start3A_22 = tpu.memref_slice %arg7[%arg0, %add3A, %dma_start3A] : memref<2x10240x128xf32, #tpu.memory_space<hbm>> -> memref<1x80x128xf32, #tpu.memory_space<hbm>>
        %dma_start3A_23 = tpu.memref_squeeze %dma_start3A_22 : memref<1x80x128xf32, #tpu.memory_space<hbm>> -> memref<80x128xf32, #tpu.memory_space<hbm>>
        %dma_start3A_24 = arith.constant 0 : i32
        %dma_start3A_25 = tpu.memref_slice %arg7[%arg0, %add3A, %dma_start3A_24] : memref<2x10240x128xf32, #tpu.memory_space<hbm>> -> memref<1x80x128xf32, #tpu.memory_space<hbm>>
        %dma_start3A_26 = tpu.memref_squeeze %dma_start3A_25 : memref<1x80x128xf32, #tpu.memory_space<hbm>> -> memref<80x128xf32, #tpu.memory_space<hbm>>
        tpu.enqueue_dma source(%arg11 : memref<80x128xf32, #tpu.memory_space<vmem>>) target(%dma_start3A_26 : memref<80x128xf32, #tpu.memory_space<hbm>>) target_semaphore(%run_scoped3A : memref<!tpu.dma_semaphore, #tpu.memory_space<semaphore_mem>>)
        %dma_wait3A = arith.constant 0 : i32
        %dma_wait3A_27 = tpu.memref_slice %arg7[%arg0, %add3A, %dma_wait3A] : memref<2x10240x128xf32, #tpu.memory_space<hbm>> -> memref<1x80x128xf32, #tpu.memory_space<hbm>>
        %dma_wait3A_28 = tpu.memref_squeeze %dma_wait3A_27 : memref<1x80x128xf32, #tpu.memory_space<hbm>> -> memref<80x128xf32, #tpu.memory_space<hbm>>
        %dma_wait3A_29 = arith.constant 0 : i32
        %dma_wait3A_30 = tpu.memref_slice %arg7[%arg0, %add3A, %dma_wait3A_29] : memref<2x10240x128xf32, #tpu.memory_space<hbm>> -> memref<1x80x128xf32, #tpu.memory_space<hbm>>
        %dma_wait3A_31 = tpu.memref_squeeze %dma_wait3A_30 : memref<1x80x128xf32, #tpu.memory_space<hbm>> -> memref<80x128xf32, #tpu.memory_space<hbm>>
        tpu.wait_dma2 semaphore(%run_scoped3A : memref<!tpu.dma_semaphore, #tpu.memory_space<semaphore_mem>>) src(%arg11 : memref<80x128xf32, #tpu.memory_space<vmem>>) dst(%dma_wait3A_31 : memref<80x128xf32, #tpu.memory_space<hbm>>)
        tpu.yield
      }) : () -> ()
    }
    %scan3A_18 = arith.constant 8 : i32
    return
  }
}

module attributes {stable_mosaic.version = 14 : i64} {
  func.func @body(%arg0: i32, %arg1: memref<2x1000x128xf32, #tpu.memory_space<vmem>>, %arg2: memref<2x1000x128xf32, #tpu.memory_space<vmem>>, %arg3: memref<2x1000x128xf32, #tpu.memory_space<vmem>>, %arg4: memref<128x256xf32, #tpu.memory_space<vmem>>, %arg5: memref<256xf32, #tpu.memory_space<vmem>>, %arg6: memref<1000x128xf32, #tpu.memory_space<vmem>>, %arg7: memref<1000x128xf32, #tpu.memory_space<vmem>>, %arg8: memref<1000x16xf32, #tpu.memory_space<vmem>>, %arg9: memref<1000x256xf32, #tpu.memory_space<vmem>>, %arg10: memref<1x16x256xf32, #tpu.memory_space<vmem>>) attributes {dimension_semantics = [#tpu.dimension_semantics<arbitrary>], iteration_bounds = array<i64: 10>, scalar_prefetch = 0 : i64, scratch_operands = 0 : i64, tpu.core_type = #tpu.core_type<tc>, window_params = [{transform_indices = @transform_0, window_bounds = array<i64: 2, 1000, 128>}, {transform_indices = @transform_1, window_bounds = array<i64: 2, 1000, 128>}, {transform_indices = @transform_2, window_bounds = array<i64: 2, 1000, 128>}, {pipeline_mode = #tpu.pipeline_mode<synchronous>, transform_indices = @transform_3, window_bounds = array<i64: 128, 256>}, {pipeline_mode = #tpu.pipeline_mode<synchronous>, transform_indices = @transform_4, window_bounds = array<i64: 256>}, {transform_indices = @transform_5, window_bounds = array<i64: 1000, 128>}, {transform_indices = @transform_6, window_bounds = array<i64: 1000, 128>}, {transform_indices = @transform_7, window_bounds = array<i64: 1000, 16>}, {transform_indices = @transform_8, window_bounds = array<i64: 1000, 256>}, {transform_indices = @transform_9, window_bounds = array<i64: 1, 16, 256>}]} {
    %get3A = arith.constant 0 : index
    %get3A_0 = arith.constant 0 : index
    %get3A_1 = arith.constant 0 : index
    %get3A_2 = vector.load %arg1[%get3A, %get3A_0, %get3A_1] : memref<2x1000x128xf32, #tpu.memory_space<vmem>>, vector<1x1000x128xf32>
    %get3A_3 = vector.shape_cast %get3A_2 : vector<1x1000x128xf32> to vector<1000x128xf32>
    %get3A_4 = arith.constant 1 : index
    %get3A_5 = arith.constant 0 : index
    %get3A_6 = arith.constant 0 : index
    %get3A_7 = vector.load %arg1[%get3A_4, %get3A_5, %get3A_6] : memref<2x1000x128xf32, #tpu.memory_space<vmem>>, vector<1x1000x128xf32>
    %get3A_8 = vector.shape_cast %get3A_7 : vector<1x1000x128xf32> to vector<1000x128xf32>
    %add3A = arith.addf %get3A_3, %get3A_8 : vector<1000x128xf32>
    %get3A_9 = arith.constant 0 : index
    %get3A_10 = arith.constant 0 : index
    %get3A_11 = arith.constant 0 : index
    %get3A_12 = vector.load %arg2[%get3A_9, %get3A_10, %get3A_11] : memref<2x1000x128xf32, #tpu.memory_space<vmem>>, vector<1x1000x128xf32>
    %get3A_13 = vector.shape_cast %get3A_12 : vector<1x1000x128xf32> to vector<1000x128xf32>
    %get3A_14 = arith.constant 1 : index
    %get3A_15 = arith.constant 0 : index
    %get3A_16 = arith.constant 0 : index
    %get3A_17 = vector.load %arg2[%get3A_14, %get3A_15, %get3A_16] : memref<2x1000x128xf32, #tpu.memory_space<vmem>>, vector<1x1000x128xf32>
    %get3A_18 = vector.shape_cast %get3A_17 : vector<1x1000x128xf32> to vector<1000x128xf32>
    %add3A_19 = arith.addf %get3A_13, %get3A_18 : vector<1000x128xf32>
    %swap3A = arith.constant 0 : index
    %swap3A_20 = arith.constant 0 : index
    %swap3A_21 = vector.load %arg6[%swap3A, %swap3A_20] : memref<1000x128xf32, #tpu.memory_space<vmem>>, vector<1000x128xf32>
    tpu.vector_store %arg6[%swap3A, %swap3A_20], %add3A {strides = array<i32>} : memref<1000x128xf32, #tpu.memory_space<vmem>>, vector<1000x128xf32>,
    %swap3A_22 = arith.constant 0 : index
    %swap3A_23 = arith.constant 0 : index
    %swap3A_24 = vector.load %arg7[%swap3A_22, %swap3A_23] : memref<1000x128xf32, #tpu.memory_space<vmem>>, vector<1000x128xf32>
    tpu.vector_store %arg7[%swap3A_22, %swap3A_23], %add3A_19 {strides = array<i32>} : memref<1000x128xf32, #tpu.memory_space<vmem>>, vector<1000x128xf32>,
    %get3A_25 = arith.constant 0 : index
    %get3A_26 = arith.constant 0 : index
    %get3A_27 = arith.constant 0 : index
    %get3A_28 = vector.load %arg3[%get3A_25, %get3A_26, %get3A_27] : memref<2x1000x128xf32, #tpu.memory_space<vmem>>, vector<1x1000x1xf32>
    %get3A_29 = vector.shape_cast %get3A_28 : vector<1x1000x1xf32> to vector<1000x1xf32>
    %get3A_30 = arith.constant 1 : index
    %get3A_31 = arith.constant 0 : index
    %get3A_32 = arith.constant 0 : index
    %get3A_33 = vector.load %arg3[%get3A_30, %get3A_31, %get3A_32] : memref<2x1000x128xf32, #tpu.memory_space<vmem>>, vector<1x1000x1xf32>
    %get3A_34 = vector.shape_cast %get3A_33 : vector<1x1000x1xf32> to vector<1000x1xf32>
    %add3A_35 = arith.addf %get3A_29, %get3A_34 : vector<1000x1xf32>
    %broadcast_in_dim3A = vector.shape_cast %add3A_35 : vector<1000x1xf32> to vector<1000x1xf32>
    %broadcast_in_dim3A_36 = vector.broadcast %broadcast_in_dim3A : vector<1000x1xf32> to vector<1000x16xf32>
    %swap3A_37 = arith.constant 0 : index
    %swap3A_38 = arith.constant 0 : index
    %swap3A_39 = vector.load %arg8[%swap3A_37, %swap3A_38] : memref<1000x16xf32, #tpu.memory_space<vmem>>, vector<1000x16xf32>
    tpu.vector_store %arg8[%swap3A_37, %swap3A_38], %broadcast_in_dim3A_36 {strides = array<i32>} : memref<1000x16xf32, #tpu.memory_space<vmem>>, vector<1000x16xf32>,
    %get3A_40 = arith.constant 0 : index
    %get3A_41 = arith.constant 0 : index
    %get3A_42 = vector.load %arg4[%get3A_40, %get3A_41] : memref<128x256xf32, #tpu.memory_space<vmem>>, vector<128x256xf32>
    %dot_general3A = arith.constant dense<0.000000e+00> : vector<1000x256xf32>
    %dot_general3A_43 = tpu.matmul %add3A, %get3A_42, %dot_general3A {dimension_numbers = #tpu.dot_dimension_numbers<[1], [0], [0], [1], [0, 0, 1, 1], [], []>, precision = #tpu.contract_precision<fp32>, transpose_lhs_hint = false} : vector<1000x128xf32>, vector<128x256xf32>, vector<1000x256xf32> -> vector<1000x256xf32>
    %get3A_44 = arith.constant 0 : index
    %get3A_45 = vector.load %arg5[%get3A_44] : memref<256xf32, #tpu.memory_space<vmem>>, vector<256xf32>
    %broadcast_in_dim3A_46 = vector.shape_cast %get3A_45 : vector<256xf32> to vector<1x256xf32>
    %mul3A = vector.broadcast %add3A_35 : vector<1000x1xf32> to vector<1000x256xf32>
    %mul3A_47 = vector.broadcast %broadcast_in_dim3A_46 : vector<1x256xf32> to vector<1000x256xf32>
    %mul3A_48 = arith.mulf %mul3A, %mul3A_47 : vector<1000x256xf32>
    %add3A_49 = arith.addf %dot_general3A_43, %mul3A_48 : vector<1000x256xf32>
    %swap3A_50 = arith.constant 0 : index
    %swap3A_51 = arith.constant 0 : index
    %swap3A_52 = vector.load %arg9[%swap3A_50, %swap3A_51] : memref<1000x256xf32, #tpu.memory_space<vmem>>, vector<1000x256xf32>
    tpu.vector_store %arg9[%swap3A_50, %swap3A_51], %add3A_49 {strides = array<i32>} : memref<1000x256xf32, #tpu.memory_space<vmem>>, vector<1000x256xf32>,
    %reduce_sum3A = arith.constant dense<0.000000e+00> : vector<256xf32>
    %reduce_sum3A_53 = vector.multi_reduction <add>, %add3A_49, %reduce_sum3A [0] : vector<1000x256xf32> to vector<256xf32>
    %mul3A_54 = arith.mulf %add3A_49, %add3A_49 : vector<1000x256xf32>
    %reduce_sum3A_55 = arith.constant dense<0.000000e+00> : vector<256xf32>
    %reduce_sum3A_56 = vector.multi_reduction <add>, %mul3A_54, %reduce_sum3A_55 [0] : vector<1000x256xf32> to vector<256xf32>
    %broadcast_in_dim3A_57 = arith.constant 0.000000e+00 : f32
    %broadcast_in_dim3A_58 = vector.broadcast %broadcast_in_dim3A_57 : f32 to vector<14x256xf32>
    %broadcast_in_dim3A_59 = vector.shape_cast %reduce_sum3A_53 : vector<256xf32> to vector<1x256xf32>
    %broadcast_in_dim3A_60 = vector.shape_cast %reduce_sum3A_56 : vector<256xf32> to vector<1x256xf32>
    %concatenate3A = tpu.concatenate %broadcast_in_dim3A_59, %broadcast_in_dim3A_60, %broadcast_in_dim3A_58 in 0 : vector<1x256xf32>, vector<1x256xf32>, vector<14x256xf32> -> vector<16x256xf32>
    %broadcast_in_dim3A_61 = vector.shape_cast %concatenate3A : vector<16x256xf32> to vector<1x16x256xf32>
    %swap3A_62 = arith.constant 0 : index
    %swap3A_63 = arith.constant 0 : index
    %swap3A_64 = arith.constant 0 : index
    %swap3A_65 = vector.load %arg10[%swap3A_62, %swap3A_63, %swap3A_64] : memref<1x16x256xf32, #tpu.memory_space<vmem>>, vector<1x16x256xf32>
    tpu.vector_store %arg10[%swap3A_62, %swap3A_63, %swap3A_64], %broadcast_in_dim3A_61 {strides = array<i32>} : memref<1x16x256xf32, #tpu.memory_space<vmem>>, vector<1x16x256xf32>,
    return
  }
  func.func @transform_0(%arg0: i32) -> (i32, i32, i32) {
    %c0_i32 = arith.constant 0 : i32
    %c0_i32_0 = arith.constant 0 : i32
    %c0_i32_1 = arith.constant 0 : i32
    return %c0_i32, %arg0, %c0_i32_0 : i32, i32, i32
  }
  func.func @transform_1(%arg0: i32) -> (i32, i32, i32) {
    %c0_i32 = arith.constant 0 : i32
    %c0_i32_0 = arith.constant 0 : i32
    %c0_i32_1 = arith.constant 0 : i32
    return %c0_i32, %arg0, %c0_i32_0 : i32, i32, i32
  }
  func.func @transform_2(%arg0: i32) -> (i32, i32, i32) {
    %c0_i32 = arith.constant 0 : i32
    %c0_i32_0 = arith.constant 0 : i32
    %c0_i32_1 = arith.constant 0 : i32
    return %c0_i32, %arg0, %c0_i32_0 : i32, i32, i32
  }
  func.func @transform_3(%arg0: i32) -> (i32, i32) {
    %c0_i32 = arith.constant 0 : i32
    %c0_i32_0 = arith.constant 0 : i32
    %c0_i32_1 = arith.constant 0 : i32
    return %c0_i32, %c0_i32_0 : i32, i32
  }
  func.func @transform_4(%arg0: i32) -> i32 {
    %c0_i32 = arith.constant 0 : i32
    %c0_i32_0 = arith.constant 0 : i32
    return %c0_i32 : i32
  }
  func.func @transform_5(%arg0: i32) -> (i32, i32) {
    %c0_i32 = arith.constant 0 : i32
    %c0_i32_0 = arith.constant 0 : i32
    return %arg0, %c0_i32 : i32, i32
  }
  func.func @transform_6(%arg0: i32) -> (i32, i32) {
    %c0_i32 = arith.constant 0 : i32
    %c0_i32_0 = arith.constant 0 : i32
    return %arg0, %c0_i32 : i32, i32
  }
  func.func @transform_7(%arg0: i32) -> (i32, i32) {
    %c0_i32 = arith.constant 0 : i32
    %c0_i32_0 = arith.constant 0 : i32
    return %arg0, %c0_i32 : i32, i32
  }
  func.func @transform_8(%arg0: i32) -> (i32, i32) {
    %c0_i32 = arith.constant 0 : i32
    %c0_i32_0 = arith.constant 0 : i32
    return %arg0, %c0_i32 : i32, i32
  }
  func.func @transform_9(%arg0: i32) -> (i32, i32, i32) {
    %c0_i32 = arith.constant 0 : i32
    %c0_i32_0 = arith.constant 0 : i32
    %c0_i32_1 = arith.constant 0 : i32
    return %arg0, %c0_i32, %c0_i32_0 : i32, i32, i32
  }
}

module attributes {stable_mosaic.version = 14 : i64} {
  func.func @body(%arg0: memref<10x16x256xf32, #tpu.memory_space<vmem>>, %arg1: memref<16x256xf32, #tpu.memory_space<vmem>>) attributes {dimension_semantics = [], scalar_prefetch = 0 : i64, scratch_operands = 0 : i64, tpu.core_type = #tpu.core_type<tc>} {
    %get3A = arith.constant 0 : index
    %get3A_0 = arith.constant 0 : index
    %get3A_1 = arith.constant 0 : index
    %get3A_2 = vector.load %arg0[%get3A, %get3A_0, %get3A_1] : memref<10x16x256xf32, #tpu.memory_space<vmem>>, vector<10x1x256xf32>
    %get3A_3 = vector.shape_cast %get3A_2 : vector<10x1x256xf32> to vector<10x256xf32>
    %reduce_sum3A = arith.constant dense<0.000000e+00> : vector<256xf32>
    %reduce_sum3A_4 = vector.multi_reduction <add>, %get3A_3, %reduce_sum3A [0] : vector<10x256xf32> to vector<256xf32>
    %get3A_5 = arith.constant 0 : index
    %get3A_6 = arith.constant 1 : index
    %get3A_7 = arith.constant 0 : index
    %get3A_8 = vector.load %arg0[%get3A_5, %get3A_6, %get3A_7] : memref<10x16x256xf32, #tpu.memory_space<vmem>>, vector<10x1x256xf32>
    %get3A_9 = vector.shape_cast %get3A_8 : vector<10x1x256xf32> to vector<10x256xf32>
    %reduce_sum3A_10 = arith.constant dense<0.000000e+00> : vector<256xf32>
    %reduce_sum3A_11 = vector.multi_reduction <add>, %get3A_9, %reduce_sum3A_10 [0] : vector<10x256xf32> to vector<256xf32>
    %div3A = arith.constant 1.000000e+04 : f32
    %div3A_12 = vector.broadcast %div3A : f32 to vector<256xf32>
    %div3A_13 = arith.divf %reduce_sum3A_4, %div3A_12 : vector<256xf32>
    %div3A_14 = arith.constant 1.000000e+04 : f32
    %div3A_15 = vector.broadcast %div3A_14 : f32 to vector<256xf32>
    %div3A_16 = arith.divf %reduce_sum3A_11, %div3A_15 : vector<256xf32>
    %mul3A = arith.mulf %div3A_13, %div3A_13 : vector<256xf32>
    %sub3A = arith.subf %div3A_16, %mul3A : vector<256xf32>
    %broadcast_in_dim3A = arith.constant 0.000000e+00 : f32
    %broadcast_in_dim3A_17 = vector.broadcast %broadcast_in_dim3A : f32 to vector<14x256xf32>
    %broadcast_in_dim3A_18 = vector.shape_cast %div3A_13 : vector<256xf32> to vector<1x256xf32>
    %broadcast_in_dim3A_19 = vector.shape_cast %sub3A : vector<256xf32> to vector<1x256xf32>
    %concatenate3A = tpu.concatenate %broadcast_in_dim3A_18, %broadcast_in_dim3A_19, %broadcast_in_dim3A_17 in 0 : vector<1x256xf32>, vector<1x256xf32>, vector<14x256xf32> -> vector<16x256xf32>
    %swap3A = arith.constant 0 : index
    %swap3A_20 = arith.constant 0 : index
    %swap3A_21 = vector.load %arg1[%swap3A, %swap3A_20] : memref<16x256xf32, #tpu.memory_space<vmem>>, vector<16x256xf32>
    tpu.vector_store %arg1[%swap3A, %swap3A_20], %concatenate3A {strides = array<i32>} : memref<16x256xf32, #tpu.memory_space<vmem>>, vector<16x256xf32>,
    return
  }
}

module attributes {stable_mosaic.version = 14 : i64} {
  func.func @body(%arg0: i32, %arg1: memref<1000x256xf32, #tpu.memory_space<vmem>>, %arg2: memref<16x256xf32, #tpu.memory_space<vmem>>, %arg3: memref<1000x128xf32, #tpu.memory_space<vmem>>, %arg4: memref<1000x128xf32, #tpu.memory_space<vmem>>, %arg5: memref<1000x128xf32, #tpu.memory_space<vmem>>, %arg6: memref<1000x16xf32, #tpu.memory_space<vmem>>, %arg7: memref<256xf32, #tpu.memory_space<vmem>>, %arg8: memref<256xf32, #tpu.memory_space<vmem>>, %arg9: memref<385x128xf32, #tpu.memory_space<vmem>>, %arg10: memref<128xf32, #tpu.memory_space<vmem>>, %arg11: memref<128xf32, #tpu.memory_space<vmem>>, %arg12: memref<128xf32, #tpu.memory_space<vmem>>, %arg13: memref<128x2xf32, #tpu.memory_space<vmem>>, %arg14: memref<2xf32, #tpu.memory_space<vmem>>, %arg15: memref<128x128xf32, #tpu.memory_space<vmem>>, %arg16: memref<128xf32, #tpu.memory_space<vmem>>, %arg17: memref<1000x128xf32, #tpu.memory_space<vmem>>, %arg18: memref<1000x128xf32, #tpu.memory_space<vmem>>, %arg19: memref<1000x2xf32, #tpu.memory_space<vmem>>, %arg20: memref<1000x128xf32, #tpu.memory_space<vmem>>) attributes {dimension_semantics = [#tpu.dimension_semantics<arbitrary>], iteration_bounds = array<i64: 10>, scalar_prefetch = 0 : i64, scratch_operands = 0 : i64, tpu.core_type = #tpu.core_type<tc>, window_params = [{transform_indices = @transform_0, window_bounds = array<i64: 1000, 256>}, {pipeline_mode = #tpu.pipeline_mode<synchronous>, transform_indices = @transform_1, window_bounds = array<i64: 16, 256>}, {transform_indices = @transform_2, window_bounds = array<i64: 1000, 128>}, {transform_indices = @transform_3, window_bounds = array<i64: 1000, 128>}, {transform_indices = @transform_4, window_bounds = array<i64: 1000, 128>}, {transform_indices = @transform_5, window_bounds = array<i64: 1000, 16>}, {pipeline_mode = #tpu.pipeline_mode<synchronous>, transform_indices = @transform_6, window_bounds = array<i64: 256>}, {pipeline_mode = #tpu.pipeline_mode<synchronous>, transform_indices = @transform_7, window_bounds = array<i64: 256>}, {pipeline_mode = #tpu.pipeline_mode<synchronous>, transform_indices = @transform_8, window_bounds = array<i64: 385, 128>}, {pipeline_mode = #tpu.pipeline_mode<synchronous>, transform_indices = @transform_9, window_bounds = array<i64: 128>}, {pipeline_mode = #tpu.pipeline_mode<synchronous>, transform_indices = @transform_10, window_bounds = array<i64: 128>}, {pipeline_mode = #tpu.pipeline_mode<synchronous>, transform_indices = @transform_11, window_bounds = array<i64: 128>}, {pipeline_mode = #tpu.pipeline_mode<synchronous>, transform_indices = @transform_12, window_bounds = array<i64: 128, 2>}, {pipeline_mode = #tpu.pipeline_mode<synchronous>, transform_indices = @transform_13, window_bounds = array<i64: 2>}, {pipeline_mode = #tpu.pipeline_mode<synchronous>, transform_indices = @transform_14, window_bounds = array<i64: 128, 128>}, {pipeline_mode = #tpu.pipeline_mode<synchronous>, transform_indices = @transform_15, window_bounds = array<i64: 128>}, {transform_indices = @transform_16, window_bounds = array<i64: 1000, 128>}, {transform_indices = @transform_17, window_bounds = array<i64: 1000, 128>}, {transform_indices = @transform_18, window_bounds = array<i64: 1000, 2>}, {transform_indices = @transform_19, window_bounds = array<i64: 1000, 128>}]} {
    %get3A = arith.constant 0 : index
    %get3A_0 = arith.constant 0 : index
    %get3A_1 = vector.load %arg1[%get3A, %get3A_0] : memref<1000x256xf32, #tpu.memory_space<vmem>>, vector<1000x256xf32>
    %get3A_2 = arith.constant 0 : index
    %get3A_3 = arith.constant 0 : index
    %get3A_4 = vector.load %arg2[%get3A_2, %get3A_3] : memref<16x256xf32, #tpu.memory_space<vmem>>, vector<1x256xf32>
    %get3A_5 = vector.shape_cast %get3A_4 : vector<1x256xf32> to vector<256xf32>
    %get3A_6 = arith.constant 1 : index
    %get3A_7 = arith.constant 0 : index
    %get3A_8 = vector.load %arg2[%get3A_6, %get3A_7] : memref<16x256xf32, #tpu.memory_space<vmem>>, vector<1x256xf32>
    %get3A_9 = vector.shape_cast %get3A_8 : vector<1x256xf32> to vector<256xf32>
    %broadcast_in_dim3A = vector.shape_cast %get3A_5 : vector<256xf32> to vector<1x256xf32>
    %sub3A = vector.broadcast %broadcast_in_dim3A : vector<1x256xf32> to vector<1000x256xf32>
    %sub3A_10 = arith.subf %get3A_1, %sub3A : vector<1000x256xf32>
    %add3A = arith.constant 9.99999974E-6 : f32
    %add3A_11 = vector.broadcast %add3A : f32 to vector<256xf32>
    %add3A_12 = arith.addf %get3A_9, %add3A_11 : vector<256xf32>
    %sqrt3A = math.sqrt %add3A_12 : vector<256xf32>
    %broadcast_in_dim3A_13 = vector.shape_cast %sqrt3A : vector<256xf32> to vector<1x256xf32>
    %div3A = vector.broadcast %broadcast_in_dim3A_13 : vector<1x256xf32> to vector<1000x256xf32>
    %div3A_14 = arith.divf %sub3A_10, %div3A : vector<1000x256xf32>
    %get3A_15 = arith.constant 0 : index
    %get3A_16 = vector.load %arg7[%get3A_15] : memref<256xf32, #tpu.memory_space<vmem>>, vector<256xf32>
    %broadcast_in_dim3A_17 = vector.shape_cast %get3A_16 : vector<256xf32> to vector<1x256xf32>
    %mul3A = vector.broadcast %broadcast_in_dim3A_17 : vector<1x256xf32> to vector<1000x256xf32>
    %mul3A_18 = arith.mulf %div3A_14, %mul3A : vector<1000x256xf32>
    %get3A_19 = arith.constant 0 : index
    %get3A_20 = vector.load %arg8[%get3A_19] : memref<256xf32, #tpu.memory_space<vmem>>, vector<256xf32>
    %broadcast_in_dim3A_21 = vector.shape_cast %get3A_20 : vector<256xf32> to vector<1x256xf32>
    %add3A_22 = vector.broadcast %broadcast_in_dim3A_21 : vector<1x256xf32> to vector<1000x256xf32>
    %add3A_23 = arith.addf %mul3A_18, %add3A_22 : vector<1000x256xf32>
    %max3A = arith.constant 0.000000e+00 : f32
    %max3A_24 = vector.broadcast %max3A : f32 to vector<1000x256xf32>
    %max3A_25 = arith.maximumf %add3A_23, %max3A_24 : vector<1000x256xf32>
    %slice3A = vector.extract_strided_slice %max3A_25 {offsets = [0, 0], sizes = [1000, 128], strides = [1, 1]} : vector<1000x256xf32> to vector<1000x128xf32>
    %swap3A = arith.constant 0 : index
    %swap3A_26 = arith.constant 0 : index
    %swap3A_27 = vector.load %arg17[%swap3A, %swap3A_26] : memref<1000x128xf32, #tpu.memory_space<vmem>>, vector<1000x128xf32>
    tpu.vector_store %arg17[%swap3A, %swap3A_26], %slice3A {strides = array<i32>} : memref<1000x128xf32, #tpu.memory_space<vmem>>, vector<1000x128xf32>,
    %slice3A_28 = vector.extract_strided_slice %max3A_25 {offsets = [0, 128], sizes = [1000, 128], strides = [1, 1]} : vector<1000x256xf32> to vector<1000x128xf32>
    %swap3A_29 = arith.constant 0 : index
    %swap3A_30 = arith.constant 0 : index
    %swap3A_31 = vector.load %arg18[%swap3A_29, %swap3A_30] : memref<1000x128xf32, #tpu.memory_space<vmem>>, vector<1000x128xf32>
    tpu.vector_store %arg18[%swap3A_29, %swap3A_30], %slice3A_28 {strides = array<i32>} : memref<1000x128xf32, #tpu.memory_space<vmem>>, vector<1000x128xf32>,
    %get3A_32 = arith.constant 0 : index
    %get3A_33 = arith.constant 0 : index
    %get3A_34 = vector.load %arg3[%get3A_32, %get3A_33] : memref<1000x128xf32, #tpu.memory_space<vmem>>, vector<1000x128xf32>
    %get3A_35 = arith.constant 0 : index
    %get3A_36 = arith.constant 0 : index
    %get3A_37 = vector.load %arg4[%get3A_35, %get3A_36] : memref<1000x128xf32, #tpu.memory_space<vmem>>, vector<1000x128xf32>
    %get3A_38 = arith.constant 0 : index
    %get3A_39 = arith.constant 0 : index
    %get3A_40 = vector.load %arg5[%get3A_38, %get3A_39] : memref<1000x128xf32, #tpu.memory_space<vmem>>, vector<1000x128xf32>
    %get3A_41 = arith.constant 0 : index
    %get3A_42 = arith.constant 0 : index
    %get3A_43 = vector.load %arg6[%get3A_41, %get3A_42] : memref<1000x16xf32, #tpu.memory_space<vmem>>, vector<1000x1xf32>
    %sub3A_44 = arith.subf %get3A_37, %get3A_34 : vector<1000x128xf32>
    %add3A_45 = arith.constant 9.99999993E-9 : f32
    %add3A_46 = vector.broadcast %add3A_45 : f32 to vector<1000x1xf32>
    %add3A_47 = arith.addf %get3A_43, %add3A_46 : vector<1000x1xf32>
    %div3A_48 = vector.broadcast %add3A_47 : vector<1000x1xf32> to vector<1000x128xf32>
    %div3A_49 = arith.divf %get3A_37, %div3A_48 : vector<1000x128xf32>
    %add3A_50 = arith.constant 9.99999993E-9 : f32
    %add3A_51 = vector.broadcast %add3A_50 : f32 to vector<1000x1xf32>
    %add3A_52 = arith.addf %get3A_43, %add3A_51 : vector<1000x1xf32>
    %div3A_53 = vector.broadcast %add3A_52 : vector<1000x1xf32> to vector<1000x128xf32>
    %div3A_54 = arith.divf %get3A_40, %div3A_53 : vector<1000x128xf32>
    %mul3A_55 = arith.mulf %div3A_49, %div3A_49 : vector<1000x128xf32>
    %sub3A_56 = arith.subf %div3A_54, %mul3A_55 : vector<1000x128xf32>
    %jit3A = arith.constant 0.000000e+00 : f32
    %max3A_57 = vector.broadcast %jit3A : f32 to vector<1000x128xf32>
    %max3A_58 = arith.maximumf %max3A_57, %sub3A_56 : vector<1000x128xf32>
    %sqrt3A_59 = math.sqrt %max3A_58 : vector<1000x128xf32>
    %get3A_60 = arith.constant 0 : index
    %get3A_61 = arith.constant 0 : index
    %get3A_62 = vector.load %arg9[%get3A_60, %get3A_61] : memref<385x128xf32, #tpu.memory_space<vmem>>, vector<385x128xf32>
    %slice3A_63 = vector.extract_strided_slice %get3A_62 {offsets = [0, 0], sizes = [128, 128], strides = [1, 1]} : vector<385x128xf32> to vector<128x128xf32>
    %dot_general3A = arith.constant dense<0.000000e+00> : vector<1000x128xf32>
    %dot_general3A_64 = tpu.matmul %get3A_34, %slice3A_63, %dot_general3A {dimension_numbers = #tpu.dot_dimension_numbers<[1], [0], [0], [1], [0, 0, 1, 1], [], []>, precision = #tpu.contract_precision<fp32>, transpose_lhs_hint = false} : vector<1000x128xf32>, vector<128x128xf32>, vector<1000x128xf32> -> vector<1000x128xf32>
    %slice3A_65 = vector.extract_strided_slice %get3A_62 {offsets = [128, 0], sizes = [128, 128], strides = [1, 1]} : vector<385x128xf32> to vector<128x128xf32>
    %dot_general3A_66 = arith.constant dense<0.000000e+00> : vector<1000x128xf32>
    %dot_general3A_67 = tpu.matmul %sub3A_44, %slice3A_65, %dot_general3A_66 {dimension_numbers = #tpu.dot_dimension_numbers<[1], [0], [0], [1], [0, 0, 1, 1], [], []>, precision = #tpu.contract_precision<fp32>, transpose_lhs_hint = false} : vector<1000x128xf32>, vector<128x128xf32>, vector<1000x128xf32> -> vector<1000x128xf32>
    %add3A_68 = arith.addf %dot_general3A_64, %dot_general3A_67 : vector<1000x128xf32>
    %slice3A_69 = vector.extract_strided_slice %get3A_62 {offsets = [256, 0], sizes = [128, 128], strides = [1, 1]} : vector<385x128xf32> to vector<128x128xf32>
    %dot_general3A_70 = arith.constant dense<0.000000e+00> : vector<1000x128xf32>
    %dot_general3A_71 = tpu.matmul %sqrt3A_59, %slice3A_69, %dot_general3A_70 {dimension_numbers = #tpu.dot_dimension_numbers<[1], [0], [0], [1], [0, 0, 1, 1], [], []>, precision = #tpu.contract_precision<fp32>, transpose_lhs_hint = false} : vector<1000x128xf32>, vector<128x128xf32>, vector<1000x128xf32> -> vector<1000x128xf32>
    %add3A_72 = arith.addf %add3A_68, %dot_general3A_71 : vector<1000x128xf32>
    %slice3A_73 = vector.extract_strided_slice %get3A_62 {offsets = [384, 0], sizes = [1, 128], strides = [1, 1]} : vector<385x128xf32> to vector<1x128xf32>
    %squeeze3A = vector.shape_cast %slice3A_73 : vector<1x128xf32> to vector<128xf32>
    %broadcast_in_dim3A_74 = vector.shape_cast %squeeze3A : vector<128xf32> to vector<1x128xf32>
    %mul3A_75 = vector.broadcast %get3A_43 : vector<1000x1xf32> to vector<1000x128xf32>
    %mul3A_76 = vector.broadcast %broadcast_in_dim3A_74 : vector<1x128xf32> to vector<1000x128xf32>
    %mul3A_77 = arith.mulf %mul3A_75, %mul3A_76 : vector<1000x128xf32>
    %add3A_78 = arith.addf %add3A_72, %mul3A_77 : vector<1000x128xf32>
    %get3A_79 = arith.constant 0 : index
    %get3A_80 = vector.load %arg10[%get3A_79] : memref<128xf32, #tpu.memory_space<vmem>>, vector<128xf32>
    %broadcast_in_dim3A_81 = vector.shape_cast %get3A_80 : vector<128xf32> to vector<1x128xf32>
    %add3A_82 = vector.broadcast %broadcast_in_dim3A_81 : vector<1x128xf32> to vector<1000x128xf32>
    %add3A_83 = arith.addf %add3A_78, %add3A_82 : vector<1000x128xf32>
    %reduce_sum3A = arith.constant dense<0.000000e+00> : vector<1000xf32>
    %reduce_sum3A_84 = vector.multi_reduction <add>, %add3A_83, %reduce_sum3A [1] : vector<1000x128xf32> to vector<1000xf32>
    %broadcast_in_dim3A_85 = vector.shape_cast %reduce_sum3A_84 : vector<1000xf32> to vector<1000x1xf32>
    %div3A_86 = arith.constant 1.280000e+02 : f32
    %div3A_87 = vector.broadcast %div3A_86 : f32 to vector<1000x1xf32>
    %div3A_88 = arith.divf %broadcast_in_dim3A_85, %div3A_87 : vector<1000x1xf32>
    %jit3A_89 = arith.constant 0 : i32
    %reduce_sum3A_90 = arith.constant dense<0.000000e+00> : vector<1000xf32>
    %reduce_sum3A_91 = vector.multi_reduction <add>, %add3A_83, %reduce_sum3A_90 [1] : vector<1000x128xf32> to vector<1000xf32>
    %broadcast_in_dim3A_92 = vector.shape_cast %reduce_sum3A_91 : vector<1000xf32> to vector<1000x1xf32>
    %div3A_93 = arith.constant 1.280000e+02 : f32
    %div3A_94 = vector.broadcast %div3A_93 : f32 to vector<1000x1xf32>
    %div3A_95 = arith.divf %broadcast_in_dim3A_92, %div3A_94 : vector<1000x1xf32>
    %sub3A_96 = vector.broadcast %div3A_95 : vector<1000x1xf32> to vector<1000x128xf32>
    %sub3A_97 = arith.subf %add3A_83, %sub3A_96 : vector<1000x128xf32>
    %square3A = arith.mulf %sub3A_97, %sub3A_97 : vector<1000x128xf32>
    %convert_element_type3A = arith.sitofp %jit3A_89 : i32 to f32
    %sub3A_98 = arith.constant 1.280000e+02 : f32
    %sub3A_99 = arith.subf %sub3A_98, %convert_element_type3A : f32
    %reduce_sum3A_100 = arith.constant dense<0.000000e+00> : vector<1000xf32>
    %reduce_sum3A_101 = vector.multi_reduction <add>, %square3A, %reduce_sum3A_100 [1] : vector<1000x128xf32> to vector<1000xf32>
    %broadcast_in_dim3A_102 = vector.shape_cast %reduce_sum3A_101 : vector<1000xf32> to vector<1000x1xf32>
    %div3A_103 = vector.broadcast %sub3A_99 : f32 to vector<1000x1xf32>
    %div3A_104 = arith.divf %broadcast_in_dim3A_102, %div3A_103 : vector<1000x1xf32>
    %gt3A = arith.constant 0.000000e+00 : f32
    %gt3A_105 = arith.cmpf ogt, %sub3A_99, %gt3A : f32
    %jit3A_106 = arith.constant 0x7FC00000 : f32
    %broadcast_in_dim3A_107 = vector.broadcast %jit3A_106 : f32 to vector<1000x1xf32>
    %select_n3A = arith.select %gt3A_105, %div3A_104, %broadcast_in_dim3A_107 : vector<1000x1xf32>
    %sub3A_108 = vector.broadcast %div3A_88 : vector<1000x1xf32> to vector<1000x128xf32>
    %sub3A_109 = arith.subf %add3A_83, %sub3A_108 : vector<1000x128xf32>
    %add3A_110 = arith.constant 9.99999974E-6 : f32
    %add3A_111 = vector.broadcast %add3A_110 : f32 to vector<1000x1xf32>
    %add3A_112 = arith.addf %select_n3A, %add3A_111 : vector<1000x1xf32>
    %sqrt3A_113 = math.sqrt %add3A_112 : vector<1000x1xf32>
    %div3A_114 = vector.broadcast %sqrt3A_113 : vector<1000x1xf32> to vector<1000x128xf32>
    %div3A_115 = arith.divf %sub3A_109, %div3A_114 : vector<1000x128xf32>
    %get3A_116 = arith.constant 0 : index
    %get3A_117 = vector.load %arg11[%get3A_116] : memref<128xf32, #tpu.memory_space<vmem>>, vector<128xf32>
    %broadcast_in_dim3A_118 = vector.shape_cast %get3A_117 : vector<128xf32> to vector<1x128xf32>
    %mul3A_119 = vector.broadcast %broadcast_in_dim3A_118 : vector<1x128xf32> to vector<1000x128xf32>
    %mul3A_120 = arith.mulf %div3A_115, %mul3A_119 : vector<1000x128xf32>
    %get3A_121 = arith.constant 0 : index
    %get3A_122 = vector.load %arg12[%get3A_121] : memref<128xf32, #tpu.memory_space<vmem>>, vector<128xf32>
    %broadcast_in_dim3A_123 = vector.shape_cast %get3A_122 : vector<128xf32> to vector<1x128xf32>
    %add3A_124 = vector.broadcast %broadcast_in_dim3A_123 : vector<1x128xf32> to vector<1000x128xf32>
    %add3A_125 = arith.addf %mul3A_120, %add3A_124 : vector<1000x128xf32>
    %max3A_126 = arith.constant 0.000000e+00 : f32
    %max3A_127 = vector.broadcast %max3A_126 : f32 to vector<1000x128xf32>
    %max3A_128 = arith.maximumf %add3A_125, %max3A_127 : vector<1000x128xf32>
    %get3A_129 = arith.constant 0 : index
    %get3A_130 = arith.constant 0 : index
    %get3A_131 = vector.load %arg13[%get3A_129, %get3A_130] : memref<128x2xf32, #tpu.memory_space<vmem>>, vector<128x2xf32>
    %dot_general3A_132 = arith.constant dense<0.000000e+00> : vector<1000x2xf32>
    %dot_general3A_133 = tpu.matmul %max3A_128, %get3A_131, %dot_general3A_132 {dimension_numbers = #tpu.dot_dimension_numbers<[1], [0], [0], [1], [0, 0, 1, 1], [], []>, precision = #tpu.contract_precision<fp32>, transpose_lhs_hint = false} : vector<1000x128xf32>, vector<128x2xf32>, vector<1000x2xf32> -> vector<1000x2xf32>
    %get3A_134 = arith.constant 0 : index
    %get3A_135 = vector.load %arg14[%get3A_134] : memref<2xf32, #tpu.memory_space<vmem>>, vector<2xf32>
    %broadcast_in_dim3A_136 = vector.shape_cast %get3A_135 : vector<2xf32> to vector<1x2xf32>
    %add3A_137 = vector.broadcast %broadcast_in_dim3A_136 : vector<1x2xf32> to vector<1000x2xf32>
    %add3A_138 = arith.addf %dot_general3A_133, %add3A_137 : vector<1000x2xf32>
    %mul3A_139 = arith.constant 5.000000e-01 : f32
    %mul3A_140 = vector.broadcast %mul3A_139 : f32 to vector<1000x2xf32>
    %mul3A_141 = arith.mulf %add3A_138, %mul3A_140 : vector<1000x2xf32>
    %reduce_max3A = arith.constant dense<0xFF800000> : vector<1000xf32>
    %reduce_max3A_142 = vector.multi_reduction <maximumf>, %mul3A_141, %reduce_max3A [1] : vector<1000x2xf32> to vector<1000xf32>
    %max3A_143 = arith.constant 0xFF800000 : f32
    %max3A_144 = vector.broadcast %max3A_143 : f32 to vector<1000xf32>
    %max3A_145 = arith.maximumf %max3A_144, %reduce_max3A_142 : vector<1000xf32>
    %broadcast_in_dim3A_146 = vector.shape_cast %max3A_145 : vector<1000xf32> to vector<1000x1xf32>
    %sub3A_147 = vector.broadcast %broadcast_in_dim3A_146 : vector<1000x1xf32> to vector<1000x2xf32>
    %sub3A_148 = arith.subf %mul3A_141, %sub3A_147 : vector<1000x2xf32>
    %exp3A = math.exp %sub3A_148 : vector<1000x2xf32>
    %reduce_sum3A_149 = arith.constant dense<0.000000e+00> : vector<1000xf32>
    %reduce_sum3A_150 = vector.multi_reduction <add>, %exp3A, %reduce_sum3A_149 [1] : vector<1000x2xf32> to vector<1000xf32>
    %broadcast_in_dim3A_151 = vector.shape_cast %reduce_sum3A_150 : vector<1000xf32> to vector<1000x1xf32>
    %div3A_152 = vector.broadcast %broadcast_in_dim3A_151 : vector<1000x1xf32> to vector<1000x2xf32>
    %div3A_153 = arith.divf %exp3A, %div3A_152 : vector<1000x2xf32>
    %swap3A_154 = arith.constant 0 : index
    %swap3A_155 = arith.constant 0 : index
    %swap3A_156 = vector.load %arg19[%swap3A_154, %swap3A_155] : memref<1000x2xf32, #tpu.memory_space<vmem>>, vector<1000x2xf32>
    tpu.vector_store %arg19[%swap3A_154, %swap3A_155], %div3A_153 {strides = array<i32>} : memref<1000x2xf32, #tpu.memory_space<vmem>>, vector<1000x2xf32>,
    %get3A_157 = arith.constant 0 : index
    %get3A_158 = arith.constant 0 : index
    %get3A_159 = vector.load %arg15[%get3A_157, %get3A_158] : memref<128x128xf32, #tpu.memory_space<vmem>>, vector<128x128xf32>
    %dot_general3A_160 = arith.constant dense<0.000000e+00> : vector<1000x128xf32>
    %dot_general3A_161 = tpu.matmul %get3A_34, %get3A_159, %dot_general3A_160 {dimension_numbers = #tpu.dot_dimension_numbers<[1], [0], [0], [1], [0, 0, 1, 1], [], []>, precision = #tpu.contract_precision<fp32>, transpose_lhs_hint = false} : vector<1000x128xf32>, vector<128x128xf32>, vector<1000x128xf32> -> vector<1000x128xf32>
    %get3A_162 = arith.constant 0 : index
    %get3A_163 = vector.load %arg16[%get3A_162] : memref<128xf32, #tpu.memory_space<vmem>>, vector<128xf32>
    %broadcast_in_dim3A_164 = vector.shape_cast %get3A_163 : vector<128xf32> to vector<1x128xf32>
    %add3A_165 = vector.broadcast %broadcast_in_dim3A_164 : vector<1x128xf32> to vector<1000x128xf32>
    %add3A_166 = arith.addf %dot_general3A_161, %add3A_165 : vector<1000x128xf32>
    %swap3A_167 = arith.constant 0 : index
    %swap3A_168 = arith.constant 0 : index
    %swap3A_169 = vector.load %arg20[%swap3A_167, %swap3A_168] : memref<1000x128xf32, #tpu.memory_space<vmem>>, vector<1000x128xf32>
    tpu.vector_store %arg20[%swap3A_167, %swap3A_168], %add3A_166 {strides = array<i32>} : memref<1000x128xf32, #tpu.memory_space<vmem>>, vector<1000x128xf32>,
    return
  }
  func.func @transform_0(%arg0: i32) -> (i32, i32) {
    %c0_i32 = arith.constant 0 : i32
    %c0_i32_0 = arith.constant 0 : i32
    return %arg0, %c0_i32 : i32, i32
  }
  func.func @transform_1(%arg0: i32) -> (i32, i32) {
    %c0_i32 = arith.constant 0 : i32
    %c0_i32_0 = arith.constant 0 : i32
    %c0_i32_1 = arith.constant 0 : i32
    return %c0_i32, %c0_i32_0 : i32, i32
  }
  func.func @transform_2(%arg0: i32) -> (i32, i32) {
    %c0_i32 = arith.constant 0 : i32
    %c0_i32_0 = arith.constant 0 : i32
    return %arg0, %c0_i32 : i32, i32
  }
  func.func @transform_3(%arg0: i32) -> (i32, i32) {
    %c0_i32 = arith.constant 0 : i32
    %c0_i32_0 = arith.constant 0 : i32
    return %arg0, %c0_i32 : i32, i32
  }
  func.func @transform_4(%arg0: i32) -> (i32, i32) {
    %c0_i32 = arith.constant 0 : i32
    %c0_i32_0 = arith.constant 0 : i32
    return %arg0, %c0_i32 : i32, i32
  }
  func.func @transform_5(%arg0: i32) -> (i32, i32) {
    %c0_i32 = arith.constant 0 : i32
    %c0_i32_0 = arith.constant 0 : i32
    return %arg0, %c0_i32 : i32, i32
  }
  func.func @transform_6(%arg0: i32) -> i32 {
    %c0_i32 = arith.constant 0 : i32
    %c0_i32_0 = arith.constant 0 : i32
    return %c0_i32 : i32
  }
  func.func @transform_7(%arg0: i32) -> i32 {
    %c0_i32 = arith.constant 0 : i32
    %c0_i32_0 = arith.constant 0 : i32
    return %c0_i32 : i32
  }
  func.func @transform_8(%arg0: i32) -> (i32, i32) {
    %c0_i32 = arith.constant 0 : i32
    %c0_i32_0 = arith.constant 0 : i32
    %c0_i32_1 = arith.constant 0 : i32
    return %c0_i32, %c0_i32_0 : i32, i32
  }
  func.func @transform_9(%arg0: i32) -> i32 {
    %c0_i32 = arith.constant 0 : i32
    %c0_i32_0 = arith.constant 0 : i32
    return %c0_i32 : i32
  }
  func.func @transform_10(%arg0: i32) -> i32 {
    %c0_i32 = arith.constant 0 : i32
    %c0_i32_0 = arith.constant 0 : i32
    return %c0_i32 : i32
  }
  func.func @transform_11(%arg0: i32) -> i32 {
    %c0_i32 = arith.constant 0 : i32
    %c0_i32_0 = arith.constant 0 : i32
    return %c0_i32 : i32
  }
  func.func @transform_12(%arg0: i32) -> (i32, i32) {
    %c0_i32 = arith.constant 0 : i32
    %c0_i32_0 = arith.constant 0 : i32
    %c0_i32_1 = arith.constant 0 : i32
    return %c0_i32, %c0_i32_0 : i32, i32
  }
  func.func @transform_13(%arg0: i32) -> i32 {
    %c0_i32 = arith.constant 0 : i32
    %c0_i32_0 = arith.constant 0 : i32
    return %c0_i32 : i32
  }
  func.func @transform_14(%arg0: i32) -> (i32, i32) {
    %c0_i32 = arith.constant 0 : i32
    %c0_i32_0 = arith.constant 0 : i32
    %c0_i32_1 = arith.constant 0 : i32
    return %c0_i32, %c0_i32_0 : i32, i32
  }
  func.func @transform_15(%arg0: i32) -> i32 {
    %c0_i32 = arith.constant 0 : i32
    %c0_i32_0 = arith.constant 0 : i32
    return %c0_i32 : i32
  }
  func.func @transform_16(%arg0: i32) -> (i32, i32) {
    %c0_i32 = arith.constant 0 : i32
    %c0_i32_0 = arith.constant 0 : i32
    return %arg0, %c0_i32 : i32, i32
  }
  func.func @transform_17(%arg0: i32) -> (i32, i32) {
    %c0_i32 = arith.constant 0 : i32
    %c0_i32_0 = arith.constant 0 : i32
    return %arg0, %c0_i32 : i32, i32
  }
  func.func @transform_18(%arg0: i32) -> (i32, i32) {
    %c0_i32 = arith.constant 0 : i32
    %c0_i32_0 = arith.constant 0 : i32
    return %arg0, %c0_i32 : i32, i32
  }
  func.func @transform_19(%arg0: i32) -> (i32, i32) {
    %c0_i32 = arith.constant 0 : i32
    %c0_i32_0 = arith.constant 0 : i32
    return %arg0, %c0_i32 : i32, i32
  }
}

module attributes {stable_mosaic.version = 14 : i64} {
  func.func @body(%arg0: i32, %arg1: memref<2x1000x128xf32, #tpu.memory_space<vmem>>, %arg2: memref<2x1000x128xf32, #tpu.memory_space<vmem>>, %arg3: memref<1000x16xf32, #tpu.memory_space<vmem>>, %arg4: memref<256x128xf32, #tpu.memory_space<vmem>>, %arg5: memref<128xf32, #tpu.memory_space<vmem>>, %arg6: memref<1000x128xf32, #tpu.memory_space<vmem>>, %arg7: memref<1x16x128xf32, #tpu.memory_space<vmem>>) attributes {dimension_semantics = [#tpu.dimension_semantics<arbitrary>], iteration_bounds = array<i64: 10>, scalar_prefetch = 0 : i64, scratch_operands = 0 : i64, tpu.core_type = #tpu.core_type<tc>, window_params = [{transform_indices = @transform_0, window_bounds = array<i64: 2, 1000, 128>}, {transform_indices = @transform_1, window_bounds = array<i64: 2, 1000, 128>}, {transform_indices = @transform_2, window_bounds = array<i64: 1000, 16>}, {pipeline_mode = #tpu.pipeline_mode<synchronous>, transform_indices = @transform_3, window_bounds = array<i64: 256, 128>}, {pipeline_mode = #tpu.pipeline_mode<synchronous>, transform_indices = @transform_4, window_bounds = array<i64: 128>}, {transform_indices = @transform_5, window_bounds = array<i64: 1000, 128>}, {transform_indices = @transform_6, window_bounds = array<i64: 1, 16, 128>}]} {
    %get3A = arith.constant 0 : index
    %get3A_0 = arith.constant 0 : index
    %get3A_1 = arith.constant 0 : index
    %get3A_2 = vector.load %arg1[%get3A, %get3A_0, %get3A_1] : memref<2x1000x128xf32, #tpu.memory_space<vmem>>, vector<1x1000x128xf32>
    %get3A_3 = vector.shape_cast %get3A_2 : vector<1x1000x128xf32> to vector<1000x128xf32>
    %get3A_4 = arith.constant 1 : index
    %get3A_5 = arith.constant 0 : index
    %get3A_6 = arith.constant 0 : index
    %get3A_7 = vector.load %arg1[%get3A_4, %get3A_5, %get3A_6] : memref<2x1000x128xf32, #tpu.memory_space<vmem>>, vector<1x1000x128xf32>
    %get3A_8 = vector.shape_cast %get3A_7 : vector<1x1000x128xf32> to vector<1000x128xf32>
    %add3A = arith.addf %get3A_3, %get3A_8 : vector<1000x128xf32>
    %get3A_9 = arith.constant 0 : index
    %get3A_10 = arith.constant 0 : index
    %get3A_11 = arith.constant 0 : index
    %get3A_12 = vector.load %arg2[%get3A_9, %get3A_10, %get3A_11] : memref<2x1000x128xf32, #tpu.memory_space<vmem>>, vector<1x1000x128xf32>
    %get3A_13 = vector.shape_cast %get3A_12 : vector<1x1000x128xf32> to vector<1000x128xf32>
    %get3A_14 = arith.constant 1 : index
    %get3A_15 = arith.constant 0 : index
    %get3A_16 = arith.constant 0 : index
    %get3A_17 = vector.load %arg2[%get3A_14, %get3A_15, %get3A_16] : memref<2x1000x128xf32, #tpu.memory_space<vmem>>, vector<1x1000x128xf32>
    %get3A_18 = vector.shape_cast %get3A_17 : vector<1x1000x128xf32> to vector<1000x128xf32>
    %add3A_19 = arith.addf %get3A_13, %get3A_18 : vector<1000x128xf32>
    %get3A_20 = arith.constant 0 : index
    %get3A_21 = arith.constant 0 : index
    %get3A_22 = vector.load %arg3[%get3A_20, %get3A_21] : memref<1000x16xf32, #tpu.memory_space<vmem>>, vector<1000x1xf32>
    %get3A_23 = arith.constant 0 : index
    %get3A_24 = arith.constant 0 : index
    %get3A_25 = vector.load %arg4[%get3A_23, %get3A_24] : memref<256x128xf32, #tpu.memory_space<vmem>>, vector<256x128xf32>
    %slice3A = vector.extract_strided_slice %get3A_25 {offsets = [0, 0], sizes = [128, 128], strides = [1, 1]} : vector<256x128xf32> to vector<128x128xf32>
    %dot_general3A = arith.constant dense<0.000000e+00> : vector<1000x128xf32>
    %dot_general3A_26 = tpu.matmul %add3A, %slice3A, %dot_general3A {dimension_numbers = #tpu.dot_dimension_numbers<[1], [0], [0], [1], [0, 0, 1, 1], [], []>, precision = #tpu.contract_precision<fp32>, transpose_lhs_hint = false} : vector<1000x128xf32>, vector<128x128xf32>, vector<1000x128xf32> -> vector<1000x128xf32>
    %slice3A_27 = vector.extract_strided_slice %get3A_25 {offsets = [128, 0], sizes = [128, 128], strides = [1, 1]} : vector<256x128xf32> to vector<128x128xf32>
    %dot_general3A_28 = arith.constant dense<0.000000e+00> : vector<1000x128xf32>
    %dot_general3A_29 = tpu.matmul %add3A_19, %slice3A_27, %dot_general3A_28 {dimension_numbers = #tpu.dot_dimension_numbers<[1], [0], [0], [1], [0, 0, 1, 1], [], []>, precision = #tpu.contract_precision<fp32>, transpose_lhs_hint = false} : vector<1000x128xf32>, vector<128x128xf32>, vector<1000x128xf32> -> vector<1000x128xf32>
    %add3A_30 = arith.addf %dot_general3A_26, %dot_general3A_29 : vector<1000x128xf32>
    %get3A_31 = arith.constant 0 : index
    %get3A_32 = vector.load %arg5[%get3A_31] : memref<128xf32, #tpu.memory_space<vmem>>, vector<128xf32>
    %broadcast_in_dim3A = vector.shape_cast %get3A_32 : vector<128xf32> to vector<1x128xf32>
    %mul3A = vector.broadcast %get3A_22 : vector<1000x1xf32> to vector<1000x128xf32>
    %mul3A_33 = vector.broadcast %broadcast_in_dim3A : vector<1x128xf32> to vector<1000x128xf32>
    %mul3A_34 = arith.mulf %mul3A, %mul3A_33 : vector<1000x128xf32>
    %add3A_35 = arith.addf %add3A_30, %mul3A_34 : vector<1000x128xf32>
    %swap3A = arith.constant 0 : index
    %swap3A_36 = arith.constant 0 : index
    %swap3A_37 = vector.load %arg6[%swap3A, %swap3A_36] : memref<1000x128xf32, #tpu.memory_space<vmem>>, vector<1000x128xf32>
    tpu.vector_store %arg6[%swap3A, %swap3A_36], %add3A_35 {strides = array<i32>} : memref<1000x128xf32, #tpu.memory_space<vmem>>, vector<1000x128xf32>,
    %reduce_sum3A = arith.constant dense<0.000000e+00> : vector<128xf32>
    %reduce_sum3A_38 = vector.multi_reduction <add>, %add3A_35, %reduce_sum3A [0] : vector<1000x128xf32> to vector<128xf32>
    %mul3A_39 = arith.mulf %add3A_35, %add3A_35 : vector<1000x128xf32>
    %reduce_sum3A_40 = arith.constant dense<0.000000e+00> : vector<128xf32>
    %reduce_sum3A_41 = vector.multi_reduction <add>, %mul3A_39, %reduce_sum3A_40 [0] : vector<1000x128xf32> to vector<128xf32>
    %broadcast_in_dim3A_42 = arith.constant 0.000000e+00 : f32
    %broadcast_in_dim3A_43 = vector.broadcast %broadcast_in_dim3A_42 : f32 to vector<14x128xf32>
    %broadcast_in_dim3A_44 = vector.shape_cast %reduce_sum3A_38 : vector<128xf32> to vector<1x128xf32>
    %broadcast_in_dim3A_45 = vector.shape_cast %reduce_sum3A_41 : vector<128xf32> to vector<1x128xf32>
    %concatenate3A = tpu.concatenate %broadcast_in_dim3A_44, %broadcast_in_dim3A_45, %broadcast_in_dim3A_43 in 0 : vector<1x128xf32>, vector<1x128xf32>, vector<14x128xf32> -> vector<16x128xf32>
    %broadcast_in_dim3A_46 = vector.shape_cast %concatenate3A : vector<16x128xf32> to vector<1x16x128xf32>
    %swap3A_47 = arith.constant 0 : index
    %swap3A_48 = arith.constant 0 : index
    %swap3A_49 = arith.constant 0 : index
    %swap3A_50 = vector.load %arg7[%swap3A_47, %swap3A_48, %swap3A_49] : memref<1x16x128xf32, #tpu.memory_space<vmem>>, vector<1x16x128xf32>
    tpu.vector_store %arg7[%swap3A_47, %swap3A_48, %swap3A_49], %broadcast_in_dim3A_46 {strides = array<i32>} : memref<1x16x128xf32, #tpu.memory_space<vmem>>, vector<1x16x128xf32>,
    return
  }
  func.func @transform_0(%arg0: i32) -> (i32, i32, i32) {
    %c0_i32 = arith.constant 0 : i32
    %c0_i32_0 = arith.constant 0 : i32
    %c0_i32_1 = arith.constant 0 : i32
    return %c0_i32, %arg0, %c0_i32_0 : i32, i32, i32
  }
  func.func @transform_1(%arg0: i32) -> (i32, i32, i32) {
    %c0_i32 = arith.constant 0 : i32
    %c0_i32_0 = arith.constant 0 : i32
    %c0_i32_1 = arith.constant 0 : i32
    return %c0_i32, %arg0, %c0_i32_0 : i32, i32, i32
  }
  func.func @transform_2(%arg0: i32) -> (i32, i32) {
    %c0_i32 = arith.constant 0 : i32
    %c0_i32_0 = arith.constant 0 : i32
    return %arg0, %c0_i32 : i32, i32
  }
  func.func @transform_3(%arg0: i32) -> (i32, i32) {
    %c0_i32 = arith.constant 0 : i32
    %c0_i32_0 = arith.constant 0 : i32
    %c0_i32_1 = arith.constant 0 : i32
    return %c0_i32, %c0_i32_0 : i32, i32
  }
  func.func @transform_4(%arg0: i32) -> i32 {
    %c0_i32 = arith.constant 0 : i32
    %c0_i32_0 = arith.constant 0 : i32
    return %c0_i32 : i32
  }
  func.func @transform_5(%arg0: i32) -> (i32, i32) {
    %c0_i32 = arith.constant 0 : i32
    %c0_i32_0 = arith.constant 0 : i32
    return %arg0, %c0_i32 : i32, i32
  }
  func.func @transform_6(%arg0: i32) -> (i32, i32, i32) {
    %c0_i32 = arith.constant 0 : i32
    %c0_i32_0 = arith.constant 0 : i32
    %c0_i32_1 = arith.constant 0 : i32
    return %arg0, %c0_i32, %c0_i32_0 : i32, i32, i32
  }
}

module attributes {stable_mosaic.version = 14 : i64} {
  func.func @body(%arg0: memref<10x16x128xf32, #tpu.memory_space<vmem>>, %arg1: memref<16x128xf32, #tpu.memory_space<vmem>>) attributes {dimension_semantics = [], scalar_prefetch = 0 : i64, scratch_operands = 0 : i64, tpu.core_type = #tpu.core_type<tc>} {
    %get3A = arith.constant 0 : index
    %get3A_0 = arith.constant 0 : index
    %get3A_1 = arith.constant 0 : index
    %get3A_2 = vector.load %arg0[%get3A, %get3A_0, %get3A_1] : memref<10x16x128xf32, #tpu.memory_space<vmem>>, vector<10x1x128xf32>
    %get3A_3 = vector.shape_cast %get3A_2 : vector<10x1x128xf32> to vector<10x128xf32>
    %reduce_sum3A = arith.constant dense<0.000000e+00> : vector<128xf32>
    %reduce_sum3A_4 = vector.multi_reduction <add>, %get3A_3, %reduce_sum3A [0] : vector<10x128xf32> to vector<128xf32>
    %get3A_5 = arith.constant 0 : index
    %get3A_6 = arith.constant 1 : index
    %get3A_7 = arith.constant 0 : index
    %get3A_8 = vector.load %arg0[%get3A_5, %get3A_6, %get3A_7] : memref<10x16x128xf32, #tpu.memory_space<vmem>>, vector<10x1x128xf32>
    %get3A_9 = vector.shape_cast %get3A_8 : vector<10x1x128xf32> to vector<10x128xf32>
    %reduce_sum3A_10 = arith.constant dense<0.000000e+00> : vector<128xf32>
    %reduce_sum3A_11 = vector.multi_reduction <add>, %get3A_9, %reduce_sum3A_10 [0] : vector<10x128xf32> to vector<128xf32>
    %div3A = arith.constant 1.000000e+04 : f32
    %div3A_12 = vector.broadcast %div3A : f32 to vector<128xf32>
    %div3A_13 = arith.divf %reduce_sum3A_4, %div3A_12 : vector<128xf32>
    %div3A_14 = arith.constant 1.000000e+04 : f32
    %div3A_15 = vector.broadcast %div3A_14 : f32 to vector<128xf32>
    %div3A_16 = arith.divf %reduce_sum3A_11, %div3A_15 : vector<128xf32>
    %mul3A = arith.mulf %div3A_13, %div3A_13 : vector<128xf32>
    %sub3A = arith.subf %div3A_16, %mul3A : vector<128xf32>
    %broadcast_in_dim3A = arith.constant 0.000000e+00 : f32
    %broadcast_in_dim3A_17 = vector.broadcast %broadcast_in_dim3A : f32 to vector<14x128xf32>
    %broadcast_in_dim3A_18 = vector.shape_cast %div3A_13 : vector<128xf32> to vector<1x128xf32>
    %broadcast_in_dim3A_19 = vector.shape_cast %sub3A : vector<128xf32> to vector<1x128xf32>
    %concatenate3A = tpu.concatenate %broadcast_in_dim3A_18, %broadcast_in_dim3A_19, %broadcast_in_dim3A_17 in 0 : vector<1x128xf32>, vector<1x128xf32>, vector<14x128xf32> -> vector<16x128xf32>
    %swap3A = arith.constant 0 : index
    %swap3A_20 = arith.constant 0 : index
    %swap3A_21 = vector.load %arg1[%swap3A, %swap3A_20] : memref<16x128xf32, #tpu.memory_space<vmem>>, vector<16x128xf32>
    tpu.vector_store %arg1[%swap3A, %swap3A_20], %concatenate3A {strides = array<i32>} : memref<16x128xf32, #tpu.memory_space<vmem>>, vector<16x128xf32>,
    return
  }
}

module attributes {stable_mosaic.version = 14 : i64} {
  func.func @body(%arg0: i32, %arg1: memref<1000x128xf32, #tpu.memory_space<vmem>>, %arg2: memref<16x128xf32, #tpu.memory_space<vmem>>, %arg3: memref<1000x128xf32, #tpu.memory_space<vmem>>, %arg4: memref<1x1xf32, #tpu.memory_space<vmem>>, %arg5: memref<128xf32, #tpu.memory_space<vmem>>, %arg6: memref<128xf32, #tpu.memory_space<vmem>>, %arg7: memref<128xf32, #tpu.memory_space<vmem>>, %arg8: memref<128xf32, #tpu.memory_space<vmem>>, %arg9: memref<128x128xf32, #tpu.memory_space<vmem>>, %arg10: memref<128x128xf32, #tpu.memory_space<vmem>>, %arg11: memref<128x128xf32, #tpu.memory_space<vmem>>, %arg12: memref<1000x128xf32, #tpu.memory_space<vmem>>, %arg13: memref<1000x128xf32, #tpu.memory_space<vmem>>, %arg14: memref<1000x128xf32, #tpu.memory_space<vmem>>, %arg15: memref<1000x128xf32, #tpu.memory_space<vmem>>) attributes {dimension_semantics = [#tpu.dimension_semantics<arbitrary>], iteration_bounds = array<i64: 10>, scalar_prefetch = 0 : i64, scratch_operands = 0 : i64, tpu.core_type = #tpu.core_type<tc>, window_params = [{transform_indices = @transform_0, window_bounds = array<i64: 1000, 128>}, {pipeline_mode = #tpu.pipeline_mode<synchronous>, transform_indices = @transform_1, window_bounds = array<i64: 16, 128>}, {transform_indices = @transform_2, window_bounds = array<i64: 1000, 128>}, {pipeline_mode = #tpu.pipeline_mode<synchronous>, transform_indices = @transform_3, window_bounds = array<i64: 1, 1>}, {pipeline_mode = #tpu.pipeline_mode<synchronous>, transform_indices = @transform_4, window_bounds = array<i64: 128>}, {pipeline_mode = #tpu.pipeline_mode<synchronous>, transform_indices = @transform_5, window_bounds = array<i64: 128>}, {pipeline_mode = #tpu.pipeline_mode<synchronous>, transform_indices = @transform_6, window_bounds = array<i64: 128>}, {pipeline_mode = #tpu.pipeline_mode<synchronous>, transform_indices = @transform_7, window_bounds = array<i64: 128>}, {pipeline_mode = #tpu.pipeline_mode<synchronous>, transform_indices = @transform_8, window_bounds = array<i64: 128, 128>}, {pipeline_mode = #tpu.pipeline_mode<synchronous>, transform_indices = @transform_9, window_bounds = array<i64: 128, 128>}, {pipeline_mode = #tpu.pipeline_mode<synchronous>, transform_indices = @transform_10, window_bounds = array<i64: 128, 128>}, {transform_indices = @transform_11, window_bounds = array<i64: 1000, 128>}, {transform_indices = @transform_12, window_bounds = array<i64: 1000, 128>}, {transform_indices = @transform_13, window_bounds = array<i64: 1000, 128>}, {transform_indices = @transform_14, window_bounds = array<i64: 1000, 128>}]} {
    %get3A = arith.constant 0 : index
    %get3A_0 = arith.constant 0 : index
    %get3A_1 = vector.load %arg1[%get3A, %get3A_0] : memref<1000x128xf32, #tpu.memory_space<vmem>>, vector<1000x128xf32>
    %get3A_2 = arith.constant 0 : index
    %get3A_3 = arith.constant 0 : index
    %get3A_4 = vector.load %arg2[%get3A_2, %get3A_3] : memref<16x128xf32, #tpu.memory_space<vmem>>, vector<1x128xf32>
    %get3A_5 = vector.shape_cast %get3A_4 : vector<1x128xf32> to vector<128xf32>
    %get3A_6 = arith.constant 1 : index
    %get3A_7 = arith.constant 0 : index
    %get3A_8 = vector.load %arg2[%get3A_6, %get3A_7] : memref<16x128xf32, #tpu.memory_space<vmem>>, vector<1x128xf32>
    %get3A_9 = vector.shape_cast %get3A_8 : vector<1x128xf32> to vector<128xf32>
    %broadcast_in_dim3A = vector.shape_cast %get3A_5 : vector<128xf32> to vector<1x128xf32>
    %sub3A = vector.broadcast %broadcast_in_dim3A : vector<1x128xf32> to vector<1000x128xf32>
    %sub3A_10 = arith.subf %get3A_1, %sub3A : vector<1000x128xf32>
    %add3A = arith.constant 9.99999974E-6 : f32
    %add3A_11 = vector.broadcast %add3A : f32 to vector<128xf32>
    %add3A_12 = arith.addf %get3A_9, %add3A_11 : vector<128xf32>
    %sqrt3A = math.sqrt %add3A_12 : vector<128xf32>
    %broadcast_in_dim3A_13 = vector.shape_cast %sqrt3A : vector<128xf32> to vector<1x128xf32>
    %div3A = vector.broadcast %broadcast_in_dim3A_13 : vector<1x128xf32> to vector<1000x128xf32>
    %div3A_14 = arith.divf %sub3A_10, %div3A : vector<1000x128xf32>
    %get3A_15 = arith.constant 0 : index
    %get3A_16 = vector.load %arg5[%get3A_15] : memref<128xf32, #tpu.memory_space<vmem>>, vector<128xf32>
    %broadcast_in_dim3A_17 = vector.shape_cast %get3A_16 : vector<128xf32> to vector<1x128xf32>
    %mul3A = vector.broadcast %broadcast_in_dim3A_17 : vector<1x128xf32> to vector<1000x128xf32>
    %mul3A_18 = arith.mulf %div3A_14, %mul3A : vector<1000x128xf32>
    %get3A_19 = arith.constant 0 : index
    %get3A_20 = vector.load %arg6[%get3A_19] : memref<128xf32, #tpu.memory_space<vmem>>, vector<128xf32>
    %broadcast_in_dim3A_21 = vector.shape_cast %get3A_20 : vector<128xf32> to vector<1x128xf32>
    %add3A_22 = vector.broadcast %broadcast_in_dim3A_21 : vector<1x128xf32> to vector<1000x128xf32>
    %add3A_23 = arith.addf %mul3A_18, %add3A_22 : vector<1000x128xf32>
    %max3A = arith.constant 0.000000e+00 : f32
    %max3A_24 = vector.broadcast %max3A : f32 to vector<1000x128xf32>
    %max3A_25 = arith.maximumf %add3A_23, %max3A_24 : vector<1000x128xf32>
    %swap3A = arith.constant 0 : index
    %swap3A_26 = arith.constant 0 : index
    %swap3A_27 = vector.load %arg12[%swap3A, %swap3A_26] : memref<1000x128xf32, #tpu.memory_space<vmem>>, vector<1000x128xf32>
    tpu.vector_store %arg12[%swap3A, %swap3A_26], %max3A_25 {strides = array<i32>} : memref<1000x128xf32, #tpu.memory_space<vmem>>, vector<1000x128xf32>,
    %get3A_28 = arith.constant 0 : index
    %get3A_29 = arith.constant 0 : index
    %get3A_30 = vector.load %arg4[%get3A_28, %get3A_29] : memref<1x1xf32, #tpu.memory_space<vmem>>, vector<1x1xf32>
    %get3A_31 = vector.extract %get3A_30[0, 0] : f32 from vector<1x1xf32>
    %get3A_32 = arith.constant 0 : index
    %get3A_33 = arith.constant 0 : index
    %get3A_34 = vector.load %arg3[%get3A_32, %get3A_33] : memref<1000x128xf32, #tpu.memory_space<vmem>>, vector<1000x128xf32>
    %sub3A_35 = arith.subf %get3A_34, %max3A_25 : vector<1000x128xf32>
    %mul3A_36 = vector.broadcast %get3A_31 : f32 to vector<1000x128xf32>
    %mul3A_37 = arith.mulf %mul3A_36, %sub3A_35 : vector<1000x128xf32>
    %reduce_sum3A = arith.constant dense<0.000000e+00> : vector<1000xf32>
    %reduce_sum3A_38 = vector.multi_reduction <add>, %mul3A_37, %reduce_sum3A [1] : vector<1000x128xf32> to vector<1000xf32>
    %broadcast_in_dim3A_39 = vector.shape_cast %reduce_sum3A_38 : vector<1000xf32> to vector<1000x1xf32>
    %div3A_40 = arith.constant 1.280000e+02 : f32
    %div3A_41 = vector.broadcast %div3A_40 : f32 to vector<1000x1xf32>
    %div3A_42 = arith.divf %broadcast_in_dim3A_39, %div3A_41 : vector<1000x1xf32>
    %jit3A = arith.constant 0 : i32
    %reduce_sum3A_43 = arith.constant dense<0.000000e+00> : vector<1000xf32>
    %reduce_sum3A_44 = vector.multi_reduction <add>, %mul3A_37, %reduce_sum3A_43 [1] : vector<1000x128xf32> to vector<1000xf32>
    %broadcast_in_dim3A_45 = vector.shape_cast %reduce_sum3A_44 : vector<1000xf32> to vector<1000x1xf32>
    %div3A_46 = arith.constant 1.280000e+02 : f32
    %div3A_47 = vector.broadcast %div3A_46 : f32 to vector<1000x1xf32>
    %div3A_48 = arith.divf %broadcast_in_dim3A_45, %div3A_47 : vector<1000x1xf32>
    %sub3A_49 = vector.broadcast %div3A_48 : vector<1000x1xf32> to vector<1000x128xf32>
    %sub3A_50 = arith.subf %mul3A_37, %sub3A_49 : vector<1000x128xf32>
    %square3A = arith.mulf %sub3A_50, %sub3A_50 : vector<1000x128xf32>
    %convert_element_type3A = arith.sitofp %jit3A : i32 to f32
    %sub3A_51 = arith.constant 1.280000e+02 : f32
    %sub3A_52 = arith.subf %sub3A_51, %convert_element_type3A : f32
    %reduce_sum3A_53 = arith.constant dense<0.000000e+00> : vector<1000xf32>
    %reduce_sum3A_54 = vector.multi_reduction <add>, %square3A, %reduce_sum3A_53 [1] : vector<1000x128xf32> to vector<1000xf32>
    %broadcast_in_dim3A_55 = vector.shape_cast %reduce_sum3A_54 : vector<1000xf32> to vector<1000x1xf32>
    %div3A_56 = vector.broadcast %sub3A_52 : f32 to vector<1000x1xf32>
    %div3A_57 = arith.divf %broadcast_in_dim3A_55, %div3A_56 : vector<1000x1xf32>
    %gt3A = arith.constant 0.000000e+00 : f32
    %gt3A_58 = arith.cmpf ogt, %sub3A_52, %gt3A : f32
    %jit3A_59 = arith.constant 0x7FC00000 : f32
    %broadcast_in_dim3A_60 = vector.broadcast %jit3A_59 : f32 to vector<1000x1xf32>
    %select_n3A = arith.select %gt3A_58, %div3A_57, %broadcast_in_dim3A_60 : vector<1000x1xf32>
    %sub3A_61 = vector.broadcast %div3A_42 : vector<1000x1xf32> to vector<1000x128xf32>
    %sub3A_62 = arith.subf %mul3A_37, %sub3A_61 : vector<1000x128xf32>
    %add3A_63 = arith.constant 9.99999974E-6 : f32
    %add3A_64 = vector.broadcast %add3A_63 : f32 to vector<1000x1xf32>
    %add3A_65 = arith.addf %select_n3A, %add3A_64 : vector<1000x1xf32>
    %sqrt3A_66 = math.sqrt %add3A_65 : vector<1000x1xf32>
    %div3A_67 = vector.broadcast %sqrt3A_66 : vector<1000x1xf32> to vector<1000x128xf32>
    %div3A_68 = arith.divf %sub3A_62, %div3A_67 : vector<1000x128xf32>
    %get3A_69 = arith.constant 0 : index
    %get3A_70 = vector.load %arg7[%get3A_69] : memref<128xf32, #tpu.memory_space<vmem>>, vector<128xf32>
    %broadcast_in_dim3A_71 = vector.shape_cast %get3A_70 : vector<128xf32> to vector<1x128xf32>
    %mul3A_72 = vector.broadcast %broadcast_in_dim3A_71 : vector<1x128xf32> to vector<1000x128xf32>
    %mul3A_73 = arith.mulf %div3A_68, %mul3A_72 : vector<1000x128xf32>
    %get3A_74 = arith.constant 0 : index
    %get3A_75 = vector.load %arg8[%get3A_74] : memref<128xf32, #tpu.memory_space<vmem>>, vector<128xf32>
    %broadcast_in_dim3A_76 = vector.shape_cast %get3A_75 : vector<128xf32> to vector<1x128xf32>
    %add3A_77 = vector.broadcast %broadcast_in_dim3A_76 : vector<1x128xf32> to vector<1000x128xf32>
    %add3A_78 = arith.addf %mul3A_73, %add3A_77 : vector<1000x128xf32>
    %get3A_79 = arith.constant 0 : index
    %get3A_80 = arith.constant 0 : index
    %get3A_81 = vector.load %arg9[%get3A_79, %get3A_80] : memref<128x128xf32, #tpu.memory_space<vmem>>, vector<128x128xf32>
    %dot_general3A = arith.constant dense<0.000000e+00> : vector<1000x128xf32>
    %dot_general3A_82 = tpu.matmul %add3A_78, %get3A_81, %dot_general3A {dimension_numbers = #tpu.dot_dimension_numbers<[1], [0], [0], [1], [0, 0, 1, 1], [], []>, precision = #tpu.contract_precision<fp32>, transpose_lhs_hint = false} : vector<1000x128xf32>, vector<128x128xf32>, vector<1000x128xf32> -> vector<1000x128xf32>
    %swap3A_83 = arith.constant 0 : index
    %swap3A_84 = arith.constant 0 : index
    %swap3A_85 = vector.load %arg13[%swap3A_83, %swap3A_84] : memref<1000x128xf32, #tpu.memory_space<vmem>>, vector<1000x128xf32>
    tpu.vector_store %arg13[%swap3A_83, %swap3A_84], %dot_general3A_82 {strides = array<i32>} : memref<1000x128xf32, #tpu.memory_space<vmem>>, vector<1000x128xf32>,
    %get3A_86 = arith.constant 0 : index
    %get3A_87 = arith.constant 0 : index
    %get3A_88 = vector.load %arg10[%get3A_86, %get3A_87] : memref<128x128xf32, #tpu.memory_space<vmem>>, vector<128x128xf32>
    %dot_general3A_89 = arith.constant dense<0.000000e+00> : vector<1000x128xf32>
    %dot_general3A_90 = tpu.matmul %add3A_78, %get3A_88, %dot_general3A_89 {dimension_numbers = #tpu.dot_dimension_numbers<[1], [0], [0], [1], [0, 0, 1, 1], [], []>, precision = #tpu.contract_precision<fp32>, transpose_lhs_hint = false} : vector<1000x128xf32>, vector<128x128xf32>, vector<1000x128xf32> -> vector<1000x128xf32>
    %swap3A_91 = arith.constant 0 : index
    %swap3A_92 = arith.constant 0 : index
    %swap3A_93 = vector.load %arg14[%swap3A_91, %swap3A_92] : memref<1000x128xf32, #tpu.memory_space<vmem>>, vector<1000x128xf32>
    tpu.vector_store %arg14[%swap3A_91, %swap3A_92], %dot_general3A_90 {strides = array<i32>} : memref<1000x128xf32, #tpu.memory_space<vmem>>, vector<1000x128xf32>,
    %get3A_94 = arith.constant 0 : index
    %get3A_95 = arith.constant 0 : index
    %get3A_96 = vector.load %arg11[%get3A_94, %get3A_95] : memref<128x128xf32, #tpu.memory_space<vmem>>, vector<128x128xf32>
    %dot_general3A_97 = arith.constant dense<0.000000e+00> : vector<1000x128xf32>
    %dot_general3A_98 = tpu.matmul %add3A_78, %get3A_96, %dot_general3A_97 {dimension_numbers = #tpu.dot_dimension_numbers<[1], [0], [0], [1], [0, 0, 1, 1], [], []>, precision = #tpu.contract_precision<fp32>, transpose_lhs_hint = false} : vector<1000x128xf32>, vector<128x128xf32>, vector<1000x128xf32> -> vector<1000x128xf32>
    %swap3A_99 = arith.constant 0 : index
    %swap3A_100 = arith.constant 0 : index
    %swap3A_101 = vector.load %arg15[%swap3A_99, %swap3A_100] : memref<1000x128xf32, #tpu.memory_space<vmem>>, vector<1000x128xf32>
    tpu.vector_store %arg15[%swap3A_99, %swap3A_100], %dot_general3A_98 {strides = array<i32>} : memref<1000x128xf32, #tpu.memory_space<vmem>>, vector<1000x128xf32>,
    return
  }
  func.func @transform_0(%arg0: i32) -> (i32, i32) {
    %c0_i32 = arith.constant 0 : i32
    %c0_i32_0 = arith.constant 0 : i32
    return %arg0, %c0_i32 : i32, i32
  }
  func.func @transform_1(%arg0: i32) -> (i32, i32) {
    %c0_i32 = arith.constant 0 : i32
    %c0_i32_0 = arith.constant 0 : i32
    %c0_i32_1 = arith.constant 0 : i32
    return %c0_i32, %c0_i32_0 : i32, i32
  }
  func.func @transform_2(%arg0: i32) -> (i32, i32) {
    %c0_i32 = arith.constant 0 : i32
    %c0_i32_0 = arith.constant 0 : i32
    return %arg0, %c0_i32 : i32, i32
  }
  func.func @transform_3(%arg0: i32) -> (i32, i32) {
    %c0_i32 = arith.constant 0 : i32
    %c0_i32_0 = arith.constant 0 : i32
    %c0_i32_1 = arith.constant 0 : i32
    return %c0_i32, %c0_i32_0 : i32, i32
  }
  func.func @transform_4(%arg0: i32) -> i32 {
    %c0_i32 = arith.constant 0 : i32
    %c0_i32_0 = arith.constant 0 : i32
    return %c0_i32 : i32
  }
  func.func @transform_5(%arg0: i32) -> i32 {
    %c0_i32 = arith.constant 0 : i32
    %c0_i32_0 = arith.constant 0 : i32
    return %c0_i32 : i32
  }
  func.func @transform_6(%arg0: i32) -> i32 {
    %c0_i32 = arith.constant 0 : i32
    %c0_i32_0 = arith.constant 0 : i32
    return %c0_i32 : i32
  }
  func.func @transform_7(%arg0: i32) -> i32 {
    %c0_i32 = arith.constant 0 : i32
    %c0_i32_0 = arith.constant 0 : i32
    return %c0_i32 : i32
  }
  func.func @transform_8(%arg0: i32) -> (i32, i32) {
    %c0_i32 = arith.constant 0 : i32
    %c0_i32_0 = arith.constant 0 : i32
    %c0_i32_1 = arith.constant 0 : i32
    return %c0_i32, %c0_i32_0 : i32, i32
  }
  func.func @transform_9(%arg0: i32) -> (i32, i32) {
    %c0_i32 = arith.constant 0 : i32
    %c0_i32_0 = arith.constant 0 : i32
    %c0_i32_1 = arith.constant 0 : i32
    return %c0_i32, %c0_i32_0 : i32, i32
  }
  func.func @transform_10(%arg0: i32) -> (i32, i32) {
    %c0_i32 = arith.constant 0 : i32
    %c0_i32_0 = arith.constant 0 : i32
    %c0_i32_1 = arith.constant 0 : i32
    return %c0_i32, %c0_i32_0 : i32, i32
  }
  func.func @transform_11(%arg0: i32) -> (i32, i32) {
    %c0_i32 = arith.constant 0 : i32
    %c0_i32_0 = arith.constant 0 : i32
    return %arg0, %c0_i32 : i32, i32
  }
  func.func @transform_12(%arg0: i32) -> (i32, i32) {
    %c0_i32 = arith.constant 0 : i32
    %c0_i32_0 = arith.constant 0 : i32
    return %arg0, %c0_i32 : i32, i32
  }
  func.func @transform_13(%arg0: i32) -> (i32, i32) {
    %c0_i32 = arith.constant 0 : i32
    %c0_i32_0 = arith.constant 0 : i32
    return %arg0, %c0_i32 : i32, i32
  }
  func.func @transform_14(%arg0: i32) -> (i32, i32) {
    %c0_i32 = arith.constant 0 : i32
    %c0_i32_0 = arith.constant 0 : i32
    return %arg0, %c0_i32 : i32, i32
  }
}

module attributes {stable_mosaic.version = 14 : i64} {
  func.func @body(%arg0: i32, %arg1: memref<2x1000x128xf32, #tpu.memory_space<vmem>>, %arg2: memref<2x1000x128xf32, #tpu.memory_space<vmem>>, %arg3: memref<1000x128xf32, #tpu.memory_space<vmem>>, %arg4: memref<1000x2xf32, #tpu.memory_space<vmem>>, %arg5: memref<1000x128xf32, #tpu.memory_space<vmem>>, %arg6: memref<1000x128xf32, #tpu.memory_space<vmem>>) attributes {dimension_semantics = [#tpu.dimension_semantics<arbitrary>], iteration_bounds = array<i64: 10>, scalar_prefetch = 0 : i64, scratch_operands = 0 : i64, tpu.core_type = #tpu.core_type<tc>, window_params = [{transform_indices = @transform_0, window_bounds = array<i64: 2, 1000, 128>}, {transform_indices = @transform_1, window_bounds = array<i64: 2, 1000, 128>}, {transform_indices = @transform_2, window_bounds = array<i64: 1000, 128>}, {transform_indices = @transform_3, window_bounds = array<i64: 1000, 2>}, {transform_indices = @transform_4, window_bounds = array<i64: 1000, 128>}, {transform_indices = @transform_5, window_bounds = array<i64: 1000, 128>}]} {
    %get3A = arith.constant 0 : index
    %get3A_0 = arith.constant 0 : index
    %get3A_1 = arith.constant 0 : index
    %get3A_2 = vector.load %arg1[%get3A, %get3A_0, %get3A_1] : memref<2x1000x128xf32, #tpu.memory_space<vmem>>, vector<1x1000x128xf32>
    %get3A_3 = vector.shape_cast %get3A_2 : vector<1x1000x128xf32> to vector<1000x128xf32>
    %get3A_4 = arith.constant 1 : index
    %get3A_5 = arith.constant 0 : index
    %get3A_6 = arith.constant 0 : index
    %get3A_7 = vector.load %arg1[%get3A_4, %get3A_5, %get3A_6] : memref<2x1000x128xf32, #tpu.memory_space<vmem>>, vector<1x1000x128xf32>
    %get3A_8 = vector.shape_cast %get3A_7 : vector<1x1000x128xf32> to vector<1000x128xf32>
    %add3A = arith.addf %get3A_3, %get3A_8 : vector<1000x128xf32>
    %get3A_9 = arith.constant 0 : index
    %get3A_10 = arith.constant 0 : index
    %get3A_11 = arith.constant 0 : index
    %get3A_12 = vector.load %arg2[%get3A_9, %get3A_10, %get3A_11] : memref<2x1000x128xf32, #tpu.memory_space<vmem>>, vector<1x1000x1xf32>
    %get3A_13 = vector.shape_cast %get3A_12 : vector<1x1000x1xf32> to vector<1000x1xf32>
    %get3A_14 = arith.constant 1 : index
    %get3A_15 = arith.constant 0 : index
    %get3A_16 = arith.constant 0 : index
    %get3A_17 = vector.load %arg2[%get3A_14, %get3A_15, %get3A_16] : memref<2x1000x128xf32, #tpu.memory_space<vmem>>, vector<1x1000x1xf32>
    %get3A_18 = vector.shape_cast %get3A_17 : vector<1x1000x1xf32> to vector<1000x1xf32>
    %add3A_19 = arith.addf %get3A_13, %get3A_18 : vector<1000x1xf32>
    %add3A_20 = arith.constant 1.000000e-16 : f32
    %add3A_21 = vector.broadcast %add3A_20 : f32 to vector<1000x1xf32>
    %add3A_22 = arith.addf %add3A_19, %add3A_21 : vector<1000x1xf32>
    %div3A = vector.broadcast %add3A_22 : vector<1000x1xf32> to vector<1000x128xf32>
    %div3A_23 = arith.divf %add3A, %div3A : vector<1000x128xf32>
    %swap3A = arith.constant 0 : index
    %swap3A_24 = arith.constant 0 : index
    %swap3A_25 = vector.load %arg6[%swap3A, %swap3A_24] : memref<1000x128xf32, #tpu.memory_space<vmem>>, vector<1000x128xf32>
    tpu.vector_store %arg6[%swap3A, %swap3A_24], %div3A_23 {strides = array<i32>} : memref<1000x128xf32, #tpu.memory_space<vmem>>, vector<1000x128xf32>,
    %get3A_26 = arith.constant 0 : index
    %get3A_27 = arith.constant 0 : index
    %get3A_28 = vector.load %arg4[%get3A_26, %get3A_27] : memref<1000x2xf32, #tpu.memory_space<vmem>>, vector<1000x1xf32>
    %get3A_29 = arith.constant 0 : index
    %get3A_30 = arith.constant 0 : index
    %get3A_31 = vector.load %arg3[%get3A_29, %get3A_30] : memref<1000x128xf32, #tpu.memory_space<vmem>>, vector<1000x128xf32>
    %mul3A = vector.broadcast %get3A_28 : vector<1000x1xf32> to vector<1000x128xf32>
    %mul3A_32 = arith.mulf %mul3A, %get3A_31 : vector<1000x128xf32>
    %get3A_33 = arith.constant 0 : index
    %get3A_34 = arith.constant 1 : index
    %get3A_35 = vector.load %arg4[%get3A_33, %get3A_34] : memref<1000x2xf32, #tpu.memory_space<vmem>>, vector<1000x1xf32>
    %mul3A_36 = vector.broadcast %get3A_35 : vector<1000x1xf32> to vector<1000x128xf32>
    %mul3A_37 = arith.mulf %mul3A_36, %div3A_23 : vector<1000x128xf32>
    %add3A_38 = arith.addf %mul3A_32, %mul3A_37 : vector<1000x128xf32>
    %swap3A_39 = arith.constant 0 : index
    %swap3A_40 = arith.constant 0 : index
    %swap3A_41 = vector.load %arg5[%swap3A_39, %swap3A_40] : memref<1000x128xf32, #tpu.memory_space<vmem>>, vector<1000x128xf32>
    tpu.vector_store %arg5[%swap3A_39, %swap3A_40], %add3A_38 {strides = array<i32>} : memref<1000x128xf32, #tpu.memory_space<vmem>>, vector<1000x128xf32>,
    return
  }
  func.func @transform_0(%arg0: i32) -> (i32, i32, i32) {
    %c0_i32 = arith.constant 0 : i32
    %c0_i32_0 = arith.constant 0 : i32
    %c0_i32_1 = arith.constant 0 : i32
    return %c0_i32, %arg0, %c0_i32_0 : i32, i32, i32
  }
  func.func @transform_1(%arg0: i32) -> (i32, i32, i32) {
    %c0_i32 = arith.constant 0 : i32
    %c0_i32_0 = arith.constant 0 : i32
    %c0_i32_1 = arith.constant 0 : i32
    return %c0_i32, %arg0, %c0_i32_0 : i32, i32, i32
  }
  func.func @transform_2(%arg0: i32) -> (i32, i32) {
    %c0_i32 = arith.constant 0 : i32
    %c0_i32_0 = arith.constant 0 : i32
    return %arg0, %c0_i32 : i32, i32
  }
  func.func @transform_3(%arg0: i32) -> (i32, i32) {
    %c0_i32 = arith.constant 0 : i32
    %c0_i32_0 = arith.constant 0 : i32
    return %arg0, %c0_i32 : i32, i32
  }
  func.func @transform_4(%arg0: i32) -> (i32, i32) {
    %c0_i32 = arith.constant 0 : i32
    %c0_i32_0 = arith.constant 0 : i32
    return %arg0, %c0_i32 : i32, i32
  }
  func.func @transform_5(%arg0: i32) -> (i32, i32) {
    %c0_i32 = arith.constant 0 : i32
    %c0_i32_0 = arith.constant 0 : i32
    return %arg0, %c0_i32 : i32, i32
  }
}

</mosaic_0001>

<sc_bundles>
// kernel: kernel.16.cloned.1.call-start
scs
__scs_entry_jumppad:
0x0: {  	(pc) =	sbr.rel $0x88, $3  }
0x1: {  	(tag) =	ssettag $0x0;
	lr =	simm.s32 $0x1  }
0x2: {  	[smem:$0x3F89] =	sst lr;
	_ =	strace $0xD0000000  }
0x3: {  	_ = 	snop  }
0x4: {  	_ = 	snop  }
0x5: {  	_ = 	snop  }
0x6: {  	_ = 	snop  }
0x7: {  	_ = 	snop  }
__scs_overlays_trampoline_lowered:
0x8: {  	[smem:$0x3F98] =	sst s0  }
0x9: {  	[smem:$0x3F99] =	sst s1  }
0xa: {  	[smem:$0x3F9A] =	sst s2  }
0xb: {  	[smem:$0x3F9B] =	sst s3  }
0xc: {  	[smem:$0x3F9C] =	sst s4  }
0xd: {  	[smem:$0x3F9D] =	sst s5  }
0xe: {  	[smem:$0x3F9E] =	sst s6  }
0xf: {  	[smem:$0x3F9F] =	sst s7  }
0x10: {  	[smem:$0x3FA0] =	sst s8  }
0x11: {  	[smem:$0x3FA1] =	sst s9;
	s0 =	simm.s32 @!p0 $0x0  }
0x12: {  	s1 =	sld [smem:$0x3F87];
	s0 =	simm.s32 @p0 $0x1  }
0x13: {  	[smem:$0x3FA2] =	sst s0;
	s0 =	simm.s32 @!p1 $0x0  }
0x14: {  	s2 =	sld [smem:$0x3F86];
	s0 =	simm.s32 @p1 $0x1  }
0x15: {  	[smem:$0x3FA3] =	sst s0;
	s0 =	simm.s32 @!p2 $0x0  }
0x16: {  	s3 =	sld [smem:$0x3FDB];
	s0 =	simm.s32 @p2 $0x1  }
0x17: {  	s4 =	simm.s32 $0x1BF5;
	[smem:$0x3FA5] =	sst s0  }
0x18: {  	s0 =	sld [smem:$0x3F88];
	_ =	swait.ge [sflag:s4], $0x0  }
0x19: {  	s7 =	sld [smem:$0x3F89]  }
0x1a: {  	s8 =	sadd.s32 $0xFFFFE003, lr  }
0x1b: {  	s9 =	sadd.s32 $0xFFFFFEF7, lr;
	s5 =	simm.s32 $0xFFFFFFFF;
	p2 =	slt.u32 s8, $0xFFFFF086  }
0x1c: {  	p1 =	slt.u32 s9, $0xF7A;
	s5 =	simm.s32 @!p2 $0x0  }
0x1d: {  	s5 =	simm.s32 @p1 $0x1;
	p0 =	seq.s32 s7, s2  }
0x1e: {  	s7 =	smul.u32 @!p0 $0xF7A, s2;
	p2 =	seq.s32 @!p0 s5, $0x0  }
0x1f: {  	s9 =	smul.u32 $0xF7A, s1;
	s8 =	simm.s32 @!p0 $0x1BF5;
	p2 =	por !p2, p0  }
0x20: {  	[sflag:s8] =	ssyncset.s32 @!p0 $0xFFFFF086;
	s6 =	sadd.s32 @!p0 s3, s7;
	s7 =	simm.s32 @!p0 $0x108  }
0x21: {  	s3 =	sadd.s32 s3, s9;
	s6 =	sadd.s32 @!p0 $0x88, s6;
	s7 =	simm.s32 @p2 $0x1082  }
0x22: {  	[simem:s7], [sflag:s8] =	dma.local @!p0 [hbm:s6], $0xF7A  }
0x23: {  	s9 =	sor.u32 $0xD0000000, s2;
	s6 =	simm.s32 $0x108;
	_ =	swait.ge @!p0 [sflag:s8], $0x0  }
0x24: {  	s3 =	sadd.s32 $0x88, s3;
	s6 =	simm.s32 @!p1 $0x1082;
	[sflag:s4] =	ssyncset.s32 $0xFFFFF086  }
0x25: {  	[simem:s6], [sflag:s4] =	dma.local [hbm:s3], $0xF7A  }
0x26: {  	[smem:$0x3F89] =	sst s1;
	(tag) =	ssettag s2;
	_ =	strace s9  }
0x27: {  	s1 =	sld [smem:$0x3F99]  }
0x28: {  	s2 =	sld [smem:$0x3F9A]  }
0x29: {  	s4 =	sld [smem:$0x3F9C]  }
0x2a: {  	p0 =	seq.s32 s5, $0x0;
	s5 =	sld [smem:$0x3F9D]  }
0x2b: {  	s6 =	sld [smem:$0x3F9E]  }
0x2c: {  	s7 =	sld [smem:$0x3F9F]  }
0x2d: {  	s3 =	simm.s32 $0x108;
	s8 =	sld [smem:$0x3FA0]  }
0x2e: {  	s3 =	simm.s32 @!p0 $0x1082;
	s9 =	sld [smem:$0x3FA1]  }
0x2f: {  	lr =	sadd.s32 s0, s3;
	s0 =	sld [smem:$0x3F98]  }
0x30: {  	s3 =	sld [smem:$0x3F9B]  }
0x31: {  	[smem:$0x3FA4] =	sst s10  }
0x32: {  	s10 =	sld [smem:$0x3FA2];
	_ =	sdelay $0x3  }
0x33: {  	p0 =	seq.s32 s10, $0x1;
	s10 =	sld [smem:$0x3FA4];
	_ =	sdelay $0x3  }
0x34: {  	[smem:$0x3FA4] =	sst s10  }
0x35: {  	s10 =	sld [smem:$0x3FA3];
	_ =	sdelay $0x3  }
0x36: {  	p1 =	seq.s32 s10, $0x1;
	s10 =	sld [smem:$0x3FA4];
	_ =	sdelay $0x3  }
0x37: {  	[smem:$0x3FA4] =	sst s10  }
0x38: {  	s10 =	sld [smem:$0x3FA5]  }
0x39: {  	_ = 	snop;
	(pc) =	sbr.ind lr, $3  }
0x3a: {  	_ = 	snop  }
0x3b: {  	_ = 	snop  }
0x3c: {  	p2 =	seq.s32 s10, $0x1;
	s10 =	sld [smem:$0x3FA4]  }
0x3d: {  	_ =	shalt  }
0x3e: {  	_ =	shalt  }
0x3f: {  	_ =	shalt  }
0x40: {  	_ =	shalt  }
0x41: {  	_ =	shalt  }
0x42: {  	_ =	shalt  }
0x43: {  	_ =	shalt  }
0x44: {  	_ =	shalt  }
0x45: {  	_ =	shalt  }
0x46: {  	_ =	shalt  }
0x47: {  	_ =	shalt  }
0x48: {  	_ =	shalt  }
0x49: {  	_ =	shalt  }
0x4a: {  	_ =	shalt  }
0x4b: {  	_ =	shalt  }
0x4c: {  	_ =	shalt  }
0x4d: {  	_ =	shalt  }
0x4e: {  	_ =	shalt  }
0x4f: {  	_ =	shalt  }
0x50: {  	_ =	shalt  }
0x51: {  	_ =	shalt  }
0x52: {  	_ =	shalt  }
0x53: {  	_ =	shalt  }
0x54: {  	_ =	shalt  }
0x55: {  	_ =	shalt  }
0x56: {  	_ =	shalt  }
0x57: {  	_ =	shalt  }
0x58: {  	_ =	shalt  }
0x59: {  	_ =	shalt  }
0x5a: {  	_ =	shalt  }
0x5b: {  	_ =	shalt  }
0x5c: {  	_ =	shalt  }
0x5d: {  	_ =	shalt  }
0x5e: {  	_ =	shalt  }
0x5f: {  	_ =	shalt  }
0x60: {  	_ =	shalt  }
0x61: {  	_ =	shalt  }
0x62: {  	_ =	shalt  }
0x63: {  	_ =	shalt  }
0x64: {  	_ =	shalt  }
0x65: {  	_ =	shalt  }
0x66: {  	_ =	shalt  }
0x67: {  	_ =	shalt  }
0x68: {  	_ =	shalt  }
0x69: {  	_ =	shalt  }
0x6a: {  	_ =	shalt  }
0x6b: {  	_ =	shalt  }
0x6c: {  	_ =	shalt  }
0x6d: {  	_ =	shalt  }
0x6e: {  	_ =	shalt  }
0x6f: {  	_ =	shalt  }
0x70: {  	_ =	shalt  }
0x71: {  	_ =	shalt  }
0x72: {  	_ =	shalt  }
0x73: {  	_ =	shalt  }
0x74: {  	_ =	shalt  }
0x75: {  	_ =	shalt  }
0x76: {  	_ =	shalt  }
0x77: {  	_ =	shalt  }
0x78: {  	_ =	shalt  }
0x79: {  	_ =	shalt  }
0x7a: {  	_ =	shalt  }
0x7b: {  	_ =	shalt  }
0x7c: {  	_ =	shalt  }
0x7d: {  	_ =	shalt  }
0x7e: {  	_ =	shalt  }
0x7f: {  	_ =	shalt  }
0x80: {  	_ =	shalt  }
0x81: {  	_ =	shalt  }
0x82: {  	_ =	shalt  }
0x83: {  	_ =	shalt  }
0x84: {  	_ =	shalt  }
0x85: {  	_ =	shalt  }
0x86: {  	_ =	shalt  }
0x87: {  	_ =	shalt  }
.Lfunc_end0:
.L_simem_size_0:
called_computation_lowered:
.L_overlay_start_0:
0x88: {  	s2 =	sld [smem:$0x3FD9]  }
0x89: {  	s3 =	sld [smem:$0x3FFE];
	_ =	sdelay $0x1  }
0x8a: {  	s1 =	srdreg.scid  }
0x8b: {  	s0 =	sand.u32 $0x1, s1  }
0x8c: {  	s17 =	sshll.u32 s0, $0xA;
	s2 =	sadd.s32 s3, s2  }
0x8d: {  	s2 =	sadd.s32 s2, s17  }
0x8e: {  	[smem:$0x3FB0] =	sst s2  }
0x8f: {  	_ = 	snop  }
0x90: {  	s18 =	sld [smem:$0x3FC9];
	(tm) =	ssettm $0x1  }
0x91: {  	s19 =	sld [smem:$0x3FFB];
	_ =	sdelay $0x3  }
0x92: {  	_ =	strace s19  }
0x93: {  	s2 =	sld [smem:$0x3FFC];
	_ =	sdelay $0x3  }
0x94: {  	_ =	strace s2  }
0x95: {  	s2 =	sld [smem:$0x3FFD];
	_ =	sdelay $0x3  }
0x96: {  	_ =	strace s2  }
0x97: {  	_ =	strace $0x8FFFFFFF  }
0x98: {  	s20 =	sld [smem:$0x3FDB];
	_ =	sdelay $0x1  }
0x99: {  	s4 =	simm.s32 $_scs_section_size  }
0x9a: {  	s5 =	simm.s32 $_size__tile_overlayer_lowered;
	s6 =	simm.s32 $_tile_overlayer_lowered  }
0x9b: {  	s7 =	simm.s32 $0x1BFF;
	s21 =	sshll.u32 s6, $0x1;
	s4 =	sadd.s32 s4, s20  }
0x9c: {  	s22 =	simm.s32 $0x0;
	s5 =	sshll.u32 s5, $0x1;
	s6 =	sadd.s32 s21, s4  }
0x9d: {  	[timem:s22], [sflag:s7] =	dma.local [hbm:s6], s5  }
0x9e: {  	_ =	swait.ge [sflag:s7], s5  }
0x9f: {  	s5 =	ssub.s32 $0x0, s5;
	[sflag:s7] =	ssyncset.done $0x0  }
0xa0: {  	[sflag:s7] =	ssyncadd.s32 s5;
	_ =	sdelay $0x1  }
0xa1: {  	s23 =	simm.s32 $0x1B8B  }
0xa2: {  	_ =	swait.ge [sflag:s23], $0x1  }
0xa3: {  	[sflag:s23] =	ssyncset.done $0x0  }
0xa4: {  	[sflag:s23] =	ssyncadd.s32 $0xFFFFFFFF  }
0xa5: {  	s5 =	sld [smem:$0x0]  }
0xa6: {  	s6 =	sand.u32 $0xFFFFFFFE, s1  }
0xa7: {  	p0 =	sne.s32 s1, s6  }
0xa8: {  	s6 =	sshll.u32 @p0 s6, $0xE  }
0xa9: {  	s6 =	sadd.s32 @p0 $0x11B8D, s6;
	s7 =	sshll.u32 @p0 s5, $0x11  }
0xaa: {  	s6 =	sor.u32 @p0 s7, s6  }
0xab: {  	[sflag:s6] =	ssyncadd.remote.s32 @p0 $0x1;
	_ =	sdelay $0x1  }
0xac: {  	s6 =	simm.s32 @p0 $0x1B8D  }
0xad: {  	_ =	swait.eq @p0 [sflag:s6], $0x1  }
0xae: {  	[sflag:s6] =	ssyncadd.s32 @p0 $0xFFFFFFFF  }
0xaf: {  	s7 =	sshll.u32 @!p0 s1, $0xE  }
0xb0: {  	s7 =	sor.u32 @!p0 $0x4000, s7;
	s6 =	simm.s32 @!p0 $0x1B8D  }
0xb1: {  	s5 =	sshll.u32 @!p0 s5, $0x11;
	s7 =	sadd.s32 @!p0 $0x11B8D, s7;
	_ =	swait.eq @!p0 [sflag:s6], $0x1  }
0xb2: {  	s5 =	sor.u32 @!p0 s5, s7;
	[sflag:s6] =	ssyncadd.s32 @!p0 $0xFFFFFFFF  }
0xb3: {  	s25 =	simm.s32 $0x1B8E;
	s24 =	sld [smem:$0x3FFE];
	[sflag:s5] =	ssyncadd.remote.s32 @!p0 $0x1  }
0xb4: {  	s26 =	simm.s32 $execute0_lowered;
	[smem:$0x3FD2] =	sst s25  }
0xb5: {  	s6 =	sshll.u32 s26, $0x1;
	_ =	strace $0x80000049;
	[dreg:$0x1] =	wrdreg $0xFFFFFFFF  }
0xb6: {  	s28 =	simm.s32 $_size_execute0_lowered;
	s4 =	sadd.s32 s4, s6;
	[dreg:$0x0] =	wrdreg $0x0  }
0xb7: {  	s6 =	sshll.u32 s28, $0x1;
	[dreg:$0x2] =	wrdreg s4  }
0xb8: {  	[dreg:$0x3] =	wrdreg s6  }
0xb9: {  	[dreg:$0x4] =	wrdreg $0xC0  }
0xba: {  	_ =	task [dreg:s22], $0x5FFFF  }
0xbb: {  	[dreg:$0x1] =	wrdreg $0xFFFFFFFF  }
0xbc: {  	[dreg:$0x0] =	wrdreg $0x60  }
0xbd: {  	[dreg:$0x2] =	wrdreg s18  }
0xbe: {  	[dreg:$0x3] =	wrdreg s24  }
0xbf: {  	[dreg:$0x4] =	wrdreg $0x0  }
0xc0: {  	[dreg:$0x5] =	wrdreg $0x9  }
0xc1: {  	_ =	task.clear_ibuf [dreg:s22], $0x6FFFF;
	_ =	strace $0x90000049  }
0xc2: {  	s29 =	simm.s32 $0x9;
	_ =	strace $0x8000004B  }
0xc3: {  	_ =	swait.ge [sflag:s29], $0x1  }
0xc4: {  	[sflag:s29] =	ssyncadd.s32 $0xFFFFFFFF  }
0xc5: {  	_ =	strace $0x9000004B  }
0xc6: {  	_ =	sfence  }
0xc7: {  	s30 =	sld [smem:$0x0];
	_ =	sdelay $0x2  }
0xc8: {  	s31 =	sshll.u32 s1, $0xD;
	s1 =	sshrl.u32 s1, $0x2  }
0xc9: {  	s4 =	sand.u32 $0x4000, s31;
	s1 =	sadd.s32 s1, s30  }
0xca: {  	s0 =	sor.u32 s4, s0;
	s1 =	sshll.u32 s1, $0x11  }
0xcb: {  	s0 =	sor.u32 s1, s0  }
0xcc: {  	s0 =	sadd.s32 $0x8F2B, s0  }
0xcd: {  	[sflag:s0] =	ssyncadd.remote.s32 $0x1  }
0xce: {  	_ =	sfence.sel $0xFFFF  }
0xcf: {  	[dreg:$0x0] =	wrdreg $0xFFFFFFFF;
	(pc) =	sbr.abs _section_cstart, $3  }
0xd0: {  	[dreg:$0x1] =	wrdreg $0xFFFFFFFF  }
0xd1: {  	_ =	task.clear_ibuf [dreg:s22], $0x2FFFF;
	_ =	strace $0x9FFFFFFF  }
0xd2: {  	(tm) =	ssettm $0x7FFFFFFF  }
0xd3: {  	_ =	shalt  }
tec
execute0_lowered:
.L_overlay_start_1:
0x0: {  	(tag) =	ssettag $0x1  }
0x1: {  	s0 =	srdreg.scid;
	s1 =	rddreg [dreg:$0x0]  }
0x2: {  	s2 =	rddreg [dreg:$0x1];
	s11 =	stileid.u32  }
0x3: {  	s3 =	rddreg [dreg:$0x2];
	s29 =	simm.s32 $0x50;
	s30 =	simm.s32 $0x1CE00  }
0x4: {  	s31 =	simm.s32 $0x1;
	s28 =	simm.s32 $0x0;
	s9 =	smul.u32 $0x50000, s11  }
0x5: {  	s0 =	sand.u32 $0x1, s0;
	s10 =	sadd.s32 $0x20600, s2;
	s16 =	smul.u32 $0x14000, s11  }
0x6: {  	s4 =	sshll.u32 s0, $0x4;
	s23 =	ssub.s32 $0x2, s0;
	s0 =	smul.u32 $0x140000, s0  }
0x7: {  	s5 =	sor.u32 s11, s4;
	s4 =	simm.s32 $0x0;
	s8 =	sshrl.u32 s23, $0x1  }
0x8: {  	s25 =	sshrl.u32 s9, $0x2;
	s9 =	sor.u32 $0x2800, s16;
	s17 =	sadd.s32 $0x5000, s16  }
0x9: {  	s18 =	sadd.s32 $0x7800, s16;
	s19 =	sadd.s32 $0xA000, s16;
	s20 =	sadd.s32 $0xC800, s16  }
0xa: {  	s21 =	sadd.s32 $0xF000, s16;
	s6 =	smul.u32 $0x7D0, s5;
	[smem:$0x7FF] =	sst s4  }
0xb: {  	s5 =	smul.u32 $0x4E2, s5;
	s24 =	ssub.s32 s23, s8;
	s8 =	sadd.s32 s25, s3  }
0xc: {  	s11 =	sadd.s32 s17, s3;
	s12 =	sadd.s32 s18, s3;
	s13 =	sadd.s32 s19, s3  }
0xd: {  	s14 =	sadd.s32 s20, s3;
	s15 =	sadd.s32 s21, s3;
	s22 =	sadd.s32 s0, s16  }
0xe: {  	s16 =	sadd.s32 $0x11800, s16;
	s23 =	sadd.s32 s0, s17;
	s19 =	sadd.s32 s0, s19  }
0xf: {  	s25 =	sadd.s32 s0, s20;
	_ =	strace $0x8000004A;
	[dreg:$0x4] =	wrdreg s10  }
0x10: {  	s10 =	sadd.s32 s9, s3;
	s22 =	sshrl.u32 s22, $0x3;
	s5 =	sadd.s32 s5, s2  }
0x11: {  	s25 =	sshrl.u32 s25, $0x3;
	s7 =	sadd.s32 s6, s2;
	s5 =	sadd.s32 $0x6E00, s5  }
0x12: {  	s2 =	sadd.s32 $0x72E00, s2;
	s26 =	sadd.s32 $0x10C00, s7;
	[dreg:$0x5] =	wrdreg s5  }
0x13: {  	s7 =	smax.u32 s24, $0x1;
	s24 =	sadd.s32 s0, s18;
	[dreg:$0x6] =	wrdreg s26  }
0x14: {  	s17 =	sadd.s32 s2, s22;
	s22 =	sshrl.u32 s23, $0x3;
	[dreg:$0x7] =	wrdreg s7  }
0x15: {  	s5 =	sadd.s32 s0, s9;
	s26 =	sadd.s32 s0, s21;
	s0 =	sadd.s32 s0, s16  }
0x16: {  	s16 =	sadd.s32 s16, s3;
	s23 =	sshrl.u32 s24, $0x3;
	s24 =	sshrl.u32 s19, $0x3  }
0x17: {  	s19 =	sadd.s32 s2, s22;
	s22 =	sadd.s32 s2, s25;
	s25 =	simm.s32 $0x1A600  }
0x18: {  	s5 =	sshrl.u32 s5, $0x3;
	s20 =	sadd.s32 s2, s23;
	s21 =	sadd.s32 s2, s24  }
0x19: {  	s26 =	sshrl.u32 s26, $0x3;
	s0 =	sshrl.u32 s0, $0x3;
	s18 =	sadd.s32 s2, s5  }
0x1a: {  	s23 =	sadd.s32 s2, s26;
	s24 =	sadd.s32 s2, s0;
	s26 =	simm.s32 $0x2  }
.LBB2_1:
0x1b: {  	s0 =	rddreg [dreg:$0x4]  }
0x1c: {  	[tilespmem:s25], [sflag:$0x2] =	stream.linear.gather [hbm4b:s0+s4], $0x2800, $0x38;
	[tilespmem:$0x1F600] =	vst v63  }
0x1d: {  	_ =	swait.ge [sflag:s26], $0x2800  }
0x1e: {  	[sflag:s26] =	ssyncset.done $0x0  }
0x1f: {  	[sflag:s26] =	ssyncadd.s32 $0xFFFFD800  }
0x20: {  	[spmem:s8] =	stream.linear.scatter [tilespmem:s25], [sflag:$0x2], $0x2800, $0x38;
	[tilespmem:$0x1F600] =	vst v63  }
0x21: {  	_ =	swait.ge [sflag:s26], $0x2800  }
0x22: {  	[sflag:s26] =	ssyncset.done $0x0  }
0x23: {  	[sflag:s26] =	ssyncadd.s32 $0xFFFFD800  }
0x24: {  	[spmem:s10] =	stream.linear.scatter [tilespmem:s25], [sflag:$0x2], $0x2800, $0x38;
	[tilespmem:$0x1F600] =	vst v63  }
0x25: {  	_ =	swait.ge [sflag:s26], $0x2800  }
0x26: {  	[sflag:s26] =	ssyncset.done $0x0  }
0x27: {  	[sflag:s26] =	ssyncadd.s32 $0xFFFFD800  }
0x28: {  	[spmem:s11] =	stream.linear.scatter [tilespmem:s25], [sflag:$0x2], $0x2800, $0x38;
	[tilespmem:$0x1F600] =	vst v63  }
0x29: {  	_ =	swait.ge [sflag:s26], $0x2800  }
0x2a: {  	[sflag:s26] =	ssyncset.done $0x0  }
0x2b: {  	[sflag:s26] =	ssyncadd.s32 $0xFFFFD800  }
0x2c: {  	[spmem:s12] =	stream.linear.scatter [tilespmem:s25], [sflag:$0x2], $0x2800, $0x38;
	[tilespmem:$0x1F600] =	vst v63  }
0x2d: {  	_ =	swait.ge [sflag:s26], $0x2800  }
0x2e: {  	[sflag:s26] =	ssyncset.done $0x0  }
0x2f: {  	[sflag:s26] =	ssyncadd.s32 $0xFFFFD800  }
0x30: {  	[spmem:s13] =	stream.linear.scatter [tilespmem:s25], [sflag:$0x2], $0x2800, $0x38;
	[tilespmem:$0x1F600] =	vst v63  }
0x31: {  	_ =	swait.ge [sflag:s26], $0x2800  }
0x32: {  	[sflag:s26] =	ssyncset.done $0x0  }
0x33: {  	[sflag:s26] =	ssyncadd.s32 $0xFFFFD800  }
0x34: {  	[spmem:s14] =	stream.linear.scatter [tilespmem:s25], [sflag:$0x2], $0x2800, $0x38;
	[tilespmem:$0x1F600] =	vst v63  }
0x35: {  	_ =	swait.ge [sflag:s26], $0x2800  }
0x36: {  	[sflag:s26] =	ssyncset.done $0x0  }
0x37: {  	[sflag:s26] =	ssyncadd.s32 $0xFFFFD800  }
0x38: {  	[spmem:s15] =	stream.linear.scatter [tilespmem:s25], [sflag:$0x2], $0x2800, $0x38;
	[tilespmem:$0x1F600] =	vst v63  }
0x39: {  	_ =	swait.ge [sflag:s26], $0x2800  }
0x3a: {  	[sflag:s26] =	ssyncset.done $0x0  }
0x3b: {  	[sflag:s26] =	ssyncadd.s32 $0xFFFFD800  }
0x3c: {  	[spmem:s16] =	stream.linear.scatter [tilespmem:s25], [sflag:$0x2], $0x2800, $0x38;
	[tilespmem:$0x1F600] =	vst v63  }
0x3d: {  	_ =	swait.ge [sflag:s26], $0x2800  }
0x3e: {  	[sflag:s26] =	ssyncset.done $0x0  }
0x3f: {  	s2 =	simm.s32 $0x14000;
	s7 =	rddreg [dreg:$0x5];
	[sflag:s26] =	ssyncadd.s32 $0xFFFFD800  }
0x40: {  	[tilespmem:s2], [sflag:$0x2] =	stream.linear.gather [hbm4b:s7+s4], $0x2710, $0x38;
	[tilespmem:$0x1F600] =	vst v63  }
0x41: {  	_ =	swait.ge [sflag:s26], $0x2710  }
0x42: {  	[sflag:s26] =	ssyncset.done $0x0  }
0x43: {  	s9 =	simm.s32 $0x16780;
	s5 =	rddreg [dreg:$0x6];
	[sflag:s26] =	ssyncadd.s32 $0xFFFFD8F0  }
0x44: {  	[tilespmem:s9], [sflag:$0x2] =	stream.linear.gather [hbm4b:s5+s4], $0x3E80, $0x38;
	[tilespmem:$0x1F600] =	vst v63  }
0x45: {  	_ =	swait.ge [sflag:s26], $0x3E80  }
0x46: {  	[sflag:s26] =	ssyncset.done $0x0  }
0x47: {  	[sflag:s26] =	ssyncadd.s32 $0xFFFFC180  }
0x48: {  	s6 =	simm.s32 $0x14000;
	[bflag:$0x0] =	sbarrier.arrive $0xFFFF  }
0x49: {  	[tilespmem:s25], [sflag:$0x1] =	stream.indirect.gather [hbm4b:s1+s29], $0x80, s6, s29, $0xb8;
	[tilespmem:$0x1F600] =	vst v63  }
0x4a: {  	s7 =	simm.s32 $0x14050  }
0x4b: {  	[tilespmem:s30], [sflag:$0x1] =	stream.indirect.gather [hbm4b:s1+s29], $0x80, s7, s29, $0xb8;
	[tilespmem:$0x1F600] =	vst v63  }
0x4c: {  	_ =	swait.ge [sflag:s31], $0x2800  }
0x4d: {  	[sflag:s31] =	ssyncset.done $0x0  }
0x4e: {  	[sflag:s31] =	ssyncadd.s32 $0xFFFFD800  }
0x4f: {  	[spmem:s3] =	stream.indirect.scatter.add.f32 [tilespmem:s25], [sflag:$0x2], $0x80, s9, s29, $0xb8;
	[tilespmem:$0x1F600] =	vst v63  }
0x50: {  	_ =	swait.ge [sflag:s26], $0x2800  }
0x51: {  	[sflag:s26] =	ssyncset.done $0x0  }
0x52: {  	[sflag:s26] =	ssyncadd.s32 $0xFFFFD800  }
0x53: {  	_ =	swait.ge [sflag:s31], $0x2800  }
0x54: {  	[sflag:s31] =	ssyncset.done $0x0  }
0x55: {  	s9 =	simm.s32 $0x16800;
	[sflag:s31] =	ssyncadd.s32 $0xFFFFD800  }
0x56: {  	[spmem:s3] =	stream.indirect.scatter.add.f32 [tilespmem:s30], [sflag:$0x2], $0x80, s9, s29, $0xb8;
	[tilespmem:$0x1F600] =	vst v63  }
0x57: {  	s0 =	simm.s32 $0xA0;
	_ =	swait.ge [sflag:s26], $0x2800  }
0x58: {  	s2 =	simm.s32 $0x16880;
	s5 =	simm.s32 $0x500;
	[sflag:s26] =	ssyncset.done $0x0  }
.LBB2_2:
0x59: {  	s6 =	sadd.s32 $0x14000, s0  }
0x5a: {  	[sflag:s26] =	ssyncadd.s32 $0xFFFFD800;
	s7 =	smov.u32 s5;
	s9 =	sadd.s32 $0x280, s5  }
0x5b: {  	[tilespmem:s25], [sflag:$0x1] =	stream.indirect.gather [hbm4b:s1+s29], $0x80, s6, s29, $0xb8;
	[tilespmem:$0x1F600] =	vst v63  }
0x5c: {  	p0 =	sne.s32 s5, $0x9880;
	s0 =	sadd.s32 $0x14050, s0  }
0x5d: {  	[tilespmem:s30], [sflag:$0x1] =	stream.indirect.gather [hbm4b:s1+s29], $0x80, s0, s29, $0xb8;
	[tilespmem:$0x1F600] =	vst v63  }
0x5e: {  	_ =	swait.ge [sflag:s31], $0x2800  }
0x5f: {  	[sflag:s31] =	ssyncset.done $0x0  }
0x60: {  	[sflag:s31] =	ssyncadd.s32 $0xFFFFD800  }
0x61: {  	[spmem:s3] =	stream.indirect.scatter.add.f32 [tilespmem:s25], [sflag:$0x2], $0x80, s2, s29, $0xb8;
	[tilespmem:$0x1F600] =	vst v63  }
0x62: {  	_ =	swait.ge [sflag:s26], $0x2800  }
0x63: {  	[sflag:s26] =	ssyncset.done $0x0  }
0x64: {  	[sflag:s26] =	ssyncadd.s32 $0xFFFFD800  }
0x65: {  	_ =	swait.ge [sflag:s31], $0x2800  }
.Ltmp0:
0x66: {  	[sflag:s31] =	ssyncset.done $0x0;
	(pc) =	sbr.rel @p0 .LBB2_2-.Ltmp0, $4  }
0x67: {  	s0 =	sadd.s32 $0x80, s2;
	[sflag:s31] =	ssyncadd.s32 $0xFFFFD800  }
0x68: {  	[spmem:s3] =	stream.indirect.scatter.add.f32 [tilespmem:s30], [sflag:$0x2], $0x80, s0, s29, $0xb8;
	[tilespmem:$0x1F600] =	vst v63  }
0x69: {  	s5 =	smov.u32 s9;
	_ =	swait.ge [sflag:s26], $0x2800  }
0x6a: {  	s2 =	sadd.s32 $0x100, s2;
	s0 =	sshra.s32 s7, $0x2;
	[sflag:s26] =	ssyncset.done $0x0  }
0x6b: {  	s5 =	sadd.s32 $0x14000, s0;
	[sflag:s26] =	ssyncadd.s32 $0xFFFFD800  }
0x6c: {  	[tilespmem:s25], [sflag:$0x1] =	stream.indirect.gather [hbm4b:s1+s29], $0x80, s5, s29, $0xb8;
	[tilespmem:$0x1F600] =	vst v63  }
0x6d: {  	s9 =	sadd.s32 $0x14050, s0  }
0x6e: {  	[tilespmem:s30], [sflag:$0x1] =	stream.indirect.gather [hbm4b:s1+s29], $0x80, s9, s29, $0xb8;
	[tilespmem:$0x1F600] =	vst v63  }
0x6f: {  	_ =	swait.ge [sflag:s31], $0x2800  }
0x70: {  	[sflag:s31] =	ssyncset.done $0x0  }
0x71: {  	[sflag:s31] =	ssyncadd.s32 $0xFFFFD800  }
0x72: {  	[spmem:s3] =	stream.indirect.scatter.add.f32 [tilespmem:s25], [sflag:$0x2], $0x80, s2, s29, $0xb8;
	[tilespmem:$0x1F600] =	vst v63  }
0x73: {  	_ =	swait.ge [sflag:s26], $0x2800  }
0x74: {  	[sflag:s26] =	ssyncset.done $0x0  }
0x75: {  	[sflag:s26] =	ssyncadd.s32 $0xFFFFD800  }
0x76: {  	_ =	swait.ge [sflag:s31], $0x2800  }
0x77: {  	[sflag:s31] =	ssyncset.done $0x0  }
0x78: {  	s5 =	sadd.s32 $0x80, s2;
	[sflag:s31] =	ssyncadd.s32 $0xFFFFD800  }
0x79: {  	[spmem:s3] =	stream.indirect.scatter.add.f32 [tilespmem:s30], [sflag:$0x2], $0x80, s5, s29, $0xb8;
	[tilespmem:$0x1F600] =	vst v63  }
0x7a: {  	_ =	swait.ge [sflag:s26], $0x2800  }
0x7b: {  	[sflag:s26] =	ssyncset.done $0x0  }
0x7c: {  	s6 =	simm.s32 $0x166C0;
	[sflag:s26] =	ssyncadd.s32 $0xFFFFD800  }
0x7d: {  	[tilespmem:s25], [sflag:$0x1] =	stream.indirect.gather [hbm4b:s1+s29], $0x80, s6, s29, $0xb8;
	[tilespmem:$0x1F600] =	vst v63  }
0x7e: {  	_ =	swait.ge [sflag:s31], $0x2800  }
0x7f: {  	[sflag:s31] =	ssyncset.done $0x0  }
0x80: {  	s7 =	simm.s32 $0x1A580;
	[sflag:s31] =	ssyncadd.s32 $0xFFFFD800  }
0x81: {  	[spmem:s3] =	stream.indirect.scatter.add.f32 [tilespmem:s25], [sflag:$0x2], $0x80, s7, s29, $0xb8;
	[tilespmem:$0x1F600] =	vst v63  }
0x82: {  	_ =	swait.ge [sflag:s26], $0x2800  }
0x83: {  	[sflag:s26] =	ssyncset.done $0x0  }
0x84: {  	[sflag:s26] =	ssyncadd.s32 $0xFFFFD800  }
0x85: {  	[bflag:$0x0] =	sbarrier.arrive $0xFFFF  }
0x86: {  	[tilespmem:s25], [sflag:$0x2] =	stream.linear.gather [spmem:s8], $0x2800, $0x38;
	[tilespmem:$0x1F600] =	vst v63  }
0x87: {  	_ =	swait.ge [sflag:s26], $0x2800  }
0x88: {  	[sflag:s26] =	ssyncset.done $0x0  }
0x89: {  	[sflag:s26] =	ssyncadd.s32 $0xFFFFD800  }
0x8a: {  	[hbm4b:s17+s4] =	stream.linear.scatter [tilespmem:s25], [sflag:$0x2], $0x2800, $0x38;
	[tilespmem:$0x1F600] =	vst v63  }
0x8b: {  	_ =	swait.ge [sflag:s26], $0x2800  }
0x8c: {  	[sflag:s26] =	ssyncset.done $0x0  }
0x8d: {  	[sflag:s26] =	ssyncadd.s32 $0xFFFFD800  }
0x8e: {  	[tilespmem:s25], [sflag:$0x2] =	stream.linear.gather [spmem:s10], $0x2800, $0x38;
	[tilespmem:$0x1F600] =	vst v63  }
0x8f: {  	_ =	swait.ge [sflag:s26], $0x2800  }
0x90: {  	[sflag:s26] =	ssyncset.done $0x0  }
0x91: {  	[sflag:s26] =	ssyncadd.s32 $0xFFFFD800  }
0x92: {  	[hbm4b:s18+s4] =	stream.linear.scatter [tilespmem:s25], [sflag:$0x2], $0x2800, $0x38;
	[tilespmem:$0x1F600] =	vst v63  }
0x93: {  	_ =	swait.ge [sflag:s26], $0x2800  }
0x94: {  	[sflag:s26] =	ssyncset.done $0x0  }
0x95: {  	[sflag:s26] =	ssyncadd.s32 $0xFFFFD800  }
0x96: {  	[tilespmem:s25], [sflag:$0x2] =	stream.linear.gather [spmem:s11], $0x2800, $0x38;
	[tilespmem:$0x1F600] =	vst v63  }
0x97: {  	_ =	swait.ge [sflag:s26], $0x2800  }
0x98: {  	[sflag:s26] =	ssyncset.done $0x0  }
0x99: {  	[sflag:s26] =	ssyncadd.s32 $0xFFFFD800  }
0x9a: {  	[hbm4b:s19+s4] =	stream.linear.scatter [tilespmem:s25], [sflag:$0x2], $0x2800, $0x38;
	[tilespmem:$0x1F600] =	vst v63  }
0x9b: {  	_ =	swait.ge [sflag:s26], $0x2800  }
0x9c: {  	[sflag:s26] =	ssyncset.done $0x0  }
0x9d: {  	[sflag:s26] =	ssyncadd.s32 $0xFFFFD800  }
0x9e: {  	[tilespmem:s25], [sflag:$0x2] =	stream.linear.gather [spmem:s12], $0x2800, $0x38;
	[tilespmem:$0x1F600] =	vst v63  }
0x9f: {  	_ =	swait.ge [sflag:s26], $0x2800  }
0xa0: {  	[sflag:s26] =	ssyncset.done $0x0  }
0xa1: {  	[sflag:s26] =	ssyncadd.s32 $0xFFFFD800  }
0xa2: {  	[hbm4b:s20+s4] =	stream.linear.scatter [tilespmem:s25], [sflag:$0x2], $0x2800, $0x38;
	[tilespmem:$0x1F600] =	vst v63  }
0xa3: {  	_ =	swait.ge [sflag:s26], $0x2800  }
0xa4: {  	[sflag:s26] =	ssyncset.done $0x0  }
0xa5: {  	[sflag:s26] =	ssyncadd.s32 $0xFFFFD800  }
0xa6: {  	[tilespmem:s25], [sflag:$0x2] =	stream.linear.gather [spmem:s13], $0x2800, $0x38;
	[tilespmem:$0x1F600] =	vst v63  }
0xa7: {  	_ =	swait.ge [sflag:s26], $0x2800  }
0xa8: {  	[sflag:s26] =	ssyncset.done $0x0  }
0xa9: {  	[sflag:s26] =	ssyncadd.s32 $0xFFFFD800  }
0xaa: {  	[hbm4b:s21+s4] =	stream.linear.scatter [tilespmem:s25], [sflag:$0x2], $0x2800, $0x38;
	[tilespmem:$0x1F600] =	vst v63  }
0xab: {  	_ =	swait.ge [sflag:s26], $0x2800  }
0xac: {  	[sflag:s26] =	ssyncset.done $0x0  }
0xad: {  	[sflag:s26] =	ssyncadd.s32 $0xFFFFD800  }
0xae: {  	[tilespmem:s25], [sflag:$0x2] =	stream.linear.gather [spmem:s14], $0x2800, $0x38;
	[tilespmem:$0x1F600] =	vst v63  }
0xaf: {  	_ =	swait.ge [sflag:s26], $0x2800  }
0xb0: {  	[sflag:s26] =	ssyncset.done $0x0  }
0xb1: {  	[sflag:s26] =	ssyncadd.s32 $0xFFFFD800  }
0xb2: {  	[hbm4b:s22+s4] =	stream.linear.scatter [tilespmem:s25], [sflag:$0x2], $0x2800, $0x38;
	[tilespmem:$0x1F600] =	vst v63  }
0xb3: {  	_ =	swait.ge [sflag:s26], $0x2800  }
0xb4: {  	[sflag:s26] =	ssyncset.done $0x0  }
0xb5: {  	[sflag:s26] =	ssyncadd.s32 $0xFFFFD800  }
0xb6: {  	[tilespmem:s25], [sflag:$0x2] =	stream.linear.gather [spmem:s15], $0x2800, $0x38;
	[tilespmem:$0x1F600] =	vst v63  }
0xb7: {  	_ =	swait.ge [sflag:s26], $0x2800  }
0xb8: {  	[sflag:s26] =	ssyncset.done $0x0  }
0xb9: {  	[sflag:s26] =	ssyncadd.s32 $0xFFFFD800  }
0xba: {  	[hbm4b:s23+s4] =	stream.linear.scatter [tilespmem:s25], [sflag:$0x2], $0x2800, $0x38;
	[tilespmem:$0x1F600] =	vst v63  }
0xbb: {  	_ =	swait.ge [sflag:s26], $0x2800  }
0xbc: {  	[sflag:s26] =	ssyncset.done $0x0  }
0xbd: {  	[sflag:s26] =	ssyncadd.s32 $0xFFFFD800  }
0xbe: {  	[tilespmem:s25], [sflag:$0x2] =	stream.linear.gather [spmem:s16], $0x2800, $0x38;
	[tilespmem:$0x1F600] =	vst v63  }
0xbf: {  	_ =	swait.ge [sflag:s26], $0x2800  }
0xc0: {  	[sflag:s26] =	ssyncset.done $0x0  }
0xc1: {  	[sflag:s26] =	ssyncadd.s32 $0xFFFFD800  }
0xc2: {  	[hbm4b:s24+s4] =	stream.linear.scatter [tilespmem:s25], [sflag:$0x2], $0x2800, $0x38;
	[tilespmem:$0x1F600] =	vst v63  }
0xc3: {  	_ =	swait.ge [sflag:s26], $0x2800  }
0xc4: {  	s28 =	sadd.s32 $0x1, s28;
	s9 =	rddreg [dreg:$0x7]  }
0xc5: {  	p0 =	sne.s32 s28, s9  }
.Ltmp1:
0xc6: {  	_ = 	snop;
	(pc) =	sbr.rel @p0 .LBB2_1-.Ltmp1, $3  }
0xc7: {  	_ =	sdelay $0x1  }
0xc8: {  	[sflag:s26] =	ssyncset.done $0x0  }
0xc9: {  	[sflag:s26] =	ssyncadd.s32 $0xFFFFD800  }
0xca: {  	_ =	sfence.sel $0x180000  }
0xcb: {  	[bflag:$0x0] =	sbarrier.arrive $0xFFFF  }
0xcc: {  	_ =	strace $0x9000004A  }
0xcd: {  	s0 =	stileid.u32;
	[bflag:$0x2] =	sbarrier.arrive $0xFFFF  }
0xce: {  	p0 =	sne.s32 s0, $0x0;
	s0 =	rddreg [dreg:$0x3]  }
0xcf: {  	s0 =	sadd.s32 @!p0 $0x100000, s0  }
0xd0: {  	[sflag:s0] =	ssyncadd.tile.s32 @!p0 $0x1;
	_ =	shalt  }
.Lfunc_end2:
_tile_overlayer_lowered:
.L_overlay_start_2:
0xd1: {  	(tag) =	ssettag $0x2  }
0xd2: {  	s0 =	rddreg [dreg:$0x0];
	s2 =	stileid.u32  }
0xd3: {  	s1 =	rddreg [dreg:$0x1];
	p0 =	sne.s32 s2, $0x0  }
0xd4: {  	s3 =	rddreg [dreg:$0x2];
	[bflag:$0x3] =	sbarrier.arrive $0xFFFF;
	s2 =	simm.s32 @!p0 $0x1C02  }
0xd5: {  	[timem:s3], [sflag:s2] =	dma.local @!p0 [hbm:s0], s1  }
0xd6: {  	s0 =	simm.s32 @!p0 $0x2  }
0xd7: {  	_ =	swait.ge @!p0 [sflag:s0], s1  }
0xd8: {  	s1 =	ssub.s32 @!p0 $0x0, s1;
	[sflag:s0] =	ssyncset.done @!p0 $0x0  }
0xd9: {  	[sflag:s0] =	ssyncadd.s32 @!p0 s1  }
0xda: {  	[bflag:$0x3] =	sbarrier.arrive $0xFFFF  }
0xdb: {  	_ =	shalt  }

// kernel: kernel.19.cloned.1.call-start
scs
__scs_entry_jumppad:
0x0: {  	(pc) =	sbr.rel $0x88, $3  }
0x1: {  	(tag) =	ssettag $0x0;
	lr =	simm.s32 $0x1  }
0x2: {  	[smem:$0x3F89] =	sst lr;
	_ =	strace $0xD0000000  }
0x3: {  	_ = 	snop  }
0x4: {  	_ = 	snop  }
0x5: {  	_ = 	snop  }
0x6: {  	_ = 	snop  }
0x7: {  	_ = 	snop  }
__scs_overlays_trampoline_lowered:
0x8: {  	[smem:$0x3F98] =	sst s0  }
0x9: {  	[smem:$0x3F99] =	sst s1  }
0xa: {  	[smem:$0x3F9A] =	sst s2  }
0xb: {  	[smem:$0x3F9B] =	sst s3  }
0xc: {  	[smem:$0x3F9C] =	sst s4  }
0xd: {  	[smem:$0x3F9D] =	sst s5  }
0xe: {  	[smem:$0x3F9E] =	sst s6  }
0xf: {  	[smem:$0x3F9F] =	sst s7  }
0x10: {  	[smem:$0x3FA0] =	sst s8  }
0x11: {  	[smem:$0x3FA1] =	sst s9;
	s0 =	simm.s32 @!p0 $0x0  }
0x12: {  	s1 =	sld [smem:$0x3F87];
	s0 =	simm.s32 @p0 $0x1  }
0x13: {  	[smem:$0x3FA2] =	sst s0;
	s0 =	simm.s32 @!p1 $0x0  }
0x14: {  	s2 =	sld [smem:$0x3F86];
	s0 =	simm.s32 @p1 $0x1  }
0x15: {  	[smem:$0x3FA3] =	sst s0;
	s0 =	simm.s32 @!p2 $0x0  }
0x16: {  	s3 =	sld [smem:$0x3FDB];
	s0 =	simm.s32 @p2 $0x1  }
0x17: {  	s4 =	simm.s32 $0x1BF5;
	[smem:$0x3FA5] =	sst s0  }
0x18: {  	s0 =	sld [smem:$0x3F88];
	_ =	swait.ge [sflag:s4], $0x0  }
0x19: {  	s7 =	sld [smem:$0x3F89]  }
0x1a: {  	s8 =	sadd.s32 $0xFFFFE003, lr  }
0x1b: {  	s9 =	sadd.s32 $0xFFFFFEF7, lr;
	s5 =	simm.s32 $0xFFFFFFFF;
	p2 =	slt.u32 s8, $0xFFFFF086  }
0x1c: {  	p1 =	slt.u32 s9, $0xF7A;
	s5 =	simm.s32 @!p2 $0x0  }
0x1d: {  	s5 =	simm.s32 @p1 $0x1;
	p0 =	seq.s32 s7, s2  }
0x1e: {  	s7 =	smul.u32 @!p0 $0xF7A, s2;
	p2 =	seq.s32 @!p0 s5, $0x0  }
0x1f: {  	s9 =	smul.u32 $0xF7A, s1;
	s8 =	simm.s32 @!p0 $0x1BF5;
	p2 =	por !p2, p0  }
0x20: {  	[sflag:s8] =	ssyncset.s32 @!p0 $0xFFFFF086;
	s6 =	sadd.s32 @!p0 s3, s7;
	s7 =	simm.s32 @!p0 $0x108  }
0x21: {  	s3 =	sadd.s32 s3, s9;
	s6 =	sadd.s32 @!p0 $0x88, s6;
	s7 =	simm.s32 @p2 $0x1082  }
0x22: {  	[simem:s7], [sflag:s8] =	dma.local @!p0 [hbm:s6], $0xF7A  }
0x23: {  	s9 =	sor.u32 $0xD0000000, s2;
	s6 =	simm.s32 $0x108;
	_ =	swait.ge @!p0 [sflag:s8], $0x0  }
0x24: {  	s3 =	sadd.s32 $0x88, s3;
	s6 =	simm.s32 @!p1 $0x1082;
	[sflag:s4] =	ssyncset.s32 $0xFFFFF086  }
0x25: {  	[simem:s6], [sflag:s4] =	dma.local [hbm:s3], $0xF7A  }
0x26: {  	[smem:$0x3F89] =	sst s1;
	(tag) =	ssettag s2;
	_ =	strace s9  }
0x27: {  	s1 =	sld [smem:$0x3F99]  }
0x28: {  	s2 =	sld [smem:$0x3F9A]  }
0x29: {  	s4 =	sld [smem:$0x3F9C]  }
0x2a: {  	p0 =	seq.s32 s5, $0x0;
	s5 =	sld [smem:$0x3F9D]  }
0x2b: {  	s6 =	sld [smem:$0x3F9E]  }
0x2c: {  	s7 =	sld [smem:$0x3F9F]  }
0x2d: {  	s3 =	simm.s32 $0x108;
	s8 =	sld [smem:$0x3FA0]  }
0x2e: {  	s3 =	simm.s32 @!p0 $0x1082;
	s9 =	sld [smem:$0x3FA1]  }
0x2f: {  	lr =	sadd.s32 s0, s3;
	s0 =	sld [smem:$0x3F98]  }
0x30: {  	s3 =	sld [smem:$0x3F9B]  }
0x31: {  	[smem:$0x3FA4] =	sst s10  }
0x32: {  	s10 =	sld [smem:$0x3FA2];
	_ =	sdelay $0x3  }
0x33: {  	p0 =	seq.s32 s10, $0x1;
	s10 =	sld [smem:$0x3FA4];
	_ =	sdelay $0x3  }
0x34: {  	[smem:$0x3FA4] =	sst s10  }
0x35: {  	s10 =	sld [smem:$0x3FA3];
	_ =	sdelay $0x3  }
0x36: {  	p1 =	seq.s32 s10, $0x1;
	s10 =	sld [smem:$0x3FA4];
	_ =	sdelay $0x3  }
0x37: {  	[smem:$0x3FA4] =	sst s10  }
0x38: {  	s10 =	sld [smem:$0x3FA5]  }
0x39: {  	_ = 	snop;
	(pc) =	sbr.ind lr, $3  }
0x3a: {  	_ = 	snop  }
0x3b: {  	_ = 	snop  }
0x3c: {  	p2 =	seq.s32 s10, $0x1;
	s10 =	sld [smem:$0x3FA4]  }
0x3d: {  	_ =	shalt  }
0x3e: {  	_ =	shalt  }
0x3f: {  	_ =	shalt  }
0x40: {  	_ =	shalt  }
0x41: {  	_ =	shalt  }
0x42: {  	_ =	shalt  }
0x43: {  	_ =	shalt  }
0x44: {  	_ =	shalt  }
0x45: {  	_ =	shalt  }
0x46: {  	_ =	shalt  }
0x47: {  	_ =	shalt  }
0x48: {  	_ =	shalt  }
0x49: {  	_ =	shalt  }
0x4a: {  	_ =	shalt  }
0x4b: {  	_ =	shalt  }
0x4c: {  	_ =	shalt  }
0x4d: {  	_ =	shalt  }
0x4e: {  	_ =	shalt  }
0x4f: {  	_ =	shalt  }
0x50: {  	_ =	shalt  }
0x51: {  	_ =	shalt  }
0x52: {  	_ =	shalt  }
0x53: {  	_ =	shalt  }
0x54: {  	_ =	shalt  }
0x55: {  	_ =	shalt  }
0x56: {  	_ =	shalt  }
0x57: {  	_ =	shalt  }
0x58: {  	_ =	shalt  }
0x59: {  	_ =	shalt  }
0x5a: {  	_ =	shalt  }
0x5b: {  	_ =	shalt  }
0x5c: {  	_ =	shalt  }
0x5d: {  	_ =	shalt  }
0x5e: {  	_ =	shalt  }
0x5f: {  	_ =	shalt  }
0x60: {  	_ =	shalt  }
0x61: {  	_ =	shalt  }
0x62: {  	_ =	shalt  }
0x63: {  	_ =	shalt  }
0x64: {  	_ =	shalt  }
0x65: {  	_ =	shalt  }
0x66: {  	_ =	shalt  }
0x67: {  	_ =	shalt  }
0x68: {  	_ =	shalt  }
0x69: {  	_ =	shalt  }
0x6a: {  	_ =	shalt  }
0x6b: {  	_ =	shalt  }
0x6c: {  	_ =	shalt  }
0x6d: {  	_ =	shalt  }
0x6e: {  	_ =	shalt  }
0x6f: {  	_ =	shalt  }
0x70: {  	_ =	shalt  }
0x71: {  	_ =	shalt  }
0x72: {  	_ =	shalt  }
0x73: {  	_ =	shalt  }
0x74: {  	_ =	shalt  }
0x75: {  	_ =	shalt  }
0x76: {  	_ =	shalt  }
0x77: {  	_ =	shalt  }
0x78: {  	_ =	shalt  }
0x79: {  	_ =	shalt  }
0x7a: {  	_ =	shalt  }
0x7b: {  	_ =	shalt  }
0x7c: {  	_ =	shalt  }
0x7d: {  	_ =	shalt  }
0x7e: {  	_ =	shalt  }
0x7f: {  	_ =	shalt  }
0x80: {  	_ =	shalt  }
0x81: {  	_ =	shalt  }
0x82: {  	_ =	shalt  }
0x83: {  	_ =	shalt  }
0x84: {  	_ =	shalt  }
0x85: {  	_ =	shalt  }
0x86: {  	_ =	shalt  }
0x87: {  	_ =	shalt  }
.Lfunc_end0:
.L_simem_size_0:
called_computation.1_lowered:
.L_overlay_start_0:
0x88: {  	s2 =	sld [smem:$0x3FD9]  }
0x89: {  	s3 =	sld [smem:$0x3FFE];
	_ =	sdelay $0x1  }
0x8a: {  	s1 =	srdreg.scid  }
0x8b: {  	s0 =	sand.u32 $0x1, s1  }
0x8c: {  	s17 =	sshll.u32 s0, $0xA;
	s2 =	sadd.s32 s3, s2  }
0x8d: {  	s2 =	sadd.s32 s2, s17  }
0x8e: {  	[smem:$0x3FB0] =	sst s2  }
0x8f: {  	_ = 	snop  }
0x90: {  	s2 =	sld [smem:$0x3FC9];
	(tm) =	ssettm $0x1  }
0x91: {  	s18 =	sld [smem:$0x3FFB];
	_ =	sdelay $0x3  }
0x92: {  	_ =	strace s18  }
0x93: {  	s3 =	sld [smem:$0x3FFC];
	_ =	sdelay $0x3  }
0x94: {  	_ =	strace s3  }
0x95: {  	s3 =	sld [smem:$0x3FFD];
	_ =	sdelay $0x3  }
0x96: {  	_ =	strace s3  }
0x97: {  	_ =	strace $0x8FFFFFFF  }
0x98: {  	s19 =	sld [smem:$0x3FDB];
	_ =	sdelay $0x1  }
0x99: {  	s4 =	simm.s32 $_scs_section_size  }
0x9a: {  	s5 =	simm.s32 $_size__tile_overlayer_lowered;
	s6 =	simm.s32 $_tile_overlayer_lowered  }
0x9b: {  	s22 =	simm.s32 $0x1BFF;
	s21 =	sshll.u32 s6, $0x1;
	s3 =	sadd.s32 s4, s19  }
0x9c: {  	s7 =	simm.s32 $0x0;
	s20 =	sshll.u32 s5, $0x1;
	s5 =	sadd.s32 s21, s3  }
0x9d: {  	[timem:s7], [sflag:s22] =	dma.local [hbm:s5], s20  }
0x9e: {  	_ =	swait.ge [sflag:s22], s20  }
0x9f: {  	s4 =	ssub.s32 $0x0, s20;
	[sflag:s22] =	ssyncset.done $0x0  }
0xa0: {  	[sflag:s22] =	ssyncadd.s32 s4;
	_ =	sdelay $0x1  }
0xa1: {  	s23 =	simm.s32 $0x1B8B  }
0xa2: {  	_ =	swait.ge [sflag:s23], $0x1  }
0xa3: {  	[sflag:s23] =	ssyncset.done $0x0  }
0xa4: {  	s25 =	simm.s32 $0x1B8E;
	s24 =	sld [smem:$0x3FFE];
	[sflag:s23] =	ssyncadd.s32 $0xFFFFFFFF  }
0xa5: {  	s26 =	simm.s32 $execute0_lowered;
	[smem:$0x3FD2] =	sst s25  }
0xa6: {  	s5 =	sshll.u32 s26, $0x1;
	_ =	strace $0x80000046;
	[dreg:$0x1] =	wrdreg $0xFFFFFFFF  }
0xa7: {  	s28 =	simm.s32 $_size_execute0_lowered;
	s3 =	sadd.s32 s3, s5;
	[dreg:$0x0] =	wrdreg $0x0  }
0xa8: {  	s5 =	sshll.u32 s28, $0x1;
	[dreg:$0x2] =	wrdreg s3  }
0xa9: {  	[dreg:$0x3] =	wrdreg s5  }
0xaa: {  	[dreg:$0x4] =	wrdreg $0xC0  }
0xab: {  	_ =	task [dreg:s7], $0x5FFFF  }
0xac: {  	[dreg:$0x1] =	wrdreg $0xFFFFFFFF  }
0xad: {  	[dreg:$0x0] =	wrdreg $0x60  }
0xae: {  	[dreg:$0x2] =	wrdreg s2  }
0xaf: {  	[dreg:$0x3] =	wrdreg s24  }
0xb0: {  	[dreg:$0x4] =	wrdreg $0x0  }
0xb1: {  	[dreg:$0x5] =	wrdreg $0xA  }
0xb2: {  	_ =	task.clear_ibuf [dreg:s7], $0x6FFFF;
	_ =	strace $0x90000046  }
0xb3: {  	s29 =	simm.s32 $0xA;
	_ =	strace $0x80000048  }
0xb4: {  	_ =	swait.ge [sflag:s29], $0x1  }
0xb5: {  	[sflag:s29] =	ssyncadd.s32 $0xFFFFFFFF  }
0xb6: {  	_ =	strace $0x90000048  }
0xb7: {  	_ =	sfence  }
0xb8: {  	s30 =	sld [smem:$0x0];
	_ =	sdelay $0x2  }
0xb9: {  	s31 =	sshll.u32 s1, $0xD;
	s1 =	sshrl.u32 s1, $0x2  }
0xba: {  	s3 =	sand.u32 $0x4000, s31;
	s1 =	sadd.s32 s1, s30  }
0xbb: {  	s0 =	sor.u32 s3, s0;
	s1 =	sshll.u32 s1, $0x11  }
0xbc: {  	s0 =	sor.u32 s1, s0  }
0xbd: {  	s0 =	sadd.s32 $0x8F2B, s0  }
0xbe: {  	[sflag:s0] =	ssyncadd.remote.s32 $0x1  }
0xbf: {  	_ =	sfence.sel $0xFFFF  }
0xc0: {  	[dreg:$0x0] =	wrdreg $0xFFFFFFFF;
	(pc) =	sbr.abs _section_cstart, $3  }
0xc1: {  	[dreg:$0x1] =	wrdreg $0xFFFFFFFF  }
0xc2: {  	_ =	task.clear_ibuf [dreg:s7], $0x2FFFF;
	_ =	strace $0x9FFFFFFF  }
0xc3: {  	(tm) =	ssettm $0x7FFFFFFF  }
tec
execute0_lowered:
.L_overlay_start_1:
0x0: {  	(tag) =	ssettag $0x1  }
0x1: {  	s1 =	rddreg [dreg:$0x0]  }
0x2: {  	s0 =	srdreg.scid;
	s2 =	rddreg [dreg:$0x1]  }
0x3: {  	s11 =	stileid.u32;
	s3 =	rddreg [dreg:$0x2];
	s30 =	simm.s32 $0x50  }
0x4: {  	s31 =	simm.s32 $0x1CE00;
	s29 =	simm.s32 $0x0;
	s9 =	smul.u32 $0x50000, s11  }
0x5: {  	s0 =	sand.u32 $0x1, s0;
	s8 =	sadd.s32 $0x20600, s2;
	s28 =	smul.u32 $0x14000, s11  }
0x6: {  	s4 =	sshll.u32 s0, $0x4;
	s7 =	ssub.s32 $0x2, s0;
	s0 =	smul.u32 $0x140000, s0  }
0x7: {  	s5 =	sor.u32 s11, s4;
	s4 =	simm.s32 $0x0;
	s24 =	sshrl.u32 s7, $0x1  }
0x8: {  	s26 =	sshrl.u32 s9, $0x2;
	s16 =	sadd.s32 $0x5000, s28;
	s17 =	sadd.s32 $0x7800, s28  }
0x9: {  	s18 =	sadd.s32 $0xA000, s28;
	s19 =	sadd.s32 $0xC800, s28;
	s20 =	sadd.s32 $0xF000, s28  }
0xa: {  	s21 =	sadd.s32 $0x11800, s28;
	s6 =	smul.u32 $0x7D0, s5;
	[smem:$0x7FF] =	sst s4  }
0xb: {  	s5 =	smul.u32 $0x4E2, s5;
	s10 =	ssub.s32 s7, s24;
	s7 =	sor.u32 $0x2800, s28  }
0xc: {  	s11 =	sadd.s32 s16, s3;
	s12 =	sadd.s32 s17, s3;
	s13 =	sadd.s32 s18, s3  }
0xd: {  	s14 =	sadd.s32 s19, s3;
	s15 =	sadd.s32 s20, s3;
	s22 =	sadd.s32 s0, s16  }
0xe: {  	s23 =	sadd.s32 s0, s17;
	s24 =	sadd.s32 s0, s18;
	s16 =	sadd.s32 s21, s3  }
0xf: {  	_ =	strace $0x80000047;
	[dreg:$0x4] =	wrdreg s8;
	s8 =	sadd.s32 s26, s3  }
0x10: {  	s9 =	smax.u32 s10, $0x1;
	s10 =	sadd.s32 s7, s3;
	s26 =	sadd.s32 s0, s20  }
0x11: {  	s22 =	sshrl.u32 s22, $0x3;
	s23 =	sshrl.u32 s23, $0x3;
	s24 =	sshrl.u32 s24, $0x3  }
0x12: {  	s6 =	sadd.s32 s6, s2;
	s5 =	sadd.s32 s5, s2;
	s2 =	sadd.s32 $0x22E00, s2  }
0x13: {  	s5 =	sadd.s32 $0x6E00, s5;
	s25 =	sadd.s32 $0x10C00, s6;
	s6 =	sadd.s32 s0, s28  }
0x14: {  	s20 =	sadd.s32 s2, s23;
	s28 =	sshrl.u32 s26, $0x3;
	[dreg:$0x5] =	wrdreg s5  }
0x15: {  	s26 =	simm.s32 $0x2;
	[dreg:$0x6] =	wrdreg s25;
	s5 =	sadd.s32 s0, s7  }
0x16: {  	s25 =	sadd.s32 s0, s19;
	s0 =	sadd.s32 s0, s21;
	s6 =	sshrl.u32 s6, $0x3  }
0x17: {  	s19 =	sadd.s32 s2, s22;
	s21 =	sadd.s32 s2, s24;
	s23 =	sadd.s32 s2, s28  }
0x18: {  	s5 =	sshrl.u32 s5, $0x3;
	s17 =	sadd.s32 s2, s6;
	s25 =	sshrl.u32 s25, $0x3  }
0x19: {  	s0 =	sshrl.u32 s0, $0x3;
	s18 =	sadd.s32 s2, s5;
	s22 =	sadd.s32 s2, s25  }
0x1a: {  	s24 =	sadd.s32 s2, s0;
	s25 =	simm.s32 $0x1A600;
	s2 =	simm.s32 $0x1  }
.LBB2_1:
0x1b: {  	s0 =	rddreg [dreg:$0x4]  }
0x1c: {  	[tilespmem:s25], [sflag:$0x2] =	stream.linear.gather [hbm4b:s0+s4], $0x2800, $0x38;
	[tilespmem:$0x1F600] =	vst v63  }
0x1d: {  	_ =	swait.ge [sflag:s26], $0x2800  }
0x1e: {  	[sflag:s26] =	ssyncset.done $0x0  }
0x1f: {  	[sflag:s26] =	ssyncadd.s32 $0xFFFFD800  }
0x20: {  	[spmem:s8] =	stream.linear.scatter [tilespmem:s25], [sflag:$0x2], $0x2800, $0x38;
	[tilespmem:$0x1F600] =	vst v63  }
0x21: {  	_ =	swait.ge [sflag:s26], $0x2800  }
0x22: {  	[sflag:s26] =	ssyncset.done $0x0  }
0x23: {  	[sflag:s26] =	ssyncadd.s32 $0xFFFFD800  }
0x24: {  	[spmem:s10] =	stream.linear.scatter [tilespmem:s25], [sflag:$0x2], $0x2800, $0x38;
	[tilespmem:$0x1F600] =	vst v63  }
0x25: {  	_ =	swait.ge [sflag:s26], $0x2800  }
0x26: {  	[sflag:s26] =	ssyncset.done $0x0  }
0x27: {  	[sflag:s26] =	ssyncadd.s32 $0xFFFFD800  }
0x28: {  	[spmem:s11] =	stream.linear.scatter [tilespmem:s25], [sflag:$0x2], $0x2800, $0x38;
	[tilespmem:$0x1F600] =	vst v63  }
0x29: {  	_ =	swait.ge [sflag:s26], $0x2800  }
0x2a: {  	[sflag:s26] =	ssyncset.done $0x0  }
0x2b: {  	[sflag:s26] =	ssyncadd.s32 $0xFFFFD800  }
0x2c: {  	[spmem:s12] =	stream.linear.scatter [tilespmem:s25], [sflag:$0x2], $0x2800, $0x38;
	[tilespmem:$0x1F600] =	vst v63  }
0x2d: {  	_ =	swait.ge [sflag:s26], $0x2800  }
0x2e: {  	[sflag:s26] =	ssyncset.done $0x0  }
0x2f: {  	[sflag:s26] =	ssyncadd.s32 $0xFFFFD800  }
0x30: {  	[spmem:s13] =	stream.linear.scatter [tilespmem:s25], [sflag:$0x2], $0x2800, $0x38;
	[tilespmem:$0x1F600] =	vst v63  }
0x31: {  	_ =	swait.ge [sflag:s26], $0x2800  }
0x32: {  	[sflag:s26] =	ssyncset.done $0x0  }
0x33: {  	[sflag:s26] =	ssyncadd.s32 $0xFFFFD800  }
0x34: {  	[spmem:s14] =	stream.linear.scatter [tilespmem:s25], [sflag:$0x2], $0x2800, $0x38;
	[tilespmem:$0x1F600] =	vst v63  }
0x35: {  	_ =	swait.ge [sflag:s26], $0x2800  }
0x36: {  	[sflag:s26] =	ssyncset.done $0x0  }
0x37: {  	[sflag:s26] =	ssyncadd.s32 $0xFFFFD800  }
0x38: {  	[spmem:s15] =	stream.linear.scatter [tilespmem:s25], [sflag:$0x2], $0x2800, $0x38;
	[tilespmem:$0x1F600] =	vst v63  }
0x39: {  	_ =	swait.ge [sflag:s26], $0x2800  }
0x3a: {  	[sflag:s26] =	ssyncset.done $0x0  }
0x3b: {  	[sflag:s26] =	ssyncadd.s32 $0xFFFFD800  }
0x3c: {  	[spmem:s16] =	stream.linear.scatter [tilespmem:s25], [sflag:$0x2], $0x2800, $0x38;
	[tilespmem:$0x1F600] =	vst v63  }
0x3d: {  	_ =	swait.ge [sflag:s26], $0x2800  }
0x3e: {  	[sflag:s26] =	ssyncset.done $0x0  }
0x3f: {  	s5 =	simm.s32 $0x14000;
	s6 =	rddreg [dreg:$0x5];
	[sflag:s26] =	ssyncadd.s32 $0xFFFFD800  }
0x40: {  	[tilespmem:s5], [sflag:$0x2] =	stream.linear.gather [hbm4b:s6+s4], $0x2710, $0x38;
	[tilespmem:$0x1F600] =	vst v63  }
0x41: {  	_ =	swait.ge [sflag:s26], $0x2710  }
0x42: {  	[sflag:s26] =	ssyncset.done $0x0  }
0x43: {  	s28 =	simm.s32 $0x16780;
	s7 =	rddreg [dreg:$0x6];
	[sflag:s26] =	ssyncadd.s32 $0xFFFFD8F0  }
0x44: {  	[tilespmem:s28], [sflag:$0x2] =	stream.linear.gather [hbm4b:s7+s4], $0x3E80, $0x38;
	[tilespmem:$0x1F600] =	vst v63  }
0x45: {  	_ =	swait.ge [sflag:s26], $0x3E80  }
0x46: {  	[sflag:s26] =	ssyncset.done $0x0  }
0x47: {  	[sflag:s26] =	ssyncadd.s32 $0xFFFFC180  }
0x48: {  	s0 =	simm.s32 $0x0;
	[bflag:$0x0] =	sbarrier.arrive $0xFFFF  }
.LBB2_2:
0x49: {  	s5 =	smul.u32 $0x280, s0;
	s28 =	sshllo.u32 s0, $0x1  }
0x4a: {  	s6 =	smul.u32 $0x140, s28  }
0x4b: {  	s5 =	sshra.s32 s5, $0x2  }
0x4c: {  	s5 =	sadd.s32 $0x14000, s5;
	s7 =	sshra.s32 s6, $0x2  }
0x4d: {  	[tilespmem:s25], [sflag:$0x1] =	stream.indirect.gather [hbm4b:s1+s30], $0x80, s5, s30, $0xb8;
	[tilespmem:$0x1F600] =	vst v63  }
0x4e: {  	s5 =	sadd.s32 $0x14000, s7  }
0x4f: {  	[tilespmem:s31], [sflag:$0x1] =	stream.indirect.gather [hbm4b:s1+s30], $0x80, s5, s30, $0xb8;
	[tilespmem:$0x1F600] =	vst v63  }
0x50: {  	_ =	swait.ge [sflag:s2], $0x2800  }
0x51: {  	[sflag:s2] =	ssyncset.done $0x0  }
0x52: {  	s5 =	simm.s32 $0x0;
	[sflag:s2] =	ssyncadd.s32 $0xFFFFD800  }
0x53: {  	v3 =	vld [tilespmem:s5+$0x1A600]  }
0x54: {  	v5 =	vld [tilespmem:s5+$0x1A610]  }
0x55: {  	v4 =	vld [tilespmem:s5+$0x1A620]  }
0x56: {  	v2 =	vld [tilespmem:s5+$0x1A630]  }
0x57: {  	v0 =	vld [tilespmem:s5+$0x1A640]  }
0x58: {  	v1 =	vld [tilespmem:s5+$0x1A650];
	v6 =	vmul.f32 v3, v3  }
0x59: {  	s6 =	simm.s32 $0x200;
	v5 =	vmul.f32 v5, v5;
	v3 =	vld [tilespmem:s5+$0x1A660]  }
.LBB2_3:
0x5a: {  	s7 =	sshra.s32 s6, $0x2;
	p0 =	sne.s32 s6, $0x9E00;
	[tilespmem:s5+$0x1A600] =	vst v6;
	v4 =	vmul.f32 v4, v4;
	v6 =	vld [tilespmem:s5+$0x1A670]  }
0x5b: {  	v7 =	vld [tilespmem:s7+$0x1A600];
	[tilespmem:s5+$0x1A610] =	vst v5;
	v2 =	vmul.f32 v2, v2  }
0x5c: {  	v5 =	vld [tilespmem:s7+$0x1A610];
	[tilespmem:s5+$0x1A620] =	vst v4;
	v0 =	vmul.f32 v0, v0  }
.Ltmp0:
0x5d: {  	v4 =	vld [tilespmem:s7+$0x1A620];
	[tilespmem:s5+$0x1A630] =	vst v2;
	v1 =	vmul.f32 v1, v1;
	(pc) =	sbr.rel @p0 .LBB2_3-.Ltmp0, $4  }
0x5e: {  	v2 =	vld [tilespmem:s7+$0x1A630];
	[tilespmem:s5+$0x1A640] =	vst v0;
	v3 =	vmul.f32 v3, v3  }
0x5f: {  	v0 =	vld [tilespmem:s7+$0x1A640];
	[tilespmem:s5+$0x1A650] =	vst v1;
	v8 =	vmul.f32 v6, v6  }
0x60: {  	v6 =	vmul.f32 v7, v7;
	v1 =	vld [tilespmem:s7+$0x1A650];
	[tilespmem:s5+$0x1A660] =	vst v3  }
0x61: {  	s6 =	sadd.s32 $0x200, s6;
	v5 =	vmul.f32 v5, v5;
	v3 =	vld [tilespmem:s7+$0x1A660];
	[tilespmem:s5+$0x1A670] =	vst v8;
	s5 =	smov.u32 s7  }
0x62: {  	[tilespmem:s5+$0x1A600] =	vst v6;
	v4 =	vmul.f32 v4, v4;
	v6 =	vld [tilespmem:s5+$0x1A670]  }
0x63: {  	[tilespmem:s5+$0x1A610] =	vst v5;
	v2 =	vmul.f32 v2, v2  }
0x64: {  	[tilespmem:s5+$0x1A620] =	vst v4;
	v0 =	vmul.f32 v0, v0  }
0x65: {  	[tilespmem:s5+$0x1A630] =	vst v2;
	v1 =	vmul.f32 v1, v1  }
0x66: {  	[tilespmem:s5+$0x1A640] =	vst v0;
	v0 =	vmul.f32 v3, v3  }
0x67: {  	s6 =	sshll.u32 s0, $0x8;
	[tilespmem:s5+$0x1A650] =	vst v1;
	v1 =	vmul.f32 v6, v6  }
0x68: {  	s6 =	sand.u32 $0x3FFFFF00, s6;
	[tilespmem:s5+$0x1A660] =	vst v0  }
0x69: {  	s7 =	sadd.s32 $0x16780, s6;
	[tilespmem:s5+$0x1A670] =	vst v1  }
0x6a: {  	[spmem:s3] =	stream.indirect.scatter.add.f32 [tilespmem:s25], [sflag:$0x2], $0x80, s7, s30, $0xb8;
	[tilespmem:$0x1F600] =	vst v63  }
0x6b: {  	_ =	swait.ge [sflag:s26], $0x2800  }
0x6c: {  	[sflag:s26] =	ssyncset.done $0x0  }
0x6d: {  	[sflag:s26] =	ssyncadd.s32 $0xFFFFD800  }
0x6e: {  	_ =	swait.ge [sflag:s2], $0x2800  }
0x6f: {  	[sflag:s2] =	ssyncset.done $0x0  }
0x70: {  	s5 =	simm.s32 $0x0;
	[sflag:s2] =	ssyncadd.s32 $0xFFFFD800  }
0x71: {  	v3 =	vld [tilespmem:s5+$0x1CE00]  }
0x72: {  	v5 =	vld [tilespmem:s5+$0x1CE10]  }
0x73: {  	v4 =	vld [tilespmem:s5+$0x1CE20]  }
0x74: {  	v2 =	vld [tilespmem:s5+$0x1CE30]  }
0x75: {  	v0 =	vld [tilespmem:s5+$0x1CE40]  }
0x76: {  	v1 =	vld [tilespmem:s5+$0x1CE50];
	v6 =	vmul.f32 v3, v3  }
0x77: {  	s6 =	simm.s32 $0x200;
	v5 =	vmul.f32 v5, v5;
	v3 =	vld [tilespmem:s5+$0x1CE60]  }
.LBB2_5:
0x78: {  	s7 =	sshra.s32 s6, $0x2;
	p0 =	sne.s32 s6, $0x9E00;
	[tilespmem:s5+$0x1CE00] =	vst v6;
	v4 =	vmul.f32 v4, v4;
	v6 =	vld [tilespmem:s5+$0x1CE70]  }
0x79: {  	v7 =	vld [tilespmem:s7+$0x1CE00];
	[tilespmem:s5+$0x1CE10] =	vst v5;
	v2 =	vmul.f32 v2, v2  }
0x7a: {  	v5 =	vld [tilespmem:s7+$0x1CE10];
	[tilespmem:s5+$0x1CE20] =	vst v4;
	v0 =	vmul.f32 v0, v0  }
.Ltmp1:
0x7b: {  	v4 =	vld [tilespmem:s7+$0x1CE20];
	[tilespmem:s5+$0x1CE30] =	vst v2;
	v1 =	vmul.f32 v1, v1;
	(pc) =	sbr.rel @p0 .LBB2_5-.Ltmp1, $4  }
0x7c: {  	v2 =	vld [tilespmem:s7+$0x1CE30];
	[tilespmem:s5+$0x1CE40] =	vst v0;
	v3 =	vmul.f32 v3, v3  }
0x7d: {  	v0 =	vld [tilespmem:s7+$0x1CE40];
	[tilespmem:s5+$0x1CE50] =	vst v1;
	v8 =	vmul.f32 v6, v6  }
0x7e: {  	v6 =	vmul.f32 v7, v7;
	v1 =	vld [tilespmem:s7+$0x1CE50];
	[tilespmem:s5+$0x1CE60] =	vst v3  }
0x7f: {  	s6 =	sadd.s32 $0x200, s6;
	v5 =	vmul.f32 v5, v5;
	v3 =	vld [tilespmem:s7+$0x1CE60];
	[tilespmem:s5+$0x1CE70] =	vst v8;
	s5 =	smov.u32 s7  }
0x80: {  	[tilespmem:s5+$0x1CE00] =	vst v6;
	v4 =	vmul.f32 v4, v4;
	v61 =	vld [tilespmem:s5+$0x1CE70]  }
0x81: {  	[tilespmem:s5+$0x1CE10] =	vst v5;
	v2 =	vmul.f32 v2, v2  }
0x82: {  	[tilespmem:s5+$0x1CE20] =	vst v4;
	v0 =	vmul.f32 v0, v0  }
0x83: {  	[tilespmem:s5+$0x1CE30] =	vst v2;
	v1 =	vmul.f32 v1, v1  }
0x84: {  	[tilespmem:s5+$0x1CE40] =	vst v0;
	v62 =	vmul.f32 v3, v3  }
0x85: {  	s6 =	sshll.u32 s28, $0x7;
	s0 =	sadd.s32 $0x1, s0;
	[tilespmem:s5+$0x1CE50] =	vst v1;
	v63 =	vmul.f32 v61, v61  }
0x86: {  	s6 =	sand.u32 $0x3FFFFF80, s6;
	p0 =	sne.s32 s0, $0x3E;
	[tilespmem:s5+$0x1CE60] =	vst v62  }
.Ltmp2:
0x87: {  	s28 =	sadd.s32 $0x16780, s6;
	[tilespmem:s5+$0x1CE70] =	vst v63;
	(pc) =	sbr.rel @p0 .LBB2_2-.Ltmp2, $4  }
0x88: {  	[spmem:s3] =	stream.indirect.scatter.add.f32 [tilespmem:s31], [sflag:$0x2], $0x80, s28, s30, $0xb8;
	[tilespmem:$0x1F600] =	vst v63  }
0x89: {  	_ =	swait.ge [sflag:s26], $0x2800  }
0x8a: {  	[sflag:s26] =	ssyncset.done $0x0  }
0x8b: {  	[sflag:s26] =	ssyncadd.s32 $0xFFFFD800  }
0x8c: {  	s0 =	simm.s32 $0x166C0  }
0x8d: {  	[tilespmem:s25], [sflag:$0x1] =	stream.indirect.gather [hbm4b:s1+s30], $0x80, s0, s30, $0xb8;
	[tilespmem:$0x1F600] =	vst v63  }
0x8e: {  	_ =	swait.ge [sflag:s2], $0x2800  }
0x8f: {  	[sflag:s2] =	ssyncset.done $0x0  }
0x90: {  	s0 =	simm.s32 $0x0;
	[sflag:s2] =	ssyncadd.s32 $0xFFFFD800  }
0x91: {  	v3 =	vld [tilespmem:s0+$0x1A600]  }
0x92: {  	v5 =	vld [tilespmem:s0+$0x1A610]  }
0x93: {  	v4 =	vld [tilespmem:s0+$0x1A620]  }
0x94: {  	v2 =	vld [tilespmem:s0+$0x1A630]  }
0x95: {  	v0 =	vld [tilespmem:s0+$0x1A640]  }
0x96: {  	v1 =	vld [tilespmem:s0+$0x1A650];
	v6 =	vmul.f32 v3, v3  }
0x97: {  	s5 =	simm.s32 $0x200;
	v5 =	vmul.f32 v5, v5;
	v3 =	vld [tilespmem:s0+$0x1A660]  }
.LBB2_8:
0x98: {  	s6 =	sshra.s32 s5, $0x2;
	p0 =	sne.s32 s5, $0x9E00;
	[tilespmem:s0+$0x1A600] =	vst v6;
	v4 =	vmul.f32 v4, v4;
	v6 =	vld [tilespmem:s0+$0x1A670]  }
0x99: {  	v7 =	vld [tilespmem:s6+$0x1A600];
	[tilespmem:s0+$0x1A610] =	vst v5;
	v2 =	vmul.f32 v2, v2  }
0x9a: {  	v5 =	vld [tilespmem:s6+$0x1A610];
	[tilespmem:s0+$0x1A620] =	vst v4;
	v0 =	vmul.f32 v0, v0  }
.Ltmp3:
0x9b: {  	v4 =	vld [tilespmem:s6+$0x1A620];
	[tilespmem:s0+$0x1A630] =	vst v2;
	v1 =	vmul.f32 v1, v1;
	(pc) =	sbr.rel @p0 .LBB2_8-.Ltmp3, $4  }
0x9c: {  	v2 =	vld [tilespmem:s6+$0x1A630];
	[tilespmem:s0+$0x1A640] =	vst v0;
	v3 =	vmul.f32 v3, v3  }
0x9d: {  	v0 =	vld [tilespmem:s6+$0x1A640];
	[tilespmem:s0+$0x1A650] =	vst v1;
	v8 =	vmul.f32 v6, v6  }
0x9e: {  	v6 =	vmul.f32 v7, v7;
	v1 =	vld [tilespmem:s6+$0x1A650];
	[tilespmem:s0+$0x1A660] =	vst v3  }
0x9f: {  	s5 =	sadd.s32 $0x200, s5;
	v5 =	vmul.f32 v5, v5;
	v3 =	vld [tilespmem:s6+$0x1A660];
	[tilespmem:s0+$0x1A670] =	vst v8;
	s0 =	smov.u32 s6  }
0xa0: {  	[tilespmem:s0+$0x1A600] =	vst v6;
	v4 =	vmul.f32 v4, v4;
	v61 =	vld [tilespmem:s0+$0x1A670]  }
0xa1: {  	[tilespmem:s0+$0x1A610] =	vst v5;
	v2 =	vmul.f32 v2, v2  }
0xa2: {  	[tilespmem:s0+$0x1A620] =	vst v4;
	v0 =	vmul.f32 v0, v0  }
0xa3: {  	[tilespmem:s0+$0x1A630] =	vst v2;
	v1 =	vmul.f32 v1, v1  }
0xa4: {  	[tilespmem:s0+$0x1A640] =	vst v0;
	v62 =	vmul.f32 v3, v3  }
0xa5: {  	[tilespmem:s0+$0x1A650] =	vst v1;
	v63 =	vmul.f32 v61, v61  }
0xa6: {  	[tilespmem:s0+$0x1A660] =	vst v62  }
0xa7: {  	s28 =	simm.s32 $0x1A580;
	[tilespmem:s0+$0x1A670] =	vst v63  }
0xa8: {  	[spmem:s3] =	stream.indirect.scatter.add.f32 [tilespmem:s25], [sflag:$0x2], $0x80, s28, s30, $0xb8;
	[tilespmem:$0x1F600] =	vst v63  }
0xa9: {  	_ =	swait.ge [sflag:s26], $0x2800  }
0xaa: {  	[sflag:s26] =	ssyncset.done $0x0  }
0xab: {  	[sflag:s26] =	ssyncadd.s32 $0xFFFFD800  }
0xac: {  	[bflag:$0x0] =	sbarrier.arrive $0xFFFF  }
0xad: {  	[tilespmem:s25], [sflag:$0x2] =	stream.linear.gather [spmem:s8], $0x2800, $0x38;
	[tilespmem:$0x1F600] =	vst v63  }
0xae: {  	_ =	swait.ge [sflag:s26], $0x2800  }
0xaf: {  	[sflag:s26] =	ssyncset.done $0x0  }
0xb0: {  	[sflag:s26] =	ssyncadd.s32 $0xFFFFD800  }
0xb1: {  	[hbm4b:s17+s4] =	stream.linear.scatter [tilespmem:s25], [sflag:$0x2], $0x2800, $0x38;
	[tilespmem:$0x1F600] =	vst v63  }
0xb2: {  	_ =	swait.ge [sflag:s26], $0x2800  }
0xb3: {  	[sflag:s26] =	ssyncset.done $0x0  }
0xb4: {  	[sflag:s26] =	ssyncadd.s32 $0xFFFFD800  }
0xb5: {  	[tilespmem:s25], [sflag:$0x2] =	stream.linear.gather [spmem:s10], $0x2800, $0x38;
	[tilespmem:$0x1F600] =	vst v63  }
0xb6: {  	_ =	swait.ge [sflag:s26], $0x2800  }
0xb7: {  	[sflag:s26] =	ssyncset.done $0x0  }
0xb8: {  	[sflag:s26] =	ssyncadd.s32 $0xFFFFD800  }
0xb9: {  	[hbm4b:s18+s4] =	stream.linear.scatter [tilespmem:s25], [sflag:$0x2], $0x2800, $0x38;
	[tilespmem:$0x1F600] =	vst v63  }
0xba: {  	_ =	swait.ge [sflag:s26], $0x2800  }
0xbb: {  	[sflag:s26] =	ssyncset.done $0x0  }
0xbc: {  	[sflag:s26] =	ssyncadd.s32 $0xFFFFD800  }
0xbd: {  	[tilespmem:s25], [sflag:$0x2] =	stream.linear.gather [spmem:s11], $0x2800, $0x38;
	[tilespmem:$0x1F600] =	vst v63  }
0xbe: {  	_ =	swait.ge [sflag:s26], $0x2800  }
0xbf: {  	[sflag:s26] =	ssyncset.done $0x0  }
0xc0: {  	[sflag:s26] =	ssyncadd.s32 $0xFFFFD800  }
0xc1: {  	[hbm4b:s19+s4] =	stream.linear.scatter [tilespmem:s25], [sflag:$0x2], $0x2800, $0x38;
	[tilespmem:$0x1F600] =	vst v63  }
0xc2: {  	_ =	swait.ge [sflag:s26], $0x2800  }
0xc3: {  	[sflag:s26] =	ssyncset.done $0x0  }
0xc4: {  	[sflag:s26] =	ssyncadd.s32 $0xFFFFD800  }
0xc5: {  	[tilespmem:s25], [sflag:$0x2] =	stream.linear.gather [spmem:s12], $0x2800, $0x38;
	[tilespmem:$0x1F600] =	vst v63  }
0xc6: {  	_ =	swait.ge [sflag:s26], $0x2800  }
0xc7: {  	[sflag:s26] =	ssyncset.done $0x0  }
0xc8: {  	[sflag:s26] =	ssyncadd.s32 $0xFFFFD800  }
0xc9: {  	[hbm4b:s20+s4] =	stream.linear.scatter [tilespmem:s25], [sflag:$0x2], $0x2800, $0x38;
	[tilespmem:$0x1F600] =	vst v63  }
0xca: {  	_ =	swait.ge [sflag:s26], $0x2800  }
0xcb: {  	[sflag:s26] =	ssyncset.done $0x0  }
0xcc: {  	[sflag:s26] =	ssyncadd.s32 $0xFFFFD800  }
0xcd: {  	[tilespmem:s25], [sflag:$0x2] =	stream.linear.gather [spmem:s13], $0x2800, $0x38;
	[tilespmem:$0x1F600] =	vst v63  }
0xce: {  	_ =	swait.ge [sflag:s26], $0x2800  }
0xcf: {  	[sflag:s26] =	ssyncset.done $0x0  }
0xd0: {  	[sflag:s26] =	ssyncadd.s32 $0xFFFFD800  }
0xd1: {  	[hbm4b:s21+s4] =	stream.linear.scatter [tilespmem:s25], [sflag:$0x2], $0x2800, $0x38;
	[tilespmem:$0x1F600] =	vst v63  }
0xd2: {  	_ =	swait.ge [sflag:s26], $0x2800  }
0xd3: {  	[sflag:s26] =	ssyncset.done $0x0  }
0xd4: {  	[sflag:s26] =	ssyncadd.s32 $0xFFFFD800  }
0xd5: {  	[tilespmem:s25], [sflag:$0x2] =	stream.linear.gather [spmem:s14], $0x2800, $0x38;
	[tilespmem:$0x1F600] =	vst v63  }
0xd6: {  	_ =	swait.ge [sflag:s26], $0x2800  }
0xd7: {  	[sflag:s26] =	ssyncset.done $0x0  }
0xd8: {  	[sflag:s26] =	ssyncadd.s32 $0xFFFFD800  }
0xd9: {  	[hbm4b:s22+s4] =	stream.linear.scatter [tilespmem:s25], [sflag:$0x2], $0x2800, $0x38;
	[tilespmem:$0x1F600] =	vst v63  }
0xda: {  	_ =	swait.ge [sflag:s26], $0x2800  }
0xdb: {  	[sflag:s26] =	ssyncset.done $0x0  }
0xdc: {  	[sflag:s26] =	ssyncadd.s32 $0xFFFFD800  }
0xdd: {  	[tilespmem:s25], [sflag:$0x2] =	stream.linear.gather [spmem:s15], $0x2800, $0x38;
	[tilespmem:$0x1F600] =	vst v63  }
0xde: {  	_ =	swait.ge [sflag:s26], $0x2800  }
0xdf: {  	[sflag:s26] =	ssyncset.done $0x0  }
0xe0: {  	[sflag:s26] =	ssyncadd.s32 $0xFFFFD800  }
0xe1: {  	[hbm4b:s23+s4] =	stream.linear.scatter [tilespmem:s25], [sflag:$0x2], $0x2800, $0x38;
	[tilespmem:$0x1F600] =	vst v63  }
0xe2: {  	_ =	swait.ge [sflag:s26], $0x2800  }
0xe3: {  	[sflag:s26] =	ssyncset.done $0x0  }
0xe4: {  	[sflag:s26] =	ssyncadd.s32 $0xFFFFD800  }
0xe5: {  	[tilespmem:s25], [sflag:$0x2] =	stream.linear.gather [spmem:s16], $0x2800, $0x38;
	[tilespmem:$0x1F600] =	vst v63  }
0xe6: {  	s29 =	sadd.s32 $0x1, s29;
	_ =	swait.ge [sflag:s26], $0x2800  }
0xe7: {  	p0 =	sne.s32 s29, s9;
	[sflag:s26] =	ssyncset.done $0x0  }
.Ltmp4:
0xe8: {  	[sflag:s26] =	ssyncadd.s32 $0xFFFFD800;
	(pc) =	sbr.rel @p0 .LBB2_1-.Ltmp4, $4  }
0xe9: {  	[hbm4b:s24+s4] =	stream.linear.scatter [tilespmem:s25], [sflag:$0x2], $0x2800, $0x38;
	[tilespmem:$0x1F600] =	vst v63  }
0xea: {  	_ =	swait.ge [sflag:s26], $0x2800  }
0xeb: {  	[sflag:s26] =	ssyncset.done $0x0  }
0xec: {  	[sflag:s26] =	ssyncadd.s32 $0xFFFFD800  }
0xed: {  	_ =	sfence.sel $0x180000  }
0xee: {  	[bflag:$0x0] =	sbarrier.arrive $0xFFFF  }
0xef: {  	_ =	strace $0x90000047  }
0xf0: {  	s0 =	stileid.u32;
	[bflag:$0x2] =	sbarrier.arrive $0xFFFF  }
0xf1: {  	p0 =	sne.s32 s0, $0x0;
	s0 =	rddreg [dreg:$0x3]  }
0xf2: {  	s0 =	sadd.s32 @!p0 $0x100000, s0  }
0xf3: {  	[sflag:s0] =	ssyncadd.tile.s32 @!p0 $0x1;
	_ =	shalt  }
.Lfunc_end2:
_tile_overlayer_lowered:
.L_overlay_start_2:
0xf4: {  	(tag) =	ssettag $0x2  }
0xf5: {  	s0 =	rddreg [dreg:$0x0];
	s2 =	stileid.u32  }
0xf6: {  	s1 =	rddreg [dreg:$0x1];
	p0 =	sne.s32 s2, $0x0  }
0xf7: {  	s3 =	rddreg [dreg:$0x2];
	[bflag:$0x3] =	sbarrier.arrive $0xFFFF;
	s2 =	simm.s32 @!p0 $0x1C02  }
0xf8: {  	[timem:s3], [sflag:s2] =	dma.local @!p0 [hbm:s0], s1  }
0xf9: {  	s0 =	simm.s32 @!p0 $0x2  }
0xfa: {  	_ =	swait.ge @!p0 [sflag:s0], s1  }
0xfb: {  	s1 =	ssub.s32 @!p0 $0x0, s1;
	[sflag:s0] =	ssyncset.done @!p0 $0x0  }
0xfc: {  	[sflag:s0] =	ssyncadd.s32 @!p0 s1  }
0xfd: {  	[bflag:$0x3] =	sbarrier.arrive $0xFFFF  }
0xfe: {  	_ =	shalt  }

// kernel: kernel.22.cloned.1.call-start
scs
__scs_entry_jumppad:
0x0: {  	(pc) =	sbr.rel $0x88, $3  }
0x1: {  	(tag) =	ssettag $0x0;
	lr =	simm.s32 $0x1  }
0x2: {  	[smem:$0x3F89] =	sst lr;
	_ =	strace $0xD0000000  }
0x3: {  	_ = 	snop  }
0x4: {  	_ = 	snop  }
0x5: {  	_ = 	snop  }
0x6: {  	_ = 	snop  }
0x7: {  	_ = 	snop  }
__scs_overlays_trampoline_lowered:
0x8: {  	[smem:$0x3F98] =	sst s0  }
0x9: {  	[smem:$0x3F99] =	sst s1  }
0xa: {  	[smem:$0x3F9A] =	sst s2  }
0xb: {  	[smem:$0x3F9B] =	sst s3  }
0xc: {  	[smem:$0x3F9C] =	sst s4  }
0xd: {  	[smem:$0x3F9D] =	sst s5  }
0xe: {  	[smem:$0x3F9E] =	sst s6  }
0xf: {  	[smem:$0x3F9F] =	sst s7  }
0x10: {  	[smem:$0x3FA0] =	sst s8  }
0x11: {  	[smem:$0x3FA1] =	sst s9;
	s0 =	simm.s32 @!p0 $0x0  }
0x12: {  	s1 =	sld [smem:$0x3F87];
	s0 =	simm.s32 @p0 $0x1  }
0x13: {  	[smem:$0x3FA2] =	sst s0;
	s0 =	simm.s32 @!p1 $0x0  }
0x14: {  	s2 =	sld [smem:$0x3F86];
	s0 =	simm.s32 @p1 $0x1  }
0x15: {  	[smem:$0x3FA3] =	sst s0;
	s0 =	simm.s32 @!p2 $0x0  }
0x16: {  	s3 =	sld [smem:$0x3FDB];
	s0 =	simm.s32 @p2 $0x1  }
0x17: {  	s4 =	simm.s32 $0x1BF5;
	[smem:$0x3FA5] =	sst s0  }
0x18: {  	s0 =	sld [smem:$0x3F88];
	_ =	swait.ge [sflag:s4], $0x0  }
0x19: {  	s7 =	sld [smem:$0x3F89]  }
0x1a: {  	s8 =	sadd.s32 $0xFFFFE003, lr  }
0x1b: {  	s9 =	sadd.s32 $0xFFFFFEF7, lr;
	s5 =	simm.s32 $0xFFFFFFFF;
	p2 =	slt.u32 s8, $0xFFFFF086  }
0x1c: {  	p1 =	slt.u32 s9, $0xF7A;
	s5 =	simm.s32 @!p2 $0x0  }
0x1d: {  	s5 =	simm.s32 @p1 $0x1;
	p0 =	seq.s32 s7, s2  }
0x1e: {  	s7 =	smul.u32 @!p0 $0xF7A, s2;
	p2 =	seq.s32 @!p0 s5, $0x0  }
0x1f: {  	s9 =	smul.u32 $0xF7A, s1;
	s8 =	simm.s32 @!p0 $0x1BF5;
	p2 =	por !p2, p0  }
0x20: {  	[sflag:s8] =	ssyncset.s32 @!p0 $0xFFFFF086;
	s6 =	sadd.s32 @!p0 s3, s7;
	s7 =	simm.s32 @!p0 $0x108  }
0x21: {  	s3 =	sadd.s32 s3, s9;
	s6 =	sadd.s32 @!p0 $0x88, s6;
	s7 =	simm.s32 @p2 $0x1082  }
0x22: {  	[simem:s7], [sflag:s8] =	dma.local @!p0 [hbm:s6], $0xF7A  }
0x23: {  	s9 =	sor.u32 $0xD0000000, s2;
	s6 =	simm.s32 $0x108;
	_ =	swait.ge @!p0 [sflag:s8], $0x0  }
0x24: {  	s3 =	sadd.s32 $0x88, s3;
	s6 =	simm.s32 @!p1 $0x1082;
	[sflag:s4] =	ssyncset.s32 $0xFFFFF086  }
0x25: {  	[simem:s6], [sflag:s4] =	dma.local [hbm:s3], $0xF7A  }
0x26: {  	[smem:$0x3F89] =	sst s1;
	(tag) =	ssettag s2;
	_ =	strace s9  }
0x27: {  	s1 =	sld [smem:$0x3F99]  }
0x28: {  	s2 =	sld [smem:$0x3F9A]  }
0x29: {  	s4 =	sld [smem:$0x3F9C]  }
0x2a: {  	p0 =	seq.s32 s5, $0x0;
	s5 =	sld [smem:$0x3F9D]  }
0x2b: {  	s6 =	sld [smem:$0x3F9E]  }
0x2c: {  	s7 =	sld [smem:$0x3F9F]  }
0x2d: {  	s3 =	simm.s32 $0x108;
	s8 =	sld [smem:$0x3FA0]  }
0x2e: {  	s3 =	simm.s32 @!p0 $0x1082;
	s9 =	sld [smem:$0x3FA1]  }
0x2f: {  	lr =	sadd.s32 s0, s3;
	s0 =	sld [smem:$0x3F98]  }
0x30: {  	s3 =	sld [smem:$0x3F9B]  }
0x31: {  	[smem:$0x3FA4] =	sst s10  }
0x32: {  	s10 =	sld [smem:$0x3FA2];
	_ =	sdelay $0x3  }
0x33: {  	p0 =	seq.s32 s10, $0x1;
	s10 =	sld [smem:$0x3FA4];
	_ =	sdelay $0x3  }
0x34: {  	[smem:$0x3FA4] =	sst s10  }
0x35: {  	s10 =	sld [smem:$0x3FA3];
	_ =	sdelay $0x3  }
0x36: {  	p1 =	seq.s32 s10, $0x1;
	s10 =	sld [smem:$0x3FA4];
	_ =	sdelay $0x3  }
0x37: {  	[smem:$0x3FA4] =	sst s10  }
0x38: {  	s10 =	sld [smem:$0x3FA5]  }
0x39: {  	_ = 	snop;
	(pc) =	sbr.ind lr, $3  }
0x3a: {  	_ = 	snop  }
0x3b: {  	_ = 	snop  }
0x3c: {  	p2 =	seq.s32 s10, $0x1;
	s10 =	sld [smem:$0x3FA4]  }
0x3d: {  	_ =	shalt  }
0x3e: {  	_ =	shalt  }
0x3f: {  	_ =	shalt  }
0x40: {  	_ =	shalt  }
0x41: {  	_ =	shalt  }
0x42: {  	_ =	shalt  }
0x43: {  	_ =	shalt  }
0x44: {  	_ =	shalt  }
0x45: {  	_ =	shalt  }
0x46: {  	_ =	shalt  }
0x47: {  	_ =	shalt  }
0x48: {  	_ =	shalt  }
0x49: {  	_ =	shalt  }
0x4a: {  	_ =	shalt  }
0x4b: {  	_ =	shalt  }
0x4c: {  	_ =	shalt  }
0x4d: {  	_ =	shalt  }
0x4e: {  	_ =	shalt  }
0x4f: {  	_ =	shalt  }
0x50: {  	_ =	shalt  }
0x51: {  	_ =	shalt  }
0x52: {  	_ =	shalt  }
0x53: {  	_ =	shalt  }
0x54: {  	_ =	shalt  }
0x55: {  	_ =	shalt  }
0x56: {  	_ =	shalt  }
0x57: {  	_ =	shalt  }
0x58: {  	_ =	shalt  }
0x59: {  	_ =	shalt  }
0x5a: {  	_ =	shalt  }
0x5b: {  	_ =	shalt  }
0x5c: {  	_ =	shalt  }
0x5d: {  	_ =	shalt  }
0x5e: {  	_ =	shalt  }
0x5f: {  	_ =	shalt  }
0x60: {  	_ =	shalt  }
0x61: {  	_ =	shalt  }
0x62: {  	_ =	shalt  }
0x63: {  	_ =	shalt  }
0x64: {  	_ =	shalt  }
0x65: {  	_ =	shalt  }
0x66: {  	_ =	shalt  }
0x67: {  	_ =	shalt  }
0x68: {  	_ =	shalt  }
0x69: {  	_ =	shalt  }
0x6a: {  	_ =	shalt  }
0x6b: {  	_ =	shalt  }
0x6c: {  	_ =	shalt  }
0x6d: {  	_ =	shalt  }
0x6e: {  	_ =	shalt  }
0x6f: {  	_ =	shalt  }
0x70: {  	_ =	shalt  }
0x71: {  	_ =	shalt  }
0x72: {  	_ =	shalt  }
0x73: {  	_ =	shalt  }
0x74: {  	_ =	shalt  }
0x75: {  	_ =	shalt  }
0x76: {  	_ =	shalt  }
0x77: {  	_ =	shalt  }
0x78: {  	_ =	shalt  }
0x79: {  	_ =	shalt  }
0x7a: {  	_ =	shalt  }
0x7b: {  	_ =	shalt  }
0x7c: {  	_ =	shalt  }
0x7d: {  	_ =	shalt  }
0x7e: {  	_ =	shalt  }
0x7f: {  	_ =	shalt  }
0x80: {  	_ =	shalt  }
0x81: {  	_ =	shalt  }
0x82: {  	_ =	shalt  }
0x83: {  	_ =	shalt  }
0x84: {  	_ =	shalt  }
0x85: {  	_ =	shalt  }
0x86: {  	_ =	shalt  }
0x87: {  	_ =	shalt  }
.Lfunc_end0:
.L_simem_size_0:
called_computation.2_lowered:
.L_overlay_start_0:
0x88: {  	s2 =	sld [smem:$0x3FD9]  }
0x89: {  	s3 =	sld [smem:$0x3FFE];
	_ =	sdelay $0x1  }
0x8a: {  	s1 =	srdreg.scid  }
0x8b: {  	s0 =	sand.u32 $0x1, s1  }
0x8c: {  	s15 =	sshll.u32 s0, $0xA;
	s2 =	sadd.s32 s3, s2  }
0x8d: {  	s2 =	sadd.s32 s2, s15  }
0x8e: {  	[smem:$0x3FB0] =	sst s2  }
0x8f: {  	_ = 	snop  }
0x90: {  	s2 =	sld [smem:$0x3FD0];
	_ =	sdelay $0x2  }
0x91: {  	s16 =	simm.s32 $0xC;
	s4 =	simm.s32 $0x10  }
0x92: {  	[smem:s4], [sflag:s16] =	dma.local [hbm:s2], $0x1  }
0x93: {  	_ =	swait.eq [sflag:s16], $0x1  }
0x94: {  	[sflag:s16] =	ssyncset.done $0x0  }
0x95: {  	[sflag:s16] =	ssyncadd.s32 $0xFFFFFFFF  }
0x96: {  	s17 =	sld [smem:$0x11];
	(tm) =	ssettm $0x1  }
0x97: {  	s18 =	sld [smem:$0x3FFB];
	_ =	sdelay $0x3  }
0x98: {  	_ =	strace s18  }
0x99: {  	s2 =	sld [smem:$0x3FFC];
	_ =	sdelay $0x3  }
0x9a: {  	_ =	strace s2  }
0x9b: {  	s2 =	sld [smem:$0x3FFD];
	_ =	sdelay $0x3  }
0x9c: {  	_ =	strace s2  }
0x9d: {  	_ =	strace $0x8FFFFFFF  }
0x9e: {  	s19 =	sld [smem:$0x3FDB];
	_ =	sdelay $0x1  }
0x9f: {  	s20 =	simm.s32 $_scs_section_size  }
0xa0: {  	s5 =	simm.s32 $_size__tile_overlayer_lowered;
	s6 =	simm.s32 $_tile_overlayer_lowered  }
0xa1: {  	s7 =	simm.s32 $0x1BFF;
	s21 =	sshll.u32 s6, $0x1;
	s4 =	sadd.s32 s20, s19  }
0xa2: {  	s22 =	simm.s32 $0x0;
	s5 =	sshll.u32 s5, $0x1;
	s6 =	sadd.s32 s21, s4  }
0xa3: {  	[timem:s22], [sflag:s7] =	dma.local [hbm:s6], s5  }
0xa4: {  	_ =	swait.ge [sflag:s7], s5  }
0xa5: {  	s5 =	ssub.s32 $0x0, s5;
	[sflag:s7] =	ssyncset.done $0x0  }
0xa6: {  	[sflag:s7] =	ssyncadd.s32 s5;
	_ =	sdelay $0x1  }
0xa7: {  	s23 =	simm.s32 $0x1B8B  }
0xa8: {  	_ =	swait.ge [sflag:s23], $0x1  }
0xa9: {  	[sflag:s23] =	ssyncset.done $0x0  }
0xaa: {  	[sflag:s23] =	ssyncadd.s32 $0xFFFFFFFF  }
0xab: {  	s5 =	sld [smem:$0x0]  }
0xac: {  	s6 =	sand.u32 $0xFFFFFFFE, s1  }
0xad: {  	p0 =	sne.s32 s1, s6  }
0xae: {  	s6 =	sshll.u32 @p0 s6, $0xE  }
0xaf: {  	s6 =	sadd.s32 @p0 $0x11B8D, s6;
	s7 =	sshll.u32 @p0 s5, $0x11  }
0xb0: {  	s6 =	sor.u32 @p0 s7, s6  }
0xb1: {  	[sflag:s6] =	ssyncadd.remote.s32 @p0 $0x1;
	_ =	sdelay $0x1  }
0xb2: {  	s6 =	simm.s32 @p0 $0x1B8D  }
0xb3: {  	_ =	swait.eq @p0 [sflag:s6], $0x1  }
0xb4: {  	[sflag:s6] =	ssyncadd.s32 @p0 $0xFFFFFFFF  }
0xb5: {  	s7 =	sshll.u32 @!p0 s1, $0xE  }
0xb6: {  	s7 =	sor.u32 @!p0 $0x4000, s7;
	s6 =	simm.s32 @!p0 $0x1B8D  }
0xb7: {  	s5 =	sshll.u32 @!p0 s5, $0x11;
	s7 =	sadd.s32 @!p0 $0x11B8D, s7;
	_ =	swait.eq @!p0 [sflag:s6], $0x1  }
0xb8: {  	s5 =	sor.u32 @!p0 s5, s7;
	[sflag:s6] =	ssyncadd.s32 @!p0 $0xFFFFFFFF  }
0xb9: {  	s25 =	simm.s32 $0x1B8E;
	s24 =	sld [smem:$0x3FFE];
	[sflag:s5] =	ssyncadd.remote.s32 @!p0 $0x1  }
0xba: {  	s26 =	simm.s32 $execute0_lowered;
	[smem:$0x3FD2] =	sst s25  }
0xbb: {  	s6 =	sshll.u32 s26, $0x1;
	_ =	strace $0x8000004C;
	[dreg:$0x1] =	wrdreg $0xFFFFFFFF  }
0xbc: {  	s28 =	simm.s32 $_size_execute0_lowered;
	s4 =	sadd.s32 s4, s6;
	[dreg:$0x0] =	wrdreg $0x0  }
0xbd: {  	s6 =	sshll.u32 s28, $0x1;
	[dreg:$0x2] =	wrdreg s4  }
0xbe: {  	[dreg:$0x3] =	wrdreg s6  }
0xbf: {  	[dreg:$0x4] =	wrdreg $0xC0  }
0xc0: {  	_ =	task [dreg:s22], $0x5FFFF  }
0xc1: {  	[dreg:$0x1] =	wrdreg $0xFFFFFFFF  }
0xc2: {  	[dreg:$0x0] =	wrdreg $0x60  }
0xc3: {  	[dreg:$0x2] =	wrdreg s24  }
0xc4: {  	[dreg:$0x3] =	wrdreg s17  }
0xc5: {  	[dreg:$0x4] =	wrdreg $0x0  }
0xc6: {  	[dreg:$0x5] =	wrdreg $0xB  }
0xc7: {  	_ =	task.clear_ibuf [dreg:s22], $0x6FFFF;
	_ =	strace $0x9000004C  }
0xc8: {  	s29 =	simm.s32 $0xB;
	_ =	strace $0x8000004E  }
0xc9: {  	_ =	swait.ge [sflag:s29], $0x1  }
0xca: {  	[sflag:s29] =	ssyncadd.s32 $0xFFFFFFFF  }
0xcb: {  	_ =	strace $0x9000004E  }
0xcc: {  	_ =	sfence  }
0xcd: {  	s30 =	sld [smem:$0x0];
	_ =	sdelay $0x2  }
0xce: {  	s31 =	sshll.u32 s1, $0xD;
	s1 =	sshrl.u32 s1, $0x2  }
0xcf: {  	s4 =	sand.u32 $0x4000, s31;
	s1 =	sadd.s32 s1, s30  }
0xd0: {  	s0 =	sor.u32 s4, s0;
	s1 =	sshll.u32 s1, $0x11  }
0xd1: {  	s0 =	sor.u32 s1, s0  }
0xd2: {  	s0 =	sadd.s32 $0x8F2B, s0  }
0xd3: {  	[sflag:s0] =	ssyncadd.remote.s32 $0x1  }
0xd4: {  	_ =	sfence.sel $0xFFFF  }
0xd5: {  	[dreg:$0x0] =	wrdreg $0xFFFFFFFF;
	(pc) =	sbr.abs _section_cstart, $3  }
0xd6: {  	[dreg:$0x1] =	wrdreg $0xFFFFFFFF  }
0xd7: {  	_ =	task.clear_ibuf [dreg:s22], $0x2FFFF;
	_ =	strace $0x9FFFFFFF  }
0xd8: {  	(tm) =	ssettm $0x7FFFFFFF  }
0xd9: {  	_ =	shalt  }
tec
execute0_lowered:
.L_overlay_start_1:
0x0: {  	(tag) =	ssettag $0x1  }
0x1: {  	s6 =	rddreg [dreg:$0x0]  }
0x2: {  	s0 =	srdreg.scid;
	s2 =	rddreg [dreg:$0x1]  }
0x3: {  	s3 =	rddreg [dreg:$0x2];
	s1 =	stileid.u32;
	s4 =	simm.s32 $0x0  }
0x4: {  	s28 =	simm.s32 $0x14000;
	s29 =	simm.s32 $0x50;
	s30 =	simm.s32 $0x0  }
0x5: {  	s7 =	sand.u32 $0x1, s0;
	[smem:$0x7FF] =	sst s4;
	s10 =	smul.u32 $0x50000, s1  }
0x6: {  	s23 =	sadd.s32 $0xC2E00, s6;
	s15 =	smul.u32 $0x14000, s1;
	s5 =	sshll.u32 s7, $0x4  }
0x7: {  	_ =	strace $0x8000004D;
	s9 =	ssub.s32 $0x2, s7;
	s21 =	smul.u32 $0x140000, s7  }
0x8: {  	s5 =	sor.u32 s1, s5;
	s31 =	sshrl.u32 s9, $0x1;
	s10 =	sshrl.u32 s10, $0x2  }
0x9: {  	s16 =	sor.u32 $0x2800, s15;
	s18 =	sadd.s32 $0x5000, s15;
	s19 =	sadd.s32 $0x7800, s15  }
0xa: {  	s20 =	sadd.s32 $0xA000, s15;
	s22 =	sadd.s32 $0xC800, s15;
	s24 =	sadd.s32 $0xF000, s15  }
0xb: {  	s25 =	sadd.s32 $0x11800, s15;
	s5 =	smul.u32 $0x7D0, s5;
	s9 =	ssub.s32 s9, s31  }
0xc: {  	s7 =	sadd.s32 s10, s3;
	s10 =	sadd.s32 s18, s3;
	s11 =	sadd.s32 s19, s3  }
0xd: {  	s12 =	sadd.s32 s20, s3;
	s13 =	sadd.s32 s22, s3;
	s14 =	sadd.s32 s24, s3  }
0xe: {  	s17 =	sadd.s32 s21, s15;
	s15 =	sadd.s32 s25, s3;
	s18 =	sadd.s32 s21, s18  }
0xf: {  	s19 =	sadd.s32 s21, s19;
	s20 =	sadd.s32 s21, s20;
	s22 =	sadd.s32 s21, s22  }
0x10: {  	s24 =	sadd.s32 s21, s24;
	s17 =	sshrl.u32 s17, $0x3;
	s18 =	sshrl.u32 s18, $0x3  }
0x11: {  	s19 =	sshrl.u32 s19, $0x3;
	s20 =	sshrl.u32 s20, $0x3;
	s22 =	sshrl.u32 s22, $0x3  }
0x12: {  	s24 =	sshrl.u32 s24, $0x3;
	s8 =	sadd.s32 s5, s6;
	s5 =	sadd.s32 $0x20600, s6  }
0x13: {  	s18 =	sadd.s32 s23, s18;
	s19 =	sadd.s32 s23, s19;
	s6 =	sadd.s32 $0x10C00, s8  }
0x14: {  	s8 =	smax.u32 s9, $0x1;
	s9 =	sadd.s32 s16, s3;
	s16 =	sadd.s32 s21, s16  }
0x15: {  	s20 =	sadd.s32 s23, s20;
	s21 =	sadd.s32 s21, s25;
	s26 =	sshrl.u32 s16, $0x3  }
0x16: {  	s16 =	sadd.s32 s23, s17;
	s25 =	sshrl.u32 s21, $0x3;
	s21 =	sadd.s32 s23, s22  }
0x17: {  	s22 =	sadd.s32 s23, s24;
	s24 =	simm.s32 $0x17E80;
	s17 =	sadd.s32 s23, s26  }
0x18: {  	s23 =	sadd.s32 s23, s25;
	s25 =	simm.s32 $0x1;
	s26 =	simm.s32 $0x1A680  }
.LBB2_1:
0x19: {  	[tilespmem:s24], [sflag:$0x1] =	stream.linear.gather [hbm4b:s5+s4], $0x2800, $0x38;
	[tilespmem:$0x1CE80] =	vst v63  }
0x1a: {  	_ =	swait.ge [sflag:s25], $0x2800  }
0x1b: {  	[sflag:s25] =	ssyncset.done $0x0  }
0x1c: {  	[sflag:s25] =	ssyncadd.s32 $0xFFFFD800  }
0x1d: {  	[tilespmem:s26], [sflag:$0x1] =	stream.linear.gather [hbm4b:s2+s4], $0x2800, $0x38;
	[tilespmem:$0x1CE80] =	vst v63  }
0x1e: {  	_ =	swait.ge [sflag:s25], $0x2800  }
0x1f: {  	[sflag:s25] =	ssyncset.done $0x0  }
0x20: {  	[sflag:s25] =	ssyncadd.s32 $0xFFFFD800  }
0x21: {  	[spmem:s7] =	stream.linear.scatter [tilespmem:s24], [sflag:$0x1], $0x2800, $0x38;
	[tilespmem:$0x1CE80] =	vst v63  }
0x22: {  	_ =	swait.ge [sflag:s25], $0x2800  }
0x23: {  	[sflag:s25] =	ssyncset.done $0x0  }
0x24: {  	[sflag:s25] =	ssyncadd.s32 $0xFFFFD800  }
0x25: {  	[spmem:s9] =	stream.linear.scatter [tilespmem:s24], [sflag:$0x1], $0x2800, $0x38;
	[tilespmem:$0x1CE80] =	vst v63  }
0x26: {  	_ =	swait.ge [sflag:s25], $0x2800  }
0x27: {  	[sflag:s25] =	ssyncset.done $0x0  }
0x28: {  	[sflag:s25] =	ssyncadd.s32 $0xFFFFD800  }
0x29: {  	[spmem:s10] =	stream.linear.scatter [tilespmem:s24], [sflag:$0x1], $0x2800, $0x38;
	[tilespmem:$0x1CE80] =	vst v63  }
0x2a: {  	_ =	swait.ge [sflag:s25], $0x2800  }
0x2b: {  	[sflag:s25] =	ssyncset.done $0x0  }
0x2c: {  	[sflag:s25] =	ssyncadd.s32 $0xFFFFD800  }
0x2d: {  	[spmem:s11] =	stream.linear.scatter [tilespmem:s24], [sflag:$0x1], $0x2800, $0x38;
	[tilespmem:$0x1CE80] =	vst v63  }
0x2e: {  	_ =	swait.ge [sflag:s25], $0x2800  }
0x2f: {  	[sflag:s25] =	ssyncset.done $0x0  }
0x30: {  	[sflag:s25] =	ssyncadd.s32 $0xFFFFD800  }
0x31: {  	[spmem:s12] =	stream.linear.scatter [tilespmem:s24], [sflag:$0x1], $0x2800, $0x38;
	[tilespmem:$0x1CE80] =	vst v63  }
0x32: {  	_ =	swait.ge [sflag:s25], $0x2800  }
0x33: {  	[sflag:s25] =	ssyncset.done $0x0  }
0x34: {  	[sflag:s25] =	ssyncadd.s32 $0xFFFFD800  }
0x35: {  	[spmem:s13] =	stream.linear.scatter [tilespmem:s24], [sflag:$0x1], $0x2800, $0x38;
	[tilespmem:$0x1CE80] =	vst v63  }
0x36: {  	_ =	swait.ge [sflag:s25], $0x2800  }
0x37: {  	[sflag:s25] =	ssyncset.done $0x0  }
0x38: {  	[sflag:s25] =	ssyncadd.s32 $0xFFFFD800  }
0x39: {  	[spmem:s14] =	stream.linear.scatter [tilespmem:s24], [sflag:$0x1], $0x2800, $0x38;
	[tilespmem:$0x1CE80] =	vst v63  }
0x3a: {  	_ =	swait.ge [sflag:s25], $0x2800  }
0x3b: {  	[sflag:s25] =	ssyncset.done $0x0  }
0x3c: {  	[sflag:s25] =	ssyncadd.s32 $0xFFFFD800  }
0x3d: {  	[spmem:s15] =	stream.linear.scatter [tilespmem:s24], [sflag:$0x1], $0x2800, $0x38;
	[tilespmem:$0x1CE80] =	vst v63  }
0x3e: {  	_ =	swait.ge [sflag:s25], $0x2800  }
0x3f: {  	[sflag:s25] =	ssyncset.done $0x0  }
0x40: {  	[sflag:s25] =	ssyncadd.s32 $0xFFFFD800  }
0x41: {  	[tilespmem:s28], [sflag:$0x1] =	stream.linear.gather [hbm4b:s6+s4], $0x3E80, $0x38;
	[tilespmem:$0x1CE80] =	vst v63  }
0x42: {  	_ =	swait.ge [sflag:s25], $0x3E80  }
0x43: {  	[sflag:s25] =	ssyncset.done $0x0  }
0x44: {  	[sflag:s25] =	ssyncadd.s32 $0xFFFFC180  }
0x45: {  	s31 =	simm.s32 $0x14000;
	[bflag:$0x0] =	sbarrier.arrive $0xFFFF  }
0x46: {  	[spmem:s3] =	stream.indirect.scatter.add.f32 [tilespmem:s26], [sflag:$0x1], $0x80, s31, s29, $0xb8;
	[tilespmem:$0x1CE80] =	vst v63  }
0x47: {  	s31 =	simm.s32 $0x200;
	_ =	swait.ge [sflag:s25], $0x2800  }
.LBB2_2:
0x48: {  	s0 =	sshra.s32 s31, $0x2;
	[sflag:s25] =	ssyncset.done $0x0;
	p0 =	sne.s32 s31, $0xF800  }
.Ltmp0:
0x49: {  	s0 =	sadd.s32 $0x14000, s0;
	[sflag:s25] =	ssyncadd.s32 $0xFFFFD800;
	(pc) =	sbr.rel @p0 .LBB2_2-.Ltmp0, $3  }
0x4a: {  	[spmem:s3] =	stream.indirect.scatter.add.f32 [tilespmem:s26], [sflag:$0x1], $0x80, s0, s29, $0xb8;
	[tilespmem:$0x1CE80] =	vst v63  }
0x4b: {  	s31 =	sadd.s32 $0x200, s31;
	_ =	sdelay $0x1  }
0x4c: {  	_ =	swait.ge [sflag:s25], $0x2800  }
0x4d: {  	[sflag:s25] =	ssyncset.done $0x0  }
0x4e: {  	[sflag:s25] =	ssyncadd.s32 $0xFFFFD800  }
0x4f: {  	[bflag:$0x0] =	sbarrier.arrive $0xFFFF  }
0x50: {  	[tilespmem:s24], [sflag:$0x1] =	stream.linear.gather [spmem:s7], $0x2800, $0x38;
	[tilespmem:$0x1CE80] =	vst v63  }
0x51: {  	_ =	swait.ge [sflag:s25], $0x2800  }
0x52: {  	[sflag:s25] =	ssyncset.done $0x0  }
0x53: {  	[sflag:s25] =	ssyncadd.s32 $0xFFFFD800  }
0x54: {  	[hbm4b:s16+s4] =	stream.linear.scatter [tilespmem:s24], [sflag:$0x1], $0x2800, $0x38;
	[tilespmem:$0x1CE80] =	vst v63  }
0x55: {  	_ =	swait.ge [sflag:s25], $0x2800  }
0x56: {  	[sflag:s25] =	ssyncset.done $0x0  }
0x57: {  	[sflag:s25] =	ssyncadd.s32 $0xFFFFD800  }
0x58: {  	[tilespmem:s24], [sflag:$0x1] =	stream.linear.gather [spmem:s9], $0x2800, $0x38;
	[tilespmem:$0x1CE80] =	vst v63  }
0x59: {  	_ =	swait.ge [sflag:s25], $0x2800  }
0x5a: {  	[sflag:s25] =	ssyncset.done $0x0  }
0x5b: {  	[sflag:s25] =	ssyncadd.s32 $0xFFFFD800  }
0x5c: {  	[hbm4b:s17+s4] =	stream.linear.scatter [tilespmem:s24], [sflag:$0x1], $0x2800, $0x38;
	[tilespmem:$0x1CE80] =	vst v63  }
0x5d: {  	_ =	swait.ge [sflag:s25], $0x2800  }
0x5e: {  	[sflag:s25] =	ssyncset.done $0x0  }
0x5f: {  	[sflag:s25] =	ssyncadd.s32 $0xFFFFD800  }
0x60: {  	[tilespmem:s24], [sflag:$0x1] =	stream.linear.gather [spmem:s10], $0x2800, $0x38;
	[tilespmem:$0x1CE80] =	vst v63  }
0x61: {  	_ =	swait.ge [sflag:s25], $0x2800  }
0x62: {  	[sflag:s25] =	ssyncset.done $0x0  }
0x63: {  	[sflag:s25] =	ssyncadd.s32 $0xFFFFD800  }
0x64: {  	[hbm4b:s18+s4] =	stream.linear.scatter [tilespmem:s24], [sflag:$0x1], $0x2800, $0x38;
	[tilespmem:$0x1CE80] =	vst v63  }
0x65: {  	_ =	swait.ge [sflag:s25], $0x2800  }
0x66: {  	[sflag:s25] =	ssyncset.done $0x0  }
0x67: {  	[sflag:s25] =	ssyncadd.s32 $0xFFFFD800  }
0x68: {  	[tilespmem:s24], [sflag:$0x1] =	stream.linear.gather [spmem:s11], $0x2800, $0x38;
	[tilespmem:$0x1CE80] =	vst v63  }
0x69: {  	_ =	swait.ge [sflag:s25], $0x2800  }
0x6a: {  	[sflag:s25] =	ssyncset.done $0x0  }
0x6b: {  	[sflag:s25] =	ssyncadd.s32 $0xFFFFD800  }
0x6c: {  	[hbm4b:s19+s4] =	stream.linear.scatter [tilespmem:s24], [sflag:$0x1], $0x2800, $0x38;
	[tilespmem:$0x1CE80] =	vst v63  }
0x6d: {  	_ =	swait.ge [sflag:s25], $0x2800  }
0x6e: {  	[sflag:s25] =	ssyncset.done $0x0  }
0x6f: {  	[sflag:s25] =	ssyncadd.s32 $0xFFFFD800  }
0x70: {  	[tilespmem:s24], [sflag:$0x1] =	stream.linear.gather [spmem:s12], $0x2800, $0x38;
	[tilespmem:$0x1CE80] =	vst v63  }
0x71: {  	_ =	swait.ge [sflag:s25], $0x2800  }
0x72: {  	[sflag:s25] =	ssyncset.done $0x0  }
0x73: {  	[sflag:s25] =	ssyncadd.s32 $0xFFFFD800  }
0x74: {  	[hbm4b:s20+s4] =	stream.linear.scatter [tilespmem:s24], [sflag:$0x1], $0x2800, $0x38;
	[tilespmem:$0x1CE80] =	vst v63  }
0x75: {  	_ =	swait.ge [sflag:s25], $0x2800  }
0x76: {  	[sflag:s25] =	ssyncset.done $0x0  }
0x77: {  	[sflag:s25] =	ssyncadd.s32 $0xFFFFD800  }
0x78: {  	[tilespmem:s24], [sflag:$0x1] =	stream.linear.gather [spmem:s13], $0x2800, $0x38;
	[tilespmem:$0x1CE80] =	vst v63  }
0x79: {  	_ =	swait.ge [sflag:s25], $0x2800  }
0x7a: {  	[sflag:s25] =	ssyncset.done $0x0  }
0x7b: {  	[sflag:s25] =	ssyncadd.s32 $0xFFFFD800  }
0x7c: {  	[hbm4b:s21+s4] =	stream.linear.scatter [tilespmem:s24], [sflag:$0x1], $0x2800, $0x38;
	[tilespmem:$0x1CE80] =	vst v63  }
0x7d: {  	_ =	swait.ge [sflag:s25], $0x2800  }
0x7e: {  	[sflag:s25] =	ssyncset.done $0x0  }
0x7f: {  	[sflag:s25] =	ssyncadd.s32 $0xFFFFD800  }
0x80: {  	[tilespmem:s24], [sflag:$0x1] =	stream.linear.gather [spmem:s14], $0x2800, $0x38;
	[tilespmem:$0x1CE80] =	vst v63  }
0x81: {  	_ =	swait.ge [sflag:s25], $0x2800  }
0x82: {  	[sflag:s25] =	ssyncset.done $0x0  }
0x83: {  	[sflag:s25] =	ssyncadd.s32 $0xFFFFD800  }
0x84: {  	[hbm4b:s22+s4] =	stream.linear.scatter [tilespmem:s24], [sflag:$0x1], $0x2800, $0x38;
	[tilespmem:$0x1CE80] =	vst v63  }
0x85: {  	_ =	swait.ge [sflag:s25], $0x2800  }
0x86: {  	[sflag:s25] =	ssyncset.done $0x0  }
0x87: {  	[sflag:s25] =	ssyncadd.s32 $0xFFFFD800  }
0x88: {  	[tilespmem:s24], [sflag:$0x1] =	stream.linear.gather [spmem:s15], $0x2800, $0x38;
	[tilespmem:$0x1CE80] =	vst v63  }
0x89: {  	s30 =	sadd.s32 $0x1, s30;
	_ =	swait.ge [sflag:s25], $0x2800  }
0x8a: {  	p0 =	sne.s32 s30, s8;
	[sflag:s25] =	ssyncset.done $0x0  }
.Ltmp1:
0x8b: {  	[sflag:s25] =	ssyncadd.s32 $0xFFFFD800;
	(pc) =	sbr.rel @p0 .LBB2_1-.Ltmp1, $4  }
0x8c: {  	[hbm4b:s23+s4] =	stream.linear.scatter [tilespmem:s24], [sflag:$0x1], $0x2800, $0x38;
	[tilespmem:$0x1CE80] =	vst v63  }
0x8d: {  	_ =	swait.ge [sflag:s25], $0x2800  }
0x8e: {  	[sflag:s25] =	ssyncset.done $0x0  }
0x8f: {  	[sflag:s25] =	ssyncadd.s32 $0xFFFFD800  }
0x90: {  	_ =	sfence.sel $0x180000  }
0x91: {  	[bflag:$0x0] =	sbarrier.arrive $0xFFFF  }
0x92: {  	_ =	strace $0x9000004D  }
0x93: {  	[bflag:$0x2] =	sbarrier.arrive $0xFFFF  }
0x94: {  	p0 =	sne.s32 s1, $0x0;
	s0 =	rddreg [dreg:$0x3]  }
0x95: {  	s0 =	sadd.s32 @!p0 $0x100000, s0  }
0x96: {  	[sflag:s0] =	ssyncadd.tile.s32 @!p0 $0x1;
	_ =	shalt  }
.Lfunc_end2:
_tile_overlayer_lowered:
.L_overlay_start_2:
0x97: {  	(tag) =	ssettag $0x2  }
0x98: {  	s0 =	rddreg [dreg:$0x0];
	s2 =	stileid.u32  }
0x99: {  	s1 =	rddreg [dreg:$0x1];
	p0 =	sne.s32 s2, $0x0  }
0x9a: {  	s3 =	rddreg [dreg:$0x2];
	[bflag:$0x3] =	sbarrier.arrive $0xFFFF;
	s2 =	simm.s32 @!p0 $0x1C01  }
0x9b: {  	[timem:s3], [sflag:s2] =	dma.local @!p0 [hbm:s0], s1  }
0x9c: {  	s0 =	simm.s32 @!p0 $0x1  }
0x9d: {  	_ =	swait.ge @!p0 [sflag:s0], s1  }
0x9e: {  	s1 =	ssub.s32 @!p0 $0x0, s1;
	[sflag:s0] =	ssyncset.done @!p0 $0x0  }
0x9f: {  	[sflag:s0] =	ssyncadd.s32 @!p0 s1  }
0xa0: {  	[bflag:$0x3] =	sbarrier.arrive $0xFFFF  }
0xa1: {  	_ =	shalt  }

// kernel: kernel.25.cloned.1.call-start
scs
__scs_entry_jumppad:
0x0: {  	(pc) =	sbr.rel $0x88, $3  }
0x1: {  	(tag) =	ssettag $0x0;
	lr =	simm.s32 $0x1  }
0x2: {  	[smem:$0x3F89] =	sst lr;
	_ =	strace $0xD0000000  }
0x3: {  	_ = 	snop  }
0x4: {  	_ = 	snop  }
0x5: {  	_ = 	snop  }
0x6: {  	_ = 	snop  }
0x7: {  	_ = 	snop  }
__scs_overlays_trampoline_lowered:
0x8: {  	[smem:$0x3F98] =	sst s0  }
0x9: {  	[smem:$0x3F99] =	sst s1  }
0xa: {  	[smem:$0x3F9A] =	sst s2  }
0xb: {  	[smem:$0x3F9B] =	sst s3  }
0xc: {  	[smem:$0x3F9C] =	sst s4  }
0xd: {  	[smem:$0x3F9D] =	sst s5  }
0xe: {  	[smem:$0x3F9E] =	sst s6  }
0xf: {  	[smem:$0x3F9F] =	sst s7  }
0x10: {  	[smem:$0x3FA0] =	sst s8  }
0x11: {  	[smem:$0x3FA1] =	sst s9;
	s0 =	simm.s32 @!p0 $0x0  }
0x12: {  	s1 =	sld [smem:$0x3F87];
	s0 =	simm.s32 @p0 $0x1  }
0x13: {  	[smem:$0x3FA2] =	sst s0;
	s0 =	simm.s32 @!p1 $0x0  }
0x14: {  	s2 =	sld [smem:$0x3F86];
	s0 =	simm.s32 @p1 $0x1  }
0x15: {  	[smem:$0x3FA3] =	sst s0;
	s0 =	simm.s32 @!p2 $0x0  }
0x16: {  	s3 =	sld [smem:$0x3FDB];
	s0 =	simm.s32 @p2 $0x1  }
0x17: {  	s4 =	simm.s32 $0x1BF5;
	[smem:$0x3FA5] =	sst s0  }
0x18: {  	s0 =	sld [smem:$0x3F88];
	_ =	swait.ge [sflag:s4], $0x0  }
0x19: {  	s7 =	sld [smem:$0x3F89]  }
0x1a: {  	s8 =	sadd.s32 $0xFFFFE003, lr  }
0x1b: {  	s9 =	sadd.s32 $0xFFFFFEF7, lr;
	s5 =	simm.s32 $0xFFFFFFFF;
	p2 =	slt.u32 s8, $0xFFFFF086  }
0x1c: {  	p1 =	slt.u32 s9, $0xF7A;
	s5 =	simm.s32 @!p2 $0x0  }
0x1d: {  	s5 =	simm.s32 @p1 $0x1;
	p0 =	seq.s32 s7, s2  }
0x1e: {  	s7 =	smul.u32 @!p0 $0xF7A, s2;
	p2 =	seq.s32 @!p0 s5, $0x0  }
0x1f: {  	s9 =	smul.u32 $0xF7A, s1;
	s8 =	simm.s32 @!p0 $0x1BF5;
	p2 =	por !p2, p0  }
0x20: {  	[sflag:s8] =	ssyncset.s32 @!p0 $0xFFFFF086;
	s6 =	sadd.s32 @!p0 s3, s7;
	s7 =	simm.s32 @!p0 $0x108  }
0x21: {  	s3 =	sadd.s32 s3, s9;
	s6 =	sadd.s32 @!p0 $0x88, s6;
	s7 =	simm.s32 @p2 $0x1082  }
0x22: {  	[simem:s7], [sflag:s8] =	dma.local @!p0 [hbm:s6], $0xF7A  }
0x23: {  	s9 =	sor.u32 $0xD0000000, s2;
	s6 =	simm.s32 $0x108;
	_ =	swait.ge @!p0 [sflag:s8], $0x0  }
0x24: {  	s3 =	sadd.s32 $0x88, s3;
	s6 =	simm.s32 @!p1 $0x1082;
	[sflag:s4] =	ssyncset.s32 $0xFFFFF086  }
0x25: {  	[simem:s6], [sflag:s4] =	dma.local [hbm:s3], $0xF7A  }
0x26: {  	[smem:$0x3F89] =	sst s1;
	(tag) =	ssettag s2;
	_ =	strace s9  }
0x27: {  	s1 =	sld [smem:$0x3F99]  }
0x28: {  	s2 =	sld [smem:$0x3F9A]  }
0x29: {  	s4 =	sld [smem:$0x3F9C]  }
0x2a: {  	p0 =	seq.s32 s5, $0x0;
	s5 =	sld [smem:$0x3F9D]  }
0x2b: {  	s6 =	sld [smem:$0x3F9E]  }
0x2c: {  	s7 =	sld [smem:$0x3F9F]  }
0x2d: {  	s3 =	simm.s32 $0x108;
	s8 =	sld [smem:$0x3FA0]  }
0x2e: {  	s3 =	simm.s32 @!p0 $0x1082;
	s9 =	sld [smem:$0x3FA1]  }
0x2f: {  	lr =	sadd.s32 s0, s3;
	s0 =	sld [smem:$0x3F98]  }
0x30: {  	s3 =	sld [smem:$0x3F9B]  }
0x31: {  	[smem:$0x3FA4] =	sst s10  }
0x32: {  	s10 =	sld [smem:$0x3FA2];
	_ =	sdelay $0x3  }
0x33: {  	p0 =	seq.s32 s10, $0x1;
	s10 =	sld [smem:$0x3FA4];
	_ =	sdelay $0x3  }
0x34: {  	[smem:$0x3FA4] =	sst s10  }
0x35: {  	s10 =	sld [smem:$0x3FA3];
	_ =	sdelay $0x3  }
0x36: {  	p1 =	seq.s32 s10, $0x1;
	s10 =	sld [smem:$0x3FA4];
	_ =	sdelay $0x3  }
0x37: {  	[smem:$0x3FA4] =	sst s10  }
0x38: {  	s10 =	sld [smem:$0x3FA5]  }
0x39: {  	_ = 	snop;
	(pc) =	sbr.ind lr, $3  }
0x3a: {  	_ = 	snop  }
0x3b: {  	_ = 	snop  }
0x3c: {  	p2 =	seq.s32 s10, $0x1;
	s10 =	sld [smem:$0x3FA4]  }
0x3d: {  	_ =	shalt  }
0x3e: {  	_ =	shalt  }
0x3f: {  	_ =	shalt  }
0x40: {  	_ =	shalt  }
0x41: {  	_ =	shalt  }
0x42: {  	_ =	shalt  }
0x43: {  	_ =	shalt  }
0x44: {  	_ =	shalt  }
0x45: {  	_ =	shalt  }
0x46: {  	_ =	shalt  }
0x47: {  	_ =	shalt  }
0x48: {  	_ =	shalt  }
0x49: {  	_ =	shalt  }
0x4a: {  	_ =	shalt  }
0x4b: {  	_ =	shalt  }
0x4c: {  	_ =	shalt  }
0x4d: {  	_ =	shalt  }
0x4e: {  	_ =	shalt  }
0x4f: {  	_ =	shalt  }
0x50: {  	_ =	shalt  }
0x51: {  	_ =	shalt  }
0x52: {  	_ =	shalt  }
0x53: {  	_ =	shalt  }
0x54: {  	_ =	shalt  }
0x55: {  	_ =	shalt  }
0x56: {  	_ =	shalt  }
0x57: {  	_ =	shalt  }
0x58: {  	_ =	shalt  }
0x59: {  	_ =	shalt  }
0x5a: {  	_ =	shalt  }
0x5b: {  	_ =	shalt  }
0x5c: {  	_ =	shalt  }
0x5d: {  	_ =	shalt  }
0x5e: {  	_ =	shalt  }
0x5f: {  	_ =	shalt  }
0x60: {  	_ =	shalt  }
0x61: {  	_ =	shalt  }
0x62: {  	_ =	shalt  }
0x63: {  	_ =	shalt  }
0x64: {  	_ =	shalt  }
0x65: {  	_ =	shalt  }
0x66: {  	_ =	shalt  }
0x67: {  	_ =	shalt  }
0x68: {  	_ =	shalt  }
0x69: {  	_ =	shalt  }
0x6a: {  	_ =	shalt  }
0x6b: {  	_ =	shalt  }
0x6c: {  	_ =	shalt  }
0x6d: {  	_ =	shalt  }
0x6e: {  	_ =	shalt  }
0x6f: {  	_ =	shalt  }
0x70: {  	_ =	shalt  }
0x71: {  	_ =	shalt  }
0x72: {  	_ =	shalt  }
0x73: {  	_ =	shalt  }
0x74: {  	_ =	shalt  }
0x75: {  	_ =	shalt  }
0x76: {  	_ =	shalt  }
0x77: {  	_ =	shalt  }
0x78: {  	_ =	shalt  }
0x79: {  	_ =	shalt  }
0x7a: {  	_ =	shalt  }
0x7b: {  	_ =	shalt  }
0x7c: {  	_ =	shalt  }
0x7d: {  	_ =	shalt  }
0x7e: {  	_ =	shalt  }
0x7f: {  	_ =	shalt  }
0x80: {  	_ =	shalt  }
0x81: {  	_ =	shalt  }
0x82: {  	_ =	shalt  }
0x83: {  	_ =	shalt  }
0x84: {  	_ =	shalt  }
0x85: {  	_ =	shalt  }
0x86: {  	_ =	shalt  }
0x87: {  	_ =	shalt  }
.Lfunc_end0:
.L_simem_size_0:
called_computation.3_lowered:
.L_overlay_start_0:
0x88: {  	s2 =	sld [smem:$0x3FD9]  }
0x89: {  	s3 =	sld [smem:$0x3FFE];
	_ =	sdelay $0x1  }
0x8a: {  	s1 =	srdreg.scid  }
0x8b: {  	s0 =	sand.u32 $0x1, s1  }
0x8c: {  	s15 =	sshll.u32 s0, $0xA;
	s2 =	sadd.s32 s3, s2  }
0x8d: {  	s2 =	sadd.s32 s2, s15  }
0x8e: {  	[smem:$0x3FB0] =	sst s2  }
0x8f: {  	_ = 	snop  }
0x90: {  	s2 =	sld [smem:$0x3FD0];
	_ =	sdelay $0x2  }
0x91: {  	s16 =	simm.s32 $0xC;
	s4 =	simm.s32 $0x10  }
0x92: {  	[smem:s4], [sflag:s16] =	dma.local [hbm:s2], $0x1  }
0x93: {  	_ =	swait.eq [sflag:s16], $0x1  }
0x94: {  	[sflag:s16] =	ssyncset.done $0x0  }
0x95: {  	[sflag:s16] =	ssyncadd.s32 $0xFFFFFFFF  }
0x96: {  	s17 =	sld [smem:$0x13];
	(tm) =	ssettm $0x1  }
0x97: {  	s18 =	sld [smem:$0x3FFB];
	_ =	sdelay $0x3  }
0x98: {  	_ =	strace s18  }
0x99: {  	s2 =	sld [smem:$0x3FFC];
	_ =	sdelay $0x3  }
0x9a: {  	_ =	strace s2  }
0x9b: {  	s2 =	sld [smem:$0x3FFD];
	_ =	sdelay $0x3  }
0x9c: {  	_ =	strace s2  }
0x9d: {  	_ =	strace $0x8FFFFFFF  }
0x9e: {  	s19 =	sld [smem:$0x3FDB];
	_ =	sdelay $0x1  }
0x9f: {  	s20 =	simm.s32 $_scs_section_size  }
0xa0: {  	s5 =	simm.s32 $_size__tile_overlayer_lowered;
	s6 =	simm.s32 $_tile_overlayer_lowered  }
0xa1: {  	s7 =	simm.s32 $0x1BFF;
	s21 =	sshll.u32 s6, $0x1;
	s4 =	sadd.s32 s20, s19  }
0xa2: {  	s22 =	simm.s32 $0x0;
	s5 =	sshll.u32 s5, $0x1;
	s6 =	sadd.s32 s21, s4  }
0xa3: {  	[timem:s22], [sflag:s7] =	dma.local [hbm:s6], s5  }
0xa4: {  	_ =	swait.ge [sflag:s7], s5  }
0xa5: {  	s5 =	ssub.s32 $0x0, s5;
	[sflag:s7] =	ssyncset.done $0x0  }
0xa6: {  	[sflag:s7] =	ssyncadd.s32 s5;
	_ =	sdelay $0x1  }
0xa7: {  	s23 =	simm.s32 $0x1B8B  }
0xa8: {  	_ =	swait.ge [sflag:s23], $0x1  }
0xa9: {  	[sflag:s23] =	ssyncset.done $0x0  }
0xaa: {  	[sflag:s23] =	ssyncadd.s32 $0xFFFFFFFF  }
0xab: {  	s5 =	sld [smem:$0x0]  }
0xac: {  	s6 =	sand.u32 $0xFFFFFFFE, s1  }
0xad: {  	p0 =	sne.s32 s1, s6  }
0xae: {  	s6 =	sshll.u32 @p0 s6, $0xE  }
0xaf: {  	s6 =	sadd.s32 @p0 $0x11B8D, s6;
	s7 =	sshll.u32 @p0 s5, $0x11  }
0xb0: {  	s6 =	sor.u32 @p0 s7, s6  }
0xb1: {  	[sflag:s6] =	ssyncadd.remote.s32 @p0 $0x1;
	_ =	sdelay $0x1  }
0xb2: {  	s6 =	simm.s32 @p0 $0x1B8D  }
0xb3: {  	_ =	swait.eq @p0 [sflag:s6], $0x1  }
0xb4: {  	[sflag:s6] =	ssyncadd.s32 @p0 $0xFFFFFFFF  }
0xb5: {  	s7 =	sshll.u32 @!p0 s1, $0xE  }
0xb6: {  	s7 =	sor.u32 @!p0 $0x4000, s7;
	s6 =	simm.s32 @!p0 $0x1B8D  }
0xb7: {  	s5 =	sshll.u32 @!p0 s5, $0x11;
	s7 =	sadd.s32 @!p0 $0x11B8D, s7;
	_ =	swait.eq @!p0 [sflag:s6], $0x1  }
0xb8: {  	s5 =	sor.u32 @!p0 s5, s7;
	[sflag:s6] =	ssyncadd.s32 @!p0 $0xFFFFFFFF  }
0xb9: {  	s25 =	simm.s32 $0x1B8E;
	s24 =	sld [smem:$0x3FFE];
	[sflag:s5] =	ssyncadd.remote.s32 @!p0 $0x1  }
0xba: {  	s26 =	simm.s32 $execute0_lowered;
	[smem:$0x3FD2] =	sst s25  }
0xbb: {  	s6 =	sshll.u32 s26, $0x1;
	_ =	strace $0x80000052;
	[dreg:$0x1] =	wrdreg $0xFFFFFFFF  }
0xbc: {  	s28 =	simm.s32 $_size_execute0_lowered;
	s4 =	sadd.s32 s4, s6;
	[dreg:$0x0] =	wrdreg $0x0  }
0xbd: {  	s6 =	sshll.u32 s28, $0x1;
	[dreg:$0x2] =	wrdreg s4  }
0xbe: {  	[dreg:$0x3] =	wrdreg s6  }
0xbf: {  	[dreg:$0x4] =	wrdreg $0xC0  }
0xc0: {  	_ =	task [dreg:s22], $0x5FFFF  }
0xc1: {  	[dreg:$0x1] =	wrdreg $0xFFFFFFFF  }
0xc2: {  	[dreg:$0x0] =	wrdreg $0x60  }
0xc3: {  	[dreg:$0x2] =	wrdreg s17  }
0xc4: {  	[dreg:$0x3] =	wrdreg s24  }
0xc5: {  	[dreg:$0x4] =	wrdreg $0x0  }
0xc6: {  	[dreg:$0x5] =	wrdreg $0x9  }
0xc7: {  	_ =	task.clear_ibuf [dreg:s22], $0x6FFFF;
	_ =	strace $0x90000052  }
0xc8: {  	s29 =	simm.s32 $0x9;
	_ =	strace $0x80000054  }
0xc9: {  	_ =	swait.ge [sflag:s29], $0x1  }
0xca: {  	[sflag:s29] =	ssyncadd.s32 $0xFFFFFFFF  }
0xcb: {  	_ =	strace $0x90000054  }
0xcc: {  	_ =	sfence  }
0xcd: {  	s30 =	sld [smem:$0x0];
	_ =	sdelay $0x2  }
0xce: {  	s31 =	sshll.u32 s1, $0xD;
	s1 =	sshrl.u32 s1, $0x2  }
0xcf: {  	s4 =	sand.u32 $0x4000, s31;
	s1 =	sadd.s32 s1, s30  }
0xd0: {  	s0 =	sor.u32 s4, s0;
	s1 =	sshll.u32 s1, $0x11  }
0xd1: {  	s0 =	sor.u32 s1, s0  }
0xd2: {  	s0 =	sadd.s32 $0x8F2B, s0  }
0xd3: {  	[sflag:s0] =	ssyncadd.remote.s32 $0x1  }
0xd4: {  	_ =	sfence.sel $0xFFFF  }
0xd5: {  	[dreg:$0x0] =	wrdreg $0xFFFFFFFF;
	(pc) =	sbr.abs _section_cstart, $3  }
0xd6: {  	[dreg:$0x1] =	wrdreg $0xFFFFFFFF  }
0xd7: {  	_ =	task.clear_ibuf [dreg:s22], $0x2FFFF;
	_ =	strace $0x9FFFFFFF  }
0xd8: {  	(tm) =	ssettm $0x7FFFFFFF  }
0xd9: {  	_ =	shalt  }
tec
execute0_lowered:
.L_overlay_start_1:
0x0: {  	(tag) =	ssettag $0x1  }
0x1: {  	s0 =	srdreg.scid;
	s1 =	rddreg [dreg:$0x0]  }
0x2: {  	s2 =	rddreg [dreg:$0x1];
	s11 =	stileid.u32  }
0x3: {  	s3 =	rddreg [dreg:$0x2];
	s29 =	simm.s32 $0x50;
	s30 =	simm.s32 $0x1CE00  }
0x4: {  	s31 =	simm.s32 $0x1;
	s28 =	simm.s32 $0x0;
	s9 =	smul.u32 $0x50000, s11  }
0x5: {  	s0 =	sand.u32 $0x1, s0;
	s10 =	sadd.s32 $0x20600, s2;
	s16 =	smul.u32 $0x14000, s11  }
0x6: {  	s4 =	sshll.u32 s0, $0x4;
	s23 =	ssub.s32 $0x2, s0;
	s0 =	smul.u32 $0x140000, s0  }
0x7: {  	s5 =	sor.u32 s11, s4;
	s4 =	simm.s32 $0x0;
	s8 =	sshrl.u32 s23, $0x1  }
0x8: {  	s25 =	sshrl.u32 s9, $0x2;
	s9 =	sor.u32 $0x2800, s16;
	s17 =	sadd.s32 $0x5000, s16  }
0x9: {  	s18 =	sadd.s32 $0x7800, s16;
	s19 =	sadd.s32 $0xA000, s16;
	s20 =	sadd.s32 $0xC800, s16  }
0xa: {  	s21 =	sadd.s32 $0xF000, s16;
	s6 =	smul.u32 $0x7D0, s5;
	[smem:$0x7FF] =	sst s4  }
0xb: {  	s5 =	smul.u32 $0x4E2, s5;
	s24 =	ssub.s32 s23, s8;
	s8 =	sadd.s32 s25, s3  }
0xc: {  	s11 =	sadd.s32 s17, s3;
	s12 =	sadd.s32 s18, s3;
	s13 =	sadd.s32 s19, s3  }
0xd: {  	s14 =	sadd.s32 s20, s3;
	s15 =	sadd.s32 s21, s3;
	s22 =	sadd.s32 s0, s16  }
0xe: {  	s16 =	sadd.s32 $0x11800, s16;
	s23 =	sadd.s32 s0, s17;
	s19 =	sadd.s32 s0, s19  }
0xf: {  	s25 =	sadd.s32 s0, s20;
	_ =	strace $0x80000053;
	[dreg:$0x4] =	wrdreg s10  }
0x10: {  	s10 =	sadd.s32 s9, s3;
	s22 =	sshrl.u32 s22, $0x3;
	s5 =	sadd.s32 s5, s2  }
0x11: {  	s25 =	sshrl.u32 s25, $0x3;
	s7 =	sadd.s32 s6, s2;
	s5 =	sadd.s32 $0x6E00, s5  }
0x12: {  	s2 =	sadd.s32 $0xC1200, s2;
	s26 =	sadd.s32 $0x10C00, s7;
	[dreg:$0x5] =	wrdreg s5  }
0x13: {  	s7 =	smax.u32 s24, $0x1;
	s24 =	sadd.s32 s0, s18;
	[dreg:$0x6] =	wrdreg s26  }
0x14: {  	s17 =	sadd.s32 s2, s22;
	s22 =	sshrl.u32 s23, $0x3;
	[dreg:$0x7] =	wrdreg s7  }
0x15: {  	s5 =	sadd.s32 s0, s9;
	s26 =	sadd.s32 s0, s21;
	s0 =	sadd.s32 s0, s16  }
0x16: {  	s16 =	sadd.s32 s16, s3;
	s23 =	sshrl.u32 s24, $0x3;
	s24 =	sshrl.u32 s19, $0x3  }
0x17: {  	s19 =	sadd.s32 s2, s22;
	s22 =	sadd.s32 s2, s25;
	s25 =	simm.s32 $0x1A600  }
0x18: {  	s5 =	sshrl.u32 s5, $0x3;
	s20 =	sadd.s32 s2, s23;
	s21 =	sadd.s32 s2, s24  }
0x19: {  	s26 =	sshrl.u32 s26, $0x3;
	s0 =	sshrl.u32 s0, $0x3;
	s18 =	sadd.s32 s2, s5  }
0x1a: {  	s23 =	sadd.s32 s2, s26;
	s24 =	sadd.s32 s2, s0;
	s26 =	simm.s32 $0x2  }
.LBB2_1:
0x1b: {  	s0 =	rddreg [dreg:$0x4]  }
0x1c: {  	[tilespmem:s25], [sflag:$0x2] =	stream.linear.gather [hbm4b:s0+s4], $0x2800, $0x38;
	[tilespmem:$0x1F600] =	vst v63  }
0x1d: {  	_ =	swait.ge [sflag:s26], $0x2800  }
0x1e: {  	[sflag:s26] =	ssyncset.done $0x0  }
0x1f: {  	[sflag:s26] =	ssyncadd.s32 $0xFFFFD800  }
0x20: {  	[spmem:s8] =	stream.linear.scatter [tilespmem:s25], [sflag:$0x2], $0x2800, $0x38;
	[tilespmem:$0x1F600] =	vst v63  }
0x21: {  	_ =	swait.ge [sflag:s26], $0x2800  }
0x22: {  	[sflag:s26] =	ssyncset.done $0x0  }
0x23: {  	[sflag:s26] =	ssyncadd.s32 $0xFFFFD800  }
0x24: {  	[spmem:s10] =	stream.linear.scatter [tilespmem:s25], [sflag:$0x2], $0x2800, $0x38;
	[tilespmem:$0x1F600] =	vst v63  }
0x25: {  	_ =	swait.ge [sflag:s26], $0x2800  }
0x26: {  	[sflag:s26] =	ssyncset.done $0x0  }
0x27: {  	[sflag:s26] =	ssyncadd.s32 $0xFFFFD800  }
0x28: {  	[spmem:s11] =	stream.linear.scatter [tilespmem:s25], [sflag:$0x2], $0x2800, $0x38;
	[tilespmem:$0x1F600] =	vst v63  }
0x29: {  	_ =	swait.ge [sflag:s26], $0x2800  }
0x2a: {  	[sflag:s26] =	ssyncset.done $0x0  }
0x2b: {  	[sflag:s26] =	ssyncadd.s32 $0xFFFFD800  }
0x2c: {  	[spmem:s12] =	stream.linear.scatter [tilespmem:s25], [sflag:$0x2], $0x2800, $0x38;
	[tilespmem:$0x1F600] =	vst v63  }
0x2d: {  	_ =	swait.ge [sflag:s26], $0x2800  }
0x2e: {  	[sflag:s26] =	ssyncset.done $0x0  }
0x2f: {  	[sflag:s26] =	ssyncadd.s32 $0xFFFFD800  }
0x30: {  	[spmem:s13] =	stream.linear.scatter [tilespmem:s25], [sflag:$0x2], $0x2800, $0x38;
	[tilespmem:$0x1F600] =	vst v63  }
0x31: {  	_ =	swait.ge [sflag:s26], $0x2800  }
0x32: {  	[sflag:s26] =	ssyncset.done $0x0  }
0x33: {  	[sflag:s26] =	ssyncadd.s32 $0xFFFFD800  }
0x34: {  	[spmem:s14] =	stream.linear.scatter [tilespmem:s25], [sflag:$0x2], $0x2800, $0x38;
	[tilespmem:$0x1F600] =	vst v63  }
0x35: {  	_ =	swait.ge [sflag:s26], $0x2800  }
0x36: {  	[sflag:s26] =	ssyncset.done $0x0  }
0x37: {  	[sflag:s26] =	ssyncadd.s32 $0xFFFFD800  }
0x38: {  	[spmem:s15] =	stream.linear.scatter [tilespmem:s25], [sflag:$0x2], $0x2800, $0x38;
	[tilespmem:$0x1F600] =	vst v63  }
0x39: {  	_ =	swait.ge [sflag:s26], $0x2800  }
0x3a: {  	[sflag:s26] =	ssyncset.done $0x0  }
0x3b: {  	[sflag:s26] =	ssyncadd.s32 $0xFFFFD800  }
0x3c: {  	[spmem:s16] =	stream.linear.scatter [tilespmem:s25], [sflag:$0x2], $0x2800, $0x38;
	[tilespmem:$0x1F600] =	vst v63  }
0x3d: {  	_ =	swait.ge [sflag:s26], $0x2800  }
0x3e: {  	[sflag:s26] =	ssyncset.done $0x0  }
0x3f: {  	s2 =	simm.s32 $0x14000;
	s7 =	rddreg [dreg:$0x5];
	[sflag:s26] =	ssyncadd.s32 $0xFFFFD800  }
0x40: {  	[tilespmem:s2], [sflag:$0x2] =	stream.linear.gather [hbm4b:s7+s4], $0x2710, $0x38;
	[tilespmem:$0x1F600] =	vst v63  }
0x41: {  	_ =	swait.ge [sflag:s26], $0x2710  }
0x42: {  	[sflag:s26] =	ssyncset.done $0x0  }
0x43: {  	s9 =	simm.s32 $0x16780;
	s5 =	rddreg [dreg:$0x6];
	[sflag:s26] =	ssyncadd.s32 $0xFFFFD8F0  }
0x44: {  	[tilespmem:s9], [sflag:$0x2] =	stream.linear.gather [hbm4b:s5+s4], $0x3E80, $0x38;
	[tilespmem:$0x1F600] =	vst v63  }
0x45: {  	_ =	swait.ge [sflag:s26], $0x3E80  }
0x46: {  	[sflag:s26] =	ssyncset.done $0x0  }
0x47: {  	[sflag:s26] =	ssyncadd.s32 $0xFFFFC180  }
0x48: {  	s6 =	simm.s32 $0x14000;
	[bflag:$0x0] =	sbarrier.arrive $0xFFFF  }
0x49: {  	[tilespmem:s25], [sflag:$0x1] =	stream.indirect.gather [hbm4b:s1+s29], $0x80, s6, s29, $0xb8;
	[tilespmem:$0x1F600] =	vst v63  }
0x4a: {  	s7 =	simm.s32 $0x14050  }
0x4b: {  	[tilespmem:s30], [sflag:$0x1] =	stream.indirect.gather [hbm4b:s1+s29], $0x80, s7, s29, $0xb8;
	[tilespmem:$0x1F600] =	vst v63  }
0x4c: {  	_ =	swait.ge [sflag:s31], $0x2800  }
0x4d: {  	[sflag:s31] =	ssyncset.done $0x0  }
0x4e: {  	[sflag:s31] =	ssyncadd.s32 $0xFFFFD800  }
0x4f: {  	[spmem:s3] =	stream.indirect.scatter.add.f32 [tilespmem:s25], [sflag:$0x2], $0x80, s9, s29, $0xb8;
	[tilespmem:$0x1F600] =	vst v63  }
0x50: {  	_ =	swait.ge [sflag:s26], $0x2800  }
0x51: {  	[sflag:s26] =	ssyncset.done $0x0  }
0x52: {  	[sflag:s26] =	ssyncadd.s32 $0xFFFFD800  }
0x53: {  	_ =	swait.ge [sflag:s31], $0x2800  }
0x54: {  	[sflag:s31] =	ssyncset.done $0x0  }
0x55: {  	s9 =	simm.s32 $0x16800;
	[sflag:s31] =	ssyncadd.s32 $0xFFFFD800  }
0x56: {  	[spmem:s3] =	stream.indirect.scatter.add.f32 [tilespmem:s30], [sflag:$0x2], $0x80, s9, s29, $0xb8;
	[tilespmem:$0x1F600] =	vst v63  }
0x57: {  	s0 =	simm.s32 $0xA0;
	_ =	swait.ge [sflag:s26], $0x2800  }
0x58: {  	s2 =	simm.s32 $0x16880;
	s5 =	simm.s32 $0x500;
	[sflag:s26] =	ssyncset.done $0x0  }
.LBB2_2:
0x59: {  	s6 =	sadd.s32 $0x14000, s0  }
0x5a: {  	[sflag:s26] =	ssyncadd.s32 $0xFFFFD800;
	s7 =	smov.u32 s5;
	s9 =	sadd.s32 $0x280, s5  }
0x5b: {  	[tilespmem:s25], [sflag:$0x1] =	stream.indirect.gather [hbm4b:s1+s29], $0x80, s6, s29, $0xb8;
	[tilespmem:$0x1F600] =	vst v63  }
0x5c: {  	p0 =	sne.s32 s5, $0x9880;
	s0 =	sadd.s32 $0x14050, s0  }
0x5d: {  	[tilespmem:s30], [sflag:$0x1] =	stream.indirect.gather [hbm4b:s1+s29], $0x80, s0, s29, $0xb8;
	[tilespmem:$0x1F600] =	vst v63  }
0x5e: {  	_ =	swait.ge [sflag:s31], $0x2800  }
0x5f: {  	[sflag:s31] =	ssyncset.done $0x0  }
0x60: {  	[sflag:s31] =	ssyncadd.s32 $0xFFFFD800  }
0x61: {  	[spmem:s3] =	stream.indirect.scatter.add.f32 [tilespmem:s25], [sflag:$0x2], $0x80, s2, s29, $0xb8;
	[tilespmem:$0x1F600] =	vst v63  }
0x62: {  	_ =	swait.ge [sflag:s26], $0x2800  }
0x63: {  	[sflag:s26] =	ssyncset.done $0x0  }
0x64: {  	[sflag:s26] =	ssyncadd.s32 $0xFFFFD800  }
0x65: {  	_ =	swait.ge [sflag:s31], $0x2800  }
.Ltmp0:
0x66: {  	[sflag:s31] =	ssyncset.done $0x0;
	(pc) =	sbr.rel @p0 .LBB2_2-.Ltmp0, $4  }
0x67: {  	s0 =	sadd.s32 $0x80, s2;
	[sflag:s31] =	ssyncadd.s32 $0xFFFFD800  }
0x68: {  	[spmem:s3] =	stream.indirect.scatter.add.f32 [tilespmem:s30], [sflag:$0x2], $0x80, s0, s29, $0xb8;
	[tilespmem:$0x1F600] =	vst v63  }
0x69: {  	s5 =	smov.u32 s9;
	_ =	swait.ge [sflag:s26], $0x2800  }
0x6a: {  	s2 =	sadd.s32 $0x100, s2;
	s0 =	sshra.s32 s7, $0x2;
	[sflag:s26] =	ssyncset.done $0x0  }
0x6b: {  	s5 =	sadd.s32 $0x14000, s0;
	[sflag:s26] =	ssyncadd.s32 $0xFFFFD800  }
0x6c: {  	[tilespmem:s25], [sflag:$0x1] =	stream.indirect.gather [hbm4b:s1+s29], $0x80, s5, s29, $0xb8;
	[tilespmem:$0x1F600] =	vst v63  }
0x6d: {  	s9 =	sadd.s32 $0x14050, s0  }
0x6e: {  	[tilespmem:s30], [sflag:$0x1] =	stream.indirect.gather [hbm4b:s1+s29], $0x80, s9, s29, $0xb8;
	[tilespmem:$0x1F600] =	vst v63  }
0x6f: {  	_ =	swait.ge [sflag:s31], $0x2800  }
0x70: {  	[sflag:s31] =	ssyncset.done $0x0  }
0x71: {  	[sflag:s31] =	ssyncadd.s32 $0xFFFFD800  }
0x72: {  	[spmem:s3] =	stream.indirect.scatter.add.f32 [tilespmem:s25], [sflag:$0x2], $0x80, s2, s29, $0xb8;
	[tilespmem:$0x1F600] =	vst v63  }
0x73: {  	_ =	swait.ge [sflag:s26], $0x2800  }
0x74: {  	[sflag:s26] =	ssyncset.done $0x0  }
0x75: {  	[sflag:s26] =	ssyncadd.s32 $0xFFFFD800  }
0x76: {  	_ =	swait.ge [sflag:s31], $0x2800  }
0x77: {  	[sflag:s31] =	ssyncset.done $0x0  }
0x78: {  	s5 =	sadd.s32 $0x80, s2;
	[sflag:s31] =	ssyncadd.s32 $0xFFFFD800  }
0x79: {  	[spmem:s3] =	stream.indirect.scatter.add.f32 [tilespmem:s30], [sflag:$0x2], $0x80, s5, s29, $0xb8;
	[tilespmem:$0x1F600] =	vst v63  }
0x7a: {  	_ =	swait.ge [sflag:s26], $0x2800  }
0x7b: {  	[sflag:s26] =	ssyncset.done $0x0  }
0x7c: {  	s6 =	simm.s32 $0x166C0;
	[sflag:s26] =	ssyncadd.s32 $0xFFFFD800  }
0x7d: {  	[tilespmem:s25], [sflag:$0x1] =	stream.indirect.gather [hbm4b:s1+s29], $0x80, s6, s29, $0xb8;
	[tilespmem:$0x1F600] =	vst v63  }
0x7e: {  	_ =	swait.ge [sflag:s31], $0x2800  }
0x7f: {  	[sflag:s31] =	ssyncset.done $0x0  }
0x80: {  	s7 =	simm.s32 $0x1A580;
	[sflag:s31] =	ssyncadd.s32 $0xFFFFD800  }
0x81: {  	[spmem:s3] =	stream.indirect.scatter.add.f32 [tilespmem:s25], [sflag:$0x2], $0x80, s7, s29, $0xb8;
	[tilespmem:$0x1F600] =	vst v63  }
0x82: {  	_ =	swait.ge [sflag:s26], $0x2800  }
0x83: {  	[sflag:s26] =	ssyncset.done $0x0  }
0x84: {  	[sflag:s26] =	ssyncadd.s32 $0xFFFFD800  }
0x85: {  	[bflag:$0x0] =	sbarrier.arrive $0xFFFF  }
0x86: {  	[tilespmem:s25], [sflag:$0x2] =	stream.linear.gather [spmem:s8], $0x2800, $0x38;
	[tilespmem:$0x1F600] =	vst v63  }
0x87: {  	_ =	swait.ge [sflag:s26], $0x2800  }
0x88: {  	[sflag:s26] =	ssyncset.done $0x0  }
0x89: {  	[sflag:s26] =	ssyncadd.s32 $0xFFFFD800  }
0x8a: {  	[hbm4b:s17+s4] =	stream.linear.scatter [tilespmem:s25], [sflag:$0x2], $0x2800, $0x38;
	[tilespmem:$0x1F600] =	vst v63  }
0x8b: {  	_ =	swait.ge [sflag:s26], $0x2800  }
0x8c: {  	[sflag:s26] =	ssyncset.done $0x0  }
0x8d: {  	[sflag:s26] =	ssyncadd.s32 $0xFFFFD800  }
0x8e: {  	[tilespmem:s25], [sflag:$0x2] =	stream.linear.gather [spmem:s10], $0x2800, $0x38;
	[tilespmem:$0x1F600] =	vst v63  }
0x8f: {  	_ =	swait.ge [sflag:s26], $0x2800  }
0x90: {  	[sflag:s26] =	ssyncset.done $0x0  }
0x91: {  	[sflag:s26] =	ssyncadd.s32 $0xFFFFD800  }
0x92: {  	[hbm4b:s18+s4] =	stream.linear.scatter [tilespmem:s25], [sflag:$0x2], $0x2800, $0x38;
	[tilespmem:$0x1F600] =	vst v63  }
0x93: {  	_ =	swait.ge [sflag:s26], $0x2800  }
0x94: {  	[sflag:s26] =	ssyncset.done $0x0  }
0x95: {  	[sflag:s26] =	ssyncadd.s32 $0xFFFFD800  }
0x96: {  	[tilespmem:s25], [sflag:$0x2] =	stream.linear.gather [spmem:s11], $0x2800, $0x38;
	[tilespmem:$0x1F600] =	vst v63  }
0x97: {  	_ =	swait.ge [sflag:s26], $0x2800  }
0x98: {  	[sflag:s26] =	ssyncset.done $0x0  }
0x99: {  	[sflag:s26] =	ssyncadd.s32 $0xFFFFD800  }
0x9a: {  	[hbm4b:s19+s4] =	stream.linear.scatter [tilespmem:s25], [sflag:$0x2], $0x2800, $0x38;
	[tilespmem:$0x1F600] =	vst v63  }
0x9b: {  	_ =	swait.ge [sflag:s26], $0x2800  }
0x9c: {  	[sflag:s26] =	ssyncset.done $0x0  }
0x9d: {  	[sflag:s26] =	ssyncadd.s32 $0xFFFFD800  }
0x9e: {  	[tilespmem:s25], [sflag:$0x2] =	stream.linear.gather [spmem:s12], $0x2800, $0x38;
	[tilespmem:$0x1F600] =	vst v63  }
0x9f: {  	_ =	swait.ge [sflag:s26], $0x2800  }
0xa0: {  	[sflag:s26] =	ssyncset.done $0x0  }
0xa1: {  	[sflag:s26] =	ssyncadd.s32 $0xFFFFD800  }
0xa2: {  	[hbm4b:s20+s4] =	stream.linear.scatter [tilespmem:s25], [sflag:$0x2], $0x2800, $0x38;
	[tilespmem:$0x1F600] =	vst v63  }
0xa3: {  	_ =	swait.ge [sflag:s26], $0x2800  }
0xa4: {  	[sflag:s26] =	ssyncset.done $0x0  }
0xa5: {  	[sflag:s26] =	ssyncadd.s32 $0xFFFFD800  }
0xa6: {  	[tilespmem:s25], [sflag:$0x2] =	stream.linear.gather [spmem:s13], $0x2800, $0x38;
	[tilespmem:$0x1F600] =	vst v63  }
0xa7: {  	_ =	swait.ge [sflag:s26], $0x2800  }
0xa8: {  	[sflag:s26] =	ssyncset.done $0x0  }
0xa9: {  	[sflag:s26] =	ssyncadd.s32 $0xFFFFD800  }
0xaa: {  	[hbm4b:s21+s4] =	stream.linear.scatter [tilespmem:s25], [sflag:$0x2], $0x2800, $0x38;
	[tilespmem:$0x1F600] =	vst v63  }
0xab: {  	_ =	swait.ge [sflag:s26], $0x2800  }
0xac: {  	[sflag:s26] =	ssyncset.done $0x0  }
0xad: {  	[sflag:s26] =	ssyncadd.s32 $0xFFFFD800  }
0xae: {  	[tilespmem:s25], [sflag:$0x2] =	stream.linear.gather [spmem:s14], $0x2800, $0x38;
	[tilespmem:$0x1F600] =	vst v63  }
0xaf: {  	_ =	swait.ge [sflag:s26], $0x2800  }
0xb0: {  	[sflag:s26] =	ssyncset.done $0x0  }
0xb1: {  	[sflag:s26] =	ssyncadd.s32 $0xFFFFD800  }
0xb2: {  	[hbm4b:s22+s4] =	stream.linear.scatter [tilespmem:s25], [sflag:$0x2], $0x2800, $0x38;
	[tilespmem:$0x1F600] =	vst v63  }
0xb3: {  	_ =	swait.ge [sflag:s26], $0x2800  }
0xb4: {  	[sflag:s26] =	ssyncset.done $0x0  }
0xb5: {  	[sflag:s26] =	ssyncadd.s32 $0xFFFFD800  }
0xb6: {  	[tilespmem:s25], [sflag:$0x2] =	stream.linear.gather [spmem:s15], $0x2800, $0x38;
	[tilespmem:$0x1F600] =	vst v63  }
0xb7: {  	_ =	swait.ge [sflag:s26], $0x2800  }
0xb8: {  	[sflag:s26] =	ssyncset.done $0x0  }
0xb9: {  	[sflag:s26] =	ssyncadd.s32 $0xFFFFD800  }
0xba: {  	[hbm4b:s23+s4] =	stream.linear.scatter [tilespmem:s25], [sflag:$0x2], $0x2800, $0x38;
	[tilespmem:$0x1F600] =	vst v63  }
0xbb: {  	_ =	swait.ge [sflag:s26], $0x2800  }
0xbc: {  	[sflag:s26] =	ssyncset.done $0x0  }
0xbd: {  	[sflag:s26] =	ssyncadd.s32 $0xFFFFD800  }
0xbe: {  	[tilespmem:s25], [sflag:$0x2] =	stream.linear.gather [spmem:s16], $0x2800, $0x38;
	[tilespmem:$0x1F600] =	vst v63  }
0xbf: {  	_ =	swait.ge [sflag:s26], $0x2800  }
0xc0: {  	[sflag:s26] =	ssyncset.done $0x0  }
0xc1: {  	[sflag:s26] =	ssyncadd.s32 $0xFFFFD800  }
0xc2: {  	[hbm4b:s24+s4] =	stream.linear.scatter [tilespmem:s25], [sflag:$0x2], $0x2800, $0x38;
	[tilespmem:$0x1F600] =	vst v63  }
0xc3: {  	_ =	swait.ge [sflag:s26], $0x2800  }
0xc4: {  	s28 =	sadd.s32 $0x1, s28;
	s9 =	rddreg [dreg:$0x7]  }
0xc5: {  	p0 =	sne.s32 s28, s9  }
.Ltmp1:
0xc6: {  	_ = 	snop;
	(pc) =	sbr.rel @p0 .LBB2_1-.Ltmp1, $3  }
0xc7: {  	_ =	sdelay $0x1  }
0xc8: {  	[sflag:s26] =	ssyncset.done $0x0  }
0xc9: {  	[sflag:s26] =	ssyncadd.s32 $0xFFFFD800  }
0xca: {  	_ =	sfence.sel $0x180000  }
0xcb: {  	[bflag:$0x0] =	sbarrier.arrive $0xFFFF  }
0xcc: {  	_ =	strace $0x90000053  }
0xcd: {  	s0 =	stileid.u32;
	[bflag:$0x2] =	sbarrier.arrive $0xFFFF  }
0xce: {  	p0 =	sne.s32 s0, $0x0;
	s0 =	rddreg [dreg:$0x3]  }
0xcf: {  	s0 =	sadd.s32 @!p0 $0x100000, s0  }
0xd0: {  	[sflag:s0] =	ssyncadd.tile.s32 @!p0 $0x1;
	_ =	shalt  }
.Lfunc_end2:
_tile_overlayer_lowered:
.L_overlay_start_2:
0xd1: {  	(tag) =	ssettag $0x2  }
0xd2: {  	s0 =	rddreg [dreg:$0x0];
	s2 =	stileid.u32  }
0xd3: {  	s1 =	rddreg [dreg:$0x1];
	p0 =	sne.s32 s2, $0x0  }
0xd4: {  	s3 =	rddreg [dreg:$0x2];
	[bflag:$0x3] =	sbarrier.arrive $0xFFFF;
	s2 =	simm.s32 @!p0 $0x1C02  }
0xd5: {  	[timem:s3], [sflag:s2] =	dma.local @!p0 [hbm:s0], s1  }
0xd6: {  	s0 =	simm.s32 @!p0 $0x2  }
0xd7: {  	_ =	swait.ge @!p0 [sflag:s0], s1  }
0xd8: {  	s1 =	ssub.s32 @!p0 $0x0, s1;
	[sflag:s0] =	ssyncset.done @!p0 $0x0  }
0xd9: {  	[sflag:s0] =	ssyncadd.s32 @!p0 s1  }
0xda: {  	[bflag:$0x3] =	sbarrier.arrive $0xFFFF  }
0xdb: {  	_ =	shalt  }

// kernel: kernel.28.cloned.1.call-start
scs
__scs_entry_jumppad:
0x0: {  	(pc) =	sbr.rel $0x88, $3  }
0x1: {  	(tag) =	ssettag $0x0;
	lr =	simm.s32 $0x1  }
0x2: {  	[smem:$0x3F89] =	sst lr;
	_ =	strace $0xD0000000  }
0x3: {  	_ = 	snop  }
0x4: {  	_ = 	snop  }
0x5: {  	_ = 	snop  }
0x6: {  	_ = 	snop  }
0x7: {  	_ = 	snop  }
__scs_overlays_trampoline_lowered:
0x8: {  	[smem:$0x3F98] =	sst s0  }
0x9: {  	[smem:$0x3F99] =	sst s1  }
0xa: {  	[smem:$0x3F9A] =	sst s2  }
0xb: {  	[smem:$0x3F9B] =	sst s3  }
0xc: {  	[smem:$0x3F9C] =	sst s4  }
0xd: {  	[smem:$0x3F9D] =	sst s5  }
0xe: {  	[smem:$0x3F9E] =	sst s6  }
0xf: {  	[smem:$0x3F9F] =	sst s7  }
0x10: {  	[smem:$0x3FA0] =	sst s8  }
0x11: {  	[smem:$0x3FA1] =	sst s9;
	s0 =	simm.s32 @!p0 $0x0  }
0x12: {  	s1 =	sld [smem:$0x3F87];
	s0 =	simm.s32 @p0 $0x1  }
0x13: {  	[smem:$0x3FA2] =	sst s0;
	s0 =	simm.s32 @!p1 $0x0  }
0x14: {  	s2 =	sld [smem:$0x3F86];
	s0 =	simm.s32 @p1 $0x1  }
0x15: {  	[smem:$0x3FA3] =	sst s0;
	s0 =	simm.s32 @!p2 $0x0  }
0x16: {  	s3 =	sld [smem:$0x3FDB];
	s0 =	simm.s32 @p2 $0x1  }
0x17: {  	s4 =	simm.s32 $0x1BF5;
	[smem:$0x3FA5] =	sst s0  }
0x18: {  	s0 =	sld [smem:$0x3F88];
	_ =	swait.ge [sflag:s4], $0x0  }
0x19: {  	s7 =	sld [smem:$0x3F89]  }
0x1a: {  	s8 =	sadd.s32 $0xFFFFE003, lr  }
0x1b: {  	s9 =	sadd.s32 $0xFFFFFEF7, lr;
	s5 =	simm.s32 $0xFFFFFFFF;
	p2 =	slt.u32 s8, $0xFFFFF086  }
0x1c: {  	p1 =	slt.u32 s9, $0xF7A;
	s5 =	simm.s32 @!p2 $0x0  }
0x1d: {  	s5 =	simm.s32 @p1 $0x1;
	p0 =	seq.s32 s7, s2  }
0x1e: {  	s7 =	smul.u32 @!p0 $0xF7A, s2;
	p2 =	seq.s32 @!p0 s5, $0x0  }
0x1f: {  	s9 =	smul.u32 $0xF7A, s1;
	s8 =	simm.s32 @!p0 $0x1BF5;
	p2 =	por !p2, p0  }
0x20: {  	[sflag:s8] =	ssyncset.s32 @!p0 $0xFFFFF086;
	s6 =	sadd.s32 @!p0 s3, s7;
	s7 =	simm.s32 @!p0 $0x108  }
0x21: {  	s3 =	sadd.s32 s3, s9;
	s6 =	sadd.s32 @!p0 $0x88, s6;
	s7 =	simm.s32 @p2 $0x1082  }
0x22: {  	[simem:s7], [sflag:s8] =	dma.local @!p0 [hbm:s6], $0xF7A  }
0x23: {  	s9 =	sor.u32 $0xD0000000, s2;
	s6 =	simm.s32 $0x108;
	_ =	swait.ge @!p0 [sflag:s8], $0x0  }
0x24: {  	s3 =	sadd.s32 $0x88, s3;
	s6 =	simm.s32 @!p1 $0x1082;
	[sflag:s4] =	ssyncset.s32 $0xFFFFF086  }
0x25: {  	[simem:s6], [sflag:s4] =	dma.local [hbm:s3], $0xF7A  }
0x26: {  	[smem:$0x3F89] =	sst s1;
	(tag) =	ssettag s2;
	_ =	strace s9  }
0x27: {  	s1 =	sld [smem:$0x3F99]  }
0x28: {  	s2 =	sld [smem:$0x3F9A]  }
0x29: {  	s4 =	sld [smem:$0x3F9C]  }
0x2a: {  	p0 =	seq.s32 s5, $0x0;
	s5 =	sld [smem:$0x3F9D]  }
0x2b: {  	s6 =	sld [smem:$0x3F9E]  }
0x2c: {  	s7 =	sld [smem:$0x3F9F]  }
0x2d: {  	s3 =	simm.s32 $0x108;
	s8 =	sld [smem:$0x3FA0]  }
0x2e: {  	s3 =	simm.s32 @!p0 $0x1082;
	s9 =	sld [smem:$0x3FA1]  }
0x2f: {  	lr =	sadd.s32 s0, s3;
	s0 =	sld [smem:$0x3F98]  }
0x30: {  	s3 =	sld [smem:$0x3F9B]  }
0x31: {  	[smem:$0x3FA4] =	sst s10  }
0x32: {  	s10 =	sld [smem:$0x3FA2];
	_ =	sdelay $0x3  }
0x33: {  	p0 =	seq.s32 s10, $0x1;
	s10 =	sld [smem:$0x3FA4];
	_ =	sdelay $0x3  }
0x34: {  	[smem:$0x3FA4] =	sst s10  }
0x35: {  	s10 =	sld [smem:$0x3FA3];
	_ =	sdelay $0x3  }
0x36: {  	p1 =	seq.s32 s10, $0x1;
	s10 =	sld [smem:$0x3FA4];
	_ =	sdelay $0x3  }
0x37: {  	[smem:$0x3FA4] =	sst s10  }
0x38: {  	s10 =	sld [smem:$0x3FA5]  }
0x39: {  	_ = 	snop;
	(pc) =	sbr.ind lr, $3  }
0x3a: {  	_ = 	snop  }
0x3b: {  	_ = 	snop  }
0x3c: {  	p2 =	seq.s32 s10, $0x1;
	s10 =	sld [smem:$0x3FA4]  }
0x3d: {  	_ =	shalt  }
0x3e: {  	_ =	shalt  }
0x3f: {  	_ =	shalt  }
0x40: {  	_ =	shalt  }
0x41: {  	_ =	shalt  }
0x42: {  	_ =	shalt  }
0x43: {  	_ =	shalt  }
0x44: {  	_ =	shalt  }
0x45: {  	_ =	shalt  }
0x46: {  	_ =	shalt  }
0x47: {  	_ =	shalt  }
0x48: {  	_ =	shalt  }
0x49: {  	_ =	shalt  }
0x4a: {  	_ =	shalt  }
0x4b: {  	_ =	shalt  }
0x4c: {  	_ =	shalt  }
0x4d: {  	_ =	shalt  }
0x4e: {  	_ =	shalt  }
0x4f: {  	_ =	shalt  }
0x50: {  	_ =	shalt  }
0x51: {  	_ =	shalt  }
0x52: {  	_ =	shalt  }
0x53: {  	_ =	shalt  }
0x54: {  	_ =	shalt  }
0x55: {  	_ =	shalt  }
0x56: {  	_ =	shalt  }
0x57: {  	_ =	shalt  }
0x58: {  	_ =	shalt  }
0x59: {  	_ =	shalt  }
0x5a: {  	_ =	shalt  }
0x5b: {  	_ =	shalt  }
0x5c: {  	_ =	shalt  }
0x5d: {  	_ =	shalt  }
0x5e: {  	_ =	shalt  }
0x5f: {  	_ =	shalt  }
0x60: {  	_ =	shalt  }
0x61: {  	_ =	shalt  }
0x62: {  	_ =	shalt  }
0x63: {  	_ =	shalt  }
0x64: {  	_ =	shalt  }
0x65: {  	_ =	shalt  }
0x66: {  	_ =	shalt  }
0x67: {  	_ =	shalt  }
0x68: {  	_ =	shalt  }
0x69: {  	_ =	shalt  }
0x6a: {  	_ =	shalt  }
0x6b: {  	_ =	shalt  }
0x6c: {  	_ =	shalt  }
0x6d: {  	_ =	shalt  }
0x6e: {  	_ =	shalt  }
0x6f: {  	_ =	shalt  }
0x70: {  	_ =	shalt  }
0x71: {  	_ =	shalt  }
0x72: {  	_ =	shalt  }
0x73: {  	_ =	shalt  }
0x74: {  	_ =	shalt  }
0x75: {  	_ =	shalt  }
0x76: {  	_ =	shalt  }
0x77: {  	_ =	shalt  }
0x78: {  	_ =	shalt  }
0x79: {  	_ =	shalt  }
0x7a: {  	_ =	shalt  }
0x7b: {  	_ =	shalt  }
0x7c: {  	_ =	shalt  }
0x7d: {  	_ =	shalt  }
0x7e: {  	_ =	shalt  }
0x7f: {  	_ =	shalt  }
0x80: {  	_ =	shalt  }
0x81: {  	_ =	shalt  }
0x82: {  	_ =	shalt  }
0x83: {  	_ =	shalt  }
0x84: {  	_ =	shalt  }
0x85: {  	_ =	shalt  }
0x86: {  	_ =	shalt  }
0x87: {  	_ =	shalt  }
.Lfunc_end0:
.L_simem_size_0:
called_computation.4_lowered:
.L_overlay_start_0:
0x88: {  	s2 =	sld [smem:$0x3FD9]  }
0x89: {  	s3 =	sld [smem:$0x3FFE];
	_ =	sdelay $0x1  }
0x8a: {  	s1 =	srdreg.scid  }
0x8b: {  	s0 =	sand.u32 $0x1, s1  }
0x8c: {  	s14 =	sshll.u32 s0, $0xA;
	s2 =	sadd.s32 s3, s2  }
0x8d: {  	s2 =	sadd.s32 s2, s14  }
0x8e: {  	[smem:$0x3FB0] =	sst s2  }
0x8f: {  	_ = 	snop  }
0x90: {  	s2 =	sld [smem:$0x3FD0];
	_ =	sdelay $0x2  }
0x91: {  	s15 =	simm.s32 $0xC;
	s4 =	simm.s32 $0x10  }
0x92: {  	[smem:s4], [sflag:s15] =	dma.local [hbm:s2], $0x1  }
0x93: {  	_ =	swait.eq [sflag:s15], $0x1  }
0x94: {  	[sflag:s15] =	ssyncset.done $0x0  }
0x95: {  	[sflag:s15] =	ssyncadd.s32 $0xFFFFFFFF  }
0x96: {  	s16 =	sld [smem:$0x10];
	(tm) =	ssettm $0x1  }
0x97: {  	s17 =	sld [smem:$0x3FFB];
	_ =	sdelay $0x3  }
0x98: {  	_ =	strace s17  }
0x99: {  	s3 =	sld [smem:$0x3FFC];
	_ =	sdelay $0x3  }
0x9a: {  	_ =	strace s3  }
0x9b: {  	s3 =	sld [smem:$0x3FFD];
	_ =	sdelay $0x3  }
0x9c: {  	_ =	strace s3  }
0x9d: {  	_ =	strace $0x8FFFFFFF  }
0x9e: {  	s18 =	sld [smem:$0x3FDB];
	_ =	sdelay $0x1  }
0x9f: {  	s19 =	simm.s32 $_scs_section_size  }
0xa0: {  	s5 =	simm.s32 $_size__tile_overlayer_lowered;
	s6 =	simm.s32 $_tile_overlayer_lowered  }
0xa1: {  	s22 =	simm.s32 $0x1BFF;
	s21 =	sshll.u32 s6, $0x1;
	s3 =	sadd.s32 s19, s18  }
0xa2: {  	s7 =	simm.s32 $0x0;
	s20 =	sshll.u32 s5, $0x1;
	s5 =	sadd.s32 s21, s3  }
0xa3: {  	[timem:s7], [sflag:s22] =	dma.local [hbm:s5], s20  }
0xa4: {  	_ =	swait.ge [sflag:s22], s20  }
0xa5: {  	s4 =	ssub.s32 $0x0, s20;
	[sflag:s22] =	ssyncset.done $0x0  }
0xa6: {  	[sflag:s22] =	ssyncadd.s32 s4;
	_ =	sdelay $0x1  }
0xa7: {  	s23 =	simm.s32 $0x1B8B  }
0xa8: {  	_ =	swait.ge [sflag:s23], $0x1  }
0xa9: {  	[sflag:s23] =	ssyncset.done $0x0  }
0xaa: {  	s25 =	simm.s32 $0x1B8E;
	s24 =	sld [smem:$0x3FFE];
	[sflag:s23] =	ssyncadd.s32 $0xFFFFFFFF  }
0xab: {  	s26 =	simm.s32 $execute0_lowered;
	[smem:$0x3FD2] =	sst s25  }
0xac: {  	s5 =	sshll.u32 s26, $0x1;
	_ =	strace $0x8000004F;
	[dreg:$0x1] =	wrdreg $0xFFFFFFFF  }
0xad: {  	s28 =	simm.s32 $_size_execute0_lowered;
	s3 =	sadd.s32 s3, s5;
	[dreg:$0x0] =	wrdreg $0x0  }
0xae: {  	s5 =	sshll.u32 s28, $0x1;
	[dreg:$0x2] =	wrdreg s3  }
0xaf: {  	[dreg:$0x3] =	wrdreg s5  }
0xb0: {  	[dreg:$0x4] =	wrdreg $0xC0  }
0xb1: {  	_ =	task [dreg:s7], $0x5FFFF  }
0xb2: {  	[dreg:$0x1] =	wrdreg $0xFFFFFFFF  }
0xb3: {  	[dreg:$0x0] =	wrdreg $0x60  }
0xb4: {  	[dreg:$0x2] =	wrdreg s16  }
0xb5: {  	[dreg:$0x3] =	wrdreg s24  }
0xb6: {  	[dreg:$0x4] =	wrdreg $0x0  }
0xb7: {  	[dreg:$0x5] =	wrdreg $0xA  }
0xb8: {  	_ =	task.clear_ibuf [dreg:s7], $0x6FFFF;
	_ =	strace $0x9000004F  }
0xb9: {  	s29 =	simm.s32 $0xA;
	_ =	strace $0x80000051  }
0xba: {  	_ =	swait.ge [sflag:s29], $0x1  }
0xbb: {  	[sflag:s29] =	ssyncadd.s32 $0xFFFFFFFF  }
0xbc: {  	_ =	strace $0x90000051  }
0xbd: {  	_ =	sfence  }
0xbe: {  	s30 =	sld [smem:$0x0];
	_ =	sdelay $0x2  }
0xbf: {  	s31 =	sshll.u32 s1, $0xD;
	s1 =	sshrl.u32 s1, $0x2  }
0xc0: {  	s3 =	sand.u32 $0x4000, s31;
	s1 =	sadd.s32 s1, s30  }
0xc1: {  	s0 =	sor.u32 s3, s0;
	s1 =	sshll.u32 s1, $0x11  }
0xc2: {  	s0 =	sor.u32 s1, s0  }
0xc3: {  	s0 =	sadd.s32 $0x8F2B, s0  }
0xc4: {  	[sflag:s0] =	ssyncadd.remote.s32 $0x1  }
0xc5: {  	_ =	sfence.sel $0xFFFF  }
0xc6: {  	[dreg:$0x0] =	wrdreg $0xFFFFFFFF;
	(pc) =	sbr.abs _section_cstart, $3  }
0xc7: {  	[dreg:$0x1] =	wrdreg $0xFFFFFFFF  }
0xc8: {  	_ =	task.clear_ibuf [dreg:s7], $0x2FFFF;
	_ =	strace $0x9FFFFFFF  }
0xc9: {  	(tm) =	ssettm $0x7FFFFFFF  }
tec
execute0_lowered:
.L_overlay_start_1:
0x0: {  	(tag) =	ssettag $0x1  }
0x1: {  	s0 =	srdreg.scid;
	s1 =	rddreg [dreg:$0x0]  }
0x2: {  	s2 =	rddreg [dreg:$0x1];
	s11 =	stileid.u32  }
0x3: {  	s3 =	rddreg [dreg:$0x2];
	s29 =	simm.s32 $0x50;
	s30 =	simm.s32 $0x1CE00  }
0x4: {  	s31 =	simm.s32 $0x1;
	s28 =	simm.s32 $0x0;
	s9 =	smul.u32 $0x50000, s11  }
0x5: {  	s0 =	sand.u32 $0x1, s0;
	s10 =	sadd.s32 $0x20600, s2;
	s16 =	smul.u32 $0x14000, s11  }
0x6: {  	s4 =	sshll.u32 s0, $0x4;
	s23 =	ssub.s32 $0x2, s0;
	s0 =	smul.u32 $0x140000, s0  }
0x7: {  	s5 =	sor.u32 s11, s4;
	s4 =	simm.s32 $0x0;
	s8 =	sshrl.u32 s23, $0x1  }
0x8: {  	s25 =	sshrl.u32 s9, $0x2;
	s9 =	sor.u32 $0x2800, s16;
	s17 =	sadd.s32 $0x5000, s16  }
0x9: {  	s18 =	sadd.s32 $0x7800, s16;
	s19 =	sadd.s32 $0xA000, s16;
	s20 =	sadd.s32 $0xC800, s16  }
0xa: {  	s21 =	sadd.s32 $0xF000, s16;
	s6 =	smul.u32 $0x7D0, s5;
	[smem:$0x7FF] =	sst s4  }
0xb: {  	s5 =	smul.u32 $0x4E2, s5;
	s24 =	ssub.s32 s23, s8;
	s8 =	sadd.s32 s25, s3  }
0xc: {  	s11 =	sadd.s32 s17, s3;
	s12 =	sadd.s32 s18, s3;
	s13 =	sadd.s32 s19, s3  }
0xd: {  	s14 =	sadd.s32 s20, s3;
	s15 =	sadd.s32 s21, s3;
	s22 =	sadd.s32 s0, s16  }
0xe: {  	s16 =	sadd.s32 $0x11800, s16;
	s23 =	sadd.s32 s0, s17;
	s19 =	sadd.s32 s0, s19  }
0xf: {  	s25 =	sadd.s32 s0, s20;
	_ =	strace $0x80000050;
	[dreg:$0x4] =	wrdreg s10  }
0x10: {  	s10 =	sadd.s32 s9, s3;
	s22 =	sshrl.u32 s22, $0x3;
	s5 =	sadd.s32 s5, s2  }
0x11: {  	s25 =	sshrl.u32 s25, $0x3;
	s7 =	sadd.s32 s6, s2;
	s5 =	sadd.s32 $0x6E00, s5  }
0x12: {  	s2 =	sadd.s32 $0x71200, s2;
	s26 =	sadd.s32 $0x10C00, s7;
	[dreg:$0x5] =	wrdreg s5  }
0x13: {  	s7 =	smax.u32 s24, $0x1;
	s24 =	sadd.s32 s0, s18;
	[dreg:$0x6] =	wrdreg s26  }
0x14: {  	s17 =	sadd.s32 s2, s22;
	s22 =	sshrl.u32 s23, $0x3;
	[dreg:$0x7] =	wrdreg s7  }
0x15: {  	s5 =	sadd.s32 s0, s9;
	s26 =	sadd.s32 s0, s21;
	s0 =	sadd.s32 s0, s16  }
0x16: {  	s16 =	sadd.s32 s16, s3;
	s23 =	sshrl.u32 s24, $0x3;
	s24 =	sshrl.u32 s19, $0x3  }
0x17: {  	s19 =	sadd.s32 s2, s22;
	s22 =	sadd.s32 s2, s25;
	s25 =	simm.s32 $0x1A600  }
0x18: {  	s5 =	sshrl.u32 s5, $0x3;
	s20 =	sadd.s32 s2, s23;
	s21 =	sadd.s32 s2, s24  }
0x19: {  	s26 =	sshrl.u32 s26, $0x3;
	s0 =	sshrl.u32 s0, $0x3;
	s18 =	sadd.s32 s2, s5  }
0x1a: {  	s23 =	sadd.s32 s2, s26;
	s24 =	sadd.s32 s2, s0;
	s26 =	simm.s32 $0x2  }
.LBB2_1:
0x1b: {  	s0 =	rddreg [dreg:$0x4]  }
0x1c: {  	[tilespmem:s25], [sflag:$0x2] =	stream.linear.gather [hbm4b:s0+s4], $0x2800, $0x38;
	[tilespmem:$0x1F600] =	vst v63  }
0x1d: {  	_ =	swait.ge [sflag:s26], $0x2800  }
0x1e: {  	[sflag:s26] =	ssyncset.done $0x0  }
0x1f: {  	[sflag:s26] =	ssyncadd.s32 $0xFFFFD800  }
0x20: {  	[spmem:s8] =	stream.linear.scatter [tilespmem:s25], [sflag:$0x2], $0x2800, $0x38;
	[tilespmem:$0x1F600] =	vst v63  }
0x21: {  	_ =	swait.ge [sflag:s26], $0x2800  }
0x22: {  	[sflag:s26] =	ssyncset.done $0x0  }
0x23: {  	[sflag:s26] =	ssyncadd.s32 $0xFFFFD800  }
0x24: {  	[spmem:s10] =	stream.linear.scatter [tilespmem:s25], [sflag:$0x2], $0x2800, $0x38;
	[tilespmem:$0x1F600] =	vst v63  }
0x25: {  	_ =	swait.ge [sflag:s26], $0x2800  }
0x26: {  	[sflag:s26] =	ssyncset.done $0x0  }
0x27: {  	[sflag:s26] =	ssyncadd.s32 $0xFFFFD800  }
0x28: {  	[spmem:s11] =	stream.linear.scatter [tilespmem:s25], [sflag:$0x2], $0x2800, $0x38;
	[tilespmem:$0x1F600] =	vst v63  }
0x29: {  	_ =	swait.ge [sflag:s26], $0x2800  }
0x2a: {  	[sflag:s26] =	ssyncset.done $0x0  }
0x2b: {  	[sflag:s26] =	ssyncadd.s32 $0xFFFFD800  }
0x2c: {  	[spmem:s12] =	stream.linear.scatter [tilespmem:s25], [sflag:$0x2], $0x2800, $0x38;
	[tilespmem:$0x1F600] =	vst v63  }
0x2d: {  	_ =	swait.ge [sflag:s26], $0x2800  }
0x2e: {  	[sflag:s26] =	ssyncset.done $0x0  }
0x2f: {  	[sflag:s26] =	ssyncadd.s32 $0xFFFFD800  }
0x30: {  	[spmem:s13] =	stream.linear.scatter [tilespmem:s25], [sflag:$0x2], $0x2800, $0x38;
	[tilespmem:$0x1F600] =	vst v63  }
0x31: {  	_ =	swait.ge [sflag:s26], $0x2800  }
0x32: {  	[sflag:s26] =	ssyncset.done $0x0  }
0x33: {  	[sflag:s26] =	ssyncadd.s32 $0xFFFFD800  }
0x34: {  	[spmem:s14] =	stream.linear.scatter [tilespmem:s25], [sflag:$0x2], $0x2800, $0x38;
	[tilespmem:$0x1F600] =	vst v63  }
0x35: {  	_ =	swait.ge [sflag:s26], $0x2800  }
0x36: {  	[sflag:s26] =	ssyncset.done $0x0  }
0x37: {  	[sflag:s26] =	ssyncadd.s32 $0xFFFFD800  }
0x38: {  	[spmem:s15] =	stream.linear.scatter [tilespmem:s25], [sflag:$0x2], $0x2800, $0x38;
	[tilespmem:$0x1F600] =	vst v63  }
0x39: {  	_ =	swait.ge [sflag:s26], $0x2800  }
0x3a: {  	[sflag:s26] =	ssyncset.done $0x0  }
0x3b: {  	[sflag:s26] =	ssyncadd.s32 $0xFFFFD800  }
0x3c: {  	[spmem:s16] =	stream.linear.scatter [tilespmem:s25], [sflag:$0x2], $0x2800, $0x38;
	[tilespmem:$0x1F600] =	vst v63  }
0x3d: {  	_ =	swait.ge [sflag:s26], $0x2800  }
0x3e: {  	[sflag:s26] =	ssyncset.done $0x0  }
0x3f: {  	s2 =	simm.s32 $0x14000;
	s7 =	rddreg [dreg:$0x5];
	[sflag:s26] =	ssyncadd.s32 $0xFFFFD800  }
0x40: {  	[tilespmem:s2], [sflag:$0x2] =	stream.linear.gather [hbm4b:s7+s4], $0x2710, $0x38;
	[tilespmem:$0x1F600] =	vst v63  }
0x41: {  	_ =	swait.ge [sflag:s26], $0x2710  }
0x42: {  	[sflag:s26] =	ssyncset.done $0x0  }
0x43: {  	s9 =	simm.s32 $0x16780;
	s5 =	rddreg [dreg:$0x6];
	[sflag:s26] =	ssyncadd.s32 $0xFFFFD8F0  }
0x44: {  	[tilespmem:s9], [sflag:$0x2] =	stream.linear.gather [hbm4b:s5+s4], $0x3E80, $0x38;
	[tilespmem:$0x1F600] =	vst v63  }
0x45: {  	_ =	swait.ge [sflag:s26], $0x3E80  }
0x46: {  	[sflag:s26] =	ssyncset.done $0x0  }
0x47: {  	[sflag:s26] =	ssyncadd.s32 $0xFFFFC180  }
0x48: {  	s6 =	simm.s32 $0x14000;
	[bflag:$0x0] =	sbarrier.arrive $0xFFFF  }
0x49: {  	[tilespmem:s25], [sflag:$0x1] =	stream.indirect.gather [hbm4b:s1+s29], $0x80, s6, s29, $0xb8;
	[tilespmem:$0x1F600] =	vst v63  }
0x4a: {  	s7 =	simm.s32 $0x14050  }
0x4b: {  	[tilespmem:s30], [sflag:$0x1] =	stream.indirect.gather [hbm4b:s1+s29], $0x80, s7, s29, $0xb8;
	[tilespmem:$0x1F600] =	vst v63  }
0x4c: {  	_ =	swait.ge [sflag:s31], $0x2800  }
0x4d: {  	[sflag:s31] =	ssyncset.done $0x0  }
0x4e: {  	[sflag:s31] =	ssyncadd.s32 $0xFFFFD800  }
0x4f: {  	[spmem:s3] =	stream.indirect.scatter.add.f32 [tilespmem:s25], [sflag:$0x2], $0x80, s9, s29, $0xb8;
	[tilespmem:$0x1F600] =	vst v63  }
0x50: {  	_ =	swait.ge [sflag:s26], $0x2800  }
0x51: {  	[sflag:s26] =	ssyncset.done $0x0  }
0x52: {  	[sflag:s26] =	ssyncadd.s32 $0xFFFFD800  }
0x53: {  	_ =	swait.ge [sflag:s31], $0x2800  }
0x54: {  	[sflag:s31] =	ssyncset.done $0x0  }
0x55: {  	s9 =	simm.s32 $0x16800;
	[sflag:s31] =	ssyncadd.s32 $0xFFFFD800  }
0x56: {  	[spmem:s3] =	stream.indirect.scatter.add.f32 [tilespmem:s30], [sflag:$0x2], $0x80, s9, s29, $0xb8;
	[tilespmem:$0x1F600] =	vst v63  }
0x57: {  	s0 =	simm.s32 $0xA0;
	_ =	swait.ge [sflag:s26], $0x2800  }
0x58: {  	s2 =	simm.s32 $0x16880;
	s5 =	simm.s32 $0x500;
	[sflag:s26] =	ssyncset.done $0x0  }
.LBB2_2:
0x59: {  	s6 =	sadd.s32 $0x14000, s0  }
0x5a: {  	[sflag:s26] =	ssyncadd.s32 $0xFFFFD800;
	s7 =	smov.u32 s5;
	s9 =	sadd.s32 $0x280, s5  }
0x5b: {  	[tilespmem:s25], [sflag:$0x1] =	stream.indirect.gather [hbm4b:s1+s29], $0x80, s6, s29, $0xb8;
	[tilespmem:$0x1F600] =	vst v63  }
0x5c: {  	p0 =	sne.s32 s5, $0x9880;
	s0 =	sadd.s32 $0x14050, s0  }
0x5d: {  	[tilespmem:s30], [sflag:$0x1] =	stream.indirect.gather [hbm4b:s1+s29], $0x80, s0, s29, $0xb8;
	[tilespmem:$0x1F600] =	vst v63  }
0x5e: {  	_ =	swait.ge [sflag:s31], $0x2800  }
0x5f: {  	[sflag:s31] =	ssyncset.done $0x0  }
0x60: {  	[sflag:s31] =	ssyncadd.s32 $0xFFFFD800  }
0x61: {  	[spmem:s3] =	stream.indirect.scatter.add.f32 [tilespmem:s25], [sflag:$0x2], $0x80, s2, s29, $0xb8;
	[tilespmem:$0x1F600] =	vst v63  }
0x62: {  	_ =	swait.ge [sflag:s26], $0x2800  }
0x63: {  	[sflag:s26] =	ssyncset.done $0x0  }
0x64: {  	[sflag:s26] =	ssyncadd.s32 $0xFFFFD800  }
0x65: {  	_ =	swait.ge [sflag:s31], $0x2800  }
.Ltmp0:
0x66: {  	[sflag:s31] =	ssyncset.done $0x0;
	(pc) =	sbr.rel @p0 .LBB2_2-.Ltmp0, $4  }
0x67: {  	s0 =	sadd.s32 $0x80, s2;
	[sflag:s31] =	ssyncadd.s32 $0xFFFFD800  }
0x68: {  	[spmem:s3] =	stream.indirect.scatter.add.f32 [tilespmem:s30], [sflag:$0x2], $0x80, s0, s29, $0xb8;
	[tilespmem:$0x1F600] =	vst v63  }
0x69: {  	s5 =	smov.u32 s9;
	_ =	swait.ge [sflag:s26], $0x2800  }
0x6a: {  	s2 =	sadd.s32 $0x100, s2;
	s0 =	sshra.s32 s7, $0x2;
	[sflag:s26] =	ssyncset.done $0x0  }
0x6b: {  	s5 =	sadd.s32 $0x14000, s0;
	[sflag:s26] =	ssyncadd.s32 $0xFFFFD800  }
0x6c: {  	[tilespmem:s25], [sflag:$0x1] =	stream.indirect.gather [hbm4b:s1+s29], $0x80, s5, s29, $0xb8;
	[tilespmem:$0x1F600] =	vst v63  }
0x6d: {  	s9 =	sadd.s32 $0x14050, s0  }
0x6e: {  	[tilespmem:s30], [sflag:$0x1] =	stream.indirect.gather [hbm4b:s1+s29], $0x80, s9, s29, $0xb8;
	[tilespmem:$0x1F600] =	vst v63  }
0x6f: {  	_ =	swait.ge [sflag:s31], $0x2800  }
0x70: {  	[sflag:s31] =	ssyncset.done $0x0  }
0x71: {  	[sflag:s31] =	ssyncadd.s32 $0xFFFFD800  }
0x72: {  	[spmem:s3] =	stream.indirect.scatter.add.f32 [tilespmem:s25], [sflag:$0x2], $0x80, s2, s29, $0xb8;
	[tilespmem:$0x1F600] =	vst v63  }
0x73: {  	_ =	swait.ge [sflag:s26], $0x2800  }
0x74: {  	[sflag:s26] =	ssyncset.done $0x0  }
0x75: {  	[sflag:s26] =	ssyncadd.s32 $0xFFFFD800  }
0x76: {  	_ =	swait.ge [sflag:s31], $0x2800  }
0x77: {  	[sflag:s31] =	ssyncset.done $0x0  }
0x78: {  	s5 =	sadd.s32 $0x80, s2;
	[sflag:s31] =	ssyncadd.s32 $0xFFFFD800  }
0x79: {  	[spmem:s3] =	stream.indirect.scatter.add.f32 [tilespmem:s30], [sflag:$0x2], $0x80, s5, s29, $0xb8;
	[tilespmem:$0x1F600] =	vst v63  }
0x7a: {  	_ =	swait.ge [sflag:s26], $0x2800  }
0x7b: {  	[sflag:s26] =	ssyncset.done $0x0  }
0x7c: {  	s6 =	simm.s32 $0x166C0;
	[sflag:s26] =	ssyncadd.s32 $0xFFFFD800  }
0x7d: {  	[tilespmem:s25], [sflag:$0x1] =	stream.indirect.gather [hbm4b:s1+s29], $0x80, s6, s29, $0xb8;
	[tilespmem:$0x1F600] =	vst v63  }
0x7e: {  	_ =	swait.ge [sflag:s31], $0x2800  }
0x7f: {  	[sflag:s31] =	ssyncset.done $0x0  }
0x80: {  	s7 =	simm.s32 $0x1A580;
	[sflag:s31] =	ssyncadd.s32 $0xFFFFD800  }
0x81: {  	[spmem:s3] =	stream.indirect.scatter.add.f32 [tilespmem:s25], [sflag:$0x2], $0x80, s7, s29, $0xb8;
	[tilespmem:$0x1F600] =	vst v63  }
0x82: {  	_ =	swait.ge [sflag:s26], $0x2800  }
0x83: {  	[sflag:s26] =	ssyncset.done $0x0  }
0x84: {  	[sflag:s26] =	ssyncadd.s32 $0xFFFFD800  }
0x85: {  	[bflag:$0x0] =	sbarrier.arrive $0xFFFF  }
0x86: {  	[tilespmem:s25], [sflag:$0x2] =	stream.linear.gather [spmem:s8], $0x2800, $0x38;
	[tilespmem:$0x1F600] =	vst v63  }
0x87: {  	_ =	swait.ge [sflag:s26], $0x2800  }
0x88: {  	[sflag:s26] =	ssyncset.done $0x0  }
0x89: {  	[sflag:s26] =	ssyncadd.s32 $0xFFFFD800  }
0x8a: {  	[hbm4b:s17+s4] =	stream.linear.scatter [tilespmem:s25], [sflag:$0x2], $0x2800, $0x38;
	[tilespmem:$0x1F600] =	vst v63  }
0x8b: {  	_ =	swait.ge [sflag:s26], $0x2800  }
0x8c: {  	[sflag:s26] =	ssyncset.done $0x0  }
0x8d: {  	[sflag:s26] =	ssyncadd.s32 $0xFFFFD800  }
0x8e: {  	[tilespmem:s25], [sflag:$0x2] =	stream.linear.gather [spmem:s10], $0x2800, $0x38;
	[tilespmem:$0x1F600] =	vst v63  }
0x8f: {  	_ =	swait.ge [sflag:s26], $0x2800  }
0x90: {  	[sflag:s26] =	ssyncset.done $0x0  }
0x91: {  	[sflag:s26] =	ssyncadd.s32 $0xFFFFD800  }
0x92: {  	[hbm4b:s18+s4] =	stream.linear.scatter [tilespmem:s25], [sflag:$0x2], $0x2800, $0x38;
	[tilespmem:$0x1F600] =	vst v63  }
0x93: {  	_ =	swait.ge [sflag:s26], $0x2800  }
0x94: {  	[sflag:s26] =	ssyncset.done $0x0  }
0x95: {  	[sflag:s26] =	ssyncadd.s32 $0xFFFFD800  }
0x96: {  	[tilespmem:s25], [sflag:$0x2] =	stream.linear.gather [spmem:s11], $0x2800, $0x38;
	[tilespmem:$0x1F600] =	vst v63  }
0x97: {  	_ =	swait.ge [sflag:s26], $0x2800  }
0x98: {  	[sflag:s26] =	ssyncset.done $0x0  }
0x99: {  	[sflag:s26] =	ssyncadd.s32 $0xFFFFD800  }
0x9a: {  	[hbm4b:s19+s4] =	stream.linear.scatter [tilespmem:s25], [sflag:$0x2], $0x2800, $0x38;
	[tilespmem:$0x1F600] =	vst v63  }
0x9b: {  	_ =	swait.ge [sflag:s26], $0x2800  }
0x9c: {  	[sflag:s26] =	ssyncset.done $0x0  }
0x9d: {  	[sflag:s26] =	ssyncadd.s32 $0xFFFFD800  }
0x9e: {  	[tilespmem:s25], [sflag:$0x2] =	stream.linear.gather [spmem:s12], $0x2800, $0x38;
	[tilespmem:$0x1F600] =	vst v63  }
0x9f: {  	_ =	swait.ge [sflag:s26], $0x2800  }
0xa0: {  	[sflag:s26] =	ssyncset.done $0x0  }
0xa1: {  	[sflag:s26] =	ssyncadd.s32 $0xFFFFD800  }
0xa2: {  	[hbm4b:s20+s4] =	stream.linear.scatter [tilespmem:s25], [sflag:$0x2], $0x2800, $0x38;
	[tilespmem:$0x1F600] =	vst v63  }
0xa3: {  	_ =	swait.ge [sflag:s26], $0x2800  }
0xa4: {  	[sflag:s26] =	ssyncset.done $0x0  }
0xa5: {  	[sflag:s26] =	ssyncadd.s32 $0xFFFFD800  }
0xa6: {  	[tilespmem:s25], [sflag:$0x2] =	stream.linear.gather [spmem:s13], $0x2800, $0x38;
	[tilespmem:$0x1F600] =	vst v63  }
0xa7: {  	_ =	swait.ge [sflag:s26], $0x2800  }
0xa8: {  	[sflag:s26] =	ssyncset.done $0x0  }
0xa9: {  	[sflag:s26] =	ssyncadd.s32 $0xFFFFD800  }
0xaa: {  	[hbm4b:s21+s4] =	stream.linear.scatter [tilespmem:s25], [sflag:$0x2], $0x2800, $0x38;
	[tilespmem:$0x1F600] =	vst v63  }
0xab: {  	_ =	swait.ge [sflag:s26], $0x2800  }
0xac: {  	[sflag:s26] =	ssyncset.done $0x0  }
0xad: {  	[sflag:s26] =	ssyncadd.s32 $0xFFFFD800  }
0xae: {  	[tilespmem:s25], [sflag:$0x2] =	stream.linear.gather [spmem:s14], $0x2800, $0x38;
	[tilespmem:$0x1F600] =	vst v63  }
0xaf: {  	_ =	swait.ge [sflag:s26], $0x2800  }
0xb0: {  	[sflag:s26] =	ssyncset.done $0x0  }
0xb1: {  	[sflag:s26] =	ssyncadd.s32 $0xFFFFD800  }
0xb2: {  	[hbm4b:s22+s4] =	stream.linear.scatter [tilespmem:s25], [sflag:$0x2], $0x2800, $0x38;
	[tilespmem:$0x1F600] =	vst v63  }
0xb3: {  	_ =	swait.ge [sflag:s26], $0x2800  }
0xb4: {  	[sflag:s26] =	ssyncset.done $0x0  }
0xb5: {  	[sflag:s26] =	ssyncadd.s32 $0xFFFFD800  }
0xb6: {  	[tilespmem:s25], [sflag:$0x2] =	stream.linear.gather [spmem:s15], $0x2800, $0x38;
	[tilespmem:$0x1F600] =	vst v63  }
0xb7: {  	_ =	swait.ge [sflag:s26], $0x2800  }
0xb8: {  	[sflag:s26] =	ssyncset.done $0x0  }
0xb9: {  	[sflag:s26] =	ssyncadd.s32 $0xFFFFD800  }
0xba: {  	[hbm4b:s23+s4] =	stream.linear.scatter [tilespmem:s25], [sflag:$0x2], $0x2800, $0x38;
	[tilespmem:$0x1F600] =	vst v63  }
0xbb: {  	_ =	swait.ge [sflag:s26], $0x2800  }
0xbc: {  	[sflag:s26] =	ssyncset.done $0x0  }
0xbd: {  	[sflag:s26] =	ssyncadd.s32 $0xFFFFD800  }
0xbe: {  	[tilespmem:s25], [sflag:$0x2] =	stream.linear.gather [spmem:s16], $0x2800, $0x38;
	[tilespmem:$0x1F600] =	vst v63  }
0xbf: {  	_ =	swait.ge [sflag:s26], $0x2800  }
0xc0: {  	[sflag:s26] =	ssyncset.done $0x0  }
0xc1: {  	[sflag:s26] =	ssyncadd.s32 $0xFFFFD800  }
0xc2: {  	[hbm4b:s24+s4] =	stream.linear.scatter [tilespmem:s25], [sflag:$0x2], $0x2800, $0x38;
	[tilespmem:$0x1F600] =	vst v63  }
0xc3: {  	_ =	swait.ge [sflag:s26], $0x2800  }
0xc4: {  	s28 =	sadd.s32 $0x1, s28;
	s9 =	rddreg [dreg:$0x7]  }
0xc5: {  	p0 =	sne.s32 s28, s9  }
.Ltmp1:
0xc6: {  	_ = 	snop;
	(pc) =	sbr.rel @p0 .LBB2_1-.Ltmp1, $3  }
0xc7: {  	_ =	sdelay $0x1  }
0xc8: {  	[sflag:s26] =	ssyncset.done $0x0  }
0xc9: {  	[sflag:s26] =	ssyncadd.s32 $0xFFFFD800  }
0xca: {  	_ =	sfence.sel $0x180000  }
0xcb: {  	[bflag:$0x0] =	sbarrier.arrive $0xFFFF  }
0xcc: {  	_ =	strace $0x90000050  }
0xcd: {  	s0 =	stileid.u32;
	[bflag:$0x2] =	sbarrier.arrive $0xFFFF  }
0xce: {  	p0 =	sne.s32 s0, $0x0;
	s0 =	rddreg [dreg:$0x3]  }
0xcf: {  	s0 =	sadd.s32 @!p0 $0x100000, s0  }
0xd0: {  	[sflag:s0] =	ssyncadd.tile.s32 @!p0 $0x1;
	_ =	shalt  }
.Lfunc_end2:
_tile_overlayer_lowered:
.L_overlay_start_2:
0xd1: {  	(tag) =	ssettag $0x2  }
0xd2: {  	s0 =	rddreg [dreg:$0x0];
	s2 =	stileid.u32  }
0xd3: {  	s1 =	rddreg [dreg:$0x1];
	p0 =	sne.s32 s2, $0x0  }
0xd4: {  	s3 =	rddreg [dreg:$0x2];
	[bflag:$0x3] =	sbarrier.arrive $0xFFFF;
	s2 =	simm.s32 @!p0 $0x1C02  }
0xd5: {  	[timem:s3], [sflag:s2] =	dma.local @!p0 [hbm:s0], s1  }
0xd6: {  	s0 =	simm.s32 @!p0 $0x2  }
0xd7: {  	_ =	swait.ge @!p0 [sflag:s0], s1  }
0xd8: {  	s1 =	ssub.s32 @!p0 $0x0, s1;
	[sflag:s0] =	ssyncset.done @!p0 $0x0  }
0xd9: {  	[sflag:s0] =	ssyncadd.s32 @!p0 s1  }
0xda: {  	[bflag:$0x3] =	sbarrier.arrive $0xFFFF  }
0xdb: {  	_ =	shalt  }

// kernel: kernel.31.cloned.1.call-start
scs
__scs_entry_jumppad:
0x0: {  	(pc) =	sbr.rel $0x88, $3  }
0x1: {  	(tag) =	ssettag $0x0;
	lr =	simm.s32 $0x1  }
0x2: {  	[smem:$0x3F89] =	sst lr;
	_ =	strace $0xD0000000  }
0x3: {  	_ = 	snop  }
0x4: {  	_ = 	snop  }
0x5: {  	_ = 	snop  }
0x6: {  	_ = 	snop  }
0x7: {  	_ = 	snop  }
__scs_overlays_trampoline_lowered:
0x8: {  	[smem:$0x3F98] =	sst s0  }
0x9: {  	[smem:$0x3F99] =	sst s1  }
0xa: {  	[smem:$0x3F9A] =	sst s2  }
0xb: {  	[smem:$0x3F9B] =	sst s3  }
0xc: {  	[smem:$0x3F9C] =	sst s4  }
0xd: {  	[smem:$0x3F9D] =	sst s5  }
0xe: {  	[smem:$0x3F9E] =	sst s6  }
0xf: {  	[smem:$0x3F9F] =	sst s7  }
0x10: {  	[smem:$0x3FA0] =	sst s8  }
0x11: {  	[smem:$0x3FA1] =	sst s9;
	s0 =	simm.s32 @!p0 $0x0  }
0x12: {  	s1 =	sld [smem:$0x3F87];
	s0 =	simm.s32 @p0 $0x1  }
0x13: {  	[smem:$0x3FA2] =	sst s0;
	s0 =	simm.s32 @!p1 $0x0  }
0x14: {  	s2 =	sld [smem:$0x3F86];
	s0 =	simm.s32 @p1 $0x1  }
0x15: {  	[smem:$0x3FA3] =	sst s0;
	s0 =	simm.s32 @!p2 $0x0  }
0x16: {  	s3 =	sld [smem:$0x3FDB];
	s0 =	simm.s32 @p2 $0x1  }
0x17: {  	s4 =	simm.s32 $0x1BF5;
	[smem:$0x3FA5] =	sst s0  }
0x18: {  	s0 =	sld [smem:$0x3F88];
	_ =	swait.ge [sflag:s4], $0x0  }
0x19: {  	s7 =	sld [smem:$0x3F89]  }
0x1a: {  	s8 =	sadd.s32 $0xFFFFE003, lr  }
0x1b: {  	s9 =	sadd.s32 $0xFFFFFEF7, lr;
	s5 =	simm.s32 $0xFFFFFFFF;
	p2 =	slt.u32 s8, $0xFFFFF086  }
0x1c: {  	p1 =	slt.u32 s9, $0xF7A;
	s5 =	simm.s32 @!p2 $0x0  }
0x1d: {  	s5 =	simm.s32 @p1 $0x1;
	p0 =	seq.s32 s7, s2  }
0x1e: {  	s7 =	smul.u32 @!p0 $0xF7A, s2;
	p2 =	seq.s32 @!p0 s5, $0x0  }
0x1f: {  	s9 =	smul.u32 $0xF7A, s1;
	s8 =	simm.s32 @!p0 $0x1BF5;
	p2 =	por !p2, p0  }
0x20: {  	[sflag:s8] =	ssyncset.s32 @!p0 $0xFFFFF086;
	s6 =	sadd.s32 @!p0 s3, s7;
	s7 =	simm.s32 @!p0 $0x108  }
0x21: {  	s3 =	sadd.s32 s3, s9;
	s6 =	sadd.s32 @!p0 $0x88, s6;
	s7 =	simm.s32 @p2 $0x1082  }
0x22: {  	[simem:s7], [sflag:s8] =	dma.local @!p0 [hbm:s6], $0xF7A  }
0x23: {  	s9 =	sor.u32 $0xD0000000, s2;
	s6 =	simm.s32 $0x108;
	_ =	swait.ge @!p0 [sflag:s8], $0x0  }
0x24: {  	s3 =	sadd.s32 $0x88, s3;
	s6 =	simm.s32 @!p1 $0x1082;
	[sflag:s4] =	ssyncset.s32 $0xFFFFF086  }
0x25: {  	[simem:s6], [sflag:s4] =	dma.local [hbm:s3], $0xF7A  }
0x26: {  	[smem:$0x3F89] =	sst s1;
	(tag) =	ssettag s2;
	_ =	strace s9  }
0x27: {  	s1 =	sld [smem:$0x3F99]  }
0x28: {  	s2 =	sld [smem:$0x3F9A]  }
0x29: {  	s4 =	sld [smem:$0x3F9C]  }
0x2a: {  	p0 =	seq.s32 s5, $0x0;
	s5 =	sld [smem:$0x3F9D]  }
0x2b: {  	s6 =	sld [smem:$0x3F9E]  }
0x2c: {  	s7 =	sld [smem:$0x3F9F]  }
0x2d: {  	s3 =	simm.s32 $0x108;
	s8 =	sld [smem:$0x3FA0]  }
0x2e: {  	s3 =	simm.s32 @!p0 $0x1082;
	s9 =	sld [smem:$0x3FA1]  }
0x2f: {  	lr =	sadd.s32 s0, s3;
	s0 =	sld [smem:$0x3F98]  }
0x30: {  	s3 =	sld [smem:$0x3F9B]  }
0x31: {  	[smem:$0x3FA4] =	sst s10  }
0x32: {  	s10 =	sld [smem:$0x3FA2];
	_ =	sdelay $0x3  }
0x33: {  	p0 =	seq.s32 s10, $0x1;
	s10 =	sld [smem:$0x3FA4];
	_ =	sdelay $0x3  }
0x34: {  	[smem:$0x3FA4] =	sst s10  }
0x35: {  	s10 =	sld [smem:$0x3FA3];
	_ =	sdelay $0x3  }
0x36: {  	p1 =	seq.s32 s10, $0x1;
	s10 =	sld [smem:$0x3FA4];
	_ =	sdelay $0x3  }
0x37: {  	[smem:$0x3FA4] =	sst s10  }
0x38: {  	s10 =	sld [smem:$0x3FA5]  }
0x39: {  	_ = 	snop;
	(pc) =	sbr.ind lr, $3  }
0x3a: {  	_ = 	snop  }
0x3b: {  	_ = 	snop  }
0x3c: {  	p2 =	seq.s32 s10, $0x1;
	s10 =	sld [smem:$0x3FA4]  }
0x3d: {  	_ =	shalt  }
0x3e: {  	_ =	shalt  }
0x3f: {  	_ =	shalt  }
0x40: {  	_ =	shalt  }
0x41: {  	_ =	shalt  }
0x42: {  	_ =	shalt  }
0x43: {  	_ =	shalt  }
0x44: {  	_ =	shalt  }
0x45: {  	_ =	shalt  }
0x46: {  	_ =	shalt  }
0x47: {  	_ =	shalt  }
0x48: {  	_ =	shalt  }
0x49: {  	_ =	shalt  }
0x4a: {  	_ =	shalt  }
0x4b: {  	_ =	shalt  }
0x4c: {  	_ =	shalt  }
0x4d: {  	_ =	shalt  }
0x4e: {  	_ =	shalt  }
0x4f: {  	_ =	shalt  }
0x50: {  	_ =	shalt  }
0x51: {  	_ =	shalt  }
0x52: {  	_ =	shalt  }
0x53: {  	_ =	shalt  }
0x54: {  	_ =	shalt  }
0x55: {  	_ =	shalt  }
0x56: {  	_ =	shalt  }
0x57: {  	_ =	shalt  }
0x58: {  	_ =	shalt  }
0x59: {  	_ =	shalt  }
0x5a: {  	_ =	shalt  }
0x5b: {  	_ =	shalt  }
0x5c: {  	_ =	shalt  }
0x5d: {  	_ =	shalt  }
0x5e: {  	_ =	shalt  }
0x5f: {  	_ =	shalt  }
0x60: {  	_ =	shalt  }
0x61: {  	_ =	shalt  }
0x62: {  	_ =	shalt  }
0x63: {  	_ =	shalt  }
0x64: {  	_ =	shalt  }
0x65: {  	_ =	shalt  }
0x66: {  	_ =	shalt  }
0x67: {  	_ =	shalt  }
0x68: {  	_ =	shalt  }
0x69: {  	_ =	shalt  }
0x6a: {  	_ =	shalt  }
0x6b: {  	_ =	shalt  }
0x6c: {  	_ =	shalt  }
0x6d: {  	_ =	shalt  }
0x6e: {  	_ =	shalt  }
0x6f: {  	_ =	shalt  }
0x70: {  	_ =	shalt  }
0x71: {  	_ =	shalt  }
0x72: {  	_ =	shalt  }
0x73: {  	_ =	shalt  }
0x74: {  	_ =	shalt  }
0x75: {  	_ =	shalt  }
0x76: {  	_ =	shalt  }
0x77: {  	_ =	shalt  }
0x78: {  	_ =	shalt  }
0x79: {  	_ =	shalt  }
0x7a: {  	_ =	shalt  }
0x7b: {  	_ =	shalt  }
0x7c: {  	_ =	shalt  }
0x7d: {  	_ =	shalt  }
0x7e: {  	_ =	shalt  }
0x7f: {  	_ =	shalt  }
0x80: {  	_ =	shalt  }
0x81: {  	_ =	shalt  }
0x82: {  	_ =	shalt  }
0x83: {  	_ =	shalt  }
0x84: {  	_ =	shalt  }
0x85: {  	_ =	shalt  }
0x86: {  	_ =	shalt  }
0x87: {  	_ =	shalt  }
.Lfunc_end0:
.L_simem_size_0:
called_computation.5_lowered:
.L_overlay_start_0:
0x88: {  	s2 =	sld [smem:$0x3FD9]  }
0x89: {  	s3 =	sld [smem:$0x3FFE];
	_ =	sdelay $0x1  }
0x8a: {  	s1 =	srdreg.scid  }
0x8b: {  	s0 =	sand.u32 $0x1, s1  }
0x8c: {  	s14 =	sshll.u32 s0, $0xA;
	s2 =	sadd.s32 s3, s2  }
0x8d: {  	s2 =	sadd.s32 s2, s14  }
0x8e: {  	[smem:$0x3FB0] =	sst s2  }
0x8f: {  	_ = 	snop  }
0x90: {  	s2 =	sld [smem:$0x3FD0];
	_ =	sdelay $0x2  }
0x91: {  	s15 =	simm.s32 $0xC;
	s4 =	simm.s32 $0x10  }
0x92: {  	[smem:s4], [sflag:s15] =	dma.local [hbm:s2], $0x1  }
0x93: {  	_ =	swait.eq [sflag:s15], $0x1  }
0x94: {  	[sflag:s15] =	ssyncset.done $0x0  }
0x95: {  	s16 =	sld [smem:$0x10];
	[sflag:s15] =	ssyncadd.s32 $0xFFFFFFFF  }
0x96: {  	s17 =	sld [smem:$0x13];
	(tm) =	ssettm $0x1  }
0x97: {  	s18 =	sld [smem:$0x3FFB];
	_ =	sdelay $0x3  }
0x98: {  	_ =	strace s18  }
0x99: {  	s4 =	sld [smem:$0x3FFC];
	_ =	sdelay $0x3  }
0x9a: {  	_ =	strace s4  }
0x9b: {  	s4 =	sld [smem:$0x3FFD];
	_ =	sdelay $0x3  }
0x9c: {  	_ =	strace s4  }
0x9d: {  	_ =	strace $0x8FFFFFFF  }
0x9e: {  	s19 =	sld [smem:$0x3FDB];
	_ =	sdelay $0x1  }
0x9f: {  	s5 =	simm.s32 $_scs_section_size  }
0xa0: {  	s6 =	simm.s32 $_size__tile_overlayer_lowered;
	s7 =	simm.s32 $_tile_overlayer_lowered  }
0xa1: {  	s22 =	simm.s32 $0x1BFF;
	s21 =	sshll.u32 s7, $0x1;
	s4 =	sadd.s32 s5, s19  }
0xa2: {  	s8 =	simm.s32 $0x0;
	s20 =	sshll.u32 s6, $0x1;
	s6 =	sadd.s32 s21, s4  }
0xa3: {  	[timem:s8], [sflag:s22] =	dma.local [hbm:s6], s20  }
0xa4: {  	_ =	swait.ge [sflag:s22], s20  }
0xa5: {  	s5 =	ssub.s32 $0x0, s20;
	[sflag:s22] =	ssyncset.done $0x0  }
0xa6: {  	[sflag:s22] =	ssyncadd.s32 s5;
	_ =	sdelay $0x1  }
0xa7: {  	s23 =	simm.s32 $0x1B8B  }
0xa8: {  	_ =	swait.ge [sflag:s23], $0x1  }
0xa9: {  	[sflag:s23] =	ssyncset.done $0x0  }
0xaa: {  	s25 =	simm.s32 $0x1B8E;
	s24 =	sld [smem:$0x3FFE];
	[sflag:s23] =	ssyncadd.s32 $0xFFFFFFFF  }
0xab: {  	s26 =	simm.s32 $execute0_lowered;
	[smem:$0x3FD2] =	sst s25  }
0xac: {  	s6 =	sshll.u32 s26, $0x1;
	_ =	strace $0x80000055;
	[dreg:$0x1] =	wrdreg $0xFFFFFFFF  }
0xad: {  	s28 =	simm.s32 $_size_execute0_lowered;
	s4 =	sadd.s32 s4, s6;
	[dreg:$0x0] =	wrdreg $0x0  }
0xae: {  	s6 =	sshll.u32 s28, $0x1;
	[dreg:$0x2] =	wrdreg s4  }
0xaf: {  	[dreg:$0x3] =	wrdreg s6  }
0xb0: {  	[dreg:$0x4] =	wrdreg $0xC0  }
0xb1: {  	_ =	task [dreg:s8], $0x5FFFF  }
0xb2: {  	[dreg:$0x1] =	wrdreg $0xFFFFFFFF  }
0xb3: {  	[dreg:$0x0] =	wrdreg $0x60  }
0xb4: {  	[dreg:$0x2] =	wrdreg s17  }
0xb5: {  	[dreg:$0x3] =	wrdreg s16  }
0xb6: {  	[dreg:$0x4] =	wrdreg s24  }
0xb7: {  	[dreg:$0x5] =	wrdreg $0x0  }
0xb8: {  	[dreg:$0x6] =	wrdreg $0x9  }
0xb9: {  	_ =	task.clear_ibuf [dreg:s8], $0x7FFFF;
	_ =	strace $0x90000055  }
0xba: {  	s29 =	simm.s32 $0x9;
	_ =	strace $0x80000057  }
0xbb: {  	_ =	swait.ge [sflag:s29], $0x1  }
0xbc: {  	[sflag:s29] =	ssyncadd.s32 $0xFFFFFFFF  }
0xbd: {  	_ =	strace $0x90000057  }
0xbe: {  	_ =	sfence  }
0xbf: {  	s30 =	sld [smem:$0x0];
	_ =	sdelay $0x2  }
0xc0: {  	s31 =	sshll.u32 s1, $0xD;
	s1 =	sshrl.u32 s1, $0x2  }
0xc1: {  	s3 =	sand.u32 $0x4000, s31;
	s1 =	sadd.s32 s1, s30  }
0xc2: {  	s0 =	sor.u32 s3, s0;
	s1 =	sshll.u32 s1, $0x11  }
0xc3: {  	s0 =	sor.u32 s1, s0  }
0xc4: {  	s0 =	sadd.s32 $0x8F2B, s0  }
0xc5: {  	[sflag:s0] =	ssyncadd.remote.s32 $0x1  }
0xc6: {  	_ =	sfence.sel $0xFFFF  }
0xc7: {  	[dreg:$0x0] =	wrdreg $0xFFFFFFFF;
	(pc) =	sbr.abs _section_cstart, $3  }
0xc8: {  	[dreg:$0x1] =	wrdreg $0xFFFFFFFF  }
0xc9: {  	_ =	task.clear_ibuf [dreg:s8], $0x2FFFF;
	_ =	strace $0x9FFFFFFF  }
0xca: {  	(tm) =	ssettm $0x7FFFFFFF  }
0xcb: {  	_ =	shalt  }
tec
execute0_lowered:
.L_overlay_start_1:
0x0: {  	(tag) =	ssettag $0x1  }
0x1: {  	s1 =	rddreg [dreg:$0x0]  }
0x2: {  	s2 =	rddreg [dreg:$0x1]  }
0x3: {  	s0 =	rddreg [dreg:$0x2]  }
0x4: {  	s3 =	rddreg [dreg:$0x3];
	s4 =	simm.s32 $0x0  }
0x5: {  	s5 =	srdreg.scid;
	s18 =	stileid.u32;
	s29 =	simm.s32 $0x14100  }
0x6: {  	s30 =	simm.s32 $0x2;
	s31 =	simm.s32 $0x1B900;
	[smem:$0x7FF] =	sst s4  }
0x7: {  	s5 =	sand.u32 $0x1, s5;
	s8 =	sadd.s32 $0x71200, s0;
	s10 =	smul.u32 $0x14000, s18  }
0x8: {  	_ =	strace $0x80000056;
	s6 =	ssub.s32 $0x2, s5;
	s7 =	smul.u32 $0x140000, s5  }
0x9: {  	s5 =	sshll.u32 s5, $0x4;
	s9 =	sshrl.u32 s6, $0x1;
	s11 =	sor.u32 $0x2800, s10  }
0xa: {  	s12 =	sadd.s32 $0x5000, s10;
	s13 =	sadd.s32 $0x7800, s10;
	s16 =	sadd.s32 $0xA000, s10  }
0xb: {  	s19 =	sadd.s32 $0xC800, s10;
	s20 =	sadd.s32 $0xF000, s10;
	s5 =	sor.u32 s18, s5  }
0xc: {  	s6 =	ssub.s32 s6, s9;
	s9 =	smul.u32 $0x50000, s18;
	s14 =	sadd.s32 s7, s10  }
0xd: {  	s15 =	sadd.s32 s7, s11;
	s10 =	sadd.s32 $0x11800, s10;
	s21 =	sadd.s32 s7, s12  }
0xe: {  	s22 =	sadd.s32 s7, s13;
	s25 =	sadd.s32 s7, s19;
	s26 =	sadd.s32 s7, s20  }
0xf: {  	s18 =	smul.u32 $0x7D, s5;
	s5 =	simm.s32 $0x50;
	s14 =	sshrl.u32 s14, $0x3  }
0x10: {  	s17 =	sshrl.u32 s15, $0x3;
	s15 =	sshrl.u32 s22, $0x3;
	s22 =	smax.u32 s6, $0x1  }
0x11: {  	s6 =	simm.s32 $0x14080;
	s14 =	sadd.s32 s8, s14;
	s23 =	sadd.s32 s8, s15  }
0x12: {  	s15 =	sshrl.u32 s26, $0x3;
	s9 =	sshrl.u32 s9, $0x2;
	[dreg:$0xe] =	wrdreg s22  }
0x13: {  	s26 =	sadd.s32 s16, s3;
	s22 =	sadd.s32 s20, s3;
	[dreg:$0x5] =	wrdreg s14  }
0x14: {  	s14 =	sadd.s32 s8, s17;
	s17 =	sadd.s32 s7, s16;
	[dreg:$0x8] =	wrdreg s23  }
0x15: {  	s7 =	sadd.s32 s7, s10;
	s28 =	sadd.s32 s8, s15;
	[dreg:$0xf] =	wrdreg s22  }
0x16: {  	s15 =	sadd.s32 $0x111200, s0;
	s23 =	sadd.s32 s11, s3;
	[dreg:$0x6] =	wrdreg s14  }
0x17: {  	v0 =	vimm.s32 $0xFEDCBA98;
	v1 =	vimm.s32 $0x76543210;
	v2 =	vimm.s32 $0xBA98FEDC;
	s14 =	sshrl.u32 s21, $0x3;
	s24 =	sshrl.u32 s17, $0x3;
	[dreg:$0xb] =	wrdreg s28  }
0x18: {  	v3 =	vimm.s32 $0x32107654;
	s7 =	sshrl.u32 s7, $0x3;
	s21 =	sadd.s32 $0x20600, s0;
	s17 =	sadd.s32 $0x130600, s0  }
0x19: {  	v4 =	vimm.s32 $0xDCFE98BA;
	v5 =	vimm.s32 $0x54761032;
	v6 =	vimm.s32 $0xEFCDAB89;
	s28 =	sadd.s32 s19, s3;
	s19 =	smov.u32 s26;
	s14 =	sadd.s32 s8, s14  }
0x1a: {  	v7 =	vimm.s32 $0x67452301;
	v0 =	vunpack.c.l.s4.s8 v0;
	v1 =	vunpack.c.l.s4.s8 v1;
	s7 =	sadd.s32 s8, s7;
	[dreg:$0xd] =	wrdreg s21;
	s21 =	sadd.s32 s9, s3  }
0x1b: {  	v2 =	vunpack.c.l.s4.s8 v2;
	v3 =	vunpack.c.l.s4.s8 v3;
	v4 =	vunpack.c.l.s4.s8 v4;
	s20 =	smov.u32 s28;
	s9 =	simm.s32 $0x1;
	[dreg:$0x7] =	wrdreg s14  }
0x1c: {  	v5 =	vunpack.c.l.s4.s8 v5;
	v6 =	vunpack.c.l.s4.s8 v6;
	v7 =	vunpack.c.l.s4.s8 v7;
	s14 =	sadd.s32 s8, s24;
	[dreg:$0xc] =	wrdreg s7;
	s24 =	sadd.s32 s12, s3  }
0x1d: {  	v0 =	vunpack.c.0.s8.s32 v0;
	v1 =	vunpack.c.0.s8.s32 v1;
	v2 =	vunpack.c.0.s8.s32 v2;
	s12 =	smov.u32 s23;
	s23 =	sadd.s32 s10, s3;
	s7 =	simm.s32 $0x16900  }
0x1e: {  	v3 =	vunpack.c.0.s8.s32 v3;
	v4 =	vunpack.c.0.s8.s32 v4;
	v5 =	vunpack.c.0.s8.s32 v5;
	s10 =	simm.s32 $0x0;
	[dreg:$0x9] =	wrdreg s14;
	s14 =	sshrl.u32 s25, $0x3  }
0x1f: {  	v6 =	vunpack.c.0.s8.s32 v6;
	v7 =	vunpack.c.0.s8.s32 v7;
	v0 =	vand.u32 $0xF, v0;
	s25 =	sadd.s32 s13, s3;
	s13 =	smov.u32 s24;
	[dreg:$0x10] =	wrdreg s23  }
0x20: {  	v0 =	vcombine.low v0, v1;
	v1 =	vcombine.low v3, v2;
	s14 =	sadd.s32 s8, s14;
	s16 =	smov.u32 s25;
	s8 =	simm.s32 $0x19100  }
0x21: {  	v2 =	vcombine.low v5, v4;
	v3 =	vcombine.low v7, v6;
	[dreg:$0xa] =	wrdreg s14;
	s14 =	sadd.s32 $0x4A000, s0;
	s0 =	simm.s32 $0x14000  }
.LBB2_1:
0x22: {  	s11 =	rddreg [dreg:$0xd]  }
0x23: {  	[tilespmem:s29], [sflag:$0x2] =	stream.linear.gather [hbm4b:s11+s4], $0x2800, $0x38;
	[tilespmem:$0x1E100] =	vst v63  }
0x24: {  	_ =	swait.ge [sflag:s30], $0x2800  }
0x25: {  	[sflag:s30] =	ssyncset.done $0x0  }
0x26: {  	[sflag:s30] =	ssyncadd.s32 $0xFFFFD800  }
0x27: {  	[tilespmem:s31], [sflag:$0x2] =	stream.linear.gather [hbm4b:s11+s4], $0x2800, $0x38;
	[tilespmem:$0x1E100] =	vst v63  }
0x28: {  	_ =	swait.ge [sflag:s30], $0x2800  }
0x29: {  	[sflag:s30] =	ssyncset.done $0x0  }
0x2a: {  	[sflag:s30] =	ssyncadd.s32 $0xFFFFD800  }
0x2b: {  	[spmem:s21] =	stream.linear.scatter [tilespmem:s29], [sflag:$0x2], $0x2800, $0x38;
	[tilespmem:$0x1E100] =	vst v63  }
0x2c: {  	_ =	swait.ge [sflag:s30], $0x2800  }
0x2d: {  	[sflag:s30] =	ssyncset.done $0x0  }
0x2e: {  	[sflag:s30] =	ssyncadd.s32 $0xFFFFD800  }
0x2f: {  	[spmem:s12] =	stream.linear.scatter [tilespmem:s29], [sflag:$0x2], $0x2800, $0x38;
	[tilespmem:$0x1E100] =	vst v63  }
0x30: {  	_ =	swait.ge [sflag:s30], $0x2800  }
0x31: {  	[sflag:s30] =	ssyncset.done $0x0  }
0x32: {  	[sflag:s30] =	ssyncadd.s32 $0xFFFFD800  }
0x33: {  	[spmem:s13] =	stream.linear.scatter [tilespmem:s29], [sflag:$0x2], $0x2800, $0x38;
	[tilespmem:$0x1E100] =	vst v63  }
0x34: {  	_ =	swait.ge [sflag:s30], $0x2800  }
0x35: {  	[sflag:s30] =	ssyncset.done $0x0  }
0x36: {  	[sflag:s30] =	ssyncadd.s32 $0xFFFFD800  }
0x37: {  	[spmem:s16] =	stream.linear.scatter [tilespmem:s29], [sflag:$0x2], $0x2800, $0x38;
	[tilespmem:$0x1E100] =	vst v63  }
0x38: {  	_ =	swait.ge [sflag:s30], $0x2800  }
0x39: {  	[sflag:s30] =	ssyncset.done $0x0  }
0x3a: {  	[sflag:s30] =	ssyncadd.s32 $0xFFFFD800  }
0x3b: {  	[spmem:s19] =	stream.linear.scatter [tilespmem:s29], [sflag:$0x2], $0x2800, $0x38;
	[tilespmem:$0x1E100] =	vst v63  }
0x3c: {  	_ =	swait.ge [sflag:s30], $0x2800  }
0x3d: {  	[sflag:s30] =	ssyncset.done $0x0  }
0x3e: {  	[sflag:s30] =	ssyncadd.s32 $0xFFFFD800  }
0x3f: {  	[spmem:s20] =	stream.linear.scatter [tilespmem:s29], [sflag:$0x2], $0x2800, $0x38;
	[tilespmem:$0x1E100] =	vst v63  }
0x40: {  	_ =	swait.ge [sflag:s30], $0x2800  }
0x41: {  	[sflag:s30] =	ssyncset.done $0x0  }
0x42: {  	s11 =	smov.u32 s22;
	[sflag:s30] =	ssyncadd.s32 $0xFFFFD800  }
0x43: {  	[spmem:s11] =	stream.linear.scatter [tilespmem:s29], [sflag:$0x2], $0x2800, $0x38;
	[tilespmem:$0x1E100] =	vst v63  }
0x44: {  	_ =	swait.ge [sflag:s30], $0x2800  }
0x45: {  	[sflag:s30] =	ssyncset.done $0x0  }
0x46: {  	s22 =	smov.u32 s21;
	s21 =	smov.u32 s23;
	[sflag:s30] =	ssyncadd.s32 $0xFFFFD800  }
0x47: {  	[spmem:s21] =	stream.linear.scatter [tilespmem:s29], [sflag:$0x2], $0x2800, $0x38;
	[tilespmem:$0x1E100] =	vst v63  }
0x48: {  	_ =	swait.ge [sflag:s30], $0x2800  }
0x49: {  	s24 =	smov.u32 s13;
	s25 =	smov.u32 s16;
	[sflag:s30] =	ssyncset.done $0x0  }
0x4a: {  	s26 =	smov.u32 s19;
	s28 =	smov.u32 s20;
	[sflag:s30] =	ssyncadd.s32 $0xFFFFD800  }
0x4b: {  	s23 =	smov.u32 s12;
	s11 =	simm.s32 $0x0;
	[bflag:$0x0] =	sbarrier.arrive $0xFFFF  }
.LBB2_2:
0x4c: {  	s12 =	sadd.s32 s18, s11  }
0x4d: {  	s13 =	sshll.u32 s12, $0x5  }
0x4e: {  	s16 =	simm.s32 $0x0;
	s13 =	sadd.s32 s15, s13  }
0x4f: {  	[tilespmem:s0], [sflag:$0x2] =	stream.linear.gather [hbm4b:s13+s16], $0x100, $0x38;
	[tilespmem:$0x1E100] =	vst v63  }
0x50: {  	_ =	swait.ge [sflag:s30], $0x100  }
0x51: {  	[sflag:s30] =	ssyncset.done $0x0  }
0x52: {  	[sflag:s30] =	ssyncadd.s32 $0xFFFFFF00  }
0x53: {  	[tilespmem:s29], [sflag:$0x1] =	stream.indirect.gather [hbm4b:s1+s5], $0x80, s0, s5, $0xb8;
	[tilespmem:$0x1E100] =	vst v63  }
0x54: {  	_ = 	snop  }
0x55: {  	[tilespmem:s7], [sflag:$0x1] =	stream.indirect.gather [hbm4b:s2+s5], $0x80, s6, s5, $0xb8;
	[tilespmem:$0x1E100] =	vst v63  }
0x56: {  	_ = 	snop  }
0x57: {  	[tilespmem:s8], [sflag:$0x1] =	stream.indirect.gather [hbm4b:s14+s5], $0x80, s6, s5, $0xb8;
	[tilespmem:$0x1E100] =	vst v63  }
0x58: {  	_ =	swait.ge [sflag:s9], $0x2800  }
0x59: {  	[sflag:s9] =	ssyncset.done $0x0  }
0x5a: {  	[sflag:s9] =	ssyncadd.s32 $0xFFFFD800  }
0x5b: {  	_ =	swait.ge [sflag:s9], $0x2800  }
0x5c: {  	[sflag:s9] =	ssyncset.done $0x0  }
0x5d: {  	[sflag:s9] =	ssyncadd.s32 $0xFFFFD800  }
0x5e: {  	_ =	swait.ge [sflag:s9], $0x2800  }
0x5f: {  	[sflag:s9] =	ssyncset.done $0x0  }
0x60: {  	s20 =	simm.s32 $0x0;
	[sflag:s9] =	ssyncadd.s32 $0xFFFFD800  }
0x61: {  	v4 =	vld [tilespmem:s20+$0x14100]  }
0x62: {  	v5 =	vld [tilespmem:s20+$0x16900]  }
0x63: {  	v6 =	vld [tilespmem:s20+$0x14110]  }
0x64: {  	v7 =	vld [tilespmem:s20+$0x16910]  }
0x65: {  	v8 =	vld [tilespmem:s20+$0x14120]  }
0x66: {  	v9 =	vld [tilespmem:s20+$0x16920]  }
0x67: {  	v10 =	vld [tilespmem:s20+$0x14130]  }
0x68: {  	v11 =	vld [tilespmem:s20+$0x16930]  }
0x69: {  	v12 =	vld [tilespmem:s20+$0x14140];
	v4 =	vmul.f32 v5, v4;
	v5 =	vmul.f32 v7, v6  }
0x6a: {  	v6 =	vld [tilespmem:s20+$0x16940]  }
0x6b: {  	v7 =	vld [tilespmem:s20+$0x14150];
	v8 =	vmul.f32 v9, v8;
	v4 =	vadd.f32 v5, v4  }
0x6c: {  	v5 =	vld [tilespmem:s20+$0x16950]  }
0x6d: {  	v9 =	vmul.f32 v11, v10;
	v10 =	vld [tilespmem:s20+$0x16960];
	v4 =	vadd.f32 v8, v4  }
0x6e: {  	v8 =	vld [tilespmem:s20+$0x14160]  }
0x6f: {  	v11 =	vld [tilespmem:s20+$0x16970];
	v6 =	vmul.f32 v6, v12;
	v4 =	vadd.f32 v9, v4  }
0x70: {  	v9 =	vld [tilespmem:s20+$0x14170]  }
0x71: {  	v5 =	vmul.f32 v5, v7;
	v4 =	vadd.f32 v6, v4;
	_ =	sdelay $0x1  }
0x72: {  	v4 =	vadd.f32 v5, v4;
	v5 =	vmul.f32 v10, v8;
	_ =	sdelay $0x1  }
0x73: {  	v4 =	vadd.f32 v5, v4;
	v5 =	vmul.f32 v11, v9;
	_ =	sdelay $0x1  }
0x74: {  	v4 =	vadd.f32 v5, v4  }
0x75: {  	s13 =	simm.s32 $0x80  }
0x76: {  	v8 =	vld [tilespmem:s13+$0x14100];
	v5 =	vperm.xlane v4, v0  }
0x77: {  	v10 =	vld [tilespmem:s13+$0x16910]  }
0x78: {  	v9 =	vld [tilespmem:s13+$0x16900];
	v4 =	vadd.f32 v4, v5  }
0x79: {  	v5 =	vld [tilespmem:s13+$0x14110]  }
0x7a: {  	v13 =	vld [tilespmem:s13+$0x16920];
	v11 =	vperm.xlane v4, v1  }
0x7b: {  	v12 =	vld [tilespmem:s13+$0x14120]  }
0x7c: {  	v14 =	vld [tilespmem:s13+$0x16930];
	v4 =	vadd.f32 v4, v11  }
0x7d: {  	v8 =	vmul.f32 v9, v8;
	v11 =	vld [tilespmem:s13+$0x14130]  }
0x7e: {  	v16 =	vld [tilespmem:s13+$0x14140];
	v5 =	vmul.f32 v10, v5;
	v15 =	vperm.xlane v4, v2  }
0x7f: {  	v9 =	vld [tilespmem:s13+$0x16940]  }
0x80: {  	v7 =	vld [tilespmem:s13+$0x16950];
	v10 =	vmul.f32 v13, v12;
	v5 =	vadd.f32 v5, v8;
	v4 =	vadd.f32 v4, v15  }
0x81: {  	v6 =	vld [tilespmem:s13+$0x14150]  }
0x82: {  	v13 =	vld [tilespmem:s13+$0x16960];
	v11 =	vmul.f32 v14, v11;
	v5 =	vadd.f32 v10, v5;
	v12 =	vperm.xlane v4, v3  }
0x83: {  	v8 =	vld [tilespmem:s13+$0x14160]  }
0x84: {  	v9 =	vmul.f32 v9, v16;
	v14 =	vld [tilespmem:s13+$0x14170];
	v11 =	vadd.f32 v11, v5;
	v10 =	vadd.f32 v4, v12  }
0x85: {  	s16 =	simm.s32 $0x100;
	v12 =	vld [tilespmem:s13+$0x16970]  }
0x86: {  	v17 =	vld [tilespmem:s16+$0x14120];
	v15 =	vmul.f32 v7, v6;
	v9 =	vadd.f32 v9, v11;
	v10 =	vmul.f32 $8.838834610e-02, v10  }
0x87: {  	v18 =	vld [tilespmem:s16+$0x16920]  }
0x88: {  	v20 =	vld [tilespmem:s16+$0x14110];
	v8 =	vmul.f32 v13, v8;
	v15 =	vadd.f32 v15, v9;
	v11 =	vmul.f32 $2.000000030e-01, v10  }
0x89: {  	v21 =	vld [tilespmem:s16+$0x16910];
	vm0 =	vgt.f32 v10, $0.0e+00  }
0x8a: {  	v22 =	vld [tilespmem:s20+$0x19100];
	v8 =	vadd.f32 v8, v15;
	v12 =	vmul.f32 v12, v14;
	v11 =	vsel vm0, v10, v11  }
0x8b: {  	v16 =	vld [tilespmem:s20+$0x19110];
	v11 =	vmul.f32 $1.442695020e+00, v11  }
0x8c: {  	v6 =	vld [tilespmem:s16+$0x14140];
	v8 =	vadd.f32 v12, v8  }
0x8d: {  	v7 =	vld [tilespmem:s16+$0x16940];
	(erf) = vpow2.f32 v11  }
0x8e: {  	v5 =	vld [tilespmem:s16+$0x16950];
	v13 =	vperm.xlane v8, v0  }
0x8f: {  	v4 =	vld [tilespmem:s16+$0x14150]  }
0x90: {  	v12 =	vld [tilespmem:s16+$0x16900];
	v8 =	vadd.f32 v8, v13  }
0x91: {  	v11 =	vld [tilespmem:s16+$0x14100]  }
0x92: {  	v9 =	vld [tilespmem:s16+$0x14130];
	v14 =	vperm.xlane v8, v1  }
0x93: {  	v15 =	vld [tilespmem:s20+$0x19120]  }
0x94: {  	v10 =	vld [tilespmem:s16+$0x16930];
	v14 =	vadd.f32 v8, v14  }
0x95: {  	v20 =	vmul.f32 v21, v20;
	v18 =	vmul.f32 v18, v17;
	v13 =	vld [tilespmem:s20+$0x19130]  }
0x96: {  	v19 =	vmul.f32 v12, v11;
	v11 =	vld [tilespmem:s20+$0x19140];
	v17 =	vperm.xlane v14, v2;
	v8 =	vpop (erf)  }
0x97: {  	s19 =	simm.s32 $0x600;
	v12 =	vld [tilespmem:s20+$0x19150];
	v21 =	vmul.f32 v8, v22;
	[tilespmem:s20+$0x1B900] =	vst v8  }
.LBB2_3:
0x98: {  	p0 =	sne.s32 s19, $0x9E00;
	v19 =	vadd.f32 v20, v19;
	v14 =	vadd.f32 v14, v17;
	v16 =	vmul.f32 v8, v16;
	v17 =	vld [tilespmem:s20+$0x19160]  }
0x99: {  	v9 =	vmul.f32 v10, v9;
	[tilespmem:s20+$0x19100] =	vst v21;
	v10 =	vmul.f32 v8, v15;
	v15 =	vld [tilespmem:s20+$0x19170]  }
0x9a: {  	v18 =	vadd.f32 v18, v19;
	v19 =	vld [tilespmem:s16+$0x14160];
	v20 =	vperm.xlane v14, v3;
	[tilespmem:s20+$0x19110] =	vst v16;
	v13 =	vmul.f32 v8, v13  }
0x9b: {  	v6 =	vmul.f32 v7, v6;
	v7 =	vld [tilespmem:s16+$0x16960];
	[tilespmem:s20+$0x19120] =	vst v10;
	v10 =	vmul.f32 v11, v8  }
0x9c: {  	v9 =	vadd.f32 v9, v18;
	v11 =	vld [tilespmem:s16+$0x14170];
	v14 =	vadd.f32 v14, v20;
	[tilespmem:s20+$0x19130] =	vst v13;
	v12 =	vmul.f32 v12, v8  }
0x9d: {  	s21 =	sshra.s32 s19, $0x2;
	v13 =	vmul.f32 v5, v4;
	v16 =	vld [tilespmem:s16+$0x16970];
	[tilespmem:s20+$0x19140] =	vst v10;
	v10 =	vmul.f32 v17, v8  }
0x9e: {  	v4 =	vld [tilespmem:s21+$0x14150];
	v9 =	vadd.f32 v6, v9;
	v14 =	vmul.f32 $8.838834610e-02, v14;
	[tilespmem:s20+$0x19150] =	vst v12;
	v8 =	vmul.f32 v15, v8  }
0x9f: {  	v5 =	vld [tilespmem:s21+$0x16950];
	[tilespmem:s20+$0x19160] =	vst v10  }
0xa0: {  	v6 =	vld [tilespmem:s21+$0x14140];
	v10 =	vadd.f32 v13, v9;
	v12 =	vmul.f32 v7, v19;
	v13 =	vmul.f32 $2.000000030e-01, v14;
	[tilespmem:s20+$0x19170] =	vst v8;
	s20 =	smov.u32 s13;
	s13 =	smov.u32 s16;
	s16 =	smov.u32 s21  }
0xa1: {  	vm0 =	vgt.f32 v14, $0.0e+00;
	v7 =	vld [tilespmem:s16+$0x16940]  }
0xa2: {  	v9 =	vld [tilespmem:s16+$0x14130];
	v8 =	vadd.f32 v12, v10;
	v11 =	vmul.f32 v16, v11;
	v12 =	vsel vm0, v14, v13  }
0xa3: {  	v10 =	vld [tilespmem:s16+$0x16930];
	v12 =	vmul.f32 $1.442695020e+00, v12  }
0xa4: {  	v18 =	vld [tilespmem:s16+$0x14120];
	v8 =	vadd.f32 v11, v8  }
0xa5: {  	v21 =	vld [tilespmem:s16+$0x16920];
	(erf) = vpow2.f32 v12  }
0xa6: {  	v11 =	vld [tilespmem:s16+$0x14100];
	v12 =	vperm.xlane v8, v0  }
0xa7: {  	v13 =	vld [tilespmem:s16+$0x16900]  }
0xa8: {  	v17 =	vld [tilespmem:s16+$0x14110];
	v8 =	vadd.f32 v8, v12  }
0xa9: {  	v12 =	vld [tilespmem:s16+$0x16910]  }
0xaa: {  	v14 =	vperm.xlane v8, v1;
	v22 =	vld [tilespmem:s20+$0x19100]  }
.Ltmp0:
0xab: {  	v16 =	vld [tilespmem:s20+$0x19110];
	(pc) =	sbr.rel @p0 .LBB2_3-.Ltmp0, $4  }
0xac: {  	v14 =	vadd.f32 v8, v14;
	v15 =	vld [tilespmem:s20+$0x19120]  }
0xad: {  	v19 =	vmul.f32 v13, v11;
	v13 =	vld [tilespmem:s20+$0x19130]  }
0xae: {  	v20 =	vmul.f32 v12, v17;
	v17 =	vperm.xlane v14, v2;
	v11 =	vld [tilespmem:s20+$0x19140];
	v8 =	vpop (erf)  }
0xaf: {  	s19 =	sadd.s32 $0x200, s19;
	v18 =	vmul.f32 v21, v18;
	v21 =	vmul.f32 v8, v22;
	v12 =	vld [tilespmem:s20+$0x19150];
	[tilespmem:s20+$0x1B900] =	vst v8  }
0xb0: {  	v16 =	vmul.f32 v8, v16;
	v19 =	vadd.f32 v20, v19  }
0xb1: {  	[tilespmem:s20+$0x19100] =	vst v21;
	v15 =	vmul.f32 v8, v15  }
0xb2: {  	v9 =	vmul.f32 v10, v9;
	v23 =	vld [tilespmem:s16+$0x14160];
	[tilespmem:s20+$0x19110] =	vst v16;
	v38 =	vadd.f32 v18, v19;
	v13 =	vmul.f32 v8, v13  }
0xb3: {  	v16 =	vld [tilespmem:s16+$0x16960];
	[tilespmem:s20+$0x19120] =	vst v15  }
0xb4: {  	v6 =	vmul.f32 v7, v6;
	v15 =	vld [tilespmem:s16+$0x14170];
	v39 =	vadd.f32 v9, v38;
	[tilespmem:s20+$0x19130] =	vst v13  }
0xb5: {  	v40 =	vld [tilespmem:s16+$0x16970]  }
0xb6: {  	v4 =	vmul.f32 v5, v4;
	v5 =	vadd.f32 v6, v39  }
0xb7: {  	v41 =	vadd.f32 v14, v17  }
0xb8: {  	v4 =	vadd.f32 v4, v5;
	v5 =	vmul.f32 v16, v23  }
0xb9: {  	v42 =	vperm.xlane v41, v3  }
0xba: {  	v4 =	vadd.f32 v5, v4;
	v5 =	vmul.f32 v40, v15  }
0xbb: {  	v6 =	vadd.f32 v41, v42  }
0xbc: {  	v4 =	vadd.f32 v5, v4  }
0xbd: {  	v5 =	vmul.f32 $8.838834610e-02, v6  }
0xbe: {  	v43 =	vperm.xlane v4, v0  }
0xbf: {  	v44 =	vmul.f32 $2.000000030e-01, v5  }
0xc0: {  	v22 =	vld [tilespmem:s20+$0x19160];
	vm0 =	vgt.f32 v5, $0.0e+00;
	v4 =	vadd.f32 v4, v43  }
0xc1: {  	v37 =	vld [tilespmem:s20+$0x19170];
	v5 =	vsel vm0, v5, v44  }
0xc2: {  	v5 =	vmul.f32 $1.442695020e+00, v5;
	v46 =	vperm.xlane v4, v1  }
0xc3: {  	v45 =	vmul.f32 v11, v8  }
0xc4: {  	v47 =	vmul.f32 v12, v8;
	(erf) = vpow2.f32 v5;
	v4 =	vadd.f32 v4, v46  }
0xc5: {  	[tilespmem:s20+$0x19140] =	vst v45;
	v48 =	vmul.f32 v22, v8  }
0xc6: {  	[tilespmem:s20+$0x19150] =	vst v47;
	v5 =	vmul.f32 v37, v8;
	v49 =	vperm.xlane v4, v2  }
0xc7: {  	[tilespmem:s20+$0x19160] =	vst v48  }
0xc8: {  	[tilespmem:s20+$0x19170] =	vst v5;
	v4 =	vadd.f32 v4, v49  }
0xc9: {  	v5 =	vld [tilespmem:s13+$0x19100]  }
0xca: {  	v52 =	vperm.xlane v4, v3;
	_ =	sdelay $0x1  }
0xcb: {  	v50 =	vld [tilespmem:s13+$0x19110];
	v4 =	vadd.f32 v4, v52  }
0xcc: {  	v51 =	vld [tilespmem:s13+$0x19120];
	v54 =	vpop (erf)  }
0xcd: {  	v9 =	vld [tilespmem:s13+$0x19130];
	v5 =	vmul.f32 v54, v5;
	v4 =	vmul.f32 $8.838834610e-02, v4  }
0xce: {  	v53 =	vld [tilespmem:s13+$0x19140]  }
0xcf: {  	v55 =	vld [tilespmem:s13+$0x19150];
	[tilespmem:s13+$0x19100] =	vst v5;
	v5 =	vmul.f32 $2.000000030e-01, v4  }
0xd0: {  	v56 =	vld [tilespmem:s13+$0x19160];
	v6 =	vmul.f32 v54, v50;
	vm15 =	vgt.f32 v4, $0.0e+00  }
0xd1: {  	v13 =	vld [tilespmem:s13+$0x19170];
	[tilespmem:s13+$0x1B900] =	vst v54;
	v7 =	vmul.f32 v54, v51;
	v4 =	vsel vm15, v4, v5  }
0xd2: {  	v57 =	vmul.f32 v54, v9;
	[tilespmem:s13+$0x19110] =	vst v6;
	v4 =	vmul.f32 $1.442695020e+00, v4  }
0xd3: {  	[tilespmem:s13+$0x19120] =	vst v7;
	v5 =	vmul.f32 v53, v54  }
0xd4: {  	v58 =	vmul.f32 v55, v54;
	[tilespmem:s13+$0x19130] =	vst v57;
	(erf) = vpow2.f32 v4  }
0xd5: {  	[tilespmem:s13+$0x19140] =	vst v5;
	v5 =	vmul.f32 v56, v54  }
0xd6: {  	[tilespmem:s13+$0x19150] =	vst v58;
	v4 =	vmul.f32 v13, v54  }
0xd7: {  	[tilespmem:s13+$0x19160] =	vst v5  }
0xd8: {  	[tilespmem:s13+$0x19170] =	vst v4  }
0xd9: {  	v4 =	vld [tilespmem:s16+$0x19100]  }
0xda: {  	v5 =	vld [tilespmem:s16+$0x19110]  }
0xdb: {  	v6 =	vld [tilespmem:s16+$0x19120]  }
0xdc: {  	v7 =	vld [tilespmem:s16+$0x19130]  }
0xdd: {  	v59 =	vld [tilespmem:s16+$0x19140];
	v60 =	vpop (erf)  }
0xde: {  	v61 =	vld [tilespmem:s16+$0x19150];
	v4 =	vmul.f32 v60, v4  }
0xdf: {  	v62 =	vld [tilespmem:s16+$0x19160];
	[tilespmem:s16+$0x1B900] =	vst v60;
	v5 =	vmul.f32 v60, v5  }
0xe0: {  	v63 =	vld [tilespmem:s16+$0x19170];
	[tilespmem:s16+$0x19100] =	vst v4;
	v4 =	vmul.f32 v60, v6  }
0xe1: {  	[tilespmem:s16+$0x19110] =	vst v5;
	v5 =	vmul.f32 v60, v7  }
0xe2: {  	[tilespmem:s16+$0x19120] =	vst v4;
	v4 =	vmul.f32 v59, v60  }
0xe3: {  	[tilespmem:s16+$0x19130] =	vst v5;
	v5 =	vmul.f32 v61, v60  }
0xe4: {  	[tilespmem:s16+$0x19140] =	vst v4;
	v4 =	vmul.f32 v62, v60  }
0xe5: {  	[tilespmem:s16+$0x19150] =	vst v5;
	v5 =	vmul.f32 v63, v60  }
0xe6: {  	[tilespmem:s16+$0x19160] =	vst v4  }
0xe7: {  	[tilespmem:s16+$0x19170] =	vst v5  }
0xe8: {  	[spmem:s3] =	stream.indirect.scatter.add.f32 [tilespmem:s8], [sflag:$0x2], $0x80, s0, s5, $0xb8;
	[tilespmem:$0x1E100] =	vst v63  }
0xe9: {  	s12 =	smul.u32 $0x500, s12;
	s11 =	sadd.s32 $0x1, s11;
	_ =	swait.ge [sflag:s30], $0x2800  }
0xea: {  	p0 =	sne.s32 s11, $0x7D;
	[sflag:s30] =	ssyncset.done $0x0  }
.Ltmp1:
0xeb: {  	s12 =	sadd.s32 s17, s12;
	[sflag:s30] =	ssyncadd.s32 $0xFFFFD800;
	(pc) =	sbr.rel @p0 .LBB2_2-.Ltmp1, $4  }
0xec: {  	[hbm4b:s12+s4] =	stream.linear.scatter [tilespmem:s31], [sflag:$0x2], $0x2800, $0x38;
	[tilespmem:$0x1E100] =	vst v63  }
0xed: {  	_ =	swait.ge [sflag:s30], $0x2800  }
0xee: {  	[sflag:s30] =	ssyncset.done $0x0  }
0xef: {  	[sflag:s30] =	ssyncadd.s32 $0xFFFFD800  }
0xf0: {  	[bflag:$0x0] =	sbarrier.arrive $0xFFFF  }
0xf1: {  	[tilespmem:s29], [sflag:$0x2] =	stream.linear.gather [spmem:s22], $0x2800, $0x38;
	[tilespmem:$0x1E100] =	vst v63  }
0xf2: {  	_ =	swait.ge [sflag:s30], $0x2800  }
0xf3: {  	[sflag:s30] =	ssyncset.done $0x0  }
0xf4: {  	s11 =	rddreg [dreg:$0x5];
	[sflag:s30] =	ssyncadd.s32 $0xFFFFD800  }
0xf5: {  	[hbm4b:s11+s4] =	stream.linear.scatter [tilespmem:s29], [sflag:$0x2], $0x2800, $0x38;
	[tilespmem:$0x1E100] =	vst v63  }
0xf6: {  	_ =	swait.ge [sflag:s30], $0x2800  }
0xf7: {  	[sflag:s30] =	ssyncset.done $0x0  }
0xf8: {  	[sflag:s30] =	ssyncadd.s32 $0xFFFFD800  }
0xf9: {  	[tilespmem:s29], [sflag:$0x2] =	stream.linear.gather [spmem:s23], $0x2800, $0x38;
	[tilespmem:$0x1E100] =	vst v63  }
0xfa: {  	_ =	swait.ge [sflag:s30], $0x2800  }
0xfb: {  	[sflag:s30] =	ssyncset.done $0x0  }
0xfc: {  	s19 =	rddreg [dreg:$0x6];
	[sflag:s30] =	ssyncadd.s32 $0xFFFFD800  }
0xfd: {  	[hbm4b:s19+s4] =	stream.linear.scatter [tilespmem:s29], [sflag:$0x2], $0x2800, $0x38;
	[tilespmem:$0x1E100] =	vst v63  }
0xfe: {  	_ =	swait.ge [sflag:s30], $0x2800  }
0xff: {  	[sflag:s30] =	ssyncset.done $0x0  }
0x100: {  	[sflag:s30] =	ssyncadd.s32 $0xFFFFD800  }
0x101: {  	[tilespmem:s29], [sflag:$0x2] =	stream.linear.gather [spmem:s24], $0x2800, $0x38;
	[tilespmem:$0x1E100] =	vst v63  }
0x102: {  	_ =	swait.ge [sflag:s30], $0x2800  }
0x103: {  	[sflag:s30] =	ssyncset.done $0x0  }
0x104: {  	s20 =	rddreg [dreg:$0x7];
	[sflag:s30] =	ssyncadd.s32 $0xFFFFD800  }
0x105: {  	[hbm4b:s20+s4] =	stream.linear.scatter [tilespmem:s29], [sflag:$0x2], $0x2800, $0x38;
	[tilespmem:$0x1E100] =	vst v63  }
0x106: {  	_ =	swait.ge [sflag:s30], $0x2800  }
0x107: {  	[sflag:s30] =	ssyncset.done $0x0  }
0x108: {  	[sflag:s30] =	ssyncadd.s32 $0xFFFFD800  }
0x109: {  	[tilespmem:s29], [sflag:$0x2] =	stream.linear.gather [spmem:s25], $0x2800, $0x38;
	[tilespmem:$0x1E100] =	vst v63  }
0x10a: {  	_ =	swait.ge [sflag:s30], $0x2800  }
0x10b: {  	[sflag:s30] =	ssyncset.done $0x0  }
0x10c: {  	s21 =	smov.u32 s22;
	s22 =	rddreg [dreg:$0x8];
	[sflag:s30] =	ssyncadd.s32 $0xFFFFD800  }
0x10d: {  	[hbm4b:s22+s4] =	stream.linear.scatter [tilespmem:s29], [sflag:$0x2], $0x2800, $0x38;
	[tilespmem:$0x1E100] =	vst v63  }
0x10e: {  	_ =	swait.ge [sflag:s30], $0x2800  }
0x10f: {  	[sflag:s30] =	ssyncset.done $0x0  }
0x110: {  	[sflag:s30] =	ssyncadd.s32 $0xFFFFD800  }
0x111: {  	[tilespmem:s29], [sflag:$0x2] =	stream.linear.gather [spmem:s26], $0x2800, $0x38;
	[tilespmem:$0x1E100] =	vst v63  }
0x112: {  	_ =	swait.ge [sflag:s30], $0x2800  }
0x113: {  	[sflag:s30] =	ssyncset.done $0x0  }
0x114: {  	s12 =	smov.u32 s23;
	s23 =	rddreg [dreg:$0x9];
	[sflag:s30] =	ssyncadd.s32 $0xFFFFD800  }
0x115: {  	[hbm4b:s23+s4] =	stream.linear.scatter [tilespmem:s29], [sflag:$0x2], $0x2800, $0x38;
	[tilespmem:$0x1E100] =	vst v63  }
0x116: {  	_ =	swait.ge [sflag:s30], $0x2800  }
0x117: {  	[sflag:s30] =	ssyncset.done $0x0  }
0x118: {  	[sflag:s30] =	ssyncadd.s32 $0xFFFFD800  }
0x119: {  	[tilespmem:s29], [sflag:$0x2] =	stream.linear.gather [spmem:s28], $0x2800, $0x38;
	[tilespmem:$0x1E100] =	vst v63  }
0x11a: {  	_ =	swait.ge [sflag:s30], $0x2800  }
0x11b: {  	[sflag:s30] =	ssyncset.done $0x0  }
0x11c: {  	s13 =	smov.u32 s24;
	s24 =	rddreg [dreg:$0xa];
	[sflag:s30] =	ssyncadd.s32 $0xFFFFD800  }
0x11d: {  	[hbm4b:s24+s4] =	stream.linear.scatter [tilespmem:s29], [sflag:$0x2], $0x2800, $0x38;
	[tilespmem:$0x1E100] =	vst v63  }
0x11e: {  	_ =	swait.ge [sflag:s30], $0x2800  }
0x11f: {  	[sflag:s30] =	ssyncset.done $0x0  }
0x120: {  	s22 =	rddreg [dreg:$0xf];
	[sflag:s30] =	ssyncadd.s32 $0xFFFFD800  }
0x121: {  	[tilespmem:s29], [sflag:$0x2] =	stream.linear.gather [spmem:s22], $0x2800, $0x38;
	[tilespmem:$0x1E100] =	vst v63  }
0x122: {  	_ =	swait.ge [sflag:s30], $0x2800  }
0x123: {  	[sflag:s30] =	ssyncset.done $0x0  }
0x124: {  	s16 =	smov.u32 s25;
	s25 =	rddreg [dreg:$0xb];
	[sflag:s30] =	ssyncadd.s32 $0xFFFFD800  }
0x125: {  	[hbm4b:s25+s4] =	stream.linear.scatter [tilespmem:s29], [sflag:$0x2], $0x2800, $0x38;
	[tilespmem:$0x1E100] =	vst v63  }
0x126: {  	_ =	swait.ge [sflag:s30], $0x2800  }
0x127: {  	[sflag:s30] =	ssyncset.done $0x0  }
0x128: {  	s23 =	rddreg [dreg:$0x10];
	[sflag:s30] =	ssyncadd.s32 $0xFFFFD800  }
0x129: {  	[tilespmem:s29], [sflag:$0x2] =	stream.linear.gather [spmem:s23], $0x2800, $0x38;
	[tilespmem:$0x1E100] =	vst v63  }
0x12a: {  	_ =	swait.ge [sflag:s30], $0x2800  }
0x12b: {  	[sflag:s30] =	ssyncset.done $0x0  }
0x12c: {  	s19 =	smov.u32 s26;
	s26 =	rddreg [dreg:$0xc];
	[sflag:s30] =	ssyncadd.s32 $0xFFFFD800  }
0x12d: {  	[hbm4b:s26+s4] =	stream.linear.scatter [tilespmem:s29], [sflag:$0x2], $0x2800, $0x38;
	[tilespmem:$0x1E100] =	vst v63  }
0x12e: {  	_ =	swait.ge [sflag:s30], $0x2800  }
0x12f: {  	s10 =	sadd.s32 $0x1, s10;
	s20 =	smov.u32 s28;
	s28 =	rddreg [dreg:$0xe]  }
0x130: {  	p0 =	sne.s32 s10, s28  }
.Ltmp2:
0x131: {  	_ = 	snop;
	(pc) =	sbr.rel @p0 .LBB2_1-.Ltmp2, $3  }
0x132: {  	_ =	sdelay $0x1  }
0x133: {  	[sflag:s30] =	ssyncset.done $0x0  }
0x134: {  	[sflag:s30] =	ssyncadd.s32 $0xFFFFD800  }
0x135: {  	_ =	sfence.sel $0x180000  }
0x136: {  	[bflag:$0x0] =	sbarrier.arrive $0xFFFF  }
0x137: {  	_ =	strace $0x90000056  }
0x138: {  	s0 =	stileid.u32;
	[bflag:$0x2] =	sbarrier.arrive $0xFFFF  }
0x139: {  	p0 =	sne.s32 s0, $0x0;
	s0 =	rddreg [dreg:$0x4]  }
0x13a: {  	s0 =	sadd.s32 @!p0 $0x100000, s0  }
0x13b: {  	[sflag:s0] =	ssyncadd.tile.s32 @!p0 $0x1;
	_ =	shalt  }
.Lfunc_end2:
_tile_overlayer_lowered:
.L_overlay_start_2:
0x13c: {  	(tag) =	ssettag $0x2  }
0x13d: {  	s0 =	rddreg [dreg:$0x0];
	s2 =	stileid.u32  }
0x13e: {  	s1 =	rddreg [dreg:$0x1];
	p0 =	sne.s32 s2, $0x0  }
0x13f: {  	s3 =	rddreg [dreg:$0x2];
	[bflag:$0x3] =	sbarrier.arrive $0xFFFF;
	s2 =	simm.s32 @!p0 $0x1C02  }
0x140: {  	[timem:s3], [sflag:s2] =	dma.local @!p0 [hbm:s0], s1  }
0x141: {  	s0 =	simm.s32 @!p0 $0x2  }
0x142: {  	_ =	swait.ge @!p0 [sflag:s0], s1  }
0x143: {  	s1 =	ssub.s32 @!p0 $0x0, s1;
	[sflag:s0] =	ssyncset.done @!p0 $0x0  }
0x144: {  	[sflag:s0] =	ssyncadd.s32 @!p0 s1  }
0x145: {  	[bflag:$0x3] =	sbarrier.arrive $0xFFFF  }
0x146: {  	_ =	shalt  }

// kernel: kernel.34.cloned.1.call-start
scs
__scs_entry_jumppad:
0x0: {  	(pc) =	sbr.rel $0x88, $3  }
0x1: {  	(tag) =	ssettag $0x0;
	lr =	simm.s32 $0x1  }
0x2: {  	[smem:$0x3F89] =	sst lr;
	_ =	strace $0xD0000000  }
0x3: {  	_ = 	snop  }
0x4: {  	_ = 	snop  }
0x5: {  	_ = 	snop  }
0x6: {  	_ = 	snop  }
0x7: {  	_ = 	snop  }
__scs_overlays_trampoline_lowered:
0x8: {  	[smem:$0x3F98] =	sst s0  }
0x9: {  	[smem:$0x3F99] =	sst s1  }
0xa: {  	[smem:$0x3F9A] =	sst s2  }
0xb: {  	[smem:$0x3F9B] =	sst s3  }
0xc: {  	[smem:$0x3F9C] =	sst s4  }
0xd: {  	[smem:$0x3F9D] =	sst s5  }
0xe: {  	[smem:$0x3F9E] =	sst s6  }
0xf: {  	[smem:$0x3F9F] =	sst s7  }
0x10: {  	[smem:$0x3FA0] =	sst s8  }
0x11: {  	[smem:$0x3FA1] =	sst s9;
	s0 =	simm.s32 @!p0 $0x0  }
0x12: {  	s1 =	sld [smem:$0x3F87];
	s0 =	simm.s32 @p0 $0x1  }
0x13: {  	[smem:$0x3FA2] =	sst s0;
	s0 =	simm.s32 @!p1 $0x0  }
0x14: {  	s2 =	sld [smem:$0x3F86];
	s0 =	simm.s32 @p1 $0x1  }
0x15: {  	[smem:$0x3FA3] =	sst s0;
	s0 =	simm.s32 @!p2 $0x0  }
0x16: {  	s3 =	sld [smem:$0x3FDB];
	s0 =	simm.s32 @p2 $0x1  }
0x17: {  	s4 =	simm.s32 $0x1BF5;
	[smem:$0x3FA5] =	sst s0  }
0x18: {  	s0 =	sld [smem:$0x3F88];
	_ =	swait.ge [sflag:s4], $0x0  }
0x19: {  	s7 =	sld [smem:$0x3F89]  }
0x1a: {  	s8 =	sadd.s32 $0xFFFFE003, lr  }
0x1b: {  	s9 =	sadd.s32 $0xFFFFFEF7, lr;
	s5 =	simm.s32 $0xFFFFFFFF;
	p2 =	slt.u32 s8, $0xFFFFF086  }
0x1c: {  	p1 =	slt.u32 s9, $0xF7A;
	s5 =	simm.s32 @!p2 $0x0  }
0x1d: {  	s5 =	simm.s32 @p1 $0x1;
	p0 =	seq.s32 s7, s2  }
0x1e: {  	s7 =	smul.u32 @!p0 $0xF7A, s2;
	p2 =	seq.s32 @!p0 s5, $0x0  }
0x1f: {  	s9 =	smul.u32 $0xF7A, s1;
	s8 =	simm.s32 @!p0 $0x1BF5;
	p2 =	por !p2, p0  }
0x20: {  	[sflag:s8] =	ssyncset.s32 @!p0 $0xFFFFF086;
	s6 =	sadd.s32 @!p0 s3, s7;
	s7 =	simm.s32 @!p0 $0x108  }
0x21: {  	s3 =	sadd.s32 s3, s9;
	s6 =	sadd.s32 @!p0 $0x88, s6;
	s7 =	simm.s32 @p2 $0x1082  }
0x22: {  	[simem:s7], [sflag:s8] =	dma.local @!p0 [hbm:s6], $0xF7A  }
0x23: {  	s9 =	sor.u32 $0xD0000000, s2;
	s6 =	simm.s32 $0x108;
	_ =	swait.ge @!p0 [sflag:s8], $0x0  }
0x24: {  	s3 =	sadd.s32 $0x88, s3;
	s6 =	simm.s32 @!p1 $0x1082;
	[sflag:s4] =	ssyncset.s32 $0xFFFFF086  }
0x25: {  	[simem:s6], [sflag:s4] =	dma.local [hbm:s3], $0xF7A  }
0x26: {  	[smem:$0x3F89] =	sst s1;
	(tag) =	ssettag s2;
	_ =	strace s9  }
0x27: {  	s1 =	sld [smem:$0x3F99]  }
0x28: {  	s2 =	sld [smem:$0x3F9A]  }
0x29: {  	s4 =	sld [smem:$0x3F9C]  }
0x2a: {  	p0 =	seq.s32 s5, $0x0;
	s5 =	sld [smem:$0x3F9D]  }
0x2b: {  	s6 =	sld [smem:$0x3F9E]  }
0x2c: {  	s7 =	sld [smem:$0x3F9F]  }
0x2d: {  	s3 =	simm.s32 $0x108;
	s8 =	sld [smem:$0x3FA0]  }
0x2e: {  	s3 =	simm.s32 @!p0 $0x1082;
	s9 =	sld [smem:$0x3FA1]  }
0x2f: {  	lr =	sadd.s32 s0, s3;
	s0 =	sld [smem:$0x3F98]  }
0x30: {  	s3 =	sld [smem:$0x3F9B]  }
0x31: {  	[smem:$0x3FA4] =	sst s10  }
0x32: {  	s10 =	sld [smem:$0x3FA2];
	_ =	sdelay $0x3  }
0x33: {  	p0 =	seq.s32 s10, $0x1;
	s10 =	sld [smem:$0x3FA4];
	_ =	sdelay $0x3  }
0x34: {  	[smem:$0x3FA4] =	sst s10  }
0x35: {  	s10 =	sld [smem:$0x3FA3];
	_ =	sdelay $0x3  }
0x36: {  	p1 =	seq.s32 s10, $0x1;
	s10 =	sld [smem:$0x3FA4];
	_ =	sdelay $0x3  }
0x37: {  	[smem:$0x3FA4] =	sst s10  }
0x38: {  	s10 =	sld [smem:$0x3FA5]  }
0x39: {  	_ = 	snop;
	(pc) =	sbr.ind lr, $3  }
0x3a: {  	_ = 	snop  }
0x3b: {  	_ = 	snop  }
0x3c: {  	p2 =	seq.s32 s10, $0x1;
	s10 =	sld [smem:$0x3FA4]  }
0x3d: {  	_ =	shalt  }
0x3e: {  	_ =	shalt  }
0x3f: {  	_ =	shalt  }
0x40: {  	_ =	shalt  }
0x41: {  	_ =	shalt  }
0x42: {  	_ =	shalt  }
0x43: {  	_ =	shalt  }
0x44: {  	_ =	shalt  }
0x45: {  	_ =	shalt  }
0x46: {  	_ =	shalt  }
0x47: {  	_ =	shalt  }
0x48: {  	_ =	shalt  }
0x49: {  	_ =	shalt  }
0x4a: {  	_ =	shalt  }
0x4b: {  	_ =	shalt  }
0x4c: {  	_ =	shalt  }
0x4d: {  	_ =	shalt  }
0x4e: {  	_ =	shalt  }
0x4f: {  	_ =	shalt  }
0x50: {  	_ =	shalt  }
0x51: {  	_ =	shalt  }
0x52: {  	_ =	shalt  }
0x53: {  	_ =	shalt  }
0x54: {  	_ =	shalt  }
0x55: {  	_ =	shalt  }
0x56: {  	_ =	shalt  }
0x57: {  	_ =	shalt  }
0x58: {  	_ =	shalt  }
0x59: {  	_ =	shalt  }
0x5a: {  	_ =	shalt  }
0x5b: {  	_ =	shalt  }
0x5c: {  	_ =	shalt  }
0x5d: {  	_ =	shalt  }
0x5e: {  	_ =	shalt  }
0x5f: {  	_ =	shalt  }
0x60: {  	_ =	shalt  }
0x61: {  	_ =	shalt  }
0x62: {  	_ =	shalt  }
0x63: {  	_ =	shalt  }
0x64: {  	_ =	shalt  }
0x65: {  	_ =	shalt  }
0x66: {  	_ =	shalt  }
0x67: {  	_ =	shalt  }
0x68: {  	_ =	shalt  }
0x69: {  	_ =	shalt  }
0x6a: {  	_ =	shalt  }
0x6b: {  	_ =	shalt  }
0x6c: {  	_ =	shalt  }
0x6d: {  	_ =	shalt  }
0x6e: {  	_ =	shalt  }
0x6f: {  	_ =	shalt  }
0x70: {  	_ =	shalt  }
0x71: {  	_ =	shalt  }
0x72: {  	_ =	shalt  }
0x73: {  	_ =	shalt  }
0x74: {  	_ =	shalt  }
0x75: {  	_ =	shalt  }
0x76: {  	_ =	shalt  }
0x77: {  	_ =	shalt  }
0x78: {  	_ =	shalt  }
0x79: {  	_ =	shalt  }
0x7a: {  	_ =	shalt  }
0x7b: {  	_ =	shalt  }
0x7c: {  	_ =	shalt  }
0x7d: {  	_ =	shalt  }
0x7e: {  	_ =	shalt  }
0x7f: {  	_ =	shalt  }
0x80: {  	_ =	shalt  }
0x81: {  	_ =	shalt  }
0x82: {  	_ =	shalt  }
0x83: {  	_ =	shalt  }
0x84: {  	_ =	shalt  }
0x85: {  	_ =	shalt  }
0x86: {  	_ =	shalt  }
0x87: {  	_ =	shalt  }
.Lfunc_end0:
.L_simem_size_0:
called_computation.6_lowered:
.L_overlay_start_0:
0x88: {  	s2 =	sld [smem:$0x3FD9]  }
0x89: {  	s3 =	sld [smem:$0x3FFE];
	_ =	sdelay $0x1  }
0x8a: {  	s1 =	srdreg.scid  }
0x8b: {  	s0 =	sand.u32 $0x1, s1  }
0x8c: {  	s16 =	sshll.u32 s0, $0xA;
	s2 =	sadd.s32 s3, s2  }
0x8d: {  	s2 =	sadd.s32 s2, s16  }
0x8e: {  	[smem:$0x3FB0] =	sst s2  }
0x8f: {  	_ = 	snop  }
0x90: {  	(tm) =	ssettm $0x1  }
0x91: {  	s17 =	sld [smem:$0x3FFB];
	_ =	sdelay $0x3  }
0x92: {  	_ =	strace s17  }
0x93: {  	s2 =	sld [smem:$0x3FFC];
	_ =	sdelay $0x3  }
0x94: {  	_ =	strace s2  }
0x95: {  	s2 =	sld [smem:$0x3FFD];
	_ =	sdelay $0x3  }
0x96: {  	_ =	strace s2  }
0x97: {  	_ =	strace $0x8FFFFFFF  }
0x98: {  	s18 =	sld [smem:$0x3FDB];
	_ =	sdelay $0x1  }
0x99: {  	s19 =	simm.s32 $_scs_section_size  }
0x9a: {  	s4 =	simm.s32 $_size__tile_overlayer_lowered;
	s5 =	simm.s32 $_tile_overlayer_lowered  }
0x9b: {  	s22 =	simm.s32 $0x1BFF;
	s21 =	sshll.u32 s5, $0x1;
	s2 =	sadd.s32 s19, s18  }
0x9c: {  	s6 =	simm.s32 $0x0;
	s20 =	sshll.u32 s4, $0x1;
	s4 =	sadd.s32 s21, s2  }
0x9d: {  	[timem:s6], [sflag:s22] =	dma.local [hbm:s4], s20  }
0x9e: {  	_ =	swait.ge [sflag:s22], s20  }
0x9f: {  	s3 =	ssub.s32 $0x0, s20;
	[sflag:s22] =	ssyncset.done $0x0  }
0xa0: {  	[sflag:s22] =	ssyncadd.s32 s3;
	_ =	sdelay $0x1  }
0xa1: {  	s23 =	simm.s32 $0x1B8B  }
0xa2: {  	_ =	swait.ge [sflag:s23], $0x1  }
0xa3: {  	[sflag:s23] =	ssyncset.done $0x0  }
0xa4: {  	s25 =	simm.s32 $0x1B8E;
	s24 =	sld [smem:$0x3FFE];
	[sflag:s23] =	ssyncadd.s32 $0xFFFFFFFF  }
0xa5: {  	s26 =	simm.s32 $execute0_lowered;
	[smem:$0x3FD2] =	sst s25  }
0xa6: {  	s4 =	sshll.u32 s26, $0x1;
	_ =	strace $0x80000058;
	[dreg:$0x1] =	wrdreg $0xFFFFFFFF  }
0xa7: {  	s28 =	simm.s32 $_size_execute0_lowered;
	s2 =	sadd.s32 s2, s4;
	[dreg:$0x0] =	wrdreg $0x0  }
0xa8: {  	s4 =	sshll.u32 s28, $0x1;
	[dreg:$0x2] =	wrdreg s2  }
0xa9: {  	[dreg:$0x3] =	wrdreg s4  }
0xaa: {  	[dreg:$0x4] =	wrdreg $0xC0  }
0xab: {  	_ =	task [dreg:s6], $0x5FFFF  }
0xac: {  	[dreg:$0x1] =	wrdreg $0xFFFFFFFF  }
0xad: {  	[dreg:$0x0] =	wrdreg $0x60  }
0xae: {  	[dreg:$0x2] =	wrdreg s24  }
0xaf: {  	[dreg:$0x3] =	wrdreg $0x0  }
0xb0: {  	[dreg:$0x4] =	wrdreg $0x9  }
0xb1: {  	_ =	task.clear_ibuf [dreg:s6], $0x5FFFF;
	_ =	strace $0x90000058  }
0xb2: {  	s29 =	simm.s32 $0x9;
	_ =	strace $0x8000005A  }
0xb3: {  	_ =	swait.ge [sflag:s29], $0x1  }
0xb4: {  	[sflag:s29] =	ssyncadd.s32 $0xFFFFFFFF  }
0xb5: {  	_ =	strace $0x9000005A  }
0xb6: {  	_ =	sfence  }
0xb7: {  	s30 =	sld [smem:$0x0];
	_ =	sdelay $0x2  }
0xb8: {  	s31 =	sshll.u32 s1, $0xD;
	s1 =	sshrl.u32 s1, $0x2  }
0xb9: {  	s3 =	sand.u32 $0x4000, s31;
	s1 =	sadd.s32 s1, s30  }
0xba: {  	s0 =	sor.u32 s3, s0;
	s1 =	sshll.u32 s1, $0x11  }
0xbb: {  	s0 =	sor.u32 s1, s0  }
0xbc: {  	s0 =	sadd.s32 $0x8F2B, s0  }
0xbd: {  	[sflag:s0] =	ssyncadd.remote.s32 $0x1  }
0xbe: {  	_ =	sfence.sel $0xFFFF  }
0xbf: {  	[dreg:$0x0] =	wrdreg $0xFFFFFFFF;
	(pc) =	sbr.abs _section_cstart, $3  }
0xc0: {  	[dreg:$0x1] =	wrdreg $0xFFFFFFFF  }
0xc1: {  	_ =	task.clear_ibuf [dreg:s6], $0x2FFFF;
	_ =	strace $0x9FFFFFFF  }
0xc2: {  	(tm) =	ssettm $0x7FFFFFFF  }
0xc3: {  	_ =	shalt  }
tec
execute0_lowered:
.L_overlay_start_1:
0x0: {  	(tag) =	ssettag $0x1  }
0x1: {  	s0 =	rddreg [dreg:$0x0]  }
0x2: {  	s1 =	rddreg [dreg:$0x1]  }
0x3: {  	s2 =	srdreg.scid;
	s17 =	stileid.u32  }
0x4: {  	s28 =	simm.s32 $0x2;
	s30 =	simm.s32 $0x1A680;
	s31 =	simm.s32 $0x1  }
0x5: {  	s29 =	simm.s32 $0x0;
	s2 =	sand.u32 $0x1, s2;
	s3 =	sadd.s32 $0x130600, s0  }
0x6: {  	s7 =	smul.u32 $0x14000, s17;
	s10 =	sadd.s32 $0xC1200, s0;
	s4 =	ssub.s32 $0x2, s2  }
0x7: {  	s5 =	sshll.u32 s2, $0x4;
	s9 =	smul.u32 $0x140000, s2;
	s6 =	sshrl.u32 s4, $0x1  }
0x8: {  	s13 =	sor.u32 s17, s5;
	s19 =	sor.u32 $0x2800, s7;
	s20 =	sadd.s32 $0x5000, s7  }
0x9: {  	s21 =	sadd.s32 $0x7800, s7;
	s22 =	sadd.s32 $0xA000, s7;
	s23 =	sadd.s32 $0xC800, s7  }
0xa: {  	s24 =	sadd.s32 $0xF000, s7;
	s25 =	sadd.s32 $0x11800, s7;
	s4 =	ssub.s32 s4, s6  }
0xb: {  	s6 =	sadd.s32 s9, s7;
	s7 =	sadd.s32 s9, s19;
	s8 =	sadd.s32 s9, s20  }
0xc: {  	s15 =	sadd.s32 s9, s21;
	s16 =	sadd.s32 s9, s22;
	s19 =	sadd.s32 s19, s1  }
0xd: {  	s20 =	sadd.s32 s20, s1;
	s21 =	sadd.s32 s21, s1;
	s22 =	sadd.s32 s22, s1  }
0xe: {  	s5 =	sshrl.u32 s6, $0x3;
	s11 =	sshrl.u32 s7, $0x3;
	s12 =	sshrl.u32 s8, $0x3  }
0xf: {  	s6 =	sshrl.u32 s15, $0x3;
	s8 =	sadd.s32 s9, s23;
	s7 =	sshrl.u32 s16, $0x3  }
0x10: {  	s16 =	smul.u32 $0x138800, s13;
	s23 =	sadd.s32 s23, s1;
	s5 =	sadd.s32 s10, s5  }
0x11: {  	s14 =	sadd.s32 s10, s12;
	s18 =	sadd.s32 s10, s6;
	s8 =	sshrl.u32 s8, $0x3  }
0x12: {  	s26 =	sadd.s32 s10, s7;
	s12 =	sadd.s32 s9, s24;
	[dreg:$0x3] =	wrdreg s5  }
0x13: {  	s9 =	sadd.s32 s9, s25;
	s6 =	smul.u32 $0x138800, s17;
	[dreg:$0x5] =	wrdreg s14  }
0x14: {  	s24 =	sadd.s32 s24, s1;
	s25 =	sadd.s32 s25, s1;
	[dreg:$0x6] =	wrdreg s18  }
0x15: {  	s5 =	sadd.s32 s10, s11;
	[dreg:$0x7] =	wrdreg s26;
	s11 =	smul.u32 $0x271000, s2  }
0x16: {  	s8 =	sadd.s32 s10, s8;
	s14 =	smul.u32 $0x27100, s17;
	s12 =	sshrl.u32 s12, $0x3  }
0x17: {  	s15 =	sshrl.u32 s9, $0x3;
	s2 =	smul.u32 $0x1388000, s2;
	s16 =	sshrl.u32 s16, $0x3  }
0x18: {  	s17 =	smul.u32 $0x50000, s17;
	[dreg:$0x4] =	wrdreg s5;
	s9 =	sadd.s32 s10, s12  }
0x19: {  	s10 =	sadd.s32 s10, s15;
	s15 =	smul.u32 $0x7D0, s13;
	s16 =	sadd.s32 s3, s16  }
0x1a: {  	s7 =	sadd.s32 s11, s3;
	s11 =	simm.s32 $0x0;
	s2 =	sadd.s32 s6, s2  }
0x1b: {  	s26 =	sshrl.u32 s17, $0x2;
	s16 =	sadd.s32 $0x26C00, s16;
	s12 =	sadd.s32 s14, s7  }
0x1c: {  	[smem:$0x7FF] =	sst s11;
	s2 =	sadd.s32 $0x2800, s2;
	s18 =	sadd.s32 s15, s0  }
0x1d: {  	s14 =	sadd.s32 $0x20600, s0;
	s17 =	sadd.s32 s26, s1;
	s26 =	simm.s32 $0x17E80  }
0x1e: {  	s0 =	simm.s32 $0x50;
	s2 =	sshrl.u32 s2, $0x3;
	_ =	strace $0x80000059  }
0x1f: {  	s15 =	sadd.s32 $0x10C00, s18;
	s18 =	smax.u32 s4, $0x1;
	s13 =	sadd.s32 s2, s3  }
.LBB2_1:
0x20: {  	[tilespmem:s26], [sflag:$0x2] =	stream.linear.gather [hbm4b:s14+s11], $0x2800, $0x38;
	[tilespmem:$0x1CE80] =	vst v63  }
0x21: {  	_ =	swait.ge [sflag:s28], $0x2800  }
0x22: {  	[sflag:s28] =	ssyncset.done $0x0  }
0x23: {  	[sflag:s28] =	ssyncadd.s32 $0xFFFFD800  }
0x24: {  	[spmem:s17] =	stream.linear.scatter [tilespmem:s26], [sflag:$0x2], $0x2800, $0x38;
	[tilespmem:$0x1CE80] =	vst v63  }
0x25: {  	_ =	swait.ge [sflag:s28], $0x2800  }
0x26: {  	[sflag:s28] =	ssyncset.done $0x0  }
0x27: {  	[sflag:s28] =	ssyncadd.s32 $0xFFFFD800  }
0x28: {  	[spmem:s19] =	stream.linear.scatter [tilespmem:s26], [sflag:$0x2], $0x2800, $0x38;
	[tilespmem:$0x1CE80] =	vst v63  }
0x29: {  	_ =	swait.ge [sflag:s28], $0x2800  }
0x2a: {  	[sflag:s28] =	ssyncset.done $0x0  }
0x2b: {  	[sflag:s28] =	ssyncadd.s32 $0xFFFFD800  }
0x2c: {  	[spmem:s20] =	stream.linear.scatter [tilespmem:s26], [sflag:$0x2], $0x2800, $0x38;
	[tilespmem:$0x1CE80] =	vst v63  }
0x2d: {  	_ =	swait.ge [sflag:s28], $0x2800  }
0x2e: {  	[sflag:s28] =	ssyncset.done $0x0  }
0x2f: {  	[sflag:s28] =	ssyncadd.s32 $0xFFFFD800  }
0x30: {  	[spmem:s21] =	stream.linear.scatter [tilespmem:s26], [sflag:$0x2], $0x2800, $0x38;
	[tilespmem:$0x1CE80] =	vst v63  }
0x31: {  	_ =	swait.ge [sflag:s28], $0x2800  }
0x32: {  	[sflag:s28] =	ssyncset.done $0x0  }
0x33: {  	[sflag:s28] =	ssyncadd.s32 $0xFFFFD800  }
0x34: {  	[spmem:s22] =	stream.linear.scatter [tilespmem:s26], [sflag:$0x2], $0x2800, $0x38;
	[tilespmem:$0x1CE80] =	vst v63  }
0x35: {  	_ =	swait.ge [sflag:s28], $0x2800  }
0x36: {  	[sflag:s28] =	ssyncset.done $0x0  }
0x37: {  	[sflag:s28] =	ssyncadd.s32 $0xFFFFD800  }
0x38: {  	[spmem:s23] =	stream.linear.scatter [tilespmem:s26], [sflag:$0x2], $0x2800, $0x38;
	[tilespmem:$0x1CE80] =	vst v63  }
0x39: {  	_ =	swait.ge [sflag:s28], $0x2800  }
0x3a: {  	[sflag:s28] =	ssyncset.done $0x0  }
0x3b: {  	[sflag:s28] =	ssyncadd.s32 $0xFFFFD800  }
0x3c: {  	[spmem:s24] =	stream.linear.scatter [tilespmem:s26], [sflag:$0x2], $0x2800, $0x38;
	[tilespmem:$0x1CE80] =	vst v63  }
0x3d: {  	_ =	swait.ge [sflag:s28], $0x2800  }
0x3e: {  	[sflag:s28] =	ssyncset.done $0x0  }
0x3f: {  	[sflag:s28] =	ssyncadd.s32 $0xFFFFD800  }
0x40: {  	[spmem:s25] =	stream.linear.scatter [tilespmem:s26], [sflag:$0x2], $0x2800, $0x38;
	[tilespmem:$0x1CE80] =	vst v63  }
0x41: {  	_ =	swait.ge [sflag:s28], $0x2800  }
0x42: {  	[sflag:s28] =	ssyncset.done $0x0  }
0x43: {  	s2 =	simm.s32 $0x14000;
	[sflag:s28] =	ssyncadd.s32 $0xFFFFD800  }
0x44: {  	[tilespmem:s2], [sflag:$0x2] =	stream.linear.gather [hbm4b:s15+s11], $0x3E80, $0x38;
	[tilespmem:$0x1CE80] =	vst v63  }
0x45: {  	_ =	swait.ge [sflag:s28], $0x3E80  }
0x46: {  	[sflag:s28] =	ssyncset.done $0x0  }
0x47: {  	[sflag:s28] =	ssyncadd.s32 $0xFFFFC180  }
0x48: {  	s4 =	sadd.s32 $0x0, s12;
	[bflag:$0x0] =	sbarrier.arrive $0xFFFF  }
0x49: {  	[tilespmem:s26], [sflag:$0x1] =	stream.linear.gather [hbm4b:s4+s11], $0x2800, $0x38;
	[tilespmem:$0x1CE80] =	vst v63  }
0x4a: {  	s5 =	sadd.s32 $0x0, s13  }
0x4b: {  	[tilespmem:s30], [sflag:$0x1] =	stream.linear.gather [hbm4b:s5+s11], $0x2800, $0x38;
	[tilespmem:$0x1CE80] =	vst v63  }
0x4c: {  	_ =	swait.ge [sflag:s31], $0x2800  }
0x4d: {  	[sflag:s31] =	ssyncset.done $0x0  }
0x4e: {  	s6 =	simm.s32 $0x14000;
	[sflag:s31] =	ssyncadd.s32 $0xFFFFD800  }
0x4f: {  	[spmem:s1] =	stream.indirect.scatter.add.f32 [tilespmem:s26], [sflag:$0x2], $0x80, s6, s0, $0xb8;
	[tilespmem:$0x1CE80] =	vst v63  }
0x50: {  	_ =	swait.ge [sflag:s28], $0x2800  }
0x51: {  	[sflag:s28] =	ssyncset.done $0x0  }
0x52: {  	[sflag:s28] =	ssyncadd.s32 $0xFFFFD800  }
0x53: {  	_ =	swait.ge [sflag:s31], $0x2800  }
0x54: {  	[sflag:s31] =	ssyncset.done $0x0  }
0x55: {  	s7 =	simm.s32 $0x14080;
	[sflag:s31] =	ssyncadd.s32 $0xFFFFD800  }
0x56: {  	[spmem:s1] =	stream.indirect.scatter.add.f32 [tilespmem:s30], [sflag:$0x2], $0x80, s7, s0, $0xb8;
	[tilespmem:$0x1CE80] =	vst v63  }
0x57: {  	s3 =	simm.s32 $0xA00;
	_ =	swait.ge [sflag:s28], $0x2800  }
0x58: {  	s2 =	simm.s32 $0x14180;
	s4 =	simm.s32 $0x1400;
	[sflag:s28] =	ssyncset.done $0x0  }
.LBB2_2:
0x59: {  	s5 =	sadd.s32 s3, s12  }
0x5a: {  	[sflag:s28] =	ssyncadd.s32 $0xFFFFD800;
	s6 =	smov.u32 s4;
	s7 =	sadd.s32 $0xA00, s4  }
0x5b: {  	[tilespmem:s26], [sflag:$0x1] =	stream.linear.gather [hbm4b:s5+s11], $0x2800, $0x38;
	[tilespmem:$0x1CE80] =	vst v63  }
0x5c: {  	p0 =	sne.s32 s4, $0x26200;
	s4 =	sadd.s32 s3, s13;
	s3 =	smov.u32 s6  }
0x5d: {  	[tilespmem:s30], [sflag:$0x1] =	stream.linear.gather [hbm4b:s4+s11], $0x2800, $0x38;
	[tilespmem:$0x1CE80] =	vst v63  }
0x5e: {  	_ =	swait.ge [sflag:s31], $0x2800  }
0x5f: {  	[sflag:s31] =	ssyncset.done $0x0  }
0x60: {  	s4 =	sadd.s32 $0xFFFFFF80, s2;
	[sflag:s31] =	ssyncadd.s32 $0xFFFFD800  }
0x61: {  	[spmem:s1] =	stream.indirect.scatter.add.f32 [tilespmem:s26], [sflag:$0x2], $0x80, s4, s0, $0xb8;
	[tilespmem:$0x1CE80] =	vst v63  }
0x62: {  	_ =	swait.ge [sflag:s28], $0x2800  }
0x63: {  	[sflag:s28] =	ssyncset.done $0x0  }
0x64: {  	[sflag:s28] =	ssyncadd.s32 $0xFFFFD800  }
0x65: {  	_ =	swait.ge [sflag:s31], $0x2800  }
.Ltmp0:
0x66: {  	[sflag:s31] =	ssyncset.done $0x0;
	(pc) =	sbr.rel @p0 .LBB2_2-.Ltmp0, $4  }
0x67: {  	[sflag:s31] =	ssyncadd.s32 $0xFFFFD800  }
0x68: {  	[spmem:s1] =	stream.indirect.scatter.add.f32 [tilespmem:s30], [sflag:$0x2], $0x80, s2, s0, $0xb8;
	[tilespmem:$0x1CE80] =	vst v63  }
0x69: {  	_ =	swait.ge [sflag:s28], $0x2800  }
0x6a: {  	s4 =	smov.u32 s7;
	s2 =	sadd.s32 $0x100, s2;
	[sflag:s28] =	ssyncset.done $0x0  }
0x6b: {  	s4 =	sadd.s32 s3, s12;
	[sflag:s28] =	ssyncadd.s32 $0xFFFFD800  }
0x6c: {  	[tilespmem:s26], [sflag:$0x1] =	stream.linear.gather [hbm4b:s4+s11], $0x2800, $0x38;
	[tilespmem:$0x1CE80] =	vst v63  }
0x6d: {  	s5 =	sadd.s32 s3, s13  }
0x6e: {  	[tilespmem:s30], [sflag:$0x1] =	stream.linear.gather [hbm4b:s5+s11], $0x2800, $0x38;
	[tilespmem:$0x1CE80] =	vst v63  }
0x6f: {  	_ =	swait.ge [sflag:s31], $0x2800  }
0x70: {  	[sflag:s31] =	ssyncset.done $0x0  }
0x71: {  	s6 =	sadd.s32 $0xFFFFFF80, s2;
	[sflag:s31] =	ssyncadd.s32 $0xFFFFD800  }
0x72: {  	[spmem:s1] =	stream.indirect.scatter.add.f32 [tilespmem:s26], [sflag:$0x2], $0x80, s6, s0, $0xb8;
	[tilespmem:$0x1CE80] =	vst v63  }
0x73: {  	_ =	swait.ge [sflag:s28], $0x2800  }
0x74: {  	[sflag:s28] =	ssyncset.done $0x0  }
0x75: {  	[sflag:s28] =	ssyncadd.s32 $0xFFFFD800  }
0x76: {  	_ =	swait.ge [sflag:s31], $0x2800  }
0x77: {  	[sflag:s31] =	ssyncset.done $0x0  }
0x78: {  	[sflag:s31] =	ssyncadd.s32 $0xFFFFD800  }
0x79: {  	[spmem:s1] =	stream.indirect.scatter.add.f32 [tilespmem:s30], [sflag:$0x2], $0x80, s2, s0, $0xb8;
	[tilespmem:$0x1CE80] =	vst v63  }
0x7a: {  	_ =	swait.ge [sflag:s28], $0x2800  }
0x7b: {  	[sflag:s28] =	ssyncset.done $0x0  }
0x7c: {  	[sflag:s28] =	ssyncadd.s32 $0xFFFFD800  }
0x7d: {  	[tilespmem:s26], [sflag:$0x1] =	stream.linear.gather [hbm4b:s16+s11], $0x2800, $0x38;
	[tilespmem:$0x1CE80] =	vst v63  }
0x7e: {  	_ =	swait.ge [sflag:s31], $0x2800  }
0x7f: {  	[sflag:s31] =	ssyncset.done $0x0  }
0x80: {  	s7 =	simm.s32 $0x17E00;
	[sflag:s31] =	ssyncadd.s32 $0xFFFFD800  }
0x81: {  	[spmem:s1] =	stream.indirect.scatter.add.f32 [tilespmem:s26], [sflag:$0x2], $0x80, s7, s0, $0xb8;
	[tilespmem:$0x1CE80] =	vst v63  }
0x82: {  	_ =	swait.ge [sflag:s28], $0x2800  }
0x83: {  	[sflag:s28] =	ssyncset.done $0x0  }
0x84: {  	[sflag:s28] =	ssyncadd.s32 $0xFFFFD800  }
0x85: {  	[bflag:$0x0] =	sbarrier.arrive $0xFFFF  }
0x86: {  	[tilespmem:s26], [sflag:$0x2] =	stream.linear.gather [spmem:s17], $0x2800, $0x38;
	[tilespmem:$0x1CE80] =	vst v63  }
0x87: {  	_ =	swait.ge [sflag:s28], $0x2800  }
0x88: {  	[sflag:s28] =	ssyncset.done $0x0  }
0x89: {  	s3 =	rddreg [dreg:$0x3];
	[sflag:s28] =	ssyncadd.s32 $0xFFFFD800  }
0x8a: {  	[hbm4b:s3+s11] =	stream.linear.scatter [tilespmem:s26], [sflag:$0x2], $0x2800, $0x38;
	[tilespmem:$0x1CE80] =	vst v63  }
0x8b: {  	_ =	swait.ge [sflag:s28], $0x2800  }
0x8c: {  	[sflag:s28] =	ssyncset.done $0x0  }
0x8d: {  	[sflag:s28] =	ssyncadd.s32 $0xFFFFD800  }
0x8e: {  	[tilespmem:s26], [sflag:$0x2] =	stream.linear.gather [spmem:s19], $0x2800, $0x38;
	[tilespmem:$0x1CE80] =	vst v63  }
0x8f: {  	_ =	swait.ge [sflag:s28], $0x2800  }
0x90: {  	[sflag:s28] =	ssyncset.done $0x0  }
0x91: {  	s4 =	rddreg [dreg:$0x4];
	[sflag:s28] =	ssyncadd.s32 $0xFFFFD800  }
0x92: {  	[hbm4b:s4+s11] =	stream.linear.scatter [tilespmem:s26], [sflag:$0x2], $0x2800, $0x38;
	[tilespmem:$0x1CE80] =	vst v63  }
0x93: {  	_ =	swait.ge [sflag:s28], $0x2800  }
0x94: {  	[sflag:s28] =	ssyncset.done $0x0  }
0x95: {  	[sflag:s28] =	ssyncadd.s32 $0xFFFFD800  }
0x96: {  	[tilespmem:s26], [sflag:$0x2] =	stream.linear.gather [spmem:s20], $0x2800, $0x38;
	[tilespmem:$0x1CE80] =	vst v63  }
0x97: {  	_ =	swait.ge [sflag:s28], $0x2800  }
0x98: {  	[sflag:s28] =	ssyncset.done $0x0  }
0x99: {  	s5 =	rddreg [dreg:$0x5];
	[sflag:s28] =	ssyncadd.s32 $0xFFFFD800  }
0x9a: {  	[hbm4b:s5+s11] =	stream.linear.scatter [tilespmem:s26], [sflag:$0x2], $0x2800, $0x38;
	[tilespmem:$0x1CE80] =	vst v63  }
0x9b: {  	_ =	swait.ge [sflag:s28], $0x2800  }
0x9c: {  	[sflag:s28] =	ssyncset.done $0x0  }
0x9d: {  	[sflag:s28] =	ssyncadd.s32 $0xFFFFD800  }
0x9e: {  	[tilespmem:s26], [sflag:$0x2] =	stream.linear.gather [spmem:s21], $0x2800, $0x38;
	[tilespmem:$0x1CE80] =	vst v63  }
0x9f: {  	_ =	swait.ge [sflag:s28], $0x2800  }
0xa0: {  	[sflag:s28] =	ssyncset.done $0x0  }
0xa1: {  	s6 =	rddreg [dreg:$0x6];
	[sflag:s28] =	ssyncadd.s32 $0xFFFFD800  }
0xa2: {  	[hbm4b:s6+s11] =	stream.linear.scatter [tilespmem:s26], [sflag:$0x2], $0x2800, $0x38;
	[tilespmem:$0x1CE80] =	vst v63  }
0xa3: {  	_ =	swait.ge [sflag:s28], $0x2800  }
0xa4: {  	[sflag:s28] =	ssyncset.done $0x0  }
0xa5: {  	[sflag:s28] =	ssyncadd.s32 $0xFFFFD800  }
0xa6: {  	[tilespmem:s26], [sflag:$0x2] =	stream.linear.gather [spmem:s22], $0x2800, $0x38;
	[tilespmem:$0x1CE80] =	vst v63  }
0xa7: {  	_ =	swait.ge [sflag:s28], $0x2800  }
0xa8: {  	[sflag:s28] =	ssyncset.done $0x0  }
0xa9: {  	s7 =	rddreg [dreg:$0x7];
	[sflag:s28] =	ssyncadd.s32 $0xFFFFD800  }
0xaa: {  	[hbm4b:s7+s11] =	stream.linear.scatter [tilespmem:s26], [sflag:$0x2], $0x2800, $0x38;
	[tilespmem:$0x1CE80] =	vst v63  }
0xab: {  	_ =	swait.ge [sflag:s28], $0x2800  }
0xac: {  	[sflag:s28] =	ssyncset.done $0x0  }
0xad: {  	[sflag:s28] =	ssyncadd.s32 $0xFFFFD800  }
0xae: {  	[tilespmem:s26], [sflag:$0x2] =	stream.linear.gather [spmem:s23], $0x2800, $0x38;
	[tilespmem:$0x1CE80] =	vst v63  }
0xaf: {  	_ =	swait.ge [sflag:s28], $0x2800  }
0xb0: {  	[sflag:s28] =	ssyncset.done $0x0  }
0xb1: {  	[sflag:s28] =	ssyncadd.s32 $0xFFFFD800  }
0xb2: {  	[hbm4b:s8+s11] =	stream.linear.scatter [tilespmem:s26], [sflag:$0x2], $0x2800, $0x38;
	[tilespmem:$0x1CE80] =	vst v63  }
0xb3: {  	_ =	swait.ge [sflag:s28], $0x2800  }
0xb4: {  	[sflag:s28] =	ssyncset.done $0x0  }
0xb5: {  	[sflag:s28] =	ssyncadd.s32 $0xFFFFD800  }
0xb6: {  	[tilespmem:s26], [sflag:$0x2] =	stream.linear.gather [spmem:s24], $0x2800, $0x38;
	[tilespmem:$0x1CE80] =	vst v63  }
0xb7: {  	_ =	swait.ge [sflag:s28], $0x2800  }
0xb8: {  	[sflag:s28] =	ssyncset.done $0x0  }
0xb9: {  	[sflag:s28] =	ssyncadd.s32 $0xFFFFD800  }
0xba: {  	[hbm4b:s9+s11] =	stream.linear.scatter [tilespmem:s26], [sflag:$0x2], $0x2800, $0x38;
	[tilespmem:$0x1CE80] =	vst v63  }
0xbb: {  	_ =	swait.ge [sflag:s28], $0x2800  }
0xbc: {  	[sflag:s28] =	ssyncset.done $0x0  }
0xbd: {  	[sflag:s28] =	ssyncadd.s32 $0xFFFFD800  }
0xbe: {  	[tilespmem:s26], [sflag:$0x2] =	stream.linear.gather [spmem:s25], $0x2800, $0x38;
	[tilespmem:$0x1CE80] =	vst v63  }
0xbf: {  	s29 =	sadd.s32 $0x1, s29;
	_ =	swait.ge [sflag:s28], $0x2800  }
0xc0: {  	p0 =	sne.s32 s29, s18;
	[sflag:s28] =	ssyncset.done $0x0  }
.Ltmp1:
0xc1: {  	[sflag:s28] =	ssyncadd.s32 $0xFFFFD800;
	(pc) =	sbr.rel @p0 .LBB2_1-.Ltmp1, $4  }
0xc2: {  	[hbm4b:s10+s11] =	stream.linear.scatter [tilespmem:s26], [sflag:$0x2], $0x2800, $0x38;
	[tilespmem:$0x1CE80] =	vst v63  }
0xc3: {  	_ =	swait.ge [sflag:s28], $0x2800  }
0xc4: {  	[sflag:s28] =	ssyncset.done $0x0  }
0xc5: {  	[sflag:s28] =	ssyncadd.s32 $0xFFFFD800  }
0xc6: {  	_ =	sfence.sel $0x180000  }
0xc7: {  	[bflag:$0x0] =	sbarrier.arrive $0xFFFF  }
0xc8: {  	_ =	strace $0x90000059  }
0xc9: {  	s0 =	stileid.u32;
	[bflag:$0x2] =	sbarrier.arrive $0xFFFF  }
0xca: {  	p0 =	sne.s32 s0, $0x0;
	s0 =	rddreg [dreg:$0x2]  }
0xcb: {  	s0 =	sadd.s32 @!p0 $0x100000, s0  }
0xcc: {  	[sflag:s0] =	ssyncadd.tile.s32 @!p0 $0x1;
	_ =	shalt  }
.Lfunc_end2:
_tile_overlayer_lowered:
.L_overlay_start_2:
0xcd: {  	(tag) =	ssettag $0x2  }
0xce: {  	s0 =	rddreg [dreg:$0x0];
	s2 =	stileid.u32  }
0xcf: {  	s1 =	rddreg [dreg:$0x1];
	p0 =	sne.s32 s2, $0x0  }
0xd0: {  	s3 =	rddreg [dreg:$0x2];
	[bflag:$0x3] =	sbarrier.arrive $0xFFFF;
	s2 =	simm.s32 @!p0 $0x1C02  }
0xd1: {  	[timem:s3], [sflag:s2] =	dma.local @!p0 [hbm:s0], s1  }
0xd2: {  	s0 =	simm.s32 @!p0 $0x2  }
0xd3: {  	_ =	swait.ge @!p0 [sflag:s0], s1  }
0xd4: {  	s1 =	ssub.s32 @!p0 $0x0, s1;
	[sflag:s0] =	ssyncset.done @!p0 $0x0  }
0xd5: {  	[sflag:s0] =	ssyncadd.s32 @!p0 s1  }
0xd6: {  	[bflag:$0x3] =	sbarrier.arrive $0xFFFF  }
0xd7: {  	_ =	shalt  }

</sc_bundles>
